<compile_context>
chip_gen: v7x
topology: tpu7x:2x2x1
jax: 0.10.2.dev20260603
libtpu: 0.0.44.dev20260713+nightly
codegen_flags: <defaults>
</compile_context>

<pallas_src>
import functools

import jax
import jax.numpy as jnp
from jax import lax
from jax.experimental import pallas as pl
from jax.experimental.pallas import tpu as pltpu
from jax.experimental.pallas import tpu_sc as plsc

N = 10000
NP = 10240
E = 320000
D = 128
H0 = 8
F0 = 128
NC = 40
F1 = 48
NEG = 0.2

NCORES = 2
NSUB = 16
NW = NCORES * NSUB
L = 16
BLK = 128
NT = -(-(E // BLK) // NW)
EP = NT * NW * BLK
DUMMY = 10200
RPT = NP // NSUB

_MESH = plsc.VectorSubcoreMesh(core_axis_name="c", subcore_axis_name="s")


def _zero_shared(zv, acc, sid, width):
    zrows = zv.shape[0]
    reps = RPT // zrows

    @pl.loop(0, zrows)
    def _(i):
        @pl.loop(0, width, step=L)
        def _(k):
            zv.at[pl.ds(i, 1), pl.ds(k, L)][...] = jnp.zeros((1, L), jnp.float32)

    @pl.loop(0, reps)
    def _(r):
        pltpu.sync_copy(zv, acc.at[pl.ds(sid * RPT + r * zrows, zrows)])


def _wait(src, dst, sem):
    pltpu.make_async_copy(src, dst, sem).wait()


def _sc_pass_a(src_hbm, dst_hbm, ts_hbm, td_hbm, ex_hbm, dp_hbm,
               si0, di0, ds0, av0, bv0, ev0, si1, di1, ds1, av1, bv1, ev1,
               zv, dacc,
               semi0, semi1, semg0, semg1, semw0, semw1, sems0, sems1):
    c = lax.axis_index("c")
    s = lax.axis_index("s")
    wid = c * NSUB + s
    SI = (si0, si1); DI = (di0, di1); DS = (ds0, ds1)
    AV = (av0, av1); BV = (bv0, bv1); EV = (ev0, ev1)
    SEMI = (semi0, semi1); SEMG = (semg0, semg1)
    SEMW = (semw0, semw1); SEMS = (sems0, sems1)

    _zero_shared(zv, dacc, s, L)
    plsc.subcore_barrier()

    def off_of(t):
        return (wid + NW * t) * BLK

    def issue_idx(t, p):
        off = off_of(t)
        pltpu.async_copy(src_hbm.at[pl.ds(off, BLK)], SI[p], SEMI[p])
        pltpu.async_copy(dst_hbm.at[pl.ds(off, BLK)], DI[p], SEMI[p])

    def wait_idx(p):
        _wait(src_hbm.at[pl.ds(0, BLK)], SI[p], SEMI[p])
        _wait(dst_hbm.at[pl.ds(0, BLK)], DI[p], SEMI[p])

    def issue_gathers(p):
        pltpu.async_copy(ts_hbm.at[SI[p]], AV[p], SEMG[p])
        pltpu.async_copy(td_hbm.at[DI[p]], BV[p], SEMG[p])

    def wait_gathers(p):
        _wait(ts_hbm.at[SI[p]], AV[p], SEMG[p])
        _wait(td_hbm.at[DI[p]], BV[p], SEMG[p])

    def wait_out(p):
        _wait(EV[p], ex_hbm.at[pl.ds(0, BLK)], SEMW[p])
        _wait(EV[p], dacc.at[DS[p]], SEMS[p])

    issue_idx(0, 0)
    issue_idx(1, 1)
    wait_idx(0)
    issue_gathers(0)

    @pl.loop(0, NT // 2 + 1)
    def _(u):
        for p in range(2):
            q = 1 - p
            t = u * 2 + p

            @pl.when(t < NT)
            def _():
                @pl.when(t + 1 < NT)
                def _():
                    wait_idx(q)
                    issue_gathers(q)
                wait_gathers(p)

                @pl.when(t >= 2)
                def _():
                    wait_out(p)

                @pl.when(t + 2 < NT)
                def _():
                    issue_idx(t + 2, p)

                pltpu.sync_copy(dst_hbm.at[pl.ds(off_of(t), BLK)], DS[p])

                @plsc.parallel_loop(0, BLK, unroll=4)
                def _(b):
                    al = (AV[p].at[pl.ds(b, 1), pl.ds(0, L)][...]
                          + BV[p].at[pl.ds(b, 1), pl.ds(0, L)][...])
                    al = jnp.where(al >= 0.0, al, NEG * al)
                    EV[p].at[pl.ds(b, 1), pl.ds(0, L)][...] = jnp.exp(al)

                pltpu.async_copy(EV[p], ex_hbm.at[pl.ds(off_of(t), BLK)], SEMW[p])
                pltpu.async_copy(EV[p], dacc.at[DS[p]], SEMS[p], add=True)

    wait_out(1)
    wait_out(0)

    plsc.subcore_barrier()
    pltpu.sync_copy(dacc.at[pl.ds(s * RPT, RPT)],
                    dp_hbm.at[c, pl.ds(s * RPT, RPT)])


_SC_PARAMS = pltpu.CompilerParams(use_tc_tiling_on_sc=False)

_IDX_T = pltpu.VMEM((BLK,), jnp.int32)
_ROW_T = pltpu.VMEM((BLK, L), jnp.float32)

_pass_a = functools.partial(
    pl.kernel,
    mesh=_MESH,
    compiler_params=_SC_PARAMS,
    out_type=[jax.ShapeDtypeStruct((EP, L), jnp.float32),
              jax.ShapeDtypeStruct((NCORES, NP, L), jnp.float32)],
    scratch_types=[_IDX_T, _IDX_T, _IDX_T, _ROW_T, _ROW_T, _ROW_T,
                   _IDX_T, _IDX_T, _IDX_T, _ROW_T, _ROW_T, _ROW_T,
                   pltpu.VMEM((RPT, L), jnp.float32),
                   pltpu.VMEM_SHARED((NP, L), jnp.float32)]
    + [pltpu.SemaphoreType.DMA] * 8,
)(_sc_pass_a)


def _make_pass_b(fw, nheads):
    chunks_per_head = fw // nheads // L

    def body(src_hbm, dst_hbm, ex_hbm, h_hbm, op_hbm,
             si0, di0, ds0, xv0, hv0, si1, di1, ds1, xv1, hv1,
             zv, oacc,
             semi0, semi1, semx0, semx1, semg0, semg1, sems0, sems1):
        c = lax.axis_index("c")
        s = lax.axis_index("s")
        wid = c * NSUB + s
        SI = (si0, si1); DI = (di0, di1); DS = (ds0, ds1)
        XV = (xv0, xv1); HV = (hv0, hv1)
        SEMI = (semi0, semi1); SEMX = (semx0, semx1)
        SEMG = (semg0, semg1); SEMS = (sems0, sems1)

        _zero_shared(zv, oacc, s, fw)
        plsc.subcore_barrier()

        def off_of(t):
            return (wid + NW * t) * BLK

        def issue_idx(t, p):
            off = off_of(t)
            pltpu.async_copy(src_hbm.at[pl.ds(off, BLK)], SI[p], SEMI[p])
            pltpu.async_copy(dst_hbm.at[pl.ds(off, BLK)], DI[p], SEMI[p])

        def wait_idx(p):
            _wait(src_hbm.at[pl.ds(0, BLK)], SI[p], SEMI[p])
            _wait(dst_hbm.at[pl.ds(0, BLK)], DI[p], SEMI[p])

        def issue_gathers(t, p):
            pltpu.async_copy(ex_hbm.at[pl.ds(off_of(t), BLK)], XV[p], SEMX[p])
            pltpu.async_copy(h_hbm.at[SI[p]], HV[p], SEMG[p])

        def wait_gathers(p):
            _wait(ex_hbm.at[pl.ds(0, BLK)], XV[p], SEMX[p])
            _wait(h_hbm.at[SI[p]], HV[p], SEMG[p])

        def wait_scatter(p):
            _wait(HV[p], oacc.at[DS[p]], SEMS[p])

        issue_idx(0, 0)
        issue_idx(1, 1)
        wait_idx(0)
        issue_gathers(0, 0)

        @pl.loop(0, NT // 2 + 1)
        def _(u):
            for p in range(2):
                q = 1 - p
                t = u * 2 + p

                @pl.when(t < NT)
                def _():
                    @pl.when(t >= 1)
                    def _():
                        wait_scatter(q)

                    @pl.when(t + 1 < NT)
                    def _():
                        wait_idx(q)
                        issue_gathers(t + 1, q)
                    wait_gathers(p)

                    @pl.when(t + 2 < NT)
                    def _():
                        issue_idx(t + 2, p)

                    pltpu.sync_copy(dst_hbm.at[pl.ds(off_of(t), BLK)], DS[p])

                    @plsc.parallel_loop(0, BLK, unroll=4)
                    def _(b):
                        exr = XV[p].at[pl.ds(b, 1), pl.ds(0, L)][...]
                        for hh in range(nheads):
                            asplat = jnp.broadcast_to(exr[0, hh], (1, L))
                            for k in range(chunks_per_head):
                                seg = pl.ds((hh * chunks_per_head + k) * L, L)
                                HV[p].at[pl.ds(b, 1), seg][...] = (
                                    HV[p].at[pl.ds(b, 1), seg][...] * asplat)

                    pltpu.async_copy(HV[p], oacc.at[DS[p]], SEMS[p], add=True)

        wait_scatter(0)

        plsc.subcore_barrier()
        pltpu.sync_copy(oacc.at[pl.ds(s * RPT, RPT)],
                        op_hbm.at[c, pl.ds(s * RPT, RPT)])

    hrow_t = pltpu.VMEM((BLK, fw), jnp.float32)
    return functools.partial(
        pl.kernel,
        mesh=_MESH,
        compiler_params=_SC_PARAMS,
        out_type=[jax.ShapeDtypeStruct((NCORES, NP, fw), jnp.float32)],
        scratch_types=[_IDX_T, _IDX_T, _IDX_T, _ROW_T, hrow_t,
                       _IDX_T, _IDX_T, _IDX_T, _ROW_T, hrow_t,
                       pltpu.VMEM((32, fw), jnp.float32),
                       pltpu.VMEM_SHARED((NP, fw), jnp.float32)]
        + [pltpu.SemaphoreType.DMA] * 8,
    )(body)


_pass_b0 = _make_pass_b(F0, H0)
_pass_b1 = _make_pass_b(F1, 1)


def _tc_transform(x, w, a_s, a_d):
    n, fw = x.shape[0], w.shape[1]

    def body(x_ref, w_ref, as_ref, ad_ref, h_ref, ts_ref, td_ref):
        h = jnp.dot(x_ref[...], w_ref[...], preferred_element_type=jnp.float32)
        h_ref[...] = h
        ts_ref[...] = jnp.dot(h, as_ref[...], preferred_element_type=jnp.float32)
        td_ref[...] = jnp.dot(h, ad_ref[...], preferred_element_type=jnp.float32)

    return pl.pallas_call(
        body,
        out_shape=[jax.ShapeDtypeStruct((n, fw), jnp.float32),
                   jax.ShapeDtypeStruct((n, L), jnp.float32),
                   jax.ShapeDtypeStruct((n, L), jnp.float32)],
    )(x, w, a_s, a_d)


RB = 1280


def _tc_mid(p, dp, b0row, w1p, as1, ad1):
    def body(p_ref, dp_ref, b_ref, w_ref, as_ref, ad_ref, h_ref, ts_ref, td_ref):
        di = 1.0 / (dp_ref[0] + dp_ref[1] + 1e-16)
        dexp = jnp.reshape(
            jnp.broadcast_to(di[:, :H0, None], (RB, H0, F0 // H0)),
            (RB, F0))
        sres = (p_ref[0] + p_ref[1]) * dexp + b_ref[...]
        hm = jnp.where(sres > 0.0, sres, jnp.exp(sres) - 1.0)
        h1 = jnp.dot(hm, w_ref[...], preferred_element_type=jnp.float32)
        h_ref[...] = h1
        ts_ref[...] = jnp.dot(h1, as_ref[...], preferred_element_type=jnp.float32)
        td_ref[...] = jnp.dot(h1, ad_ref[...], preferred_element_type=jnp.float32)

    return pl.pallas_call(
        body,
        grid=(NP // RB,),
        in_specs=[pl.BlockSpec((2, RB, F0), lambda i: (0, i, 0)),
                  pl.BlockSpec((2, RB, L), lambda i: (0, i, 0)),
                  pl.BlockSpec((1, F0), lambda i: (0, 0)),
                  pl.BlockSpec((F0, F1), lambda i: (0, 0)),
                  pl.BlockSpec((F1, L), lambda i: (0, 0)),
                  pl.BlockSpec((F1, L), lambda i: (0, 0))],
        out_specs=[pl.BlockSpec((RB, F1), lambda i: (i, 0)),
                   pl.BlockSpec((RB, L), lambda i: (i, 0)),
                   pl.BlockSpec((RB, L), lambda i: (i, 0))],
        out_shape=[jax.ShapeDtypeStruct((NP, F1), jnp.float32),
                   jax.ShapeDtypeStruct((NP, L), jnp.float32),
                   jax.ShapeDtypeStruct((NP, L), jnp.float32)],
    )(p, dp, b0row, w1p, as1, ad1)


def _tc_final(q, dp, b1row):
    def body(q_ref, dp_ref, b_ref, o_ref):
        di = 1.0 / (dp_ref[0] + dp_ref[1] + 1e-16)
        o_ref[...] = ((q_ref[0] + q_ref[1])
                      * jnp.broadcast_to(di[:, :1], (RB, F1))
                      + b_ref[...])

    return pl.pallas_call(
        body,
        grid=(NP // RB,),
        in_specs=[pl.BlockSpec((2, RB, F1), lambda i: (0, i, 0)),
                  pl.BlockSpec((2, RB, L), lambda i: (0, i, 0)),
                  pl.BlockSpec((1, F1), lambda i: (0, 0))],
        out_specs=pl.BlockSpec((RB, F1), lambda i: (i, 0)),
        out_shape=jax.ShapeDtypeStruct((NP, F1), jnp.float32))(q, dp, b1row)


def kernel(x, edge_index, W0, att_src0, att_dst0, b0, W1, att_src1, att_dst1, b1):
    pad = jnp.zeros((EP - E,), jnp.int32)
    src = jnp.concatenate([edge_index[0], pad])
    dst = jnp.concatenate([edge_index[1], pad + DUMMY])

    rows = jnp.arange(F0)
    cols = jnp.repeat(jnp.arange(H0), F0 // H0)
    a_s0 = jnp.zeros((F0, L), jnp.float32).at[rows, cols].set(att_src0.reshape(F0))
    a_d0 = jnp.zeros((F0, L), jnp.float32).at[rows, cols].set(att_dst0.reshape(F0))
    w1p = jnp.zeros((F0, F1), jnp.float32).at[:, :NC].set(W1)
    a_s1 = jnp.zeros((F1, L), jnp.float32).at[:NC, 0].set(att_src1[0])
    a_d1 = jnp.zeros((F1, L), jnp.float32).at[:NC, 0].set(att_dst1[0])
    b0row = b0.reshape(1, F0)
    b1row = jnp.zeros((1, F1), jnp.float32).at[0, :NC].set(b1)

    xp = jnp.zeros((NP, D), jnp.float32).at[:N].set(x)
    h0, ts0, td0 = _tc_transform(xp, W0, a_s0, a_d0)
    ex0, dp0 = _pass_a(src, dst, ts0, td0)
    (op0,) = _pass_b0(src, dst, ex0, h0)
    h1, ts1, td1 = _tc_mid(op0, dp0, b0row, w1p, a_s1, a_d1)
    ex1, dp1 = _pass_a(src, dst, ts1, td1)
    (op1,) = _pass_b1(src, dst, ex1, h1)
    out = _tc_final(op1, dp1, b1row)
    return out[:N, :NC]

# --- scband reference (transcript-rebuilt; emitter-appended) ---
"""Pipeline reference for scband-gat-7937099563689 (READ-ONLY COPY).

The authoritative reference and input builder live on the scoring server;
editing this copy changes nothing except your own understanding.
"""

import jax, jax.numpy as jnp
import numpy as np

N = 10000
E = 320000
D = 128
HEADS = 8
HD = 16
NC = 40
NEG = 0.2


def setup_inputs(seed: int = 0) -> dict:
    key = jax.random.key(seed)
    ks = jax.random.split(key, 12)
    x = jax.random.normal(ks[0], (N, D), dtype=jnp.float32)
    edge_index = jax.random.randint(ks[1], (2, E), 0, N, dtype=jnp.int32)
    W0 = jax.random.normal(ks[2], (D, HEADS * HD), dtype=jnp.float32) * (1.0 / np.sqrt(D))
    att_src0 = jax.random.normal(ks[3], (HEADS, HD), dtype=jnp.float32) * 0.1
    att_dst0 = jax.random.normal(ks[4], (HEADS, HD), dtype=jnp.float32) * 0.1
    b0 = jax.random.normal(ks[5], (HEADS * HD,), dtype=jnp.float32) * 0.01
    W1 = jax.random.normal(ks[6], (HEADS * HD, 1 * NC), dtype=jnp.float32) * (1.0 / np.sqrt(HEADS * HD))
    att_src1 = jax.random.normal(ks[7], (1, NC), dtype=jnp.float32) * 0.1
    att_dst1 = jax.random.normal(ks[8], (1, NC), dtype=jnp.float32) * 0.1
    b1 = jax.random.normal(ks[9], (NC,), dtype=jnp.float32) * 0.01
    return {"x": x, "edge_index": edge_index, "W0": W0, "att_src0": att_src0,
            "att_dst0": att_dst0, "b0": b0, "W1": W1, "att_src1": att_src1,
            "att_dst1": att_dst1, "b1": b1}


def _gat_conv(x, edge_index, W, att_src, att_dst, bias, heads, out_ch, concat):
    n = x.shape[0]
    h = (x @ W).reshape(n, heads, out_ch)
    src = edge_index[0]
    dst = edge_index[1]
    a_src = (h * att_src[None, :, :]).sum(-1)  # [N, H]
    a_dst = (h * att_dst[None, :, :]).sum(-1)  # [N, H]
    alpha = a_src[src] + a_dst[dst]            # [E, H] gather
    alpha = jnp.where(alpha >= 0, alpha, NEG * alpha)  # leaky_relu
    amax = jax.ops.segment_max(alpha, dst, num_segments=n)
    amax = jnp.where(jnp.isfinite(amax), amax, 0.0)
    ex = jnp.exp(alpha - amax[dst])
    denom = jax.ops.segment_sum(ex, dst, num_segments=n)
    attn = ex / (denom[dst] + 1e-16)           # softmax over incoming edges per dst
    msg = h[src] * attn[:, :, None]            # [E, H, C]
    out = jax.ops.segment_sum(msg, dst, num_segments=n)  # scatter-add
    if concat:
        out = out.reshape(n, heads * out_ch)
    else:
        out = out.mean(axis=1)
    return out + bias


def reference(x, edge_index, W0, att_src0, att_dst0, b0, W1, att_src1, att_dst1, b1):
    # layer 0: GATConv(128 -> 16, heads=8, concat=True), dropout p=0 (identity)
    h = _gat_conv(x, edge_index, W0, att_src0, att_dst0, b0, HEADS, HD, True)
    h = jax.nn.elu(h)
    # layer 1: GATConv(128 -> 40, heads=1, concat=False)
    out = _gat_conv(h, edge_index, W1, att_src1, att_dst1, b1, 1, NC, False)
    return out

if __name__ == "__main__":
    import jax
    _d = setup_inputs()
    print(jax.jit(kernel)(*tuple(_d.values())))

</pallas_src>

<mosaic_0001>
#map = affine_map<(d0, d1) -> (0)>
#map1 = affine_map<(d0, d1) -> (0, 0)>
#map2 = affine_map<(d0, d1) -> (0, 0, 0)>
module attributes {stable_mosaic.version = 14 : i64} {
  func.func @_sc_pass_a(%arg0: i32, %arg1: i32, %arg2: memref<323584xi32, #tpu.memory_space<hbm>>, %arg3: memref<323584xi32, #tpu.memory_space<hbm>>, %arg4: memref<10240x16xf32, #tpu.memory_space<hbm>>, %arg5: memref<10240x16xf32, #tpu.memory_space<hbm>>, %arg6: memref<323584x16xf32, #tpu.memory_space<hbm>>, %arg7: memref<2x10240x16xf32, #tpu.memory_space<hbm>>, %arg8: memref<128xi32, #tpu.memory_space<vmem>>, %arg9: memref<128xi32, #tpu.memory_space<vmem>>, %arg10: memref<128xi32, #tpu.memory_space<vmem>>, %arg11: memref<128x16xf32, #tpu.memory_space<vmem>>, %arg12: memref<128x16xf32, #tpu.memory_space<vmem>>, %arg13: memref<128x16xf32, #tpu.memory_space<vmem>>, %arg14: memref<128xi32, #tpu.memory_space<vmem>>, %arg15: memref<128xi32, #tpu.memory_space<vmem>>, %arg16: memref<128xi32, #tpu.memory_space<vmem>>, %arg17: memref<128x16xf32, #tpu.memory_space<vmem>>, %arg18: memref<128x16xf32, #tpu.memory_space<vmem>>, %arg19: memref<128x16xf32, #tpu.memory_space<vmem>>, %arg20: memref<640x16xf32, #tpu.memory_space<vmem>>, %arg21: memref<10240x16xf32, #tpu.memory_space<vmem_shared>>, %arg22: memref<!tpu.dma_semaphore, #tpu.memory_space<semaphore_mem>>, %arg23: memref<!tpu.dma_semaphore, #tpu.memory_space<semaphore_mem>>, %arg24: memref<!tpu.dma_semaphore, #tpu.memory_space<semaphore_mem>>, %arg25: memref<!tpu.dma_semaphore, #tpu.memory_space<semaphore_mem>>, %arg26: memref<!tpu.dma_semaphore, #tpu.memory_space<semaphore_mem>>, %arg27: memref<!tpu.dma_semaphore, #tpu.memory_space<semaphore_mem>>, %arg28: memref<!tpu.dma_semaphore, #tpu.memory_space<semaphore_mem>>, %arg29: memref<!tpu.dma_semaphore, #tpu.memory_space<semaphore_mem>>) attributes {dimension_semantics = [#tpu.dimension_semantics<core_parallel>, #tpu.dimension_semantics<subcore_parallel>], iteration_bounds = array<i64: 2, 16>, scalar_prefetch = 0 : i64, scratch_operands = 22 : i64, tpu.core_type = #tpu.core_type<sc_vector_subcore>, window_params = [{transform_indices = #map}, {transform_indices = #map}, {transform_indices = #map1}, {transform_indices = #map1}, {transform_indices = #map1}, {transform_indices = #map2}]} {
    %mul3A = arith.constant 16 : i32
    %mul3A_0 = arith.muli %arg0, %mul3A : i32
    %add3A = arith.addi %mul3A_0, %arg1 : i32
    %scan3A = arith.constant 0 : i32
    %scan3A_1 = arith.constant 640 : i32
    %scan3A_2 = arith.addi %scan3A, %scan3A_1 : i32
    %scan3A_3 = arith.constant 1 : i32
    scf.for %scan3A_72 = %scan3A to %scan3A_2 step %scan3A_3  : i32 {
      %mul3A_73 = arith.constant 1 : i32
      %mul3A_74 = arith.muli %scan3A_72, %mul3A_73 : i32
      %add3A_75 = arith.constant 0 : i32
      %add3A_76 = arith.addi %add3A_75, %mul3A_74 : i32
      %scan3A_77 = arith.constant 0 : i32
      %mul3A_78 = arith.constant 16 : i32
      %mul3A_79 = arith.muli %scan3A_77, %mul3A_78 : i32
      %add3A_80 = arith.constant 0 : i32
      %add3A_81 = arith.addi %add3A_80, %mul3A_79 : i32
      %broadcast_in_dim3A = arith.constant 0.000000e+00 : f32
      %broadcast_in_dim3A_82 = vector.broadcast %broadcast_in_dim3A : f32 to vector<1x16xf32>
      %swap3A = arith.index_cast %add3A_76 : i32 to index
      %swap3A_83 = arith.index_cast %add3A_81 : i32 to index
      %swap3A_84 = tpu.vector_load %arg20[%swap3A, %swap3A_83] {strides = array<i32>} : memref<640x16xf32, #tpu.memory_space<vmem>>, vector<1x16xf32>,
      %swap3A_85 = vector.shape_cast %swap3A_84 : vector<1x16xf32> to vector<1x16xf32>
      %swap3A_86 = vector.shape_cast %broadcast_in_dim3A_82 : vector<1x16xf32> to vector<1x16xf32>
      tpu.vector_store %arg20[%swap3A, %swap3A_83], %swap3A_86 {strides = array<i32>} : memref<640x16xf32, #tpu.memory_space<vmem>>, vector<1x16xf32>,
      %scan3A_87 = arith.constant 1 : i32
    }
    %scan3A_4 = arith.constant 640 : i32
    %scan3A_5 = arith.constant 0 : i32
    %mul3A_6 = arith.constant 1 : i32
    %mul3A_7 = arith.muli %scan3A_5, %mul3A_6 : i32
    %add3A_8 = arith.constant 0 : i32
    %add3A_9 = arith.addi %add3A_8, %mul3A_7 : i32
    %mul3A_10 = arith.constant 640 : i32
    %mul3A_11 = arith.muli %arg1, %mul3A_10 : i32
    %mul3A_12 = arith.constant 640 : i32
    %mul3A_13 = arith.muli %add3A_9, %mul3A_12 : i32
    %add3A_14 = arith.addi %mul3A_11, %mul3A_13 : i32
    "tpu.region"() ({
      %run_scoped3A = tpu.sem_alloc : memref<!tpu.dma_semaphore, #tpu.memory_space<semaphore_mem>>
      %dma_start3A_72 = arith.constant 0 : i32
      %dma_start3A_73 = tpu.memref_slice %arg21[%add3A_14, %dma_start3A_72] : memref<10240x16xf32, #tpu.memory_space<vmem_shared>> -> memref<640x16xf32, #tpu.memory_space<vmem_shared>>
      %dma_start3A_74 = arith.constant 0 : i32
      %dma_start3A_75 = tpu.memref_slice %arg21[%add3A_14, %dma_start3A_74] : memref<10240x16xf32, #tpu.memory_space<vmem_shared>> -> memref<640x16xf32, #tpu.memory_space<vmem_shared>>
      tpu.enqueue_dma source(%arg20 : memref<640x16xf32, #tpu.memory_space<vmem>>) target(%dma_start3A_75 : memref<640x16xf32, #tpu.memory_space<vmem_shared>>) target_semaphore(%run_scoped3A : memref<!tpu.dma_semaphore, #tpu.memory_space<semaphore_mem>>)
      %dma_wait3A_76 = arith.constant 0 : i32
      %dma_wait3A_77 = tpu.memref_slice %arg21[%add3A_14, %dma_wait3A_76] : memref<10240x16xf32, #tpu.memory_space<vmem_shared>> -> memref<640x16xf32, #tpu.memory_space<vmem_shared>>
      %dma_wait3A_78 = arith.constant 0 : i32
      %dma_wait3A_79 = tpu.memref_slice %arg21[%add3A_14, %dma_wait3A_78] : memref<10240x16xf32, #tpu.memory_space<vmem_shared>> -> memref<640x16xf32, #tpu.memory_space<vmem_shared>>
      tpu.wait_dma2 semaphore(%run_scoped3A : memref<!tpu.dma_semaphore, #tpu.memory_space<semaphore_mem>>) src(%arg20 : memref<640x16xf32, #tpu.memory_space<vmem>>) dst(%dma_wait3A_79 : memref<640x16xf32, #tpu.memory_space<vmem_shared>>)
      tpu.yield
    }) : () -> ()
    %scan3A_15 = arith.constant 1 : i32
    %barrier3A = arith.constant 0 : index
    tpu.barrier barrier_id(%barrier3A)
    %add3A_16 = arith.constant 0 : i32
    %add3A_17 = arith.addi %add3A, %add3A_16 : i32
    %mul3A_18 = arith.constant 128 : i32
    %mul3A_19 = arith.muli %add3A_17, %mul3A_18 : i32
    %dma_start3A = tpu.memref_slice %arg2[%mul3A_19] : memref<323584xi32, #tpu.memory_space<hbm>> -> memref<128xi32, #tpu.memory_space<hbm>>
    %dma_start3A_20 = tpu.memref_slice %arg2[%mul3A_19] : memref<323584xi32, #tpu.memory_space<hbm>> -> memref<128xi32, #tpu.memory_space<hbm>>
    tpu.enqueue_dma source(%dma_start3A_20 : memref<128xi32, #tpu.memory_space<hbm>>) target(%arg8 : memref<128xi32, #tpu.memory_space<vmem>>) target_semaphore(%arg22 : memref<!tpu.dma_semaphore, #tpu.memory_space<semaphore_mem>>)
    %dma_start3A_21 = tpu.memref_slice %arg3[%mul3A_19] : memref<323584xi32, #tpu.memory_space<hbm>> -> memref<128xi32, #tpu.memory_space<hbm>>
    %dma_start3A_22 = tpu.memref_slice %arg3[%mul3A_19] : memref<323584xi32, #tpu.memory_space<hbm>> -> memref<128xi32, #tpu.memory_space<hbm>>
    tpu.enqueue_dma source(%dma_start3A_22 : memref<128xi32, #tpu.memory_space<hbm>>) target(%arg9 : memref<128xi32, #tpu.memory_space<vmem>>) target_semaphore(%arg22 : memref<!tpu.dma_semaphore, #tpu.memory_space<semaphore_mem>>)
    %add3A_23 = arith.constant 32 : i32
    %add3A_24 = arith.addi %add3A, %add3A_23 : i32
    %mul3A_25 = arith.constant 128 : i32
    %mul3A_26 = arith.muli %add3A_24, %mul3A_25 : i32
    %dma_start3A_27 = tpu.memref_slice %arg2[%mul3A_26] : memref<323584xi32, #tpu.memory_space<hbm>> -> memref<128xi32, #tpu.memory_space<hbm>>
    %dma_start3A_28 = tpu.memref_slice %arg2[%mul3A_26] : memref<323584xi32, #tpu.memory_space<hbm>> -> memref<128xi32, #tpu.memory_space<hbm>>
    tpu.enqueue_dma source(%dma_start3A_28 : memref<128xi32, #tpu.memory_space<hbm>>) target(%arg14 : memref<128xi32, #tpu.memory_space<vmem>>) target_semaphore(%arg23 : memref<!tpu.dma_semaphore, #tpu.memory_space<semaphore_mem>>)
    %dma_start3A_29 = tpu.memref_slice %arg3[%mul3A_26] : memref<323584xi32, #tpu.memory_space<hbm>> -> memref<128xi32, #tpu.memory_space<hbm>>
    %dma_start3A_30 = tpu.memref_slice %arg3[%mul3A_26] : memref<323584xi32, #tpu.memory_space<hbm>> -> memref<128xi32, #tpu.memory_space<hbm>>
    tpu.enqueue_dma source(%dma_start3A_30 : memref<128xi32, #tpu.memory_space<hbm>>) target(%arg15 : memref<128xi32, #tpu.memory_space<vmem>>) target_semaphore(%arg23 : memref<!tpu.dma_semaphore, #tpu.memory_space<semaphore_mem>>)
    %dma_wait3A = arith.constant 0 : i32
    %dma_wait3A_31 = tpu.memref_slice %arg2[%dma_wait3A] : memref<323584xi32, #tpu.memory_space<hbm>> -> memref<128xi32, #tpu.memory_space<hbm>>
    %dma_wait3A_32 = arith.constant 0 : i32
    %dma_wait3A_33 = tpu.memref_slice %arg2[%dma_wait3A_32] : memref<323584xi32, #tpu.memory_space<hbm>> -> memref<128xi32, #tpu.memory_space<hbm>>
    tpu.wait_dma2 semaphore(%arg22 : memref<!tpu.dma_semaphore, #tpu.memory_space<semaphore_mem>>) src(%dma_wait3A_33 : memref<128xi32, #tpu.memory_space<hbm>>) dst(%arg8 : memref<128xi32, #tpu.memory_space<vmem>>)
    %dma_wait3A_34 = arith.constant 0 : i32
    %dma_wait3A_35 = tpu.memref_slice %arg3[%dma_wait3A_34] : memref<323584xi32, #tpu.memory_space<hbm>> -> memref<128xi32, #tpu.memory_space<hbm>>
    %dma_wait3A_36 = arith.constant 0 : i32
    %dma_wait3A_37 = tpu.memref_slice %arg3[%dma_wait3A_36] : memref<323584xi32, #tpu.memory_space<hbm>> -> memref<128xi32, #tpu.memory_space<hbm>>
    tpu.wait_dma2 semaphore(%arg22 : memref<!tpu.dma_semaphore, #tpu.memory_space<semaphore_mem>>) src(%dma_wait3A_37 : memref<128xi32, #tpu.memory_space<hbm>>) dst(%arg9 : memref<128xi32, #tpu.memory_space<vmem>>)
    %dma_start3A_38 = arith.constant 0 : i32
    %dma_start3A_39 = arith.constant 0 : i32
    %dma_start3A_40 = tpu.memref_slice %arg4[%dma_start3A_38, %dma_start3A_39] : memref<10240x16xf32, #tpu.memory_space<hbm>> -> memref<10240x16xf32, #tpu.memory_space<hbm>>
    tpu.enqueue_indirect_dma source(%dma_start3A_40 : memref<10240x16xf32, #tpu.memory_space<hbm>>) target(%arg11 : memref<128x16xf32, #tpu.memory_space<vmem>>) offsets(%arg8 : memref<128xi32, #tpu.memory_space<vmem>>) semaphore(%arg24 : memref<!tpu.dma_semaphore, #tpu.memory_space<semaphore_mem>>)
    %dma_start3A_41 = arith.constant 0 : i32
    %dma_start3A_42 = arith.constant 0 : i32
    %dma_start3A_43 = tpu.memref_slice %arg5[%dma_start3A_41, %dma_start3A_42] : memref<10240x16xf32, #tpu.memory_space<hbm>> -> memref<10240x16xf32, #tpu.memory_space<hbm>>
    tpu.enqueue_indirect_dma source(%dma_start3A_43 : memref<10240x16xf32, #tpu.memory_space<hbm>>) target(%arg12 : memref<128x16xf32, #tpu.memory_space<vmem>>) offsets(%arg9 : memref<128xi32, #tpu.memory_space<vmem>>) semaphore(%arg24 : memref<!tpu.dma_semaphore, #tpu.memory_space<semaphore_mem>>)
    %scan3A_44 = arith.constant 0 : i32
    %scan3A_45 = arith.constant 40 : i32
    %scan3A_46 = arith.addi %scan3A_44, %scan3A_45 : i32
    %scan3A_47 = arith.constant 1 : i32
    scf.for %scan3A_72 = %scan3A_44 to %scan3A_46 step %scan3A_47  : i32 {
      %mul3A_73 = arith.constant 1 : i32
      %mul3A_74 = arith.muli %scan3A_72, %mul3A_73 : i32
      %add3A_75 = arith.constant 0 : i32
      %add3A_76 = arith.addi %add3A_75, %mul3A_74 : i32
      %mul3A_77 = arith.constant 2 : i32
      %mul3A_78 = arith.muli %add3A_76, %mul3A_77 : i32
      %add3A_79 = arith.constant 0 : i32
      %add3A_80 = arith.addi %mul3A_78, %add3A_79 : i32
      %lt3A = arith.constant 79 : i32
      %lt3A_81 = arith.cmpi slt, %add3A_80, %lt3A : i32
      %convert_element_type3A = arith.extui %lt3A_81 : i1 to i32
      %cond3A = arith.constant 0 : i32
      %cond3A_82 = arith.cmpi ne, %convert_element_type3A, %cond3A : i32
      scf.if %cond3A_82 {
        %add3A_92 = arith.constant 1 : i32
        %add3A_93 = arith.addi %add3A_80, %add3A_92 : i32
        %lt3A_94 = arith.constant 79 : i32
        %lt3A_95 = arith.cmpi slt, %add3A_93, %lt3A_94 : i32
        %convert_element_type3A_96 = arith.extui %lt3A_95 : i1 to i32
        %cond3A_97 = arith.constant 0 : i32
        %cond3A_98 = arith.cmpi ne, %convert_element_type3A_96, %cond3A_97 : i32
        scf.if %cond3A_98 {
          %dma_wait3A_135 = arith.constant 0 : i32
          %dma_wait3A_136 = tpu.memref_slice %arg2[%dma_wait3A_135] : memref<323584xi32, #tpu.memory_space<hbm>> -> memref<128xi32, #tpu.memory_space<hbm>>
          %dma_wait3A_137 = arith.constant 0 : i32
          %dma_wait3A_138 = tpu.memref_slice %arg2[%dma_wait3A_137] : memref<323584xi32, #tpu.memory_space<hbm>> -> memref<128xi32, #tpu.memory_space<hbm>>
          tpu.wait_dma2 semaphore(%arg23 : memref<!tpu.dma_semaphore, #tpu.memory_space<semaphore_mem>>) src(%dma_wait3A_138 : memref<128xi32, #tpu.memory_space<hbm>>) dst(%arg14 : memref<128xi32, #tpu.memory_space<vmem>>)
          %dma_wait3A_139 = arith.constant 0 : i32
          %dma_wait3A_140 = tpu.memref_slice %arg3[%dma_wait3A_139] : memref<323584xi32, #tpu.memory_space<hbm>> -> memref<128xi32, #tpu.memory_space<hbm>>
          %dma_wait3A_141 = arith.constant 0 : i32
          %dma_wait3A_142 = tpu.memref_slice %arg3[%dma_wait3A_141] : memref<323584xi32, #tpu.memory_space<hbm>> -> memref<128xi32, #tpu.memory_space<hbm>>
          tpu.wait_dma2 semaphore(%arg23 : memref<!tpu.dma_semaphore, #tpu.memory_space<semaphore_mem>>) src(%dma_wait3A_142 : memref<128xi32, #tpu.memory_space<hbm>>) dst(%arg15 : memref<128xi32, #tpu.memory_space<vmem>>)
          %dma_start3A_143 = arith.constant 0 : i32
          %dma_start3A_144 = arith.constant 0 : i32
          %dma_start3A_145 = tpu.memref_slice %arg4[%dma_start3A_143, %dma_start3A_144] : memref<10240x16xf32, #tpu.memory_space<hbm>> -> memref<10240x16xf32, #tpu.memory_space<hbm>>
          tpu.enqueue_indirect_dma source(%dma_start3A_145 : memref<10240x16xf32, #tpu.memory_space<hbm>>) target(%arg17 : memref<128x16xf32, #tpu.memory_space<vmem>>) offsets(%arg14 : memref<128xi32, #tpu.memory_space<vmem>>) semaphore(%arg25 : memref<!tpu.dma_semaphore, #tpu.memory_space<semaphore_mem>>)
          %dma_start3A_146 = arith.constant 0 : i32
          %dma_start3A_147 = arith.constant 0 : i32
          %dma_start3A_148 = tpu.memref_slice %arg5[%dma_start3A_146, %dma_start3A_147] : memref<10240x16xf32, #tpu.memory_space<hbm>> -> memref<10240x16xf32, #tpu.memory_space<hbm>>
          tpu.enqueue_indirect_dma source(%dma_start3A_148 : memref<10240x16xf32, #tpu.memory_space<hbm>>) target(%arg18 : memref<128x16xf32, #tpu.memory_space<vmem>>) offsets(%arg15 : memref<128xi32, #tpu.memory_space<vmem>>) semaphore(%arg25 : memref<!tpu.dma_semaphore, #tpu.memory_space<semaphore_mem>>)
        } else {
        }
        %dma_wait3A_99 = arith.constant 0 : i32
        %dma_wait3A_100 = arith.constant 0 : i32
        %dma_wait3A_101 = tpu.memref_slice %arg4[%dma_wait3A_99, %dma_wait3A_100] : memref<10240x16xf32, #tpu.memory_space<hbm>> -> memref<10240x16xf32, #tpu.memory_space<hbm>>
        tpu.wait_indirect_dma semaphore(%arg24 : memref<!tpu.dma_semaphore, #tpu.memory_space<semaphore_mem>>) src(%dma_wait3A_101 : memref<10240x16xf32, #tpu.memory_space<hbm>>) dst(%arg11 : memref<128x16xf32, #tpu.memory_space<vmem>>)
        %dma_wait3A_102 = arith.constant 0 : i32
        %dma_wait3A_103 = arith.constant 0 : i32
        %dma_wait3A_104 = tpu.memref_slice %arg5[%dma_wait3A_102, %dma_wait3A_103] : memref<10240x16xf32, #tpu.memory_space<hbm>> -> memref<10240x16xf32, #tpu.memory_space<hbm>>
        tpu.wait_indirect_dma semaphore(%arg24 : memref<!tpu.dma_semaphore, #tpu.memory_space<semaphore_mem>>) src(%dma_wait3A_104 : memref<10240x16xf32, #tpu.memory_space<hbm>>) dst(%arg12 : memref<128x16xf32, #tpu.memory_space<vmem>>)
        %ge3A = arith.constant 2 : i32
        %ge3A_105 = arith.cmpi sge, %add3A_80, %ge3A : i32
        %convert_element_type3A_106 = arith.extui %ge3A_105 : i1 to i32
        %cond3A_107 = arith.constant 0 : i32
        %cond3A_108 = arith.cmpi ne, %convert_element_type3A_106, %cond3A_107 : i32
        scf.if %cond3A_108 {
          %dma_wait3A_135 = arith.constant 0 : i32
          %dma_wait3A_136 = arith.constant 0 : i32
          %dma_wait3A_137 = tpu.memref_slice %arg6[%dma_wait3A_135, %dma_wait3A_136] : memref<323584x16xf32, #tpu.memory_space<hbm>> -> memref<128x16xf32, #tpu.memory_space<hbm>>
          %dma_wait3A_138 = arith.constant 0 : i32
          %dma_wait3A_139 = arith.constant 0 : i32
          %dma_wait3A_140 = tpu.memref_slice %arg6[%dma_wait3A_138, %dma_wait3A_139] : memref<323584x16xf32, #tpu.memory_space<hbm>> -> memref<128x16xf32, #tpu.memory_space<hbm>>
          tpu.wait_dma2 semaphore(%arg26 : memref<!tpu.dma_semaphore, #tpu.memory_space<semaphore_mem>>) src(%arg13 : memref<128x16xf32, #tpu.memory_space<vmem>>) dst(%dma_wait3A_140 : memref<128x16xf32, #tpu.memory_space<hbm>>)
          %dma_wait3A_141 = arith.constant 0 : i32
          %dma_wait3A_142 = arith.constant 0 : i32
          %dma_wait3A_143 = tpu.memref_slice %arg21[%dma_wait3A_141, %dma_wait3A_142] : memref<10240x16xf32, #tpu.memory_space<vmem_shared>> -> memref<10240x16xf32, #tpu.memory_space<vmem_shared>>
          tpu.wait_indirect_dma semaphore(%arg28 : memref<!tpu.dma_semaphore, #tpu.memory_space<semaphore_mem>>) src(%arg13 : memref<128x16xf32, #tpu.memory_space<vmem>>) dst(%dma_wait3A_143 : memref<10240x16xf32, #tpu.memory_space<vmem_shared>>)
        } else {
        }
        %add3A_109 = arith.constant 2 : i32
        %add3A_110 = arith.addi %add3A_80, %add3A_109 : i32
        %lt3A_111 = arith.constant 79 : i32
        %lt3A_112 = arith.cmpi slt, %add3A_110, %lt3A_111 : i32
        %convert_element_type3A_113 = arith.extui %lt3A_112 : i1 to i32
        %cond3A_114 = arith.constant 0 : i32
        %cond3A_115 = arith.cmpi ne, %convert_element_type3A_113, %cond3A_114 : i32
        scf.if %cond3A_115 {
          %add3A_135 = arith.constant 2 : i32
          %add3A_136 = arith.addi %add3A_80, %add3A_135 : i32
          %mul3A_137 = arith.constant 32 : i32
          %mul3A_138 = arith.muli %mul3A_137, %add3A_136 : i32
          %add3A_139 = arith.addi %add3A, %mul3A_138 : i32
          %mul3A_140 = arith.constant 128 : i32
          %mul3A_141 = arith.muli %add3A_139, %mul3A_140 : i32
          %dma_start3A_142 = tpu.memref_slice %arg2[%mul3A_141] : memref<323584xi32, #tpu.memory_space<hbm>> -> memref<128xi32, #tpu.memory_space<hbm>>
          %dma_start3A_143 = tpu.memref_slice %arg2[%mul3A_141] : memref<323584xi32, #tpu.memory_space<hbm>> -> memref<128xi32, #tpu.memory_space<hbm>>
          tpu.enqueue_dma source(%dma_start3A_143 : memref<128xi32, #tpu.memory_space<hbm>>) target(%arg8 : memref<128xi32, #tpu.memory_space<vmem>>) target_semaphore(%arg22 : memref<!tpu.dma_semaphore, #tpu.memory_space<semaphore_mem>>)
          %dma_start3A_144 = tpu.memref_slice %arg3[%mul3A_141] : memref<323584xi32, #tpu.memory_space<hbm>> -> memref<128xi32, #tpu.memory_space<hbm>>
          %dma_start3A_145 = tpu.memref_slice %arg3[%mul3A_141] : memref<323584xi32, #tpu.memory_space<hbm>> -> memref<128xi32, #tpu.memory_space<hbm>>
          tpu.enqueue_dma source(%dma_start3A_145 : memref<128xi32, #tpu.memory_space<hbm>>) target(%arg9 : memref<128xi32, #tpu.memory_space<vmem>>) target_semaphore(%arg22 : memref<!tpu.dma_semaphore, #tpu.memory_space<semaphore_mem>>)
        } else {
        }
        %mul3A_116 = arith.constant 32 : i32
        %mul3A_117 = arith.muli %mul3A_116, %add3A_80 : i32
        %add3A_118 = arith.addi %add3A, %mul3A_117 : i32
        %mul3A_119 = arith.constant 128 : i32
        %mul3A_120 = arith.muli %add3A_118, %mul3A_119 : i32
        "tpu.region"() ({
          %run_scoped3A = tpu.sem_alloc : memref<!tpu.dma_semaphore, #tpu.memory_space<semaphore_mem>>
          %dma_start3A_135 = tpu.memref_slice %arg3[%mul3A_120] : memref<323584xi32, #tpu.memory_space<hbm>> -> memref<128xi32, #tpu.memory_space<hbm>>
          %dma_start3A_136 = tpu.memref_slice %arg3[%mul3A_120] : memref<323584xi32, #tpu.memory_space<hbm>> -> memref<128xi32, #tpu.memory_space<hbm>>
          tpu.enqueue_dma source(%dma_start3A_136 : memref<128xi32, #tpu.memory_space<hbm>>) target(%arg10 : memref<128xi32, #tpu.memory_space<vmem>>) target_semaphore(%run_scoped3A : memref<!tpu.dma_semaphore, #tpu.memory_space<semaphore_mem>>)
          %dma_wait3A_137 = tpu.memref_slice %arg3[%mul3A_120] : memref<323584xi32, #tpu.memory_space<hbm>> -> memref<128xi32, #tpu.memory_space<hbm>>
          %dma_wait3A_138 = tpu.memref_slice %arg3[%mul3A_120] : memref<323584xi32, #tpu.memory_space<hbm>> -> memref<128xi32, #tpu.memory_space<hbm>>
          tpu.wait_dma2 semaphore(%run_scoped3A : memref<!tpu.dma_semaphore, #tpu.memory_space<semaphore_mem>>) src(%dma_wait3A_138 : memref<128xi32, #tpu.memory_space<hbm>>) dst(%arg10 : memref<128xi32, #tpu.memory_space<vmem>>)
          tpu.yield
        }) : () -> ()
        %parallel_loop3A = arith.constant 0 : i32
        %parallel_loop3A_121 = arith.constant 128 : i32
        %parallel_loop3A_122 = arith.constant 1 : i32
        scf.for %parallel_loop3A_135 = %parallel_loop3A to %parallel_loop3A_121 step %parallel_loop3A_122  : i32 {
          %parallel_loop3A_136 = arith.index_cast %parallel_loop3A_135 : i32 to index
          %parallel_loop3A_137 = arith.constant 0 : index
          %parallel_loop3A_138 = tpu.vector_load %arg11[%parallel_loop3A_136, %parallel_loop3A_137] {strides = array<i32>} : memref<128x16xf32, #tpu.memory_space<vmem>>, vector<1x16xf32>,
          %parallel_loop3A_139 = vector.shape_cast %parallel_loop3A_138 : vector<1x16xf32> to vector<1x16xf32>
          %parallel_loop3A_140 = arith.index_cast %parallel_loop3A_135 : i32 to index
          %parallel_loop3A_141 = arith.constant 0 : index
          %parallel_loop3A_142 = tpu.vector_load %arg12[%parallel_loop3A_140, %parallel_loop3A_141] {strides = array<i32>} : memref<128x16xf32, #tpu.memory_space<vmem>>, vector<1x16xf32>,
          %parallel_loop3A_143 = vector.shape_cast %parallel_loop3A_142 : vector<1x16xf32> to vector<1x16xf32>
          %parallel_loop3A_144 = arith.addf %parallel_loop3A_139, %parallel_loop3A_143 : vector<1x16xf32>
          %parallel_loop3A_145 = arith.constant 0.000000e+00 : f32
          %parallel_loop3A_146 = vector.broadcast %parallel_loop3A_145 : f32 to vector<1x16xf32>
          %parallel_loop3A_147 = arith.cmpf oge, %parallel_loop3A_144, %parallel_loop3A_146 : vector<1x16xf32>
          %parallel_loop3A_148 = arith.constant 2.000000e-01 : f32
          %parallel_loop3A_149 = vector.broadcast %parallel_loop3A_148 : f32 to vector<1x16xf32>
          %parallel_loop3A_150 = arith.mulf %parallel_loop3A_149, %parallel_loop3A_144 : vector<1x16xf32>
          %parallel_loop3A_151 = arith.select %parallel_loop3A_147, %parallel_loop3A_144, %parallel_loop3A_150 : vector<1x16xi1>, vector<1x16xf32>
          %parallel_loop3A_152 = math.exp %parallel_loop3A_151 : vector<1x16xf32>
          %parallel_loop3A_153 = arith.index_cast %parallel_loop3A_135 : i32 to index
          %parallel_loop3A_154 = arith.constant 0 : index
          %parallel_loop3A_155 = tpu.vector_load %arg13[%parallel_loop3A_153, %parallel_loop3A_154] {strides = array<i32>} : memref<128x16xf32, #tpu.memory_space<vmem>>, vector<1x16xf32>,
          %parallel_loop3A_156 = vector.shape_cast %parallel_loop3A_155 : vector<1x16xf32> to vector<1x16xf32>
          %parallel_loop3A_157 = vector.shape_cast %parallel_loop3A_152 : vector<1x16xf32> to vector<1x16xf32>
          tpu.vector_store %arg13[%parallel_loop3A_153, %parallel_loop3A_154], %parallel_loop3A_157 {strides = array<i32>} : memref<128x16xf32, #tpu.memory_space<vmem>>, vector<1x16xf32>,
        } {sc.loop_unroll_factor = 4 : i64, sc.parallel_access}
        %mul3A_123 = arith.constant 32 : i32
        %mul3A_124 = arith.muli %mul3A_123, %add3A_80 : i32
        %add3A_125 = arith.addi %add3A, %mul3A_124 : i32
        %mul3A_126 = arith.constant 128 : i32
        %mul3A_127 = arith.muli %add3A_125, %mul3A_126 : i32
        %dma_start3A_128 = arith.constant 0 : i32
        %dma_start3A_129 = tpu.memref_slice %arg6[%mul3A_127, %dma_start3A_128] : memref<323584x16xf32, #tpu.memory_space<hbm>> -> memref<128x16xf32, #tpu.memory_space<hbm>>
        %dma_start3A_130 = arith.constant 0 : i32
        %dma_start3A_131 = tpu.memref_slice %arg6[%mul3A_127, %dma_start3A_130] : memref<323584x16xf32, #tpu.memory_space<hbm>> -> memref<128x16xf32, #tpu.memory_space<hbm>>
        tpu.enqueue_dma source(%arg13 : memref<128x16xf32, #tpu.memory_space<vmem>>) target(%dma_start3A_131 : memref<128x16xf32, #tpu.memory_space<hbm>>) target_semaphore(%arg26 : memref<!tpu.dma_semaphore, #tpu.memory_space<semaphore_mem>>)
        %dma_start3A_132 = arith.constant 0 : i32
        %dma_start3A_133 = arith.constant 0 : i32
        %dma_start3A_134 = tpu.memref_slice %arg21[%dma_start3A_132, %dma_start3A_133] : memref<10240x16xf32, #tpu.memory_space<vmem_shared>> -> memref<10240x16xf32, #tpu.memory_space<vmem_shared>>
        tpu.enqueue_indirect_dma source(%arg13 : memref<128x16xf32, #tpu.memory_space<vmem>>) target(%dma_start3A_134 : memref<10240x16xf32, #tpu.memory_space<vmem_shared>>) offsets(%arg10 : memref<128xi32, #tpu.memory_space<vmem>>) semaphore(%arg28 : memref<!tpu.dma_semaphore, #tpu.memory_space<semaphore_mem>>) {add = true}
      } else {
      }
      %mul3A_83 = arith.constant 2 : i32
      %mul3A_84 = arith.muli %add3A_76, %mul3A_83 : i32
      %add3A_85 = arith.constant 1 : i32
      %add3A_86 = arith.addi %mul3A_84, %add3A_85 : i32
      %lt3A_87 = arith.constant 79 : i32
      %lt3A_88 = arith.cmpi slt, %add3A_86, %lt3A_87 : i32
      %convert_element_type3A_89 = arith.extui %lt3A_88 : i1 to i32
      %cond3A_90 = arith.constant 0 : i32
      %cond3A_91 = arith.cmpi ne, %convert_element_type3A_89, %cond3A_90 : i32
      scf.if %cond3A_91 {
        %add3A_92 = arith.constant 1 : i32
        %add3A_93 = arith.addi %add3A_86, %add3A_92 : i32
        %lt3A_94 = arith.constant 79 : i32
        %lt3A_95 = arith.cmpi slt, %add3A_93, %lt3A_94 : i32
        %convert_element_type3A_96 = arith.extui %lt3A_95 : i1 to i32
        %cond3A_97 = arith.constant 0 : i32
        %cond3A_98 = arith.cmpi ne, %convert_element_type3A_96, %cond3A_97 : i32
        scf.if %cond3A_98 {
          %dma_wait3A_135 = arith.constant 0 : i32
          %dma_wait3A_136 = tpu.memref_slice %arg2[%dma_wait3A_135] : memref<323584xi32, #tpu.memory_space<hbm>> -> memref<128xi32, #tpu.memory_space<hbm>>
          %dma_wait3A_137 = arith.constant 0 : i32
          %dma_wait3A_138 = tpu.memref_slice %arg2[%dma_wait3A_137] : memref<323584xi32, #tpu.memory_space<hbm>> -> memref<128xi32, #tpu.memory_space<hbm>>
          tpu.wait_dma2 semaphore(%arg22 : memref<!tpu.dma_semaphore, #tpu.memory_space<semaphore_mem>>) src(%dma_wait3A_138 : memref<128xi32, #tpu.memory_space<hbm>>) dst(%arg8 : memref<128xi32, #tpu.memory_space<vmem>>)
          %dma_wait3A_139 = arith.constant 0 : i32
          %dma_wait3A_140 = tpu.memref_slice %arg3[%dma_wait3A_139] : memref<323584xi32, #tpu.memory_space<hbm>> -> memref<128xi32, #tpu.memory_space<hbm>>
          %dma_wait3A_141 = arith.constant 0 : i32
          %dma_wait3A_142 = tpu.memref_slice %arg3[%dma_wait3A_141] : memref<323584xi32, #tpu.memory_space<hbm>> -> memref<128xi32, #tpu.memory_space<hbm>>
          tpu.wait_dma2 semaphore(%arg22 : memref<!tpu.dma_semaphore, #tpu.memory_space<semaphore_mem>>) src(%dma_wait3A_142 : memref<128xi32, #tpu.memory_space<hbm>>) dst(%arg9 : memref<128xi32, #tpu.memory_space<vmem>>)
          %dma_start3A_143 = arith.constant 0 : i32
          %dma_start3A_144 = arith.constant 0 : i32
          %dma_start3A_145 = tpu.memref_slice %arg4[%dma_start3A_143, %dma_start3A_144] : memref<10240x16xf32, #tpu.memory_space<hbm>> -> memref<10240x16xf32, #tpu.memory_space<hbm>>
          tpu.enqueue_indirect_dma source(%dma_start3A_145 : memref<10240x16xf32, #tpu.memory_space<hbm>>) target(%arg11 : memref<128x16xf32, #tpu.memory_space<vmem>>) offsets(%arg8 : memref<128xi32, #tpu.memory_space<vmem>>) semaphore(%arg24 : memref<!tpu.dma_semaphore, #tpu.memory_space<semaphore_mem>>)
          %dma_start3A_146 = arith.constant 0 : i32
          %dma_start3A_147 = arith.constant 0 : i32
          %dma_start3A_148 = tpu.memref_slice %arg5[%dma_start3A_146, %dma_start3A_147] : memref<10240x16xf32, #tpu.memory_space<hbm>> -> memref<10240x16xf32, #tpu.memory_space<hbm>>
          tpu.enqueue_indirect_dma source(%dma_start3A_148 : memref<10240x16xf32, #tpu.memory_space<hbm>>) target(%arg12 : memref<128x16xf32, #tpu.memory_space<vmem>>) offsets(%arg9 : memref<128xi32, #tpu.memory_space<vmem>>) semaphore(%arg24 : memref<!tpu.dma_semaphore, #tpu.memory_space<semaphore_mem>>)
        } else {
        }
        %dma_wait3A_99 = arith.constant 0 : i32
        %dma_wait3A_100 = arith.constant 0 : i32
        %dma_wait3A_101 = tpu.memref_slice %arg4[%dma_wait3A_99, %dma_wait3A_100] : memref<10240x16xf32, #tpu.memory_space<hbm>> -> memref<10240x16xf32, #tpu.memory_space<hbm>>
        tpu.wait_indirect_dma semaphore(%arg25 : memref<!tpu.dma_semaphore, #tpu.memory_space<semaphore_mem>>) src(%dma_wait3A_101 : memref<10240x16xf32, #tpu.memory_space<hbm>>) dst(%arg17 : memref<128x16xf32, #tpu.memory_space<vmem>>)
        %dma_wait3A_102 = arith.constant 0 : i32
        %dma_wait3A_103 = arith.constant 0 : i32
        %dma_wait3A_104 = tpu.memref_slice %arg5[%dma_wait3A_102, %dma_wait3A_103] : memref<10240x16xf32, #tpu.memory_space<hbm>> -> memref<10240x16xf32, #tpu.memory_space<hbm>>
        tpu.wait_indirect_dma semaphore(%arg25 : memref<!tpu.dma_semaphore, #tpu.memory_space<semaphore_mem>>) src(%dma_wait3A_104 : memref<10240x16xf32, #tpu.memory_space<hbm>>) dst(%arg18 : memref<128x16xf32, #tpu.memory_space<vmem>>)
        %ge3A = arith.constant 2 : i32
        %ge3A_105 = arith.cmpi sge, %add3A_86, %ge3A : i32
        %convert_element_type3A_106 = arith.extui %ge3A_105 : i1 to i32
        %cond3A_107 = arith.constant 0 : i32
        %cond3A_108 = arith.cmpi ne, %convert_element_type3A_106, %cond3A_107 : i32
        scf.if %cond3A_108 {
          %dma_wait3A_135 = arith.constant 0 : i32
          %dma_wait3A_136 = arith.constant 0 : i32
          %dma_wait3A_137 = tpu.memref_slice %arg6[%dma_wait3A_135, %dma_wait3A_136] : memref<323584x16xf32, #tpu.memory_space<hbm>> -> memref<128x16xf32, #tpu.memory_space<hbm>>
          %dma_wait3A_138 = arith.constant 0 : i32
          %dma_wait3A_139 = arith.constant 0 : i32
          %dma_wait3A_140 = tpu.memref_slice %arg6[%dma_wait3A_138, %dma_wait3A_139] : memref<323584x16xf32, #tpu.memory_space<hbm>> -> memref<128x16xf32, #tpu.memory_space<hbm>>
          tpu.wait_dma2 semaphore(%arg27 : memref<!tpu.dma_semaphore, #tpu.memory_space<semaphore_mem>>) src(%arg19 : memref<128x16xf32, #tpu.memory_space<vmem>>) dst(%dma_wait3A_140 : memref<128x16xf32, #tpu.memory_space<hbm>>)
          %dma_wait3A_141 = arith.constant 0 : i32
          %dma_wait3A_142 = arith.constant 0 : i32
          %dma_wait3A_143 = tpu.memref_slice %arg21[%dma_wait3A_141, %dma_wait3A_142] : memref<10240x16xf32, #tpu.memory_space<vmem_shared>> -> memref<10240x16xf32, #tpu.memory_space<vmem_shared>>
          tpu.wait_indirect_dma semaphore(%arg29 : memref<!tpu.dma_semaphore, #tpu.memory_space<semaphore_mem>>) src(%arg19 : memref<128x16xf32, #tpu.memory_space<vmem>>) dst(%dma_wait3A_143 : memref<10240x16xf32, #tpu.memory_space<vmem_shared>>)
        } else {
        }
        %add3A_109 = arith.constant 2 : i32
        %add3A_110 = arith.addi %add3A_86, %add3A_109 : i32
        %lt3A_111 = arith.constant 79 : i32
        %lt3A_112 = arith.cmpi slt, %add3A_110, %lt3A_111 : i32
        %convert_element_type3A_113 = arith.extui %lt3A_112 : i1 to i32
        %cond3A_114 = arith.constant 0 : i32
        %cond3A_115 = arith.cmpi ne, %convert_element_type3A_113, %cond3A_114 : i32
        scf.if %cond3A_115 {
          %add3A_135 = arith.constant 2 : i32
          %add3A_136 = arith.addi %add3A_86, %add3A_135 : i32
          %mul3A_137 = arith.constant 32 : i32
          %mul3A_138 = arith.muli %mul3A_137, %add3A_136 : i32
          %add3A_139 = arith.addi %add3A, %mul3A_138 : i32
          %mul3A_140 = arith.constant 128 : i32
          %mul3A_141 = arith.muli %add3A_139, %mul3A_140 : i32
          %dma_start3A_142 = tpu.memref_slice %arg2[%mul3A_141] : memref<323584xi32, #tpu.memory_space<hbm>> -> memref<128xi32, #tpu.memory_space<hbm>>
          %dma_start3A_143 = tpu.memref_slice %arg2[%mul3A_141] : memref<323584xi32, #tpu.memory_space<hbm>> -> memref<128xi32, #tpu.memory_space<hbm>>
          tpu.enqueue_dma source(%dma_start3A_143 : memref<128xi32, #tpu.memory_space<hbm>>) target(%arg14 : memref<128xi32, #tpu.memory_space<vmem>>) target_semaphore(%arg23 : memref<!tpu.dma_semaphore, #tpu.memory_space<semaphore_mem>>)
          %dma_start3A_144 = tpu.memref_slice %arg3[%mul3A_141] : memref<323584xi32, #tpu.memory_space<hbm>> -> memref<128xi32, #tpu.memory_space<hbm>>
          %dma_start3A_145 = tpu.memref_slice %arg3[%mul3A_141] : memref<323584xi32, #tpu.memory_space<hbm>> -> memref<128xi32, #tpu.memory_space<hbm>>
          tpu.enqueue_dma source(%dma_start3A_145 : memref<128xi32, #tpu.memory_space<hbm>>) target(%arg15 : memref<128xi32, #tpu.memory_space<vmem>>) target_semaphore(%arg23 : memref<!tpu.dma_semaphore, #tpu.memory_space<semaphore_mem>>)
        } else {
        }
        %mul3A_116 = arith.constant 32 : i32
        %mul3A_117 = arith.muli %mul3A_116, %add3A_86 : i32
        %add3A_118 = arith.addi %add3A, %mul3A_117 : i32
        %mul3A_119 = arith.constant 128 : i32
        %mul3A_120 = arith.muli %add3A_118, %mul3A_119 : i32
        "tpu.region"() ({
          %run_scoped3A = tpu.sem_alloc : memref<!tpu.dma_semaphore, #tpu.memory_space<semaphore_mem>>
          %dma_start3A_135 = tpu.memref_slice %arg3[%mul3A_120] : memref<323584xi32, #tpu.memory_space<hbm>> -> memref<128xi32, #tpu.memory_space<hbm>>
          %dma_start3A_136 = tpu.memref_slice %arg3[%mul3A_120] : memref<323584xi32, #tpu.memory_space<hbm>> -> memref<128xi32, #tpu.memory_space<hbm>>
          tpu.enqueue_dma source(%dma_start3A_136 : memref<128xi32, #tpu.memory_space<hbm>>) target(%arg16 : memref<128xi32, #tpu.memory_space<vmem>>) target_semaphore(%run_scoped3A : memref<!tpu.dma_semaphore, #tpu.memory_space<semaphore_mem>>)
          %dma_wait3A_137 = tpu.memref_slice %arg3[%mul3A_120] : memref<323584xi32, #tpu.memory_space<hbm>> -> memref<128xi32, #tpu.memory_space<hbm>>
          %dma_wait3A_138 = tpu.memref_slice %arg3[%mul3A_120] : memref<323584xi32, #tpu.memory_space<hbm>> -> memref<128xi32, #tpu.memory_space<hbm>>
          tpu.wait_dma2 semaphore(%run_scoped3A : memref<!tpu.dma_semaphore, #tpu.memory_space<semaphore_mem>>) src(%dma_wait3A_138 : memref<128xi32, #tpu.memory_space<hbm>>) dst(%arg16 : memref<128xi32, #tpu.memory_space<vmem>>)
          tpu.yield
        }) : () -> ()
        %parallel_loop3A = arith.constant 0 : i32
        %parallel_loop3A_121 = arith.constant 128 : i32
        %parallel_loop3A_122 = arith.constant 1 : i32
        scf.for %parallel_loop3A_135 = %parallel_loop3A to %parallel_loop3A_121 step %parallel_loop3A_122  : i32 {
          %parallel_loop3A_136 = arith.index_cast %parallel_loop3A_135 : i32 to index
          %parallel_loop3A_137 = arith.constant 0 : index
          %parallel_loop3A_138 = tpu.vector_load %arg17[%parallel_loop3A_136, %parallel_loop3A_137] {strides = array<i32>} : memref<128x16xf32, #tpu.memory_space<vmem>>, vector<1x16xf32>,
          %parallel_loop3A_139 = vector.shape_cast %parallel_loop3A_138 : vector<1x16xf32> to vector<1x16xf32>
          %parallel_loop3A_140 = arith.index_cast %parallel_loop3A_135 : i32 to index
          %parallel_loop3A_141 = arith.constant 0 : index
          %parallel_loop3A_142 = tpu.vector_load %arg18[%parallel_loop3A_140, %parallel_loop3A_141] {strides = array<i32>} : memref<128x16xf32, #tpu.memory_space<vmem>>, vector<1x16xf32>,
          %parallel_loop3A_143 = vector.shape_cast %parallel_loop3A_142 : vector<1x16xf32> to vector<1x16xf32>
          %parallel_loop3A_144 = arith.addf %parallel_loop3A_139, %parallel_loop3A_143 : vector<1x16xf32>
          %parallel_loop3A_145 = arith.constant 0.000000e+00 : f32
          %parallel_loop3A_146 = vector.broadcast %parallel_loop3A_145 : f32 to vector<1x16xf32>
          %parallel_loop3A_147 = arith.cmpf oge, %parallel_loop3A_144, %parallel_loop3A_146 : vector<1x16xf32>
          %parallel_loop3A_148 = arith.constant 2.000000e-01 : f32
          %parallel_loop3A_149 = vector.broadcast %parallel_loop3A_148 : f32 to vector<1x16xf32>
          %parallel_loop3A_150 = arith.mulf %parallel_loop3A_149, %parallel_loop3A_144 : vector<1x16xf32>
          %parallel_loop3A_151 = arith.select %parallel_loop3A_147, %parallel_loop3A_144, %parallel_loop3A_150 : vector<1x16xi1>, vector<1x16xf32>
          %parallel_loop3A_152 = math.exp %parallel_loop3A_151 : vector<1x16xf32>
          %parallel_loop3A_153 = arith.index_cast %parallel_loop3A_135 : i32 to index
          %parallel_loop3A_154 = arith.constant 0 : index
          %parallel_loop3A_155 = tpu.vector_load %arg19[%parallel_loop3A_153, %parallel_loop3A_154] {strides = array<i32>} : memref<128x16xf32, #tpu.memory_space<vmem>>, vector<1x16xf32>,
          %parallel_loop3A_156 = vector.shape_cast %parallel_loop3A_155 : vector<1x16xf32> to vector<1x16xf32>
          %parallel_loop3A_157 = vector.shape_cast %parallel_loop3A_152 : vector<1x16xf32> to vector<1x16xf32>
          tpu.vector_store %arg19[%parallel_loop3A_153, %parallel_loop3A_154], %parallel_loop3A_157 {strides = array<i32>} : memref<128x16xf32, #tpu.memory_space<vmem>>, vector<1x16xf32>,
        } {sc.loop_unroll_factor = 4 : i64, sc.parallel_access}
        %mul3A_123 = arith.constant 32 : i32
        %mul3A_124 = arith.muli %mul3A_123, %add3A_86 : i32
        %add3A_125 = arith.addi %add3A, %mul3A_124 : i32
        %mul3A_126 = arith.constant 128 : i32
        %mul3A_127 = arith.muli %add3A_125, %mul3A_126 : i32
        %dma_start3A_128 = arith.constant 0 : i32
        %dma_start3A_129 = tpu.memref_slice %arg6[%mul3A_127, %dma_start3A_128] : memref<323584x16xf32, #tpu.memory_space<hbm>> -> memref<128x16xf32, #tpu.memory_space<hbm>>
        %dma_start3A_130 = arith.constant 0 : i32
        %dma_start3A_131 = tpu.memref_slice %arg6[%mul3A_127, %dma_start3A_130] : memref<323584x16xf32, #tpu.memory_space<hbm>> -> memref<128x16xf32, #tpu.memory_space<hbm>>
        tpu.enqueue_dma source(%arg19 : memref<128x16xf32, #tpu.memory_space<vmem>>) target(%dma_start3A_131 : memref<128x16xf32, #tpu.memory_space<hbm>>) target_semaphore(%arg27 : memref<!tpu.dma_semaphore, #tpu.memory_space<semaphore_mem>>)
        %dma_start3A_132 = arith.constant 0 : i32
        %dma_start3A_133 = arith.constant 0 : i32
        %dma_start3A_134 = tpu.memref_slice %arg21[%dma_start3A_132, %dma_start3A_133] : memref<10240x16xf32, #tpu.memory_space<vmem_shared>> -> memref<10240x16xf32, #tpu.memory_space<vmem_shared>>
        tpu.enqueue_indirect_dma source(%arg19 : memref<128x16xf32, #tpu.memory_space<vmem>>) target(%dma_start3A_134 : memref<10240x16xf32, #tpu.memory_space<vmem_shared>>) offsets(%arg16 : memref<128xi32, #tpu.memory_space<vmem>>) semaphore(%arg29 : memref<!tpu.dma_semaphore, #tpu.memory_space<semaphore_mem>>) {add = true}
      } else {
      }
    }
    %scan3A_48 = arith.constant 40 : i32
    %dma_wait3A_49 = arith.constant 0 : i32
    %dma_wait3A_50 = arith.constant 0 : i32
    %dma_wait3A_51 = tpu.memref_slice %arg6[%dma_wait3A_49, %dma_wait3A_50] : memref<323584x16xf32, #tpu.memory_space<hbm>> -> memref<128x16xf32, #tpu.memory_space<hbm>>
    %dma_wait3A_52 = arith.constant 0 : i32
    %dma_wait3A_53 = arith.constant 0 : i32
    %dma_wait3A_54 = tpu.memref_slice %arg6[%dma_wait3A_52, %dma_wait3A_53] : memref<323584x16xf32, #tpu.memory_space<hbm>> -> memref<128x16xf32, #tpu.memory_space<hbm>>
    tpu.wait_dma2 semaphore(%arg27 : memref<!tpu.dma_semaphore, #tpu.memory_space<semaphore_mem>>) src(%arg19 : memref<128x16xf32, #tpu.memory_space<vmem>>) dst(%dma_wait3A_54 : memref<128x16xf32, #tpu.memory_space<hbm>>)
    %dma_wait3A_55 = arith.constant 0 : i32
    %dma_wait3A_56 = arith.constant 0 : i32
    %dma_wait3A_57 = tpu.memref_slice %arg21[%dma_wait3A_55, %dma_wait3A_56] : memref<10240x16xf32, #tpu.memory_space<vmem_shared>> -> memref<10240x16xf32, #tpu.memory_space<vmem_shared>>
    tpu.wait_indirect_dma semaphore(%arg29 : memref<!tpu.dma_semaphore, #tpu.memory_space<semaphore_mem>>) src(%arg19 : memref<128x16xf32, #tpu.memory_space<vmem>>) dst(%dma_wait3A_57 : memref<10240x16xf32, #tpu.memory_space<vmem_shared>>)
    %dma_wait3A_58 = arith.constant 0 : i32
    %dma_wait3A_59 = arith.constant 0 : i32
    %dma_wait3A_60 = tpu.memref_slice %arg6[%dma_wait3A_58, %dma_wait3A_59] : memref<323584x16xf32, #tpu.memory_space<hbm>> -> memref<128x16xf32, #tpu.memory_space<hbm>>
    %dma_wait3A_61 = arith.constant 0 : i32
    %dma_wait3A_62 = arith.constant 0 : i32
    %dma_wait3A_63 = tpu.memref_slice %arg6[%dma_wait3A_61, %dma_wait3A_62] : memref<323584x16xf32, #tpu.memory_space<hbm>> -> memref<128x16xf32, #tpu.memory_space<hbm>>
    tpu.wait_dma2 semaphore(%arg26 : memref<!tpu.dma_semaphore, #tpu.memory_space<semaphore_mem>>) src(%arg13 : memref<128x16xf32, #tpu.memory_space<vmem>>) dst(%dma_wait3A_63 : memref<128x16xf32, #tpu.memory_space<hbm>>)
    %dma_wait3A_64 = arith.constant 0 : i32
    %dma_wait3A_65 = arith.constant 0 : i32
    %dma_wait3A_66 = tpu.memref_slice %arg21[%dma_wait3A_64, %dma_wait3A_65] : memref<10240x16xf32, #tpu.memory_space<vmem_shared>> -> memref<10240x16xf32, #tpu.memory_space<vmem_shared>>
    tpu.wait_indirect_dma semaphore(%arg28 : memref<!tpu.dma_semaphore, #tpu.memory_space<semaphore_mem>>) src(%arg13 : memref<128x16xf32, #tpu.memory_space<vmem>>) dst(%dma_wait3A_66 : memref<10240x16xf32, #tpu.memory_space<vmem_shared>>)
    %barrier3A_67 = arith.constant 0 : index
    tpu.barrier barrier_id(%barrier3A_67)
    %mul3A_68 = arith.constant 640 : i32
    %mul3A_69 = arith.muli %arg1, %mul3A_68 : i32
    %mul3A_70 = arith.constant 640 : i32
    %mul3A_71 = arith.muli %arg1, %mul3A_70 : i32
    "tpu.region"() ({
      %run_scoped3A = tpu.sem_alloc : memref<!tpu.dma_semaphore, #tpu.memory_space<semaphore_mem>>
      %dma_start3A_72 = arith.constant 0 : i32
      %dma_start3A_73 = tpu.memref_slice %arg7[%arg0, %mul3A_71, %dma_start3A_72] : memref<2x10240x16xf32, #tpu.memory_space<hbm>> -> memref<1x640x16xf32, #tpu.memory_space<hbm>>
      %dma_start3A_74 = tpu.memref_squeeze %dma_start3A_73 : memref<1x640x16xf32, #tpu.memory_space<hbm>> -> memref<640x16xf32, #tpu.memory_space<hbm>>
      %dma_start3A_75 = arith.constant 0 : i32
      %dma_start3A_76 = tpu.memref_slice %arg21[%mul3A_69, %dma_start3A_75] : memref<10240x16xf32, #tpu.memory_space<vmem_shared>> -> memref<640x16xf32, #tpu.memory_space<vmem_shared>>
      tpu.enqueue_dma source(%dma_start3A_76 : memref<640x16xf32, #tpu.memory_space<vmem_shared>>) target(%dma_start3A_74 : memref<640x16xf32, #tpu.memory_space<hbm>>) target_semaphore(%run_scoped3A : memref<!tpu.dma_semaphore, #tpu.memory_space<semaphore_mem>>)
      %dma_wait3A_77 = arith.constant 0 : i32
      %dma_wait3A_78 = tpu.memref_slice %arg7[%arg0, %mul3A_71, %dma_wait3A_77] : memref<2x10240x16xf32, #tpu.memory_space<hbm>> -> memref<1x640x16xf32, #tpu.memory_space<hbm>>
      %dma_wait3A_79 = tpu.memref_squeeze %dma_wait3A_78 : memref<1x640x16xf32, #tpu.memory_space<hbm>> -> memref<640x16xf32, #tpu.memory_space<hbm>>
      %dma_wait3A_80 = arith.constant 0 : i32
      %dma_wait3A_81 = tpu.memref_slice %arg21[%mul3A_69, %dma_wait3A_80] : memref<10240x16xf32, #tpu.memory_space<vmem_shared>> -> memref<640x16xf32, #tpu.memory_space<vmem_shared>>
      tpu.wait_dma2 semaphore(%run_scoped3A : memref<!tpu.dma_semaphore, #tpu.memory_space<semaphore_mem>>) src(%dma_wait3A_81 : memref<640x16xf32, #tpu.memory_space<vmem_shared>>) dst(%dma_wait3A_79 : memref<640x16xf32, #tpu.memory_space<hbm>>)
      tpu.yield
    }) : () -> ()
    return
  }
}

#map = affine_map<(d0, d1) -> (0)>
#map1 = affine_map<(d0, d1) -> (0, 0)>
#map2 = affine_map<(d0, d1) -> (0, 0, 0)>
module attributes {stable_mosaic.version = 14 : i64} {
  func.func @_sc_pass_a(%arg0: i32, %arg1: i32, %arg2: memref<323584xi32, #tpu.memory_space<hbm>>, %arg3: memref<323584xi32, #tpu.memory_space<hbm>>, %arg4: memref<10240x16xf32, #tpu.memory_space<hbm>>, %arg5: memref<10240x16xf32, #tpu.memory_space<hbm>>, %arg6: memref<323584x16xf32, #tpu.memory_space<hbm>>, %arg7: memref<2x10240x16xf32, #tpu.memory_space<hbm>>, %arg8: memref<128xi32, #tpu.memory_space<vmem>>, %arg9: memref<128xi32, #tpu.memory_space<vmem>>, %arg10: memref<128xi32, #tpu.memory_space<vmem>>, %arg11: memref<128x16xf32, #tpu.memory_space<vmem>>, %arg12: memref<128x16xf32, #tpu.memory_space<vmem>>, %arg13: memref<128x16xf32, #tpu.memory_space<vmem>>, %arg14: memref<128xi32, #tpu.memory_space<vmem>>, %arg15: memref<128xi32, #tpu.memory_space<vmem>>, %arg16: memref<128xi32, #tpu.memory_space<vmem>>, %arg17: memref<128x16xf32, #tpu.memory_space<vmem>>, %arg18: memref<128x16xf32, #tpu.memory_space<vmem>>, %arg19: memref<128x16xf32, #tpu.memory_space<vmem>>, %arg20: memref<640x16xf32, #tpu.memory_space<vmem>>, %arg21: memref<10240x16xf32, #tpu.memory_space<vmem_shared>>, %arg22: memref<!tpu.dma_semaphore, #tpu.memory_space<semaphore_mem>>, %arg23: memref<!tpu.dma_semaphore, #tpu.memory_space<semaphore_mem>>, %arg24: memref<!tpu.dma_semaphore, #tpu.memory_space<semaphore_mem>>, %arg25: memref<!tpu.dma_semaphore, #tpu.memory_space<semaphore_mem>>, %arg26: memref<!tpu.dma_semaphore, #tpu.memory_space<semaphore_mem>>, %arg27: memref<!tpu.dma_semaphore, #tpu.memory_space<semaphore_mem>>, %arg28: memref<!tpu.dma_semaphore, #tpu.memory_space<semaphore_mem>>, %arg29: memref<!tpu.dma_semaphore, #tpu.memory_space<semaphore_mem>>) attributes {dimension_semantics = [#tpu.dimension_semantics<core_parallel>, #tpu.dimension_semantics<subcore_parallel>], iteration_bounds = array<i64: 2, 16>, scalar_prefetch = 0 : i64, scratch_operands = 22 : i64, tpu.core_type = #tpu.core_type<sc_vector_subcore>, window_params = [{transform_indices = #map}, {transform_indices = #map}, {transform_indices = #map1}, {transform_indices = #map1}, {transform_indices = #map1}, {transform_indices = #map2}]} {
    %mul3A = arith.constant 16 : i32
    %mul3A_0 = arith.muli %arg0, %mul3A : i32
    %add3A = arith.addi %mul3A_0, %arg1 : i32
    %scan3A = arith.constant 0 : i32
    %scan3A_1 = arith.constant 640 : i32
    %scan3A_2 = arith.addi %scan3A, %scan3A_1 : i32
    %scan3A_3 = arith.constant 1 : i32
    scf.for %scan3A_72 = %scan3A to %scan3A_2 step %scan3A_3  : i32 {
      %mul3A_73 = arith.constant 1 : i32
      %mul3A_74 = arith.muli %scan3A_72, %mul3A_73 : i32
      %add3A_75 = arith.constant 0 : i32
      %add3A_76 = arith.addi %add3A_75, %mul3A_74 : i32
      %scan3A_77 = arith.constant 0 : i32
      %mul3A_78 = arith.constant 16 : i32
      %mul3A_79 = arith.muli %scan3A_77, %mul3A_78 : i32
      %add3A_80 = arith.constant 0 : i32
      %add3A_81 = arith.addi %add3A_80, %mul3A_79 : i32
      %broadcast_in_dim3A = arith.constant 0.000000e+00 : f32
      %broadcast_in_dim3A_82 = vector.broadcast %broadcast_in_dim3A : f32 to vector<1x16xf32>
      %swap3A = arith.index_cast %add3A_76 : i32 to index
      %swap3A_83 = arith.index_cast %add3A_81 : i32 to index
      %swap3A_84 = tpu.vector_load %arg20[%swap3A, %swap3A_83] {strides = array<i32>} : memref<640x16xf32, #tpu.memory_space<vmem>>, vector<1x16xf32>,
      %swap3A_85 = vector.shape_cast %swap3A_84 : vector<1x16xf32> to vector<1x16xf32>
      %swap3A_86 = vector.shape_cast %broadcast_in_dim3A_82 : vector<1x16xf32> to vector<1x16xf32>
      tpu.vector_store %arg20[%swap3A, %swap3A_83], %swap3A_86 {strides = array<i32>} : memref<640x16xf32, #tpu.memory_space<vmem>>, vector<1x16xf32>,
      %scan3A_87 = arith.constant 1 : i32
    }
    %scan3A_4 = arith.constant 640 : i32
    %scan3A_5 = arith.constant 0 : i32
    %mul3A_6 = arith.constant 1 : i32
    %mul3A_7 = arith.muli %scan3A_5, %mul3A_6 : i32
    %add3A_8 = arith.constant 0 : i32
    %add3A_9 = arith.addi %add3A_8, %mul3A_7 : i32
    %mul3A_10 = arith.constant 640 : i32
    %mul3A_11 = arith.muli %arg1, %mul3A_10 : i32
    %mul3A_12 = arith.constant 640 : i32
    %mul3A_13 = arith.muli %add3A_9, %mul3A_12 : i32
    %add3A_14 = arith.addi %mul3A_11, %mul3A_13 : i32
    "tpu.region"() ({
      %run_scoped3A = tpu.sem_alloc : memref<!tpu.dma_semaphore, #tpu.memory_space<semaphore_mem>>
      %dma_start3A_72 = arith.constant 0 : i32
      %dma_start3A_73 = tpu.memref_slice %arg21[%add3A_14, %dma_start3A_72] : memref<10240x16xf32, #tpu.memory_space<vmem_shared>> -> memref<640x16xf32, #tpu.memory_space<vmem_shared>>
      %dma_start3A_74 = arith.constant 0 : i32
      %dma_start3A_75 = tpu.memref_slice %arg21[%add3A_14, %dma_start3A_74] : memref<10240x16xf32, #tpu.memory_space<vmem_shared>> -> memref<640x16xf32, #tpu.memory_space<vmem_shared>>
      tpu.enqueue_dma source(%arg20 : memref<640x16xf32, #tpu.memory_space<vmem>>) target(%dma_start3A_75 : memref<640x16xf32, #tpu.memory_space<vmem_shared>>) target_semaphore(%run_scoped3A : memref<!tpu.dma_semaphore, #tpu.memory_space<semaphore_mem>>)
      %dma_wait3A_76 = arith.constant 0 : i32
      %dma_wait3A_77 = tpu.memref_slice %arg21[%add3A_14, %dma_wait3A_76] : memref<10240x16xf32, #tpu.memory_space<vmem_shared>> -> memref<640x16xf32, #tpu.memory_space<vmem_shared>>
      %dma_wait3A_78 = arith.constant 0 : i32
      %dma_wait3A_79 = tpu.memref_slice %arg21[%add3A_14, %dma_wait3A_78] : memref<10240x16xf32, #tpu.memory_space<vmem_shared>> -> memref<640x16xf32, #tpu.memory_space<vmem_shared>>
      tpu.wait_dma2 semaphore(%run_scoped3A : memref<!tpu.dma_semaphore, #tpu.memory_space<semaphore_mem>>) src(%arg20 : memref<640x16xf32, #tpu.memory_space<vmem>>) dst(%dma_wait3A_79 : memref<640x16xf32, #tpu.memory_space<vmem_shared>>)
      tpu.yield
    }) : () -> ()
    %scan3A_15 = arith.constant 1 : i32
    %barrier3A = arith.constant 0 : index
    tpu.barrier barrier_id(%barrier3A)
    %add3A_16 = arith.constant 0 : i32
    %add3A_17 = arith.addi %add3A, %add3A_16 : i32
    %mul3A_18 = arith.constant 128 : i32
    %mul3A_19 = arith.muli %add3A_17, %mul3A_18 : i32
    %dma_start3A = tpu.memref_slice %arg2[%mul3A_19] : memref<323584xi32, #tpu.memory_space<hbm>> -> memref<128xi32, #tpu.memory_space<hbm>>
    %dma_start3A_20 = tpu.memref_slice %arg2[%mul3A_19] : memref<323584xi32, #tpu.memory_space<hbm>> -> memref<128xi32, #tpu.memory_space<hbm>>
    tpu.enqueue_dma source(%dma_start3A_20 : memref<128xi32, #tpu.memory_space<hbm>>) target(%arg8 : memref<128xi32, #tpu.memory_space<vmem>>) target_semaphore(%arg22 : memref<!tpu.dma_semaphore, #tpu.memory_space<semaphore_mem>>)
    %dma_start3A_21 = tpu.memref_slice %arg3[%mul3A_19] : memref<323584xi32, #tpu.memory_space<hbm>> -> memref<128xi32, #tpu.memory_space<hbm>>
    %dma_start3A_22 = tpu.memref_slice %arg3[%mul3A_19] : memref<323584xi32, #tpu.memory_space<hbm>> -> memref<128xi32, #tpu.memory_space<hbm>>
    tpu.enqueue_dma source(%dma_start3A_22 : memref<128xi32, #tpu.memory_space<hbm>>) target(%arg9 : memref<128xi32, #tpu.memory_space<vmem>>) target_semaphore(%arg22 : memref<!tpu.dma_semaphore, #tpu.memory_space<semaphore_mem>>)
    %add3A_23 = arith.constant 32 : i32
    %add3A_24 = arith.addi %add3A, %add3A_23 : i32
    %mul3A_25 = arith.constant 128 : i32
    %mul3A_26 = arith.muli %add3A_24, %mul3A_25 : i32
    %dma_start3A_27 = tpu.memref_slice %arg2[%mul3A_26] : memref<323584xi32, #tpu.memory_space<hbm>> -> memref<128xi32, #tpu.memory_space<hbm>>
    %dma_start3A_28 = tpu.memref_slice %arg2[%mul3A_26] : memref<323584xi32, #tpu.memory_space<hbm>> -> memref<128xi32, #tpu.memory_space<hbm>>
    tpu.enqueue_dma source(%dma_start3A_28 : memref<128xi32, #tpu.memory_space<hbm>>) target(%arg14 : memref<128xi32, #tpu.memory_space<vmem>>) target_semaphore(%arg23 : memref<!tpu.dma_semaphore, #tpu.memory_space<semaphore_mem>>)
    %dma_start3A_29 = tpu.memref_slice %arg3[%mul3A_26] : memref<323584xi32, #tpu.memory_space<hbm>> -> memref<128xi32, #tpu.memory_space<hbm>>
    %dma_start3A_30 = tpu.memref_slice %arg3[%mul3A_26] : memref<323584xi32, #tpu.memory_space<hbm>> -> memref<128xi32, #tpu.memory_space<hbm>>
    tpu.enqueue_dma source(%dma_start3A_30 : memref<128xi32, #tpu.memory_space<hbm>>) target(%arg15 : memref<128xi32, #tpu.memory_space<vmem>>) target_semaphore(%arg23 : memref<!tpu.dma_semaphore, #tpu.memory_space<semaphore_mem>>)
    %dma_wait3A = arith.constant 0 : i32
    %dma_wait3A_31 = tpu.memref_slice %arg2[%dma_wait3A] : memref<323584xi32, #tpu.memory_space<hbm>> -> memref<128xi32, #tpu.memory_space<hbm>>
    %dma_wait3A_32 = arith.constant 0 : i32
    %dma_wait3A_33 = tpu.memref_slice %arg2[%dma_wait3A_32] : memref<323584xi32, #tpu.memory_space<hbm>> -> memref<128xi32, #tpu.memory_space<hbm>>
    tpu.wait_dma2 semaphore(%arg22 : memref<!tpu.dma_semaphore, #tpu.memory_space<semaphore_mem>>) src(%dma_wait3A_33 : memref<128xi32, #tpu.memory_space<hbm>>) dst(%arg8 : memref<128xi32, #tpu.memory_space<vmem>>)
    %dma_wait3A_34 = arith.constant 0 : i32
    %dma_wait3A_35 = tpu.memref_slice %arg3[%dma_wait3A_34] : memref<323584xi32, #tpu.memory_space<hbm>> -> memref<128xi32, #tpu.memory_space<hbm>>
    %dma_wait3A_36 = arith.constant 0 : i32
    %dma_wait3A_37 = tpu.memref_slice %arg3[%dma_wait3A_36] : memref<323584xi32, #tpu.memory_space<hbm>> -> memref<128xi32, #tpu.memory_space<hbm>>
    tpu.wait_dma2 semaphore(%arg22 : memref<!tpu.dma_semaphore, #tpu.memory_space<semaphore_mem>>) src(%dma_wait3A_37 : memref<128xi32, #tpu.memory_space<hbm>>) dst(%arg9 : memref<128xi32, #tpu.memory_space<vmem>>)
    %dma_start3A_38 = arith.constant 0 : i32
    %dma_start3A_39 = arith.constant 0 : i32
    %dma_start3A_40 = tpu.memref_slice %arg4[%dma_start3A_38, %dma_start3A_39] : memref<10240x16xf32, #tpu.memory_space<hbm>> -> memref<10240x16xf32, #tpu.memory_space<hbm>>
    tpu.enqueue_indirect_dma source(%dma_start3A_40 : memref<10240x16xf32, #tpu.memory_space<hbm>>) target(%arg11 : memref<128x16xf32, #tpu.memory_space<vmem>>) offsets(%arg8 : memref<128xi32, #tpu.memory_space<vmem>>) semaphore(%arg24 : memref<!tpu.dma_semaphore, #tpu.memory_space<semaphore_mem>>)
    %dma_start3A_41 = arith.constant 0 : i32
    %dma_start3A_42 = arith.constant 0 : i32
    %dma_start3A_43 = tpu.memref_slice %arg5[%dma_start3A_41, %dma_start3A_42] : memref<10240x16xf32, #tpu.memory_space<hbm>> -> memref<10240x16xf32, #tpu.memory_space<hbm>>
    tpu.enqueue_indirect_dma source(%dma_start3A_43 : memref<10240x16xf32, #tpu.memory_space<hbm>>) target(%arg12 : memref<128x16xf32, #tpu.memory_space<vmem>>) offsets(%arg9 : memref<128xi32, #tpu.memory_space<vmem>>) semaphore(%arg24 : memref<!tpu.dma_semaphore, #tpu.memory_space<semaphore_mem>>)
    %scan3A_44 = arith.constant 0 : i32
    %scan3A_45 = arith.constant 40 : i32
    %scan3A_46 = arith.addi %scan3A_44, %scan3A_45 : i32
    %scan3A_47 = arith.constant 1 : i32
    scf.for %scan3A_72 = %scan3A_44 to %scan3A_46 step %scan3A_47  : i32 {
      %mul3A_73 = arith.constant 1 : i32
      %mul3A_74 = arith.muli %scan3A_72, %mul3A_73 : i32
      %add3A_75 = arith.constant 0 : i32
      %add3A_76 = arith.addi %add3A_75, %mul3A_74 : i32
      %mul3A_77 = arith.constant 2 : i32
      %mul3A_78 = arith.muli %add3A_76, %mul3A_77 : i32
      %add3A_79 = arith.constant 0 : i32
      %add3A_80 = arith.addi %mul3A_78, %add3A_79 : i32
      %lt3A = arith.constant 79 : i32
      %lt3A_81 = arith.cmpi slt, %add3A_80, %lt3A : i32
      %convert_element_type3A = arith.extui %lt3A_81 : i1 to i32
      %cond3A = arith.constant 0 : i32
      %cond3A_82 = arith.cmpi ne, %convert_element_type3A, %cond3A : i32
      scf.if %cond3A_82 {
        %add3A_92 = arith.constant 1 : i32
        %add3A_93 = arith.addi %add3A_80, %add3A_92 : i32
        %lt3A_94 = arith.constant 79 : i32
        %lt3A_95 = arith.cmpi slt, %add3A_93, %lt3A_94 : i32
        %convert_element_type3A_96 = arith.extui %lt3A_95 : i1 to i32
        %cond3A_97 = arith.constant 0 : i32
        %cond3A_98 = arith.cmpi ne, %convert_element_type3A_96, %cond3A_97 : i32
        scf.if %cond3A_98 {
          %dma_wait3A_135 = arith.constant 0 : i32
          %dma_wait3A_136 = tpu.memref_slice %arg2[%dma_wait3A_135] : memref<323584xi32, #tpu.memory_space<hbm>> -> memref<128xi32, #tpu.memory_space<hbm>>
          %dma_wait3A_137 = arith.constant 0 : i32
          %dma_wait3A_138 = tpu.memref_slice %arg2[%dma_wait3A_137] : memref<323584xi32, #tpu.memory_space<hbm>> -> memref<128xi32, #tpu.memory_space<hbm>>
          tpu.wait_dma2 semaphore(%arg23 : memref<!tpu.dma_semaphore, #tpu.memory_space<semaphore_mem>>) src(%dma_wait3A_138 : memref<128xi32, #tpu.memory_space<hbm>>) dst(%arg14 : memref<128xi32, #tpu.memory_space<vmem>>)
          %dma_wait3A_139 = arith.constant 0 : i32
          %dma_wait3A_140 = tpu.memref_slice %arg3[%dma_wait3A_139] : memref<323584xi32, #tpu.memory_space<hbm>> -> memref<128xi32, #tpu.memory_space<hbm>>
          %dma_wait3A_141 = arith.constant 0 : i32
          %dma_wait3A_142 = tpu.memref_slice %arg3[%dma_wait3A_141] : memref<323584xi32, #tpu.memory_space<hbm>> -> memref<128xi32, #tpu.memory_space<hbm>>
          tpu.wait_dma2 semaphore(%arg23 : memref<!tpu.dma_semaphore, #tpu.memory_space<semaphore_mem>>) src(%dma_wait3A_142 : memref<128xi32, #tpu.memory_space<hbm>>) dst(%arg15 : memref<128xi32, #tpu.memory_space<vmem>>)
          %dma_start3A_143 = arith.constant 0 : i32
          %dma_start3A_144 = arith.constant 0 : i32
          %dma_start3A_145 = tpu.memref_slice %arg4[%dma_start3A_143, %dma_start3A_144] : memref<10240x16xf32, #tpu.memory_space<hbm>> -> memref<10240x16xf32, #tpu.memory_space<hbm>>
          tpu.enqueue_indirect_dma source(%dma_start3A_145 : memref<10240x16xf32, #tpu.memory_space<hbm>>) target(%arg17 : memref<128x16xf32, #tpu.memory_space<vmem>>) offsets(%arg14 : memref<128xi32, #tpu.memory_space<vmem>>) semaphore(%arg25 : memref<!tpu.dma_semaphore, #tpu.memory_space<semaphore_mem>>)
          %dma_start3A_146 = arith.constant 0 : i32
          %dma_start3A_147 = arith.constant 0 : i32
          %dma_start3A_148 = tpu.memref_slice %arg5[%dma_start3A_146, %dma_start3A_147] : memref<10240x16xf32, #tpu.memory_space<hbm>> -> memref<10240x16xf32, #tpu.memory_space<hbm>>
          tpu.enqueue_indirect_dma source(%dma_start3A_148 : memref<10240x16xf32, #tpu.memory_space<hbm>>) target(%arg18 : memref<128x16xf32, #tpu.memory_space<vmem>>) offsets(%arg15 : memref<128xi32, #tpu.memory_space<vmem>>) semaphore(%arg25 : memref<!tpu.dma_semaphore, #tpu.memory_space<semaphore_mem>>)
        } else {
        }
        %dma_wait3A_99 = arith.constant 0 : i32
        %dma_wait3A_100 = arith.constant 0 : i32
        %dma_wait3A_101 = tpu.memref_slice %arg4[%dma_wait3A_99, %dma_wait3A_100] : memref<10240x16xf32, #tpu.memory_space<hbm>> -> memref<10240x16xf32, #tpu.memory_space<hbm>>
        tpu.wait_indirect_dma semaphore(%arg24 : memref<!tpu.dma_semaphore, #tpu.memory_space<semaphore_mem>>) src(%dma_wait3A_101 : memref<10240x16xf32, #tpu.memory_space<hbm>>) dst(%arg11 : memref<128x16xf32, #tpu.memory_space<vmem>>)
        %dma_wait3A_102 = arith.constant 0 : i32
        %dma_wait3A_103 = arith.constant 0 : i32
        %dma_wait3A_104 = tpu.memref_slice %arg5[%dma_wait3A_102, %dma_wait3A_103] : memref<10240x16xf32, #tpu.memory_space<hbm>> -> memref<10240x16xf32, #tpu.memory_space<hbm>>
        tpu.wait_indirect_dma semaphore(%arg24 : memref<!tpu.dma_semaphore, #tpu.memory_space<semaphore_mem>>) src(%dma_wait3A_104 : memref<10240x16xf32, #tpu.memory_space<hbm>>) dst(%arg12 : memref<128x16xf32, #tpu.memory_space<vmem>>)
        %ge3A = arith.constant 2 : i32
        %ge3A_105 = arith.cmpi sge, %add3A_80, %ge3A : i32
        %convert_element_type3A_106 = arith.extui %ge3A_105 : i1 to i32
        %cond3A_107 = arith.constant 0 : i32
        %cond3A_108 = arith.cmpi ne, %convert_element_type3A_106, %cond3A_107 : i32
        scf.if %cond3A_108 {
          %dma_wait3A_135 = arith.constant 0 : i32
          %dma_wait3A_136 = arith.constant 0 : i32
          %dma_wait3A_137 = tpu.memref_slice %arg6[%dma_wait3A_135, %dma_wait3A_136] : memref<323584x16xf32, #tpu.memory_space<hbm>> -> memref<128x16xf32, #tpu.memory_space<hbm>>
          %dma_wait3A_138 = arith.constant 0 : i32
          %dma_wait3A_139 = arith.constant 0 : i32
          %dma_wait3A_140 = tpu.memref_slice %arg6[%dma_wait3A_138, %dma_wait3A_139] : memref<323584x16xf32, #tpu.memory_space<hbm>> -> memref<128x16xf32, #tpu.memory_space<hbm>>
          tpu.wait_dma2 semaphore(%arg26 : memref<!tpu.dma_semaphore, #tpu.memory_space<semaphore_mem>>) src(%arg13 : memref<128x16xf32, #tpu.memory_space<vmem>>) dst(%dma_wait3A_140 : memref<128x16xf32, #tpu.memory_space<hbm>>)
          %dma_wait3A_141 = arith.constant 0 : i32
          %dma_wait3A_142 = arith.constant 0 : i32
          %dma_wait3A_143 = tpu.memref_slice %arg21[%dma_wait3A_141, %dma_wait3A_142] : memref<10240x16xf32, #tpu.memory_space<vmem_shared>> -> memref<10240x16xf32, #tpu.memory_space<vmem_shared>>
          tpu.wait_indirect_dma semaphore(%arg28 : memref<!tpu.dma_semaphore, #tpu.memory_space<semaphore_mem>>) src(%arg13 : memref<128x16xf32, #tpu.memory_space<vmem>>) dst(%dma_wait3A_143 : memref<10240x16xf32, #tpu.memory_space<vmem_shared>>)
        } else {
        }
        %add3A_109 = arith.constant 2 : i32
        %add3A_110 = arith.addi %add3A_80, %add3A_109 : i32
        %lt3A_111 = arith.constant 79 : i32
        %lt3A_112 = arith.cmpi slt, %add3A_110, %lt3A_111 : i32
        %convert_element_type3A_113 = arith.extui %lt3A_112 : i1 to i32
        %cond3A_114 = arith.constant 0 : i32
        %cond3A_115 = arith.cmpi ne, %convert_element_type3A_113, %cond3A_114 : i32
        scf.if %cond3A_115 {
          %add3A_135 = arith.constant 2 : i32
          %add3A_136 = arith.addi %add3A_80, %add3A_135 : i32
          %mul3A_137 = arith.constant 32 : i32
          %mul3A_138 = arith.muli %mul3A_137, %add3A_136 : i32
          %add3A_139 = arith.addi %add3A, %mul3A_138 : i32
          %mul3A_140 = arith.constant 128 : i32
          %mul3A_141 = arith.muli %add3A_139, %mul3A_140 : i32
          %dma_start3A_142 = tpu.memref_slice %arg2[%mul3A_141] : memref<323584xi32, #tpu.memory_space<hbm>> -> memref<128xi32, #tpu.memory_space<hbm>>
          %dma_start3A_143 = tpu.memref_slice %arg2[%mul3A_141] : memref<323584xi32, #tpu.memory_space<hbm>> -> memref<128xi32, #tpu.memory_space<hbm>>
          tpu.enqueue_dma source(%dma_start3A_143 : memref<128xi32, #tpu.memory_space<hbm>>) target(%arg8 : memref<128xi32, #tpu.memory_space<vmem>>) target_semaphore(%arg22 : memref<!tpu.dma_semaphore, #tpu.memory_space<semaphore_mem>>)
          %dma_start3A_144 = tpu.memref_slice %arg3[%mul3A_141] : memref<323584xi32, #tpu.memory_space<hbm>> -> memref<128xi32, #tpu.memory_space<hbm>>
          %dma_start3A_145 = tpu.memref_slice %arg3[%mul3A_141] : memref<323584xi32, #tpu.memory_space<hbm>> -> memref<128xi32, #tpu.memory_space<hbm>>
          tpu.enqueue_dma source(%dma_start3A_145 : memref<128xi32, #tpu.memory_space<hbm>>) target(%arg9 : memref<128xi32, #tpu.memory_space<vmem>>) target_semaphore(%arg22 : memref<!tpu.dma_semaphore, #tpu.memory_space<semaphore_mem>>)
        } else {
        }
        %mul3A_116 = arith.constant 32 : i32
        %mul3A_117 = arith.muli %mul3A_116, %add3A_80 : i32
        %add3A_118 = arith.addi %add3A, %mul3A_117 : i32
        %mul3A_119 = arith.constant 128 : i32
        %mul3A_120 = arith.muli %add3A_118, %mul3A_119 : i32
        "tpu.region"() ({
          %run_scoped3A = tpu.sem_alloc : memref<!tpu.dma_semaphore, #tpu.memory_space<semaphore_mem>>
          %dma_start3A_135 = tpu.memref_slice %arg3[%mul3A_120] : memref<323584xi32, #tpu.memory_space<hbm>> -> memref<128xi32, #tpu.memory_space<hbm>>
          %dma_start3A_136 = tpu.memref_slice %arg3[%mul3A_120] : memref<323584xi32, #tpu.memory_space<hbm>> -> memref<128xi32, #tpu.memory_space<hbm>>
          tpu.enqueue_dma source(%dma_start3A_136 : memref<128xi32, #tpu.memory_space<hbm>>) target(%arg10 : memref<128xi32, #tpu.memory_space<vmem>>) target_semaphore(%run_scoped3A : memref<!tpu.dma_semaphore, #tpu.memory_space<semaphore_mem>>)
          %dma_wait3A_137 = tpu.memref_slice %arg3[%mul3A_120] : memref<323584xi32, #tpu.memory_space<hbm>> -> memref<128xi32, #tpu.memory_space<hbm>>
          %dma_wait3A_138 = tpu.memref_slice %arg3[%mul3A_120] : memref<323584xi32, #tpu.memory_space<hbm>> -> memref<128xi32, #tpu.memory_space<hbm>>
          tpu.wait_dma2 semaphore(%run_scoped3A : memref<!tpu.dma_semaphore, #tpu.memory_space<semaphore_mem>>) src(%dma_wait3A_138 : memref<128xi32, #tpu.memory_space<hbm>>) dst(%arg10 : memref<128xi32, #tpu.memory_space<vmem>>)
          tpu.yield
        }) : () -> ()
        %parallel_loop3A = arith.constant 0 : i32
        %parallel_loop3A_121 = arith.constant 128 : i32
        %parallel_loop3A_122 = arith.constant 1 : i32
        scf.for %parallel_loop3A_135 = %parallel_loop3A to %parallel_loop3A_121 step %parallel_loop3A_122  : i32 {
          %parallel_loop3A_136 = arith.index_cast %parallel_loop3A_135 : i32 to index
          %parallel_loop3A_137 = arith.constant 0 : index
          %parallel_loop3A_138 = tpu.vector_load %arg11[%parallel_loop3A_136, %parallel_loop3A_137] {strides = array<i32>} : memref<128x16xf32, #tpu.memory_space<vmem>>, vector<1x16xf32>,
          %parallel_loop3A_139 = vector.shape_cast %parallel_loop3A_138 : vector<1x16xf32> to vector<1x16xf32>
          %parallel_loop3A_140 = arith.index_cast %parallel_loop3A_135 : i32 to index
          %parallel_loop3A_141 = arith.constant 0 : index
          %parallel_loop3A_142 = tpu.vector_load %arg12[%parallel_loop3A_140, %parallel_loop3A_141] {strides = array<i32>} : memref<128x16xf32, #tpu.memory_space<vmem>>, vector<1x16xf32>,
          %parallel_loop3A_143 = vector.shape_cast %parallel_loop3A_142 : vector<1x16xf32> to vector<1x16xf32>
          %parallel_loop3A_144 = arith.addf %parallel_loop3A_139, %parallel_loop3A_143 : vector<1x16xf32>
          %parallel_loop3A_145 = arith.constant 0.000000e+00 : f32
          %parallel_loop3A_146 = vector.broadcast %parallel_loop3A_145 : f32 to vector<1x16xf32>
          %parallel_loop3A_147 = arith.cmpf oge, %parallel_loop3A_144, %parallel_loop3A_146 : vector<1x16xf32>
          %parallel_loop3A_148 = arith.constant 2.000000e-01 : f32
          %parallel_loop3A_149 = vector.broadcast %parallel_loop3A_148 : f32 to vector<1x16xf32>
          %parallel_loop3A_150 = arith.mulf %parallel_loop3A_149, %parallel_loop3A_144 : vector<1x16xf32>
          %parallel_loop3A_151 = arith.select %parallel_loop3A_147, %parallel_loop3A_144, %parallel_loop3A_150 : vector<1x16xi1>, vector<1x16xf32>
          %parallel_loop3A_152 = math.exp %parallel_loop3A_151 : vector<1x16xf32>
          %parallel_loop3A_153 = arith.index_cast %parallel_loop3A_135 : i32 to index
          %parallel_loop3A_154 = arith.constant 0 : index
          %parallel_loop3A_155 = tpu.vector_load %arg13[%parallel_loop3A_153, %parallel_loop3A_154] {strides = array<i32>} : memref<128x16xf32, #tpu.memory_space<vmem>>, vector<1x16xf32>,
          %parallel_loop3A_156 = vector.shape_cast %parallel_loop3A_155 : vector<1x16xf32> to vector<1x16xf32>
          %parallel_loop3A_157 = vector.shape_cast %parallel_loop3A_152 : vector<1x16xf32> to vector<1x16xf32>
          tpu.vector_store %arg13[%parallel_loop3A_153, %parallel_loop3A_154], %parallel_loop3A_157 {strides = array<i32>} : memref<128x16xf32, #tpu.memory_space<vmem>>, vector<1x16xf32>,
        } {sc.loop_unroll_factor = 4 : i64, sc.parallel_access}
        %mul3A_123 = arith.constant 32 : i32
        %mul3A_124 = arith.muli %mul3A_123, %add3A_80 : i32
        %add3A_125 = arith.addi %add3A, %mul3A_124 : i32
        %mul3A_126 = arith.constant 128 : i32
        %mul3A_127 = arith.muli %add3A_125, %mul3A_126 : i32
        %dma_start3A_128 = arith.constant 0 : i32
        %dma_start3A_129 = tpu.memref_slice %arg6[%mul3A_127, %dma_start3A_128] : memref<323584x16xf32, #tpu.memory_space<hbm>> -> memref<128x16xf32, #tpu.memory_space<hbm>>
        %dma_start3A_130 = arith.constant 0 : i32
        %dma_start3A_131 = tpu.memref_slice %arg6[%mul3A_127, %dma_start3A_130] : memref<323584x16xf32, #tpu.memory_space<hbm>> -> memref<128x16xf32, #tpu.memory_space<hbm>>
        tpu.enqueue_dma source(%arg13 : memref<128x16xf32, #tpu.memory_space<vmem>>) target(%dma_start3A_131 : memref<128x16xf32, #tpu.memory_space<hbm>>) target_semaphore(%arg26 : memref<!tpu.dma_semaphore, #tpu.memory_space<semaphore_mem>>)
        %dma_start3A_132 = arith.constant 0 : i32
        %dma_start3A_133 = arith.constant 0 : i32
        %dma_start3A_134 = tpu.memref_slice %arg21[%dma_start3A_132, %dma_start3A_133] : memref<10240x16xf32, #tpu.memory_space<vmem_shared>> -> memref<10240x16xf32, #tpu.memory_space<vmem_shared>>
        tpu.enqueue_indirect_dma source(%arg13 : memref<128x16xf32, #tpu.memory_space<vmem>>) target(%dma_start3A_134 : memref<10240x16xf32, #tpu.memory_space<vmem_shared>>) offsets(%arg10 : memref<128xi32, #tpu.memory_space<vmem>>) semaphore(%arg28 : memref<!tpu.dma_semaphore, #tpu.memory_space<semaphore_mem>>) {add = true}
      } else {
      }
      %mul3A_83 = arith.constant 2 : i32
      %mul3A_84 = arith.muli %add3A_76, %mul3A_83 : i32
      %add3A_85 = arith.constant 1 : i32
      %add3A_86 = arith.addi %mul3A_84, %add3A_85 : i32
      %lt3A_87 = arith.constant 79 : i32
      %lt3A_88 = arith.cmpi slt, %add3A_86, %lt3A_87 : i32
      %convert_element_type3A_89 = arith.extui %lt3A_88 : i1 to i32
      %cond3A_90 = arith.constant 0 : i32
      %cond3A_91 = arith.cmpi ne, %convert_element_type3A_89, %cond3A_90 : i32
      scf.if %cond3A_91 {
        %add3A_92 = arith.constant 1 : i32
        %add3A_93 = arith.addi %add3A_86, %add3A_92 : i32
        %lt3A_94 = arith.constant 79 : i32
        %lt3A_95 = arith.cmpi slt, %add3A_93, %lt3A_94 : i32
        %convert_element_type3A_96 = arith.extui %lt3A_95 : i1 to i32
        %cond3A_97 = arith.constant 0 : i32
        %cond3A_98 = arith.cmpi ne, %convert_element_type3A_96, %cond3A_97 : i32
        scf.if %cond3A_98 {
          %dma_wait3A_135 = arith.constant 0 : i32
          %dma_wait3A_136 = tpu.memref_slice %arg2[%dma_wait3A_135] : memref<323584xi32, #tpu.memory_space<hbm>> -> memref<128xi32, #tpu.memory_space<hbm>>
          %dma_wait3A_137 = arith.constant 0 : i32
          %dma_wait3A_138 = tpu.memref_slice %arg2[%dma_wait3A_137] : memref<323584xi32, #tpu.memory_space<hbm>> -> memref<128xi32, #tpu.memory_space<hbm>>
          tpu.wait_dma2 semaphore(%arg22 : memref<!tpu.dma_semaphore, #tpu.memory_space<semaphore_mem>>) src(%dma_wait3A_138 : memref<128xi32, #tpu.memory_space<hbm>>) dst(%arg8 : memref<128xi32, #tpu.memory_space<vmem>>)
          %dma_wait3A_139 = arith.constant 0 : i32
          %dma_wait3A_140 = tpu.memref_slice %arg3[%dma_wait3A_139] : memref<323584xi32, #tpu.memory_space<hbm>> -> memref<128xi32, #tpu.memory_space<hbm>>
          %dma_wait3A_141 = arith.constant 0 : i32
          %dma_wait3A_142 = tpu.memref_slice %arg3[%dma_wait3A_141] : memref<323584xi32, #tpu.memory_space<hbm>> -> memref<128xi32, #tpu.memory_space<hbm>>
          tpu.wait_dma2 semaphore(%arg22 : memref<!tpu.dma_semaphore, #tpu.memory_space<semaphore_mem>>) src(%dma_wait3A_142 : memref<128xi32, #tpu.memory_space<hbm>>) dst(%arg9 : memref<128xi32, #tpu.memory_space<vmem>>)
          %dma_start3A_143 = arith.constant 0 : i32
          %dma_start3A_144 = arith.constant 0 : i32
          %dma_start3A_145 = tpu.memref_slice %arg4[%dma_start3A_143, %dma_start3A_144] : memref<10240x16xf32, #tpu.memory_space<hbm>> -> memref<10240x16xf32, #tpu.memory_space<hbm>>
          tpu.enqueue_indirect_dma source(%dma_start3A_145 : memref<10240x16xf32, #tpu.memory_space<hbm>>) target(%arg11 : memref<128x16xf32, #tpu.memory_space<vmem>>) offsets(%arg8 : memref<128xi32, #tpu.memory_space<vmem>>) semaphore(%arg24 : memref<!tpu.dma_semaphore, #tpu.memory_space<semaphore_mem>>)
          %dma_start3A_146 = arith.constant 0 : i32
          %dma_start3A_147 = arith.constant 0 : i32
          %dma_start3A_148 = tpu.memref_slice %arg5[%dma_start3A_146, %dma_start3A_147] : memref<10240x16xf32, #tpu.memory_space<hbm>> -> memref<10240x16xf32, #tpu.memory_space<hbm>>
          tpu.enqueue_indirect_dma source(%dma_start3A_148 : memref<10240x16xf32, #tpu.memory_space<hbm>>) target(%arg12 : memref<128x16xf32, #tpu.memory_space<vmem>>) offsets(%arg9 : memref<128xi32, #tpu.memory_space<vmem>>) semaphore(%arg24 : memref<!tpu.dma_semaphore, #tpu.memory_space<semaphore_mem>>)
        } else {
        }
        %dma_wait3A_99 = arith.constant 0 : i32
        %dma_wait3A_100 = arith.constant 0 : i32
        %dma_wait3A_101 = tpu.memref_slice %arg4[%dma_wait3A_99, %dma_wait3A_100] : memref<10240x16xf32, #tpu.memory_space<hbm>> -> memref<10240x16xf32, #tpu.memory_space<hbm>>
        tpu.wait_indirect_dma semaphore(%arg25 : memref<!tpu.dma_semaphore, #tpu.memory_space<semaphore_mem>>) src(%dma_wait3A_101 : memref<10240x16xf32, #tpu.memory_space<hbm>>) dst(%arg17 : memref<128x16xf32, #tpu.memory_space<vmem>>)
        %dma_wait3A_102 = arith.constant 0 : i32
        %dma_wait3A_103 = arith.constant 0 : i32
        %dma_wait3A_104 = tpu.memref_slice %arg5[%dma_wait3A_102, %dma_wait3A_103] : memref<10240x16xf32, #tpu.memory_space<hbm>> -> memref<10240x16xf32, #tpu.memory_space<hbm>>
        tpu.wait_indirect_dma semaphore(%arg25 : memref<!tpu.dma_semaphore, #tpu.memory_space<semaphore_mem>>) src(%dma_wait3A_104 : memref<10240x16xf32, #tpu.memory_space<hbm>>) dst(%arg18 : memref<128x16xf32, #tpu.memory_space<vmem>>)
        %ge3A = arith.constant 2 : i32
        %ge3A_105 = arith.cmpi sge, %add3A_86, %ge3A : i32
        %convert_element_type3A_106 = arith.extui %ge3A_105 : i1 to i32
        %cond3A_107 = arith.constant 0 : i32
        %cond3A_108 = arith.cmpi ne, %convert_element_type3A_106, %cond3A_107 : i32
        scf.if %cond3A_108 {
          %dma_wait3A_135 = arith.constant 0 : i32
          %dma_wait3A_136 = arith.constant 0 : i32
          %dma_wait3A_137 = tpu.memref_slice %arg6[%dma_wait3A_135, %dma_wait3A_136] : memref<323584x16xf32, #tpu.memory_space<hbm>> -> memref<128x16xf32, #tpu.memory_space<hbm>>
          %dma_wait3A_138 = arith.constant 0 : i32
          %dma_wait3A_139 = arith.constant 0 : i32
          %dma_wait3A_140 = tpu.memref_slice %arg6[%dma_wait3A_138, %dma_wait3A_139] : memref<323584x16xf32, #tpu.memory_space<hbm>> -> memref<128x16xf32, #tpu.memory_space<hbm>>
          tpu.wait_dma2 semaphore(%arg27 : memref<!tpu.dma_semaphore, #tpu.memory_space<semaphore_mem>>) src(%arg19 : memref<128x16xf32, #tpu.memory_space<vmem>>) dst(%dma_wait3A_140 : memref<128x16xf32, #tpu.memory_space<hbm>>)
          %dma_wait3A_141 = arith.constant 0 : i32
          %dma_wait3A_142 = arith.constant 0 : i32
          %dma_wait3A_143 = tpu.memref_slice %arg21[%dma_wait3A_141, %dma_wait3A_142] : memref<10240x16xf32, #tpu.memory_space<vmem_shared>> -> memref<10240x16xf32, #tpu.memory_space<vmem_shared>>
          tpu.wait_indirect_dma semaphore(%arg29 : memref<!tpu.dma_semaphore, #tpu.memory_space<semaphore_mem>>) src(%arg19 : memref<128x16xf32, #tpu.memory_space<vmem>>) dst(%dma_wait3A_143 : memref<10240x16xf32, #tpu.memory_space<vmem_shared>>)
        } else {
        }
        %add3A_109 = arith.constant 2 : i32
        %add3A_110 = arith.addi %add3A_86, %add3A_109 : i32
        %lt3A_111 = arith.constant 79 : i32
        %lt3A_112 = arith.cmpi slt, %add3A_110, %lt3A_111 : i32
        %convert_element_type3A_113 = arith.extui %lt3A_112 : i1 to i32
        %cond3A_114 = arith.constant 0 : i32
        %cond3A_115 = arith.cmpi ne, %convert_element_type3A_113, %cond3A_114 : i32
        scf.if %cond3A_115 {
          %add3A_135 = arith.constant 2 : i32
          %add3A_136 = arith.addi %add3A_86, %add3A_135 : i32
          %mul3A_137 = arith.constant 32 : i32
          %mul3A_138 = arith.muli %mul3A_137, %add3A_136 : i32
          %add3A_139 = arith.addi %add3A, %mul3A_138 : i32
          %mul3A_140 = arith.constant 128 : i32
          %mul3A_141 = arith.muli %add3A_139, %mul3A_140 : i32
          %dma_start3A_142 = tpu.memref_slice %arg2[%mul3A_141] : memref<323584xi32, #tpu.memory_space<hbm>> -> memref<128xi32, #tpu.memory_space<hbm>>
          %dma_start3A_143 = tpu.memref_slice %arg2[%mul3A_141] : memref<323584xi32, #tpu.memory_space<hbm>> -> memref<128xi32, #tpu.memory_space<hbm>>
          tpu.enqueue_dma source(%dma_start3A_143 : memref<128xi32, #tpu.memory_space<hbm>>) target(%arg14 : memref<128xi32, #tpu.memory_space<vmem>>) target_semaphore(%arg23 : memref<!tpu.dma_semaphore, #tpu.memory_space<semaphore_mem>>)
          %dma_start3A_144 = tpu.memref_slice %arg3[%mul3A_141] : memref<323584xi32, #tpu.memory_space<hbm>> -> memref<128xi32, #tpu.memory_space<hbm>>
          %dma_start3A_145 = tpu.memref_slice %arg3[%mul3A_141] : memref<323584xi32, #tpu.memory_space<hbm>> -> memref<128xi32, #tpu.memory_space<hbm>>
          tpu.enqueue_dma source(%dma_start3A_145 : memref<128xi32, #tpu.memory_space<hbm>>) target(%arg15 : memref<128xi32, #tpu.memory_space<vmem>>) target_semaphore(%arg23 : memref<!tpu.dma_semaphore, #tpu.memory_space<semaphore_mem>>)
        } else {
        }
        %mul3A_116 = arith.constant 32 : i32
        %mul3A_117 = arith.muli %mul3A_116, %add3A_86 : i32
        %add3A_118 = arith.addi %add3A, %mul3A_117 : i32
        %mul3A_119 = arith.constant 128 : i32
        %mul3A_120 = arith.muli %add3A_118, %mul3A_119 : i32
        "tpu.region"() ({
          %run_scoped3A = tpu.sem_alloc : memref<!tpu.dma_semaphore, #tpu.memory_space<semaphore_mem>>
          %dma_start3A_135 = tpu.memref_slice %arg3[%mul3A_120] : memref<323584xi32, #tpu.memory_space<hbm>> -> memref<128xi32, #tpu.memory_space<hbm>>
          %dma_start3A_136 = tpu.memref_slice %arg3[%mul3A_120] : memref<323584xi32, #tpu.memory_space<hbm>> -> memref<128xi32, #tpu.memory_space<hbm>>
          tpu.enqueue_dma source(%dma_start3A_136 : memref<128xi32, #tpu.memory_space<hbm>>) target(%arg16 : memref<128xi32, #tpu.memory_space<vmem>>) target_semaphore(%run_scoped3A : memref<!tpu.dma_semaphore, #tpu.memory_space<semaphore_mem>>)
          %dma_wait3A_137 = tpu.memref_slice %arg3[%mul3A_120] : memref<323584xi32, #tpu.memory_space<hbm>> -> memref<128xi32, #tpu.memory_space<hbm>>
          %dma_wait3A_138 = tpu.memref_slice %arg3[%mul3A_120] : memref<323584xi32, #tpu.memory_space<hbm>> -> memref<128xi32, #tpu.memory_space<hbm>>
          tpu.wait_dma2 semaphore(%run_scoped3A : memref<!tpu.dma_semaphore, #tpu.memory_space<semaphore_mem>>) src(%dma_wait3A_138 : memref<128xi32, #tpu.memory_space<hbm>>) dst(%arg16 : memref<128xi32, #tpu.memory_space<vmem>>)
          tpu.yield
        }) : () -> ()
        %parallel_loop3A = arith.constant 0 : i32
        %parallel_loop3A_121 = arith.constant 128 : i32
        %parallel_loop3A_122 = arith.constant 1 : i32
        scf.for %parallel_loop3A_135 = %parallel_loop3A to %parallel_loop3A_121 step %parallel_loop3A_122  : i32 {
          %parallel_loop3A_136 = arith.index_cast %parallel_loop3A_135 : i32 to index
          %parallel_loop3A_137 = arith.constant 0 : index
          %parallel_loop3A_138 = tpu.vector_load %arg17[%parallel_loop3A_136, %parallel_loop3A_137] {strides = array<i32>} : memref<128x16xf32, #tpu.memory_space<vmem>>, vector<1x16xf32>,
          %parallel_loop3A_139 = vector.shape_cast %parallel_loop3A_138 : vector<1x16xf32> to vector<1x16xf32>
          %parallel_loop3A_140 = arith.index_cast %parallel_loop3A_135 : i32 to index
          %parallel_loop3A_141 = arith.constant 0 : index
          %parallel_loop3A_142 = tpu.vector_load %arg18[%parallel_loop3A_140, %parallel_loop3A_141] {strides = array<i32>} : memref<128x16xf32, #tpu.memory_space<vmem>>, vector<1x16xf32>,
          %parallel_loop3A_143 = vector.shape_cast %parallel_loop3A_142 : vector<1x16xf32> to vector<1x16xf32>
          %parallel_loop3A_144 = arith.addf %parallel_loop3A_139, %parallel_loop3A_143 : vector<1x16xf32>
          %parallel_loop3A_145 = arith.constant 0.000000e+00 : f32
          %parallel_loop3A_146 = vector.broadcast %parallel_loop3A_145 : f32 to vector<1x16xf32>
          %parallel_loop3A_147 = arith.cmpf oge, %parallel_loop3A_144, %parallel_loop3A_146 : vector<1x16xf32>
          %parallel_loop3A_148 = arith.constant 2.000000e-01 : f32
          %parallel_loop3A_149 = vector.broadcast %parallel_loop3A_148 : f32 to vector<1x16xf32>
          %parallel_loop3A_150 = arith.mulf %parallel_loop3A_149, %parallel_loop3A_144 : vector<1x16xf32>
          %parallel_loop3A_151 = arith.select %parallel_loop3A_147, %parallel_loop3A_144, %parallel_loop3A_150 : vector<1x16xi1>, vector<1x16xf32>
          %parallel_loop3A_152 = math.exp %parallel_loop3A_151 : vector<1x16xf32>
          %parallel_loop3A_153 = arith.index_cast %parallel_loop3A_135 : i32 to index
          %parallel_loop3A_154 = arith.constant 0 : index
          %parallel_loop3A_155 = tpu.vector_load %arg19[%parallel_loop3A_153, %parallel_loop3A_154] {strides = array<i32>} : memref<128x16xf32, #tpu.memory_space<vmem>>, vector<1x16xf32>,
          %parallel_loop3A_156 = vector.shape_cast %parallel_loop3A_155 : vector<1x16xf32> to vector<1x16xf32>
          %parallel_loop3A_157 = vector.shape_cast %parallel_loop3A_152 : vector<1x16xf32> to vector<1x16xf32>
          tpu.vector_store %arg19[%parallel_loop3A_153, %parallel_loop3A_154], %parallel_loop3A_157 {strides = array<i32>} : memref<128x16xf32, #tpu.memory_space<vmem>>, vector<1x16xf32>,
        } {sc.loop_unroll_factor = 4 : i64, sc.parallel_access}
        %mul3A_123 = arith.constant 32 : i32
        %mul3A_124 = arith.muli %mul3A_123, %add3A_86 : i32
        %add3A_125 = arith.addi %add3A, %mul3A_124 : i32
        %mul3A_126 = arith.constant 128 : i32
        %mul3A_127 = arith.muli %add3A_125, %mul3A_126 : i32
        %dma_start3A_128 = arith.constant 0 : i32
        %dma_start3A_129 = tpu.memref_slice %arg6[%mul3A_127, %dma_start3A_128] : memref<323584x16xf32, #tpu.memory_space<hbm>> -> memref<128x16xf32, #tpu.memory_space<hbm>>
        %dma_start3A_130 = arith.constant 0 : i32
        %dma_start3A_131 = tpu.memref_slice %arg6[%mul3A_127, %dma_start3A_130] : memref<323584x16xf32, #tpu.memory_space<hbm>> -> memref<128x16xf32, #tpu.memory_space<hbm>>
        tpu.enqueue_dma source(%arg19 : memref<128x16xf32, #tpu.memory_space<vmem>>) target(%dma_start3A_131 : memref<128x16xf32, #tpu.memory_space<hbm>>) target_semaphore(%arg27 : memref<!tpu.dma_semaphore, #tpu.memory_space<semaphore_mem>>)
        %dma_start3A_132 = arith.constant 0 : i32
        %dma_start3A_133 = arith.constant 0 : i32
        %dma_start3A_134 = tpu.memref_slice %arg21[%dma_start3A_132, %dma_start3A_133] : memref<10240x16xf32, #tpu.memory_space<vmem_shared>> -> memref<10240x16xf32, #tpu.memory_space<vmem_shared>>
        tpu.enqueue_indirect_dma source(%arg19 : memref<128x16xf32, #tpu.memory_space<vmem>>) target(%dma_start3A_134 : memref<10240x16xf32, #tpu.memory_space<vmem_shared>>) offsets(%arg16 : memref<128xi32, #tpu.memory_space<vmem>>) semaphore(%arg29 : memref<!tpu.dma_semaphore, #tpu.memory_space<semaphore_mem>>) {add = true}
      } else {
      }
    }
    %scan3A_48 = arith.constant 40 : i32
    %dma_wait3A_49 = arith.constant 0 : i32
    %dma_wait3A_50 = arith.constant 0 : i32
    %dma_wait3A_51 = tpu.memref_slice %arg6[%dma_wait3A_49, %dma_wait3A_50] : memref<323584x16xf32, #tpu.memory_space<hbm>> -> memref<128x16xf32, #tpu.memory_space<hbm>>
    %dma_wait3A_52 = arith.constant 0 : i32
    %dma_wait3A_53 = arith.constant 0 : i32
    %dma_wait3A_54 = tpu.memref_slice %arg6[%dma_wait3A_52, %dma_wait3A_53] : memref<323584x16xf32, #tpu.memory_space<hbm>> -> memref<128x16xf32, #tpu.memory_space<hbm>>
    tpu.wait_dma2 semaphore(%arg27 : memref<!tpu.dma_semaphore, #tpu.memory_space<semaphore_mem>>) src(%arg19 : memref<128x16xf32, #tpu.memory_space<vmem>>) dst(%dma_wait3A_54 : memref<128x16xf32, #tpu.memory_space<hbm>>)
    %dma_wait3A_55 = arith.constant 0 : i32
    %dma_wait3A_56 = arith.constant 0 : i32
    %dma_wait3A_57 = tpu.memref_slice %arg21[%dma_wait3A_55, %dma_wait3A_56] : memref<10240x16xf32, #tpu.memory_space<vmem_shared>> -> memref<10240x16xf32, #tpu.memory_space<vmem_shared>>
    tpu.wait_indirect_dma semaphore(%arg29 : memref<!tpu.dma_semaphore, #tpu.memory_space<semaphore_mem>>) src(%arg19 : memref<128x16xf32, #tpu.memory_space<vmem>>) dst(%dma_wait3A_57 : memref<10240x16xf32, #tpu.memory_space<vmem_shared>>)
    %dma_wait3A_58 = arith.constant 0 : i32
    %dma_wait3A_59 = arith.constant 0 : i32
    %dma_wait3A_60 = tpu.memref_slice %arg6[%dma_wait3A_58, %dma_wait3A_59] : memref<323584x16xf32, #tpu.memory_space<hbm>> -> memref<128x16xf32, #tpu.memory_space<hbm>>
    %dma_wait3A_61 = arith.constant 0 : i32
    %dma_wait3A_62 = arith.constant 0 : i32
    %dma_wait3A_63 = tpu.memref_slice %arg6[%dma_wait3A_61, %dma_wait3A_62] : memref<323584x16xf32, #tpu.memory_space<hbm>> -> memref<128x16xf32, #tpu.memory_space<hbm>>
    tpu.wait_dma2 semaphore(%arg26 : memref<!tpu.dma_semaphore, #tpu.memory_space<semaphore_mem>>) src(%arg13 : memref<128x16xf32, #tpu.memory_space<vmem>>) dst(%dma_wait3A_63 : memref<128x16xf32, #tpu.memory_space<hbm>>)
    %dma_wait3A_64 = arith.constant 0 : i32
    %dma_wait3A_65 = arith.constant 0 : i32
    %dma_wait3A_66 = tpu.memref_slice %arg21[%dma_wait3A_64, %dma_wait3A_65] : memref<10240x16xf32, #tpu.memory_space<vmem_shared>> -> memref<10240x16xf32, #tpu.memory_space<vmem_shared>>
    tpu.wait_indirect_dma semaphore(%arg28 : memref<!tpu.dma_semaphore, #tpu.memory_space<semaphore_mem>>) src(%arg13 : memref<128x16xf32, #tpu.memory_space<vmem>>) dst(%dma_wait3A_66 : memref<10240x16xf32, #tpu.memory_space<vmem_shared>>)
    %barrier3A_67 = arith.constant 0 : index
    tpu.barrier barrier_id(%barrier3A_67)
    %mul3A_68 = arith.constant 640 : i32
    %mul3A_69 = arith.muli %arg1, %mul3A_68 : i32
    %mul3A_70 = arith.constant 640 : i32
    %mul3A_71 = arith.muli %arg1, %mul3A_70 : i32
    "tpu.region"() ({
      %run_scoped3A = tpu.sem_alloc : memref<!tpu.dma_semaphore, #tpu.memory_space<semaphore_mem>>
      %dma_start3A_72 = arith.constant 0 : i32
      %dma_start3A_73 = tpu.memref_slice %arg7[%arg0, %mul3A_71, %dma_start3A_72] : memref<2x10240x16xf32, #tpu.memory_space<hbm>> -> memref<1x640x16xf32, #tpu.memory_space<hbm>>
      %dma_start3A_74 = tpu.memref_squeeze %dma_start3A_73 : memref<1x640x16xf32, #tpu.memory_space<hbm>> -> memref<640x16xf32, #tpu.memory_space<hbm>>
      %dma_start3A_75 = arith.constant 0 : i32
      %dma_start3A_76 = tpu.memref_slice %arg21[%mul3A_69, %dma_start3A_75] : memref<10240x16xf32, #tpu.memory_space<vmem_shared>> -> memref<640x16xf32, #tpu.memory_space<vmem_shared>>
      tpu.enqueue_dma source(%dma_start3A_76 : memref<640x16xf32, #tpu.memory_space<vmem_shared>>) target(%dma_start3A_74 : memref<640x16xf32, #tpu.memory_space<hbm>>) target_semaphore(%run_scoped3A : memref<!tpu.dma_semaphore, #tpu.memory_space<semaphore_mem>>)
      %dma_wait3A_77 = arith.constant 0 : i32
      %dma_wait3A_78 = tpu.memref_slice %arg7[%arg0, %mul3A_71, %dma_wait3A_77] : memref<2x10240x16xf32, #tpu.memory_space<hbm>> -> memref<1x640x16xf32, #tpu.memory_space<hbm>>
      %dma_wait3A_79 = tpu.memref_squeeze %dma_wait3A_78 : memref<1x640x16xf32, #tpu.memory_space<hbm>> -> memref<640x16xf32, #tpu.memory_space<hbm>>
      %dma_wait3A_80 = arith.constant 0 : i32
      %dma_wait3A_81 = tpu.memref_slice %arg21[%mul3A_69, %dma_wait3A_80] : memref<10240x16xf32, #tpu.memory_space<vmem_shared>> -> memref<640x16xf32, #tpu.memory_space<vmem_shared>>
      tpu.wait_dma2 semaphore(%run_scoped3A : memref<!tpu.dma_semaphore, #tpu.memory_space<semaphore_mem>>) src(%dma_wait3A_81 : memref<640x16xf32, #tpu.memory_space<vmem_shared>>) dst(%dma_wait3A_79 : memref<640x16xf32, #tpu.memory_space<hbm>>)
      tpu.yield
    }) : () -> ()
    return
  }
}

#map = affine_map<(d0, d1) -> (0)>
#map1 = affine_map<(d0, d1) -> (0, 0)>
#map2 = affine_map<(d0, d1) -> (0, 0, 0)>
module attributes {stable_mosaic.version = 14 : i64} {
  func.func @body(%arg0: i32, %arg1: i32, %arg2: memref<323584xi32, #tpu.memory_space<hbm>>, %arg3: memref<323584xi32, #tpu.memory_space<hbm>>, %arg4: memref<323584x16xf32, #tpu.memory_space<hbm>>, %arg5: memref<10240x48xf32, #tpu.memory_space<hbm>>, %arg6: memref<2x10240x48xf32, #tpu.memory_space<hbm>>, %arg7: memref<128xi32, #tpu.memory_space<vmem>>, %arg8: memref<128xi32, #tpu.memory_space<vmem>>, %arg9: memref<128xi32, #tpu.memory_space<vmem>>, %arg10: memref<128x16xf32, #tpu.memory_space<vmem>>, %arg11: memref<128x48xf32, #tpu.memory_space<vmem>>, %arg12: memref<128xi32, #tpu.memory_space<vmem>>, %arg13: memref<128xi32, #tpu.memory_space<vmem>>, %arg14: memref<128xi32, #tpu.memory_space<vmem>>, %arg15: memref<128x16xf32, #tpu.memory_space<vmem>>, %arg16: memref<128x48xf32, #tpu.memory_space<vmem>>, %arg17: memref<32x48xf32, #tpu.memory_space<vmem>>, %arg18: memref<10240x48xf32, #tpu.memory_space<vmem_shared>>, %arg19: memref<!tpu.dma_semaphore, #tpu.memory_space<semaphore_mem>>, %arg20: memref<!tpu.dma_semaphore, #tpu.memory_space<semaphore_mem>>, %arg21: memref<!tpu.dma_semaphore, #tpu.memory_space<semaphore_mem>>, %arg22: memref<!tpu.dma_semaphore, #tpu.memory_space<semaphore_mem>>, %arg23: memref<!tpu.dma_semaphore, #tpu.memory_space<semaphore_mem>>, %arg24: memref<!tpu.dma_semaphore, #tpu.memory_space<semaphore_mem>>, %arg25: memref<!tpu.dma_semaphore, #tpu.memory_space<semaphore_mem>>, %arg26: memref<!tpu.dma_semaphore, #tpu.memory_space<semaphore_mem>>) attributes {dimension_semantics = [#tpu.dimension_semantics<core_parallel>, #tpu.dimension_semantics<subcore_parallel>], iteration_bounds = array<i64: 2, 16>, scalar_prefetch = 0 : i64, scratch_operands = 20 : i64, tpu.core_type = #tpu.core_type<sc_vector_subcore>, window_params = [{transform_indices = #map}, {transform_indices = #map}, {transform_indices = #map1}, {transform_indices = #map1}, {transform_indices = #map2}]} {
    %mul3A = arith.constant 16 : i32
    %mul3A_0 = arith.muli %arg0, %mul3A : i32
    %add3A = arith.addi %mul3A_0, %arg1 : i32
    %scan3A = arith.constant 0 : i32
    %scan3A_1 = arith.constant 32 : i32
    %scan3A_2 = arith.addi %scan3A, %scan3A_1 : i32
    %scan3A_3 = arith.constant 1 : i32
    scf.for %scan3A_56 = %scan3A to %scan3A_2 step %scan3A_3  : i32 {
      %mul3A_57 = arith.constant 1 : i32
      %mul3A_58 = arith.muli %scan3A_56, %mul3A_57 : i32
      %add3A_59 = arith.constant 0 : i32
      %add3A_60 = arith.addi %add3A_59, %mul3A_58 : i32
      %scan3A_61 = arith.constant 0 : i32
      %scan3A_62 = arith.constant 3 : i32
      %scan3A_63 = arith.addi %scan3A_61, %scan3A_62 : i32
      %scan3A_64 = arith.constant 1 : i32
      scf.for %scan3A_66 = %scan3A_61 to %scan3A_63 step %scan3A_64  : i32 {
        %mul3A_67 = arith.constant 16 : i32
        %mul3A_68 = arith.muli %scan3A_66, %mul3A_67 : i32
        %add3A_69 = arith.constant 0 : i32
        %add3A_70 = arith.addi %add3A_69, %mul3A_68 : i32
        %broadcast_in_dim3A = arith.constant 0.000000e+00 : f32
        %broadcast_in_dim3A_71 = vector.broadcast %broadcast_in_dim3A : f32 to vector<1x16xf32>
        %swap3A = arith.index_cast %add3A_60 : i32 to index
        %swap3A_72 = arith.index_cast %add3A_70 : i32 to index
        %swap3A_73 = tpu.vector_load %arg17[%swap3A, %swap3A_72] {strides = array<i32>} : memref<32x48xf32, #tpu.memory_space<vmem>>, vector<1x16xf32>,
        %swap3A_74 = vector.shape_cast %swap3A_73 : vector<1x16xf32> to vector<1x16xf32>
        %swap3A_75 = vector.shape_cast %broadcast_in_dim3A_71 : vector<1x16xf32> to vector<1x16xf32>
        tpu.vector_store %arg17[%swap3A, %swap3A_72], %swap3A_75 {strides = array<i32>} : memref<32x48xf32, #tpu.memory_space<vmem>>, vector<1x16xf32>,
      }
      %scan3A_65 = arith.constant 3 : i32
    }
    %scan3A_4 = arith.constant 32 : i32
    %scan3A_5 = arith.constant 0 : i32
    %scan3A_6 = arith.constant 20 : i32
    %scan3A_7 = arith.addi %scan3A_5, %scan3A_6 : i32
    %scan3A_8 = arith.constant 1 : i32
    scf.for %scan3A_56 = %scan3A_5 to %scan3A_7 step %scan3A_8  : i32 {
      %mul3A_57 = arith.constant 1 : i32
      %mul3A_58 = arith.muli %scan3A_56, %mul3A_57 : i32
      %add3A_59 = arith.constant 0 : i32
      %add3A_60 = arith.addi %add3A_59, %mul3A_58 : i32
      %mul3A_61 = arith.constant 640 : i32
      %mul3A_62 = arith.muli %arg1, %mul3A_61 : i32
      %mul3A_63 = arith.constant 32 : i32
      %mul3A_64 = arith.muli %add3A_60, %mul3A_63 : i32
      %add3A_65 = arith.addi %mul3A_62, %mul3A_64 : i32
      "tpu.region"() ({
        %run_scoped3A = tpu.sem_alloc : memref<!tpu.dma_semaphore, #tpu.memory_space<semaphore_mem>>
        %dma_start3A_66 = arith.constant 0 : i32
        %dma_start3A_67 = tpu.memref_slice %arg18[%add3A_65, %dma_start3A_66] : memref<10240x48xf32, #tpu.memory_space<vmem_shared>> -> memref<32x48xf32, #tpu.memory_space<vmem_shared>>
        %dma_start3A_68 = arith.constant 0 : i32
        %dma_start3A_69 = tpu.memref_slice %arg18[%add3A_65, %dma_start3A_68] : memref<10240x48xf32, #tpu.memory_space<vmem_shared>> -> memref<32x48xf32, #tpu.memory_space<vmem_shared>>
        tpu.enqueue_dma source(%arg17 : memref<32x48xf32, #tpu.memory_space<vmem>>) target(%dma_start3A_69 : memref<32x48xf32, #tpu.memory_space<vmem_shared>>) target_semaphore(%run_scoped3A : memref<!tpu.dma_semaphore, #tpu.memory_space<semaphore_mem>>)
        %dma_wait3A_70 = arith.constant 0 : i32
        %dma_wait3A_71 = tpu.memref_slice %arg18[%add3A_65, %dma_wait3A_70] : memref<10240x48xf32, #tpu.memory_space<vmem_shared>> -> memref<32x48xf32, #tpu.memory_space<vmem_shared>>
        %dma_wait3A_72 = arith.constant 0 : i32
        %dma_wait3A_73 = tpu.memref_slice %arg18[%add3A_65, %dma_wait3A_72] : memref<10240x48xf32, #tpu.memory_space<vmem_shared>> -> memref<32x48xf32, #tpu.memory_space<vmem_shared>>
        tpu.wait_dma2 semaphore(%run_scoped3A : memref<!tpu.dma_semaphore, #tpu.memory_space<semaphore_mem>>) src(%arg17 : memref<32x48xf32, #tpu.memory_space<vmem>>) dst(%dma_wait3A_73 : memref<32x48xf32, #tpu.memory_space<vmem_shared>>)
        tpu.yield
      }) : () -> ()
    }
    %scan3A_9 = arith.constant 20 : i32
    %barrier3A = arith.constant 0 : index
    tpu.barrier barrier_id(%barrier3A)
    %add3A_10 = arith.constant 0 : i32
    %add3A_11 = arith.addi %add3A, %add3A_10 : i32
    %mul3A_12 = arith.constant 128 : i32
    %mul3A_13 = arith.muli %add3A_11, %mul3A_12 : i32
    %dma_start3A = tpu.memref_slice %arg2[%mul3A_13] : memref<323584xi32, #tpu.memory_space<hbm>> -> memref<128xi32, #tpu.memory_space<hbm>>
    %dma_start3A_14 = tpu.memref_slice %arg2[%mul3A_13] : memref<323584xi32, #tpu.memory_space<hbm>> -> memref<128xi32, #tpu.memory_space<hbm>>
    tpu.enqueue_dma source(%dma_start3A_14 : memref<128xi32, #tpu.memory_space<hbm>>) target(%arg7 : memref<128xi32, #tpu.memory_space<vmem>>) target_semaphore(%arg19 : memref<!tpu.dma_semaphore, #tpu.memory_space<semaphore_mem>>)
    %dma_start3A_15 = tpu.memref_slice %arg3[%mul3A_13] : memref<323584xi32, #tpu.memory_space<hbm>> -> memref<128xi32, #tpu.memory_space<hbm>>
    %dma_start3A_16 = tpu.memref_slice %arg3[%mul3A_13] : memref<323584xi32, #tpu.memory_space<hbm>> -> memref<128xi32, #tpu.memory_space<hbm>>
    tpu.enqueue_dma source(%dma_start3A_16 : memref<128xi32, #tpu.memory_space<hbm>>) target(%arg8 : memref<128xi32, #tpu.memory_space<vmem>>) target_semaphore(%arg19 : memref<!tpu.dma_semaphore, #tpu.memory_space<semaphore_mem>>)
    %add3A_17 = arith.constant 32 : i32
    %add3A_18 = arith.addi %add3A, %add3A_17 : i32
    %mul3A_19 = arith.constant 128 : i32
    %mul3A_20 = arith.muli %add3A_18, %mul3A_19 : i32
    %dma_start3A_21 = tpu.memref_slice %arg2[%mul3A_20] : memref<323584xi32, #tpu.memory_space<hbm>> -> memref<128xi32, #tpu.memory_space<hbm>>
    %dma_start3A_22 = tpu.memref_slice %arg2[%mul3A_20] : memref<323584xi32, #tpu.memory_space<hbm>> -> memref<128xi32, #tpu.memory_space<hbm>>
    tpu.enqueue_dma source(%dma_start3A_22 : memref<128xi32, #tpu.memory_space<hbm>>) target(%arg12 : memref<128xi32, #tpu.memory_space<vmem>>) target_semaphore(%arg20 : memref<!tpu.dma_semaphore, #tpu.memory_space<semaphore_mem>>)
    %dma_start3A_23 = tpu.memref_slice %arg3[%mul3A_20] : memref<323584xi32, #tpu.memory_space<hbm>> -> memref<128xi32, #tpu.memory_space<hbm>>
    %dma_start3A_24 = tpu.memref_slice %arg3[%mul3A_20] : memref<323584xi32, #tpu.memory_space<hbm>> -> memref<128xi32, #tpu.memory_space<hbm>>
    tpu.enqueue_dma source(%dma_start3A_24 : memref<128xi32, #tpu.memory_space<hbm>>) target(%arg13 : memref<128xi32, #tpu.memory_space<vmem>>) target_semaphore(%arg20 : memref<!tpu.dma_semaphore, #tpu.memory_space<semaphore_mem>>)
    %dma_wait3A = arith.constant 0 : i32
    %dma_wait3A_25 = tpu.memref_slice %arg2[%dma_wait3A] : memref<323584xi32, #tpu.memory_space<hbm>> -> memref<128xi32, #tpu.memory_space<hbm>>
    %dma_wait3A_26 = arith.constant 0 : i32
    %dma_wait3A_27 = tpu.memref_slice %arg2[%dma_wait3A_26] : memref<323584xi32, #tpu.memory_space<hbm>> -> memref<128xi32, #tpu.memory_space<hbm>>
    tpu.wait_dma2 semaphore(%arg19 : memref<!tpu.dma_semaphore, #tpu.memory_space<semaphore_mem>>) src(%dma_wait3A_27 : memref<128xi32, #tpu.memory_space<hbm>>) dst(%arg7 : memref<128xi32, #tpu.memory_space<vmem>>)
    %dma_wait3A_28 = arith.constant 0 : i32
    %dma_wait3A_29 = tpu.memref_slice %arg3[%dma_wait3A_28] : memref<323584xi32, #tpu.memory_space<hbm>> -> memref<128xi32, #tpu.memory_space<hbm>>
    %dma_wait3A_30 = arith.constant 0 : i32
    %dma_wait3A_31 = tpu.memref_slice %arg3[%dma_wait3A_30] : memref<323584xi32, #tpu.memory_space<hbm>> -> memref<128xi32, #tpu.memory_space<hbm>>
    tpu.wait_dma2 semaphore(%arg19 : memref<!tpu.dma_semaphore, #tpu.memory_space<semaphore_mem>>) src(%dma_wait3A_31 : memref<128xi32, #tpu.memory_space<hbm>>) dst(%arg8 : memref<128xi32, #tpu.memory_space<vmem>>)
    %add3A_32 = arith.constant 0 : i32
    %add3A_33 = arith.addi %add3A, %add3A_32 : i32
    %mul3A_34 = arith.constant 128 : i32
    %mul3A_35 = arith.muli %add3A_33, %mul3A_34 : i32
    %dma_start3A_36 = arith.constant 0 : i32
    %dma_start3A_37 = tpu.memref_slice %arg4[%mul3A_35, %dma_start3A_36] : memref<323584x16xf32, #tpu.memory_space<hbm>> -> memref<128x16xf32, #tpu.memory_space<hbm>>
    %dma_start3A_38 = arith.constant 0 : i32
    %dma_start3A_39 = tpu.memref_slice %arg4[%mul3A_35, %dma_start3A_38] : memref<323584x16xf32, #tpu.memory_space<hbm>> -> memref<128x16xf32, #tpu.memory_space<hbm>>
    tpu.enqueue_dma source(%dma_start3A_39 : memref<128x16xf32, #tpu.memory_space<hbm>>) target(%arg10 : memref<128x16xf32, #tpu.memory_space<vmem>>) target_semaphore(%arg21 : memref<!tpu.dma_semaphore, #tpu.memory_space<semaphore_mem>>)
    %dma_start3A_40 = arith.constant 0 : i32
    %dma_start3A_41 = arith.constant 0 : i32
    %dma_start3A_42 = tpu.memref_slice %arg5[%dma_start3A_40, %dma_start3A_41] : memref<10240x48xf32, #tpu.memory_space<hbm>> -> memref<10240x48xf32, #tpu.memory_space<hbm>>
    tpu.enqueue_indirect_dma source(%dma_start3A_42 : memref<10240x48xf32, #tpu.memory_space<hbm>>) target(%arg11 : memref<128x48xf32, #tpu.memory_space<vmem>>) offsets(%arg7 : memref<128xi32, #tpu.memory_space<vmem>>) semaphore(%arg23 : memref<!tpu.dma_semaphore, #tpu.memory_space<semaphore_mem>>)
    %scan3A_43 = arith.constant 0 : i32
    %scan3A_44 = arith.constant 40 : i32
    %scan3A_45 = arith.addi %scan3A_43, %scan3A_44 : i32
    %scan3A_46 = arith.constant 1 : i32
    scf.for %scan3A_56 = %scan3A_43 to %scan3A_45 step %scan3A_46  : i32 {
      %mul3A_57 = arith.constant 1 : i32
      %mul3A_58 = arith.muli %scan3A_56, %mul3A_57 : i32
      %add3A_59 = arith.constant 0 : i32
      %add3A_60 = arith.addi %add3A_59, %mul3A_58 : i32
      %mul3A_61 = arith.constant 2 : i32
      %mul3A_62 = arith.muli %add3A_60, %mul3A_61 : i32
      %add3A_63 = arith.constant 0 : i32
      %add3A_64 = arith.addi %mul3A_62, %add3A_63 : i32
      %lt3A = arith.constant 79 : i32
      %lt3A_65 = arith.cmpi slt, %add3A_64, %lt3A : i32
      %convert_element_type3A = arith.extui %lt3A_65 : i1 to i32
      %cond3A = arith.constant 0 : i32
      %cond3A_66 = arith.cmpi ne, %convert_element_type3A, %cond3A : i32
      scf.if %cond3A_66 {
        %ge3A = arith.constant 1 : i32
        %ge3A_76 = arith.cmpi sge, %add3A_64, %ge3A : i32
        %convert_element_type3A_77 = arith.extui %ge3A_76 : i1 to i32
        %cond3A_78 = arith.constant 0 : i32
        %cond3A_79 = arith.cmpi ne, %convert_element_type3A_77, %cond3A_78 : i32
        scf.if %cond3A_79 {
          %dma_wait3A_113 = arith.constant 0 : i32
          %dma_wait3A_114 = arith.constant 0 : i32
          %dma_wait3A_115 = tpu.memref_slice %arg18[%dma_wait3A_113, %dma_wait3A_114] : memref<10240x48xf32, #tpu.memory_space<vmem_shared>> -> memref<10240x48xf32, #tpu.memory_space<vmem_shared>>
          tpu.wait_indirect_dma semaphore(%arg26 : memref<!tpu.dma_semaphore, #tpu.memory_space<semaphore_mem>>) src(%arg16 : memref<128x48xf32, #tpu.memory_space<vmem>>) dst(%dma_wait3A_115 : memref<10240x48xf32, #tpu.memory_space<vmem_shared>>)
        } else {
        }
        %add3A_80 = arith.constant 1 : i32
        %add3A_81 = arith.addi %add3A_64, %add3A_80 : i32
        %lt3A_82 = arith.constant 79 : i32
        %lt3A_83 = arith.cmpi slt, %add3A_81, %lt3A_82 : i32
        %convert_element_type3A_84 = arith.extui %lt3A_83 : i1 to i32
        %cond3A_85 = arith.constant 0 : i32
        %cond3A_86 = arith.cmpi ne, %convert_element_type3A_84, %cond3A_85 : i32
        scf.if %cond3A_86 {
          %dma_wait3A_113 = arith.constant 0 : i32
          %dma_wait3A_114 = tpu.memref_slice %arg2[%dma_wait3A_113] : memref<323584xi32, #tpu.memory_space<hbm>> -> memref<128xi32, #tpu.memory_space<hbm>>
          %dma_wait3A_115 = arith.constant 0 : i32
          %dma_wait3A_116 = tpu.memref_slice %arg2[%dma_wait3A_115] : memref<323584xi32, #tpu.memory_space<hbm>> -> memref<128xi32, #tpu.memory_space<hbm>>
          tpu.wait_dma2 semaphore(%arg20 : memref<!tpu.dma_semaphore, #tpu.memory_space<semaphore_mem>>) src(%dma_wait3A_116 : memref<128xi32, #tpu.memory_space<hbm>>) dst(%arg12 : memref<128xi32, #tpu.memory_space<vmem>>)
          %dma_wait3A_117 = arith.constant 0 : i32
          %dma_wait3A_118 = tpu.memref_slice %arg3[%dma_wait3A_117] : memref<323584xi32, #tpu.memory_space<hbm>> -> memref<128xi32, #tpu.memory_space<hbm>>
          %dma_wait3A_119 = arith.constant 0 : i32
          %dma_wait3A_120 = tpu.memref_slice %arg3[%dma_wait3A_119] : memref<323584xi32, #tpu.memory_space<hbm>> -> memref<128xi32, #tpu.memory_space<hbm>>
          tpu.wait_dma2 semaphore(%arg20 : memref<!tpu.dma_semaphore, #tpu.memory_space<semaphore_mem>>) src(%dma_wait3A_120 : memref<128xi32, #tpu.memory_space<hbm>>) dst(%arg13 : memref<128xi32, #tpu.memory_space<vmem>>)
          %add3A_121 = arith.constant 1 : i32
          %add3A_122 = arith.addi %add3A_64, %add3A_121 : i32
          %mul3A_123 = arith.constant 32 : i32
          %mul3A_124 = arith.muli %mul3A_123, %add3A_122 : i32
          %add3A_125 = arith.addi %add3A, %mul3A_124 : i32
          %mul3A_126 = arith.constant 128 : i32
          %mul3A_127 = arith.muli %add3A_125, %mul3A_126 : i32
          %dma_start3A_128 = arith.constant 0 : i32
          %dma_start3A_129 = tpu.memref_slice %arg4[%mul3A_127, %dma_start3A_128] : memref<323584x16xf32, #tpu.memory_space<hbm>> -> memref<128x16xf32, #tpu.memory_space<hbm>>
          %dma_start3A_130 = arith.constant 0 : i32
          %dma_start3A_131 = tpu.memref_slice %arg4[%mul3A_127, %dma_start3A_130] : memref<323584x16xf32, #tpu.memory_space<hbm>> -> memref<128x16xf32, #tpu.memory_space<hbm>>
          tpu.enqueue_dma source(%dma_start3A_131 : memref<128x16xf32, #tpu.memory_space<hbm>>) target(%arg15 : memref<128x16xf32, #tpu.memory_space<vmem>>) target_semaphore(%arg22 : memref<!tpu.dma_semaphore, #tpu.memory_space<semaphore_mem>>)
          %dma_start3A_132 = arith.constant 0 : i32
          %dma_start3A_133 = arith.constant 0 : i32
          %dma_start3A_134 = tpu.memref_slice %arg5[%dma_start3A_132, %dma_start3A_133] : memref<10240x48xf32, #tpu.memory_space<hbm>> -> memref<10240x48xf32, #tpu.memory_space<hbm>>
          tpu.enqueue_indirect_dma source(%dma_start3A_134 : memref<10240x48xf32, #tpu.memory_space<hbm>>) target(%arg16 : memref<128x48xf32, #tpu.memory_space<vmem>>) offsets(%arg12 : memref<128xi32, #tpu.memory_space<vmem>>) semaphore(%arg24 : memref<!tpu.dma_semaphore, #tpu.memory_space<semaphore_mem>>)
        } else {
        }
        %dma_wait3A_87 = arith.constant 0 : i32
        %dma_wait3A_88 = arith.constant 0 : i32
        %dma_wait3A_89 = tpu.memref_slice %arg4[%dma_wait3A_87, %dma_wait3A_88] : memref<323584x16xf32, #tpu.memory_space<hbm>> -> memref<128x16xf32, #tpu.memory_space<hbm>>
        %dma_wait3A_90 = arith.constant 0 : i32
        %dma_wait3A_91 = arith.constant 0 : i32
        %dma_wait3A_92 = tpu.memref_slice %arg4[%dma_wait3A_90, %dma_wait3A_91] : memref<323584x16xf32, #tpu.memory_space<hbm>> -> memref<128x16xf32, #tpu.memory_space<hbm>>
        tpu.wait_dma2 semaphore(%arg21 : memref<!tpu.dma_semaphore, #tpu.memory_space<semaphore_mem>>) src(%dma_wait3A_92 : memref<128x16xf32, #tpu.memory_space<hbm>>) dst(%arg10 : memref<128x16xf32, #tpu.memory_space<vmem>>)
        %dma_wait3A_93 = arith.constant 0 : i32
        %dma_wait3A_94 = arith.constant 0 : i32
        %dma_wait3A_95 = tpu.memref_slice %arg5[%dma_wait3A_93, %dma_wait3A_94] : memref<10240x48xf32, #tpu.memory_space<hbm>> -> memref<10240x48xf32, #tpu.memory_space<hbm>>
        tpu.wait_indirect_dma semaphore(%arg23 : memref<!tpu.dma_semaphore, #tpu.memory_space<semaphore_mem>>) src(%dma_wait3A_95 : memref<10240x48xf32, #tpu.memory_space<hbm>>) dst(%arg11 : memref<128x48xf32, #tpu.memory_space<vmem>>)
        %add3A_96 = arith.constant 2 : i32
        %add3A_97 = arith.addi %add3A_64, %add3A_96 : i32
        %lt3A_98 = arith.constant 79 : i32
        %lt3A_99 = arith.cmpi slt, %add3A_97, %lt3A_98 : i32
        %convert_element_type3A_100 = arith.extui %lt3A_99 : i1 to i32
        %cond3A_101 = arith.constant 0 : i32
        %cond3A_102 = arith.cmpi ne, %convert_element_type3A_100, %cond3A_101 : i32
        scf.if %cond3A_102 {
          %add3A_113 = arith.constant 2 : i32
          %add3A_114 = arith.addi %add3A_64, %add3A_113 : i32
          %mul3A_115 = arith.constant 32 : i32
          %mul3A_116 = arith.muli %mul3A_115, %add3A_114 : i32
          %add3A_117 = arith.addi %add3A, %mul3A_116 : i32
          %mul3A_118 = arith.constant 128 : i32
          %mul3A_119 = arith.muli %add3A_117, %mul3A_118 : i32
          %dma_start3A_120 = tpu.memref_slice %arg2[%mul3A_119] : memref<323584xi32, #tpu.memory_space<hbm>> -> memref<128xi32, #tpu.memory_space<hbm>>
          %dma_start3A_121 = tpu.memref_slice %arg2[%mul3A_119] : memref<323584xi32, #tpu.memory_space<hbm>> -> memref<128xi32, #tpu.memory_space<hbm>>
          tpu.enqueue_dma source(%dma_start3A_121 : memref<128xi32, #tpu.memory_space<hbm>>) target(%arg7 : memref<128xi32, #tpu.memory_space<vmem>>) target_semaphore(%arg19 : memref<!tpu.dma_semaphore, #tpu.memory_space<semaphore_mem>>)
          %dma_start3A_122 = tpu.memref_slice %arg3[%mul3A_119] : memref<323584xi32, #tpu.memory_space<hbm>> -> memref<128xi32, #tpu.memory_space<hbm>>
          %dma_start3A_123 = tpu.memref_slice %arg3[%mul3A_119] : memref<323584xi32, #tpu.memory_space<hbm>> -> memref<128xi32, #tpu.memory_space<hbm>>
          tpu.enqueue_dma source(%dma_start3A_123 : memref<128xi32, #tpu.memory_space<hbm>>) target(%arg8 : memref<128xi32, #tpu.memory_space<vmem>>) target_semaphore(%arg19 : memref<!tpu.dma_semaphore, #tpu.memory_space<semaphore_mem>>)
        } else {
        }
        %mul3A_103 = arith.constant 32 : i32
        %mul3A_104 = arith.muli %mul3A_103, %add3A_64 : i32
        %add3A_105 = arith.addi %add3A, %mul3A_104 : i32
        %mul3A_106 = arith.constant 128 : i32
        %mul3A_107 = arith.muli %add3A_105, %mul3A_106 : i32
        "tpu.region"() ({
          %run_scoped3A = tpu.sem_alloc : memref<!tpu.dma_semaphore, #tpu.memory_space<semaphore_mem>>
          %dma_start3A_113 = tpu.memref_slice %arg3[%mul3A_107] : memref<323584xi32, #tpu.memory_space<hbm>> -> memref<128xi32, #tpu.memory_space<hbm>>
          %dma_start3A_114 = tpu.memref_slice %arg3[%mul3A_107] : memref<323584xi32, #tpu.memory_space<hbm>> -> memref<128xi32, #tpu.memory_space<hbm>>
          tpu.enqueue_dma source(%dma_start3A_114 : memref<128xi32, #tpu.memory_space<hbm>>) target(%arg9 : memref<128xi32, #tpu.memory_space<vmem>>) target_semaphore(%run_scoped3A : memref<!tpu.dma_semaphore, #tpu.memory_space<semaphore_mem>>)
          %dma_wait3A_115 = tpu.memref_slice %arg3[%mul3A_107] : memref<323584xi32, #tpu.memory_space<hbm>> -> memref<128xi32, #tpu.memory_space<hbm>>
          %dma_wait3A_116 = tpu.memref_slice %arg3[%mul3A_107] : memref<323584xi32, #tpu.memory_space<hbm>> -> memref<128xi32, #tpu.memory_space<hbm>>
          tpu.wait_dma2 semaphore(%run_scoped3A : memref<!tpu.dma_semaphore, #tpu.memory_space<semaphore_mem>>) src(%dma_wait3A_116 : memref<128xi32, #tpu.memory_space<hbm>>) dst(%arg9 : memref<128xi32, #tpu.memory_space<vmem>>)
          tpu.yield
        }) : () -> ()
        %parallel_loop3A = arith.constant 0 : i32
        %parallel_loop3A_108 = arith.constant 128 : i32
        %parallel_loop3A_109 = arith.constant 1 : i32
        scf.for %parallel_loop3A_113 = %parallel_loop3A to %parallel_loop3A_108 step %parallel_loop3A_109  : i32 {
          %parallel_loop3A_114 = arith.index_cast %parallel_loop3A_113 : i32 to index
          %parallel_loop3A_115 = arith.constant 0 : index
          %parallel_loop3A_116 = tpu.vector_load %arg10[%parallel_loop3A_114, %parallel_loop3A_115] {strides = array<i32>} : memref<128x16xf32, #tpu.memory_space<vmem>>, vector<1x16xf32>,
          %parallel_loop3A_117 = vector.shape_cast %parallel_loop3A_116 : vector<1x16xf32> to vector<1x16xf32>
          %parallel_loop3A_118 = vector.extract_strided_slice %parallel_loop3A_117 {offsets = [0, 0], sizes = [1, 1], strides = [1, 1]} : vector<1x16xf32> to vector<1x1xf32>
          %parallel_loop3A_119 = vector.extract %parallel_loop3A_118[0, 0] : f32 from vector<1x1xf32>
          %parallel_loop3A_120 = vector.broadcast %parallel_loop3A_119 : f32 to vector<1x16xf32>
          %parallel_loop3A_121 = arith.index_cast %parallel_loop3A_113 : i32 to index
          %parallel_loop3A_122 = arith.constant 0 : index
          %parallel_loop3A_123 = tpu.vector_load %arg11[%parallel_loop3A_121, %parallel_loop3A_122] {strides = array<i32>} : memref<128x48xf32, #tpu.memory_space<vmem>>, vector<1x16xf32>,
          %parallel_loop3A_124 = vector.shape_cast %parallel_loop3A_123 : vector<1x16xf32> to vector<1x16xf32>
          %parallel_loop3A_125 = arith.mulf %parallel_loop3A_124, %parallel_loop3A_120 : vector<1x16xf32>
          %parallel_loop3A_126 = arith.index_cast %parallel_loop3A_113 : i32 to index
          %parallel_loop3A_127 = arith.constant 0 : index
          %parallel_loop3A_128 = tpu.vector_load %arg11[%parallel_loop3A_126, %parallel_loop3A_127] {strides = array<i32>} : memref<128x48xf32, #tpu.memory_space<vmem>>, vector<1x16xf32>,
          %parallel_loop3A_129 = vector.shape_cast %parallel_loop3A_128 : vector<1x16xf32> to vector<1x16xf32>
          %parallel_loop3A_130 = vector.shape_cast %parallel_loop3A_125 : vector<1x16xf32> to vector<1x16xf32>
          tpu.vector_store %arg11[%parallel_loop3A_126, %parallel_loop3A_127], %parallel_loop3A_130 {strides = array<i32>} : memref<128x48xf32, #tpu.memory_space<vmem>>, vector<1x16xf32>,
          %parallel_loop3A_131 = arith.index_cast %parallel_loop3A_113 : i32 to index
          %parallel_loop3A_132 = arith.constant 16 : index
          %parallel_loop3A_133 = tpu.vector_load %arg11[%parallel_loop3A_131, %parallel_loop3A_132] {strides = array<i32>} : memref<128x48xf32, #tpu.memory_space<vmem>>, vector<1x16xf32>,
          %parallel_loop3A_134 = vector.shape_cast %parallel_loop3A_133 : vector<1x16xf32> to vector<1x16xf32>
          %parallel_loop3A_135 = arith.mulf %parallel_loop3A_134, %parallel_loop3A_120 : vector<1x16xf32>
          %parallel_loop3A_136 = arith.index_cast %parallel_loop3A_113 : i32 to index
          %parallel_loop3A_137 = arith.constant 16 : index
          %parallel_loop3A_138 = tpu.vector_load %arg11[%parallel_loop3A_136, %parallel_loop3A_137] {strides = array<i32>} : memref<128x48xf32, #tpu.memory_space<vmem>>, vector<1x16xf32>,
          %parallel_loop3A_139 = vector.shape_cast %parallel_loop3A_138 : vector<1x16xf32> to vector<1x16xf32>
          %parallel_loop3A_140 = vector.shape_cast %parallel_loop3A_135 : vector<1x16xf32> to vector<1x16xf32>
          tpu.vector_store %arg11[%parallel_loop3A_136, %parallel_loop3A_137], %parallel_loop3A_140 {strides = array<i32>} : memref<128x48xf32, #tpu.memory_space<vmem>>, vector<1x16xf32>,
          %parallel_loop3A_141 = arith.index_cast %parallel_loop3A_113 : i32 to index
          %parallel_loop3A_142 = arith.constant 32 : index
          %parallel_loop3A_143 = tpu.vector_load %arg11[%parallel_loop3A_141, %parallel_loop3A_142] {strides = array<i32>} : memref<128x48xf32, #tpu.memory_space<vmem>>, vector<1x16xf32>,
          %parallel_loop3A_144 = vector.shape_cast %parallel_loop3A_143 : vector<1x16xf32> to vector<1x16xf32>
          %parallel_loop3A_145 = arith.mulf %parallel_loop3A_144, %parallel_loop3A_120 : vector<1x16xf32>
          %parallel_loop3A_146 = arith.index_cast %parallel_loop3A_113 : i32 to index
          %parallel_loop3A_147 = arith.constant 32 : index
          %parallel_loop3A_148 = tpu.vector_load %arg11[%parallel_loop3A_146, %parallel_loop3A_147] {strides = array<i32>} : memref<128x48xf32, #tpu.memory_space<vmem>>, vector<1x16xf32>,
          %parallel_loop3A_149 = vector.shape_cast %parallel_loop3A_148 : vector<1x16xf32> to vector<1x16xf32>
          %parallel_loop3A_150 = vector.shape_cast %parallel_loop3A_145 : vector<1x16xf32> to vector<1x16xf32>
          tpu.vector_store %arg11[%parallel_loop3A_146, %parallel_loop3A_147], %parallel_loop3A_150 {strides = array<i32>} : memref<128x48xf32, #tpu.memory_space<vmem>>, vector<1x16xf32>,
        } {sc.loop_unroll_factor = 4 : i64, sc.parallel_access}
        %dma_start3A_110 = arith.constant 0 : i32
        %dma_start3A_111 = arith.constant 0 : i32
        %dma_start3A_112 = tpu.memref_slice %arg18[%dma_start3A_110, %dma_start3A_111] : memref<10240x48xf32, #tpu.memory_space<vmem_shared>> -> memref<10240x48xf32, #tpu.memory_space<vmem_shared>>
        tpu.enqueue_indirect_dma source(%arg11 : memref<128x48xf32, #tpu.memory_space<vmem>>) target(%dma_start3A_112 : memref<10240x48xf32, #tpu.memory_space<vmem_shared>>) offsets(%arg9 : memref<128xi32, #tpu.memory_space<vmem>>) semaphore(%arg25 : memref<!tpu.dma_semaphore, #tpu.memory_space<semaphore_mem>>) {add = true}
      } else {
      }
      %mul3A_67 = arith.constant 2 : i32
      %mul3A_68 = arith.muli %add3A_60, %mul3A_67 : i32
      %add3A_69 = arith.constant 1 : i32
      %add3A_70 = arith.addi %mul3A_68, %add3A_69 : i32
      %lt3A_71 = arith.constant 79 : i32
      %lt3A_72 = arith.cmpi slt, %add3A_70, %lt3A_71 : i32
      %convert_element_type3A_73 = arith.extui %lt3A_72 : i1 to i32
      %cond3A_74 = arith.constant 0 : i32
      %cond3A_75 = arith.cmpi ne, %convert_element_type3A_73, %cond3A_74 : i32
      scf.if %cond3A_75 {
        %ge3A = arith.constant 1 : i32
        %ge3A_76 = arith.cmpi sge, %add3A_70, %ge3A : i32
        %convert_element_type3A_77 = arith.extui %ge3A_76 : i1 to i32
        %cond3A_78 = arith.constant 0 : i32
        %cond3A_79 = arith.cmpi ne, %convert_element_type3A_77, %cond3A_78 : i32
        scf.if %cond3A_79 {
          %dma_wait3A_113 = arith.constant 0 : i32
          %dma_wait3A_114 = arith.constant 0 : i32
          %dma_wait3A_115 = tpu.memref_slice %arg18[%dma_wait3A_113, %dma_wait3A_114] : memref<10240x48xf32, #tpu.memory_space<vmem_shared>> -> memref<10240x48xf32, #tpu.memory_space<vmem_shared>>
          tpu.wait_indirect_dma semaphore(%arg25 : memref<!tpu.dma_semaphore, #tpu.memory_space<semaphore_mem>>) src(%arg11 : memref<128x48xf32, #tpu.memory_space<vmem>>) dst(%dma_wait3A_115 : memref<10240x48xf32, #tpu.memory_space<vmem_shared>>)
        } else {
        }
        %add3A_80 = arith.constant 1 : i32
        %add3A_81 = arith.addi %add3A_70, %add3A_80 : i32
        %lt3A_82 = arith.constant 79 : i32
        %lt3A_83 = arith.cmpi slt, %add3A_81, %lt3A_82 : i32
        %convert_element_type3A_84 = arith.extui %lt3A_83 : i1 to i32
        %cond3A_85 = arith.constant 0 : i32
        %cond3A_86 = arith.cmpi ne, %convert_element_type3A_84, %cond3A_85 : i32
        scf.if %cond3A_86 {
          %dma_wait3A_113 = arith.constant 0 : i32
          %dma_wait3A_114 = tpu.memref_slice %arg2[%dma_wait3A_113] : memref<323584xi32, #tpu.memory_space<hbm>> -> memref<128xi32, #tpu.memory_space<hbm>>
          %dma_wait3A_115 = arith.constant 0 : i32
          %dma_wait3A_116 = tpu.memref_slice %arg2[%dma_wait3A_115] : memref<323584xi32, #tpu.memory_space<hbm>> -> memref<128xi32, #tpu.memory_space<hbm>>
          tpu.wait_dma2 semaphore(%arg19 : memref<!tpu.dma_semaphore, #tpu.memory_space<semaphore_mem>>) src(%dma_wait3A_116 : memref<128xi32, #tpu.memory_space<hbm>>) dst(%arg7 : memref<128xi32, #tpu.memory_space<vmem>>)
          %dma_wait3A_117 = arith.constant 0 : i32
          %dma_wait3A_118 = tpu.memref_slice %arg3[%dma_wait3A_117] : memref<323584xi32, #tpu.memory_space<hbm>> -> memref<128xi32, #tpu.memory_space<hbm>>
          %dma_wait3A_119 = arith.constant 0 : i32
          %dma_wait3A_120 = tpu.memref_slice %arg3[%dma_wait3A_119] : memref<323584xi32, #tpu.memory_space<hbm>> -> memref<128xi32, #tpu.memory_space<hbm>>
          tpu.wait_dma2 semaphore(%arg19 : memref<!tpu.dma_semaphore, #tpu.memory_space<semaphore_mem>>) src(%dma_wait3A_120 : memref<128xi32, #tpu.memory_space<hbm>>) dst(%arg8 : memref<128xi32, #tpu.memory_space<vmem>>)
          %add3A_121 = arith.constant 1 : i32
          %add3A_122 = arith.addi %add3A_70, %add3A_121 : i32
          %mul3A_123 = arith.constant 32 : i32
          %mul3A_124 = arith.muli %mul3A_123, %add3A_122 : i32
          %add3A_125 = arith.addi %add3A, %mul3A_124 : i32
          %mul3A_126 = arith.constant 128 : i32
          %mul3A_127 = arith.muli %add3A_125, %mul3A_126 : i32
          %dma_start3A_128 = arith.constant 0 : i32
          %dma_start3A_129 = tpu.memref_slice %arg4[%mul3A_127, %dma_start3A_128] : memref<323584x16xf32, #tpu.memory_space<hbm>> -> memref<128x16xf32, #tpu.memory_space<hbm>>
          %dma_start3A_130 = arith.constant 0 : i32
          %dma_start3A_131 = tpu.memref_slice %arg4[%mul3A_127, %dma_start3A_130] : memref<323584x16xf32, #tpu.memory_space<hbm>> -> memref<128x16xf32, #tpu.memory_space<hbm>>
          tpu.enqueue_dma source(%dma_start3A_131 : memref<128x16xf32, #tpu.memory_space<hbm>>) target(%arg10 : memref<128x16xf32, #tpu.memory_space<vmem>>) target_semaphore(%arg21 : memref<!tpu.dma_semaphore, #tpu.memory_space<semaphore_mem>>)
          %dma_start3A_132 = arith.constant 0 : i32
          %dma_start3A_133 = arith.constant 0 : i32
          %dma_start3A_134 = tpu.memref_slice %arg5[%dma_start3A_132, %dma_start3A_133] : memref<10240x48xf32, #tpu.memory_space<hbm>> -> memref<10240x48xf32, #tpu.memory_space<hbm>>
          tpu.enqueue_indirect_dma source(%dma_start3A_134 : memref<10240x48xf32, #tpu.memory_space<hbm>>) target(%arg11 : memref<128x48xf32, #tpu.memory_space<vmem>>) offsets(%arg7 : memref<128xi32, #tpu.memory_space<vmem>>) semaphore(%arg23 : memref<!tpu.dma_semaphore, #tpu.memory_space<semaphore_mem>>)
        } else {
        }
        %dma_wait3A_87 = arith.constant 0 : i32
        %dma_wait3A_88 = arith.constant 0 : i32
        %dma_wait3A_89 = tpu.memref_slice %arg4[%dma_wait3A_87, %dma_wait3A_88] : memref<323584x16xf32, #tpu.memory_space<hbm>> -> memref<128x16xf32, #tpu.memory_space<hbm>>
        %dma_wait3A_90 = arith.constant 0 : i32
        %dma_wait3A_91 = arith.constant 0 : i32
        %dma_wait3A_92 = tpu.memref_slice %arg4[%dma_wait3A_90, %dma_wait3A_91] : memref<323584x16xf32, #tpu.memory_space<hbm>> -> memref<128x16xf32, #tpu.memory_space<hbm>>
        tpu.wait_dma2 semaphore(%arg22 : memref<!tpu.dma_semaphore, #tpu.memory_space<semaphore_mem>>) src(%dma_wait3A_92 : memref<128x16xf32, #tpu.memory_space<hbm>>) dst(%arg15 : memref<128x16xf32, #tpu.memory_space<vmem>>)
        %dma_wait3A_93 = arith.constant 0 : i32
        %dma_wait3A_94 = arith.constant 0 : i32
        %dma_wait3A_95 = tpu.memref_slice %arg5[%dma_wait3A_93, %dma_wait3A_94] : memref<10240x48xf32, #tpu.memory_space<hbm>> -> memref<10240x48xf32, #tpu.memory_space<hbm>>
        tpu.wait_indirect_dma semaphore(%arg24 : memref<!tpu.dma_semaphore, #tpu.memory_space<semaphore_mem>>) src(%dma_wait3A_95 : memref<10240x48xf32, #tpu.memory_space<hbm>>) dst(%arg16 : memref<128x48xf32, #tpu.memory_space<vmem>>)
        %add3A_96 = arith.constant 2 : i32
        %add3A_97 = arith.addi %add3A_70, %add3A_96 : i32
        %lt3A_98 = arith.constant 79 : i32
        %lt3A_99 = arith.cmpi slt, %add3A_97, %lt3A_98 : i32
        %convert_element_type3A_100 = arith.extui %lt3A_99 : i1 to i32
        %cond3A_101 = arith.constant 0 : i32
        %cond3A_102 = arith.cmpi ne, %convert_element_type3A_100, %cond3A_101 : i32
        scf.if %cond3A_102 {
          %add3A_113 = arith.constant 2 : i32
          %add3A_114 = arith.addi %add3A_70, %add3A_113 : i32
          %mul3A_115 = arith.constant 32 : i32
          %mul3A_116 = arith.muli %mul3A_115, %add3A_114 : i32
          %add3A_117 = arith.addi %add3A, %mul3A_116 : i32
          %mul3A_118 = arith.constant 128 : i32
          %mul3A_119 = arith.muli %add3A_117, %mul3A_118 : i32
          %dma_start3A_120 = tpu.memref_slice %arg2[%mul3A_119] : memref<323584xi32, #tpu.memory_space<hbm>> -> memref<128xi32, #tpu.memory_space<hbm>>
          %dma_start3A_121 = tpu.memref_slice %arg2[%mul3A_119] : memref<323584xi32, #tpu.memory_space<hbm>> -> memref<128xi32, #tpu.memory_space<hbm>>
          tpu.enqueue_dma source(%dma_start3A_121 : memref<128xi32, #tpu.memory_space<hbm>>) target(%arg12 : memref<128xi32, #tpu.memory_space<vmem>>) target_semaphore(%arg20 : memref<!tpu.dma_semaphore, #tpu.memory_space<semaphore_mem>>)
          %dma_start3A_122 = tpu.memref_slice %arg3[%mul3A_119] : memref<323584xi32, #tpu.memory_space<hbm>> -> memref<128xi32, #tpu.memory_space<hbm>>
          %dma_start3A_123 = tpu.memref_slice %arg3[%mul3A_119] : memref<323584xi32, #tpu.memory_space<hbm>> -> memref<128xi32, #tpu.memory_space<hbm>>
          tpu.enqueue_dma source(%dma_start3A_123 : memref<128xi32, #tpu.memory_space<hbm>>) target(%arg13 : memref<128xi32, #tpu.memory_space<vmem>>) target_semaphore(%arg20 : memref<!tpu.dma_semaphore, #tpu.memory_space<semaphore_mem>>)
        } else {
        }
        %mul3A_103 = arith.constant 32 : i32
        %mul3A_104 = arith.muli %mul3A_103, %add3A_70 : i32
        %add3A_105 = arith.addi %add3A, %mul3A_104 : i32
        %mul3A_106 = arith.constant 128 : i32
        %mul3A_107 = arith.muli %add3A_105, %mul3A_106 : i32
        "tpu.region"() ({
          %run_scoped3A = tpu.sem_alloc : memref<!tpu.dma_semaphore, #tpu.memory_space<semaphore_mem>>
          %dma_start3A_113 = tpu.memref_slice %arg3[%mul3A_107] : memref<323584xi32, #tpu.memory_space<hbm>> -> memref<128xi32, #tpu.memory_space<hbm>>
          %dma_start3A_114 = tpu.memref_slice %arg3[%mul3A_107] : memref<323584xi32, #tpu.memory_space<hbm>> -> memref<128xi32, #tpu.memory_space<hbm>>
          tpu.enqueue_dma source(%dma_start3A_114 : memref<128xi32, #tpu.memory_space<hbm>>) target(%arg14 : memref<128xi32, #tpu.memory_space<vmem>>) target_semaphore(%run_scoped3A : memref<!tpu.dma_semaphore, #tpu.memory_space<semaphore_mem>>)
          %dma_wait3A_115 = tpu.memref_slice %arg3[%mul3A_107] : memref<323584xi32, #tpu.memory_space<hbm>> -> memref<128xi32, #tpu.memory_space<hbm>>
          %dma_wait3A_116 = tpu.memref_slice %arg3[%mul3A_107] : memref<323584xi32, #tpu.memory_space<hbm>> -> memref<128xi32, #tpu.memory_space<hbm>>
          tpu.wait_dma2 semaphore(%run_scoped3A : memref<!tpu.dma_semaphore, #tpu.memory_space<semaphore_mem>>) src(%dma_wait3A_116 : memref<128xi32, #tpu.memory_space<hbm>>) dst(%arg14 : memref<128xi32, #tpu.memory_space<vmem>>)
          tpu.yield
        }) : () -> ()
        %parallel_loop3A = arith.constant 0 : i32
        %parallel_loop3A_108 = arith.constant 128 : i32
        %parallel_loop3A_109 = arith.constant 1 : i32
        scf.for %parallel_loop3A_113 = %parallel_loop3A to %parallel_loop3A_108 step %parallel_loop3A_109  : i32 {
          %parallel_loop3A_114 = arith.index_cast %parallel_loop3A_113 : i32 to index
          %parallel_loop3A_115 = arith.constant 0 : index
          %parallel_loop3A_116 = tpu.vector_load %arg15[%parallel_loop3A_114, %parallel_loop3A_115] {strides = array<i32>} : memref<128x16xf32, #tpu.memory_space<vmem>>, vector<1x16xf32>,
          %parallel_loop3A_117 = vector.shape_cast %parallel_loop3A_116 : vector<1x16xf32> to vector<1x16xf32>
          %parallel_loop3A_118 = vector.extract_strided_slice %parallel_loop3A_117 {offsets = [0, 0], sizes = [1, 1], strides = [1, 1]} : vector<1x16xf32> to vector<1x1xf32>
          %parallel_loop3A_119 = vector.extract %parallel_loop3A_118[0, 0] : f32 from vector<1x1xf32>
          %parallel_loop3A_120 = vector.broadcast %parallel_loop3A_119 : f32 to vector<1x16xf32>
          %parallel_loop3A_121 = arith.index_cast %parallel_loop3A_113 : i32 to index
          %parallel_loop3A_122 = arith.constant 0 : index
          %parallel_loop3A_123 = tpu.vector_load %arg16[%parallel_loop3A_121, %parallel_loop3A_122] {strides = array<i32>} : memref<128x48xf32, #tpu.memory_space<vmem>>, vector<1x16xf32>,
          %parallel_loop3A_124 = vector.shape_cast %parallel_loop3A_123 : vector<1x16xf32> to vector<1x16xf32>
          %parallel_loop3A_125 = arith.mulf %parallel_loop3A_124, %parallel_loop3A_120 : vector<1x16xf32>
          %parallel_loop3A_126 = arith.index_cast %parallel_loop3A_113 : i32 to index
          %parallel_loop3A_127 = arith.constant 0 : index
          %parallel_loop3A_128 = tpu.vector_load %arg16[%parallel_loop3A_126, %parallel_loop3A_127] {strides = array<i32>} : memref<128x48xf32, #tpu.memory_space<vmem>>, vector<1x16xf32>,
          %parallel_loop3A_129 = vector.shape_cast %parallel_loop3A_128 : vector<1x16xf32> to vector<1x16xf32>
          %parallel_loop3A_130 = vector.shape_cast %parallel_loop3A_125 : vector<1x16xf32> to vector<1x16xf32>
          tpu.vector_store %arg16[%parallel_loop3A_126, %parallel_loop3A_127], %parallel_loop3A_130 {strides = array<i32>} : memref<128x48xf32, #tpu.memory_space<vmem>>, vector<1x16xf32>,
          %parallel_loop3A_131 = arith.index_cast %parallel_loop3A_113 : i32 to index
          %parallel_loop3A_132 = arith.constant 16 : index
          %parallel_loop3A_133 = tpu.vector_load %arg16[%parallel_loop3A_131, %parallel_loop3A_132] {strides = array<i32>} : memref<128x48xf32, #tpu.memory_space<vmem>>, vector<1x16xf32>,
          %parallel_loop3A_134 = vector.shape_cast %parallel_loop3A_133 : vector<1x16xf32> to vector<1x16xf32>
          %parallel_loop3A_135 = arith.mulf %parallel_loop3A_134, %parallel_loop3A_120 : vector<1x16xf32>
          %parallel_loop3A_136 = arith.index_cast %parallel_loop3A_113 : i32 to index
          %parallel_loop3A_137 = arith.constant 16 : index
          %parallel_loop3A_138 = tpu.vector_load %arg16[%parallel_loop3A_136, %parallel_loop3A_137] {strides = array<i32>} : memref<128x48xf32, #tpu.memory_space<vmem>>, vector<1x16xf32>,
          %parallel_loop3A_139 = vector.shape_cast %parallel_loop3A_138 : vector<1x16xf32> to vector<1x16xf32>
          %parallel_loop3A_140 = vector.shape_cast %parallel_loop3A_135 : vector<1x16xf32> to vector<1x16xf32>
          tpu.vector_store %arg16[%parallel_loop3A_136, %parallel_loop3A_137], %parallel_loop3A_140 {strides = array<i32>} : memref<128x48xf32, #tpu.memory_space<vmem>>, vector<1x16xf32>,
          %parallel_loop3A_141 = arith.index_cast %parallel_loop3A_113 : i32 to index
          %parallel_loop3A_142 = arith.constant 32 : index
          %parallel_loop3A_143 = tpu.vector_load %arg16[%parallel_loop3A_141, %parallel_loop3A_142] {strides = array<i32>} : memref<128x48xf32, #tpu.memory_space<vmem>>, vector<1x16xf32>,
          %parallel_loop3A_144 = vector.shape_cast %parallel_loop3A_143 : vector<1x16xf32> to vector<1x16xf32>
          %parallel_loop3A_145 = arith.mulf %parallel_loop3A_144, %parallel_loop3A_120 : vector<1x16xf32>
          %parallel_loop3A_146 = arith.index_cast %parallel_loop3A_113 : i32 to index
          %parallel_loop3A_147 = arith.constant 32 : index
          %parallel_loop3A_148 = tpu.vector_load %arg16[%parallel_loop3A_146, %parallel_loop3A_147] {strides = array<i32>} : memref<128x48xf32, #tpu.memory_space<vmem>>, vector<1x16xf32>,
          %parallel_loop3A_149 = vector.shape_cast %parallel_loop3A_148 : vector<1x16xf32> to vector<1x16xf32>
          %parallel_loop3A_150 = vector.shape_cast %parallel_loop3A_145 : vector<1x16xf32> to vector<1x16xf32>
          tpu.vector_store %arg16[%parallel_loop3A_146, %parallel_loop3A_147], %parallel_loop3A_150 {strides = array<i32>} : memref<128x48xf32, #tpu.memory_space<vmem>>, vector<1x16xf32>,
        } {sc.loop_unroll_factor = 4 : i64, sc.parallel_access}
        %dma_start3A_110 = arith.constant 0 : i32
        %dma_start3A_111 = arith.constant 0 : i32
        %dma_start3A_112 = tpu.memref_slice %arg18[%dma_start3A_110, %dma_start3A_111] : memref<10240x48xf32, #tpu.memory_space<vmem_shared>> -> memref<10240x48xf32, #tpu.memory_space<vmem_shared>>
        tpu.enqueue_indirect_dma source(%arg16 : memref<128x48xf32, #tpu.memory_space<vmem>>) target(%dma_start3A_112 : memref<10240x48xf32, #tpu.memory_space<vmem_shared>>) offsets(%arg14 : memref<128xi32, #tpu.memory_space<vmem>>) semaphore(%arg26 : memref<!tpu.dma_semaphore, #tpu.memory_space<semaphore_mem>>) {add = true}
      } else {
      }
    }
    %scan3A_47 = arith.constant 40 : i32
    %dma_wait3A_48 = arith.constant 0 : i32
    %dma_wait3A_49 = arith.constant 0 : i32
    %dma_wait3A_50 = tpu.memref_slice %arg18[%dma_wait3A_48, %dma_wait3A_49] : memref<10240x48xf32, #tpu.memory_space<vmem_shared>> -> memref<10240x48xf32, #tpu.memory_space<vmem_shared>>
    tpu.wait_indirect_dma semaphore(%arg25 : memref<!tpu.dma_semaphore, #tpu.memory_space<semaphore_mem>>) src(%arg11 : memref<128x48xf32, #tpu.memory_space<vmem>>) dst(%dma_wait3A_50 : memref<10240x48xf32, #tpu.memory_space<vmem_shared>>)
    %barrier3A_51 = arith.constant 0 : index
    tpu.barrier barrier_id(%barrier3A_51)
    %mul3A_52 = arith.constant 640 : i32
    %mul3A_53 = arith.muli %arg1, %mul3A_52 : i32
    %mul3A_54 = arith.constant 640 : i32
    %mul3A_55 = arith.muli %arg1, %mul3A_54 : i32
    "tpu.region"() ({
      %run_scoped3A = tpu.sem_alloc : memref<!tpu.dma_semaphore, #tpu.memory_space<semaphore_mem>>
      %dma_start3A_56 = arith.constant 0 : i32
      %dma_start3A_57 = tpu.memref_slice %arg6[%arg0, %mul3A_55, %dma_start3A_56] : memref<2x10240x48xf32, #tpu.memory_space<hbm>> -> memref<1x640x48xf32, #tpu.memory_space<hbm>>
      %dma_start3A_58 = tpu.memref_squeeze %dma_start3A_57 : memref<1x640x48xf32, #tpu.memory_space<hbm>> -> memref<640x48xf32, #tpu.memory_space<hbm>>
      %dma_start3A_59 = arith.constant 0 : i32
      %dma_start3A_60 = tpu.memref_slice %arg18[%mul3A_53, %dma_start3A_59] : memref<10240x48xf32, #tpu.memory_space<vmem_shared>> -> memref<640x48xf32, #tpu.memory_space<vmem_shared>>
      tpu.enqueue_dma source(%dma_start3A_60 : memref<640x48xf32, #tpu.memory_space<vmem_shared>>) target(%dma_start3A_58 : memref<640x48xf32, #tpu.memory_space<hbm>>) target_semaphore(%run_scoped3A : memref<!tpu.dma_semaphore, #tpu.memory_space<semaphore_mem>>)
      %dma_wait3A_61 = arith.constant 0 : i32
      %dma_wait3A_62 = tpu.memref_slice %arg6[%arg0, %mul3A_55, %dma_wait3A_61] : memref<2x10240x48xf32, #tpu.memory_space<hbm>> -> memref<1x640x48xf32, #tpu.memory_space<hbm>>
      %dma_wait3A_63 = tpu.memref_squeeze %dma_wait3A_62 : memref<1x640x48xf32, #tpu.memory_space<hbm>> -> memref<640x48xf32, #tpu.memory_space<hbm>>
      %dma_wait3A_64 = arith.constant 0 : i32
      %dma_wait3A_65 = tpu.memref_slice %arg18[%mul3A_53, %dma_wait3A_64] : memref<10240x48xf32, #tpu.memory_space<vmem_shared>> -> memref<640x48xf32, #tpu.memory_space<vmem_shared>>
      tpu.wait_dma2 semaphore(%run_scoped3A : memref<!tpu.dma_semaphore, #tpu.memory_space<semaphore_mem>>) src(%dma_wait3A_65 : memref<640x48xf32, #tpu.memory_space<vmem_shared>>) dst(%dma_wait3A_63 : memref<640x48xf32, #tpu.memory_space<hbm>>)
      tpu.yield
    }) : () -> ()
    return
  }
}

#map = affine_map<(d0, d1) -> (0)>
#map1 = affine_map<(d0, d1) -> (0, 0)>
#map2 = affine_map<(d0, d1) -> (0, 0, 0)>
module attributes {stable_mosaic.version = 14 : i64} {
  func.func @body(%arg0: i32, %arg1: i32, %arg2: memref<323584xi32, #tpu.memory_space<hbm>>, %arg3: memref<323584xi32, #tpu.memory_space<hbm>>, %arg4: memref<323584x16xf32, #tpu.memory_space<hbm>>, %arg5: memref<10240x128xf32, #tpu.memory_space<hbm>>, %arg6: memref<2x10240x128xf32, #tpu.memory_space<hbm>>, %arg7: memref<128xi32, #tpu.memory_space<vmem>>, %arg8: memref<128xi32, #tpu.memory_space<vmem>>, %arg9: memref<128xi32, #tpu.memory_space<vmem>>, %arg10: memref<128x16xf32, #tpu.memory_space<vmem>>, %arg11: memref<128x128xf32, #tpu.memory_space<vmem>>, %arg12: memref<128xi32, #tpu.memory_space<vmem>>, %arg13: memref<128xi32, #tpu.memory_space<vmem>>, %arg14: memref<128xi32, #tpu.memory_space<vmem>>, %arg15: memref<128x16xf32, #tpu.memory_space<vmem>>, %arg16: memref<128x128xf32, #tpu.memory_space<vmem>>, %arg17: memref<32x128xf32, #tpu.memory_space<vmem>>, %arg18: memref<10240x128xf32, #tpu.memory_space<vmem_shared>>, %arg19: memref<!tpu.dma_semaphore, #tpu.memory_space<semaphore_mem>>, %arg20: memref<!tpu.dma_semaphore, #tpu.memory_space<semaphore_mem>>, %arg21: memref<!tpu.dma_semaphore, #tpu.memory_space<semaphore_mem>>, %arg22: memref<!tpu.dma_semaphore, #tpu.memory_space<semaphore_mem>>, %arg23: memref<!tpu.dma_semaphore, #tpu.memory_space<semaphore_mem>>, %arg24: memref<!tpu.dma_semaphore, #tpu.memory_space<semaphore_mem>>, %arg25: memref<!tpu.dma_semaphore, #tpu.memory_space<semaphore_mem>>, %arg26: memref<!tpu.dma_semaphore, #tpu.memory_space<semaphore_mem>>) attributes {dimension_semantics = [#tpu.dimension_semantics<core_parallel>, #tpu.dimension_semantics<subcore_parallel>], iteration_bounds = array<i64: 2, 16>, scalar_prefetch = 0 : i64, scratch_operands = 20 : i64, tpu.core_type = #tpu.core_type<sc_vector_subcore>, window_params = [{transform_indices = #map}, {transform_indices = #map}, {transform_indices = #map1}, {transform_indices = #map1}, {transform_indices = #map2}]} {
    %mul3A = arith.constant 16 : i32
    %mul3A_0 = arith.muli %arg0, %mul3A : i32
    %add3A = arith.addi %mul3A_0, %arg1 : i32
    %scan3A = arith.constant 0 : i32
    %scan3A_1 = arith.constant 32 : i32
    %scan3A_2 = arith.addi %scan3A, %scan3A_1 : i32
    %scan3A_3 = arith.constant 1 : i32
    scf.for %scan3A_56 = %scan3A to %scan3A_2 step %scan3A_3  : i32 {
      %mul3A_57 = arith.constant 1 : i32
      %mul3A_58 = arith.muli %scan3A_56, %mul3A_57 : i32
      %add3A_59 = arith.constant 0 : i32
      %add3A_60 = arith.addi %add3A_59, %mul3A_58 : i32
      %scan3A_61 = arith.constant 0 : i32
      %scan3A_62 = arith.constant 8 : i32
      %scan3A_63 = arith.addi %scan3A_61, %scan3A_62 : i32
      %scan3A_64 = arith.constant 1 : i32
      scf.for %scan3A_66 = %scan3A_61 to %scan3A_63 step %scan3A_64  : i32 {
        %mul3A_67 = arith.constant 16 : i32
        %mul3A_68 = arith.muli %scan3A_66, %mul3A_67 : i32
        %add3A_69 = arith.constant 0 : i32
        %add3A_70 = arith.addi %add3A_69, %mul3A_68 : i32
        %broadcast_in_dim3A = arith.constant 0.000000e+00 : f32
        %broadcast_in_dim3A_71 = vector.broadcast %broadcast_in_dim3A : f32 to vector<1x16xf32>
        %swap3A = arith.index_cast %add3A_60 : i32 to index
        %swap3A_72 = arith.index_cast %add3A_70 : i32 to index
        %swap3A_73 = tpu.vector_load %arg17[%swap3A, %swap3A_72] {strides = array<i32>} : memref<32x128xf32, #tpu.memory_space<vmem>>, vector<1x16xf32>,
        %swap3A_74 = vector.shape_cast %swap3A_73 : vector<1x16xf32> to vector<1x16xf32>
        %swap3A_75 = vector.shape_cast %broadcast_in_dim3A_71 : vector<1x16xf32> to vector<1x16xf32>
        tpu.vector_store %arg17[%swap3A, %swap3A_72], %swap3A_75 {strides = array<i32>} : memref<32x128xf32, #tpu.memory_space<vmem>>, vector<1x16xf32>,
      }
      %scan3A_65 = arith.constant 8 : i32
    }
    %scan3A_4 = arith.constant 32 : i32
    %scan3A_5 = arith.constant 0 : i32
    %scan3A_6 = arith.constant 20 : i32
    %scan3A_7 = arith.addi %scan3A_5, %scan3A_6 : i32
    %scan3A_8 = arith.constant 1 : i32
    scf.for %scan3A_56 = %scan3A_5 to %scan3A_7 step %scan3A_8  : i32 {
      %mul3A_57 = arith.constant 1 : i32
      %mul3A_58 = arith.muli %scan3A_56, %mul3A_57 : i32
      %add3A_59 = arith.constant 0 : i32
      %add3A_60 = arith.addi %add3A_59, %mul3A_58 : i32
      %mul3A_61 = arith.constant 640 : i32
      %mul3A_62 = arith.muli %arg1, %mul3A_61 : i32
      %mul3A_63 = arith.constant 32 : i32
      %mul3A_64 = arith.muli %add3A_60, %mul3A_63 : i32
      %add3A_65 = arith.addi %mul3A_62, %mul3A_64 : i32
      "tpu.region"() ({
        %run_scoped3A = tpu.sem_alloc : memref<!tpu.dma_semaphore, #tpu.memory_space<semaphore_mem>>
        %dma_start3A_66 = arith.constant 0 : i32
        %dma_start3A_67 = tpu.memref_slice %arg18[%add3A_65, %dma_start3A_66] : memref<10240x128xf32, #tpu.memory_space<vmem_shared>> -> memref<32x128xf32, #tpu.memory_space<vmem_shared>>
        %dma_start3A_68 = arith.constant 0 : i32
        %dma_start3A_69 = tpu.memref_slice %arg18[%add3A_65, %dma_start3A_68] : memref<10240x128xf32, #tpu.memory_space<vmem_shared>> -> memref<32x128xf32, #tpu.memory_space<vmem_shared>>
        tpu.enqueue_dma source(%arg17 : memref<32x128xf32, #tpu.memory_space<vmem>>) target(%dma_start3A_69 : memref<32x128xf32, #tpu.memory_space<vmem_shared>>) target_semaphore(%run_scoped3A : memref<!tpu.dma_semaphore, #tpu.memory_space<semaphore_mem>>)
        %dma_wait3A_70 = arith.constant 0 : i32
        %dma_wait3A_71 = tpu.memref_slice %arg18[%add3A_65, %dma_wait3A_70] : memref<10240x128xf32, #tpu.memory_space<vmem_shared>> -> memref<32x128xf32, #tpu.memory_space<vmem_shared>>
        %dma_wait3A_72 = arith.constant 0 : i32
        %dma_wait3A_73 = tpu.memref_slice %arg18[%add3A_65, %dma_wait3A_72] : memref<10240x128xf32, #tpu.memory_space<vmem_shared>> -> memref<32x128xf32, #tpu.memory_space<vmem_shared>>
        tpu.wait_dma2 semaphore(%run_scoped3A : memref<!tpu.dma_semaphore, #tpu.memory_space<semaphore_mem>>) src(%arg17 : memref<32x128xf32, #tpu.memory_space<vmem>>) dst(%dma_wait3A_73 : memref<32x128xf32, #tpu.memory_space<vmem_shared>>)
        tpu.yield
      }) : () -> ()
    }
    %scan3A_9 = arith.constant 20 : i32
    %barrier3A = arith.constant 0 : index
    tpu.barrier barrier_id(%barrier3A)
    %add3A_10 = arith.constant 0 : i32
    %add3A_11 = arith.addi %add3A, %add3A_10 : i32
    %mul3A_12 = arith.constant 128 : i32
    %mul3A_13 = arith.muli %add3A_11, %mul3A_12 : i32
    %dma_start3A = tpu.memref_slice %arg2[%mul3A_13] : memref<323584xi32, #tpu.memory_space<hbm>> -> memref<128xi32, #tpu.memory_space<hbm>>
    %dma_start3A_14 = tpu.memref_slice %arg2[%mul3A_13] : memref<323584xi32, #tpu.memory_space<hbm>> -> memref<128xi32, #tpu.memory_space<hbm>>
    tpu.enqueue_dma source(%dma_start3A_14 : memref<128xi32, #tpu.memory_space<hbm>>) target(%arg7 : memref<128xi32, #tpu.memory_space<vmem>>) target_semaphore(%arg19 : memref<!tpu.dma_semaphore, #tpu.memory_space<semaphore_mem>>)
    %dma_start3A_15 = tpu.memref_slice %arg3[%mul3A_13] : memref<323584xi32, #tpu.memory_space<hbm>> -> memref<128xi32, #tpu.memory_space<hbm>>
    %dma_start3A_16 = tpu.memref_slice %arg3[%mul3A_13] : memref<323584xi32, #tpu.memory_space<hbm>> -> memref<128xi32, #tpu.memory_space<hbm>>
    tpu.enqueue_dma source(%dma_start3A_16 : memref<128xi32, #tpu.memory_space<hbm>>) target(%arg8 : memref<128xi32, #tpu.memory_space<vmem>>) target_semaphore(%arg19 : memref<!tpu.dma_semaphore, #tpu.memory_space<semaphore_mem>>)
    %add3A_17 = arith.constant 32 : i32
    %add3A_18 = arith.addi %add3A, %add3A_17 : i32
    %mul3A_19 = arith.constant 128 : i32
    %mul3A_20 = arith.muli %add3A_18, %mul3A_19 : i32
    %dma_start3A_21 = tpu.memref_slice %arg2[%mul3A_20] : memref<323584xi32, #tpu.memory_space<hbm>> -> memref<128xi32, #tpu.memory_space<hbm>>
    %dma_start3A_22 = tpu.memref_slice %arg2[%mul3A_20] : memref<323584xi32, #tpu.memory_space<hbm>> -> memref<128xi32, #tpu.memory_space<hbm>>
    tpu.enqueue_dma source(%dma_start3A_22 : memref<128xi32, #tpu.memory_space<hbm>>) target(%arg12 : memref<128xi32, #tpu.memory_space<vmem>>) target_semaphore(%arg20 : memref<!tpu.dma_semaphore, #tpu.memory_space<semaphore_mem>>)
    %dma_start3A_23 = tpu.memref_slice %arg3[%mul3A_20] : memref<323584xi32, #tpu.memory_space<hbm>> -> memref<128xi32, #tpu.memory_space<hbm>>
    %dma_start3A_24 = tpu.memref_slice %arg3[%mul3A_20] : memref<323584xi32, #tpu.memory_space<hbm>> -> memref<128xi32, #tpu.memory_space<hbm>>
    tpu.enqueue_dma source(%dma_start3A_24 : memref<128xi32, #tpu.memory_space<hbm>>) target(%arg13 : memref<128xi32, #tpu.memory_space<vmem>>) target_semaphore(%arg20 : memref<!tpu.dma_semaphore, #tpu.memory_space<semaphore_mem>>)
    %dma_wait3A = arith.constant 0 : i32
    %dma_wait3A_25 = tpu.memref_slice %arg2[%dma_wait3A] : memref<323584xi32, #tpu.memory_space<hbm>> -> memref<128xi32, #tpu.memory_space<hbm>>
    %dma_wait3A_26 = arith.constant 0 : i32
    %dma_wait3A_27 = tpu.memref_slice %arg2[%dma_wait3A_26] : memref<323584xi32, #tpu.memory_space<hbm>> -> memref<128xi32, #tpu.memory_space<hbm>>
    tpu.wait_dma2 semaphore(%arg19 : memref<!tpu.dma_semaphore, #tpu.memory_space<semaphore_mem>>) src(%dma_wait3A_27 : memref<128xi32, #tpu.memory_space<hbm>>) dst(%arg7 : memref<128xi32, #tpu.memory_space<vmem>>)
    %dma_wait3A_28 = arith.constant 0 : i32
    %dma_wait3A_29 = tpu.memref_slice %arg3[%dma_wait3A_28] : memref<323584xi32, #tpu.memory_space<hbm>> -> memref<128xi32, #tpu.memory_space<hbm>>
    %dma_wait3A_30 = arith.constant 0 : i32
    %dma_wait3A_31 = tpu.memref_slice %arg3[%dma_wait3A_30] : memref<323584xi32, #tpu.memory_space<hbm>> -> memref<128xi32, #tpu.memory_space<hbm>>
    tpu.wait_dma2 semaphore(%arg19 : memref<!tpu.dma_semaphore, #tpu.memory_space<semaphore_mem>>) src(%dma_wait3A_31 : memref<128xi32, #tpu.memory_space<hbm>>) dst(%arg8 : memref<128xi32, #tpu.memory_space<vmem>>)
    %add3A_32 = arith.constant 0 : i32
    %add3A_33 = arith.addi %add3A, %add3A_32 : i32
    %mul3A_34 = arith.constant 128 : i32
    %mul3A_35 = arith.muli %add3A_33, %mul3A_34 : i32
    %dma_start3A_36 = arith.constant 0 : i32
    %dma_start3A_37 = tpu.memref_slice %arg4[%mul3A_35, %dma_start3A_36] : memref<323584x16xf32, #tpu.memory_space<hbm>> -> memref<128x16xf32, #tpu.memory_space<hbm>>
    %dma_start3A_38 = arith.constant 0 : i32
    %dma_start3A_39 = tpu.memref_slice %arg4[%mul3A_35, %dma_start3A_38] : memref<323584x16xf32, #tpu.memory_space<hbm>> -> memref<128x16xf32, #tpu.memory_space<hbm>>
    tpu.enqueue_dma source(%dma_start3A_39 : memref<128x16xf32, #tpu.memory_space<hbm>>) target(%arg10 : memref<128x16xf32, #tpu.memory_space<vmem>>) target_semaphore(%arg21 : memref<!tpu.dma_semaphore, #tpu.memory_space<semaphore_mem>>)
    %dma_start3A_40 = arith.constant 0 : i32
    %dma_start3A_41 = arith.constant 0 : i32
    %dma_start3A_42 = tpu.memref_slice %arg5[%dma_start3A_40, %dma_start3A_41] : memref<10240x128xf32, #tpu.memory_space<hbm>> -> memref<10240x128xf32, #tpu.memory_space<hbm>>
    tpu.enqueue_indirect_dma source(%dma_start3A_42 : memref<10240x128xf32, #tpu.memory_space<hbm>>) target(%arg11 : memref<128x128xf32, #tpu.memory_space<vmem>>) offsets(%arg7 : memref<128xi32, #tpu.memory_space<vmem>>) semaphore(%arg23 : memref<!tpu.dma_semaphore, #tpu.memory_space<semaphore_mem>>)
    %scan3A_43 = arith.constant 0 : i32
    %scan3A_44 = arith.constant 40 : i32
    %scan3A_45 = arith.addi %scan3A_43, %scan3A_44 : i32
    %scan3A_46 = arith.constant 1 : i32
    scf.for %scan3A_56 = %scan3A_43 to %scan3A_45 step %scan3A_46  : i32 {
      %mul3A_57 = arith.constant 1 : i32
      %mul3A_58 = arith.muli %scan3A_56, %mul3A_57 : i32
      %add3A_59 = arith.constant 0 : i32
      %add3A_60 = arith.addi %add3A_59, %mul3A_58 : i32
      %mul3A_61 = arith.constant 2 : i32
      %mul3A_62 = arith.muli %add3A_60, %mul3A_61 : i32
      %add3A_63 = arith.constant 0 : i32
      %add3A_64 = arith.addi %mul3A_62, %add3A_63 : i32
      %lt3A = arith.constant 79 : i32
      %lt3A_65 = arith.cmpi slt, %add3A_64, %lt3A : i32
      %convert_element_type3A = arith.extui %lt3A_65 : i1 to i32
      %cond3A = arith.constant 0 : i32
      %cond3A_66 = arith.cmpi ne, %convert_element_type3A, %cond3A : i32
      scf.if %cond3A_66 {
        %ge3A = arith.constant 1 : i32
        %ge3A_76 = arith.cmpi sge, %add3A_64, %ge3A : i32
        %convert_element_type3A_77 = arith.extui %ge3A_76 : i1 to i32
        %cond3A_78 = arith.constant 0 : i32
        %cond3A_79 = arith.cmpi ne, %convert_element_type3A_77, %cond3A_78 : i32
        scf.if %cond3A_79 {
          %dma_wait3A_113 = arith.constant 0 : i32
          %dma_wait3A_114 = arith.constant 0 : i32
          %dma_wait3A_115 = tpu.memref_slice %arg18[%dma_wait3A_113, %dma_wait3A_114] : memref<10240x128xf32, #tpu.memory_space<vmem_shared>> -> memref<10240x128xf32, #tpu.memory_space<vmem_shared>>
          tpu.wait_indirect_dma semaphore(%arg26 : memref<!tpu.dma_semaphore, #tpu.memory_space<semaphore_mem>>) src(%arg16 : memref<128x128xf32, #tpu.memory_space<vmem>>) dst(%dma_wait3A_115 : memref<10240x128xf32, #tpu.memory_space<vmem_shared>>)
        } else {
        }
        %add3A_80 = arith.constant 1 : i32
        %add3A_81 = arith.addi %add3A_64, %add3A_80 : i32
        %lt3A_82 = arith.constant 79 : i32
        %lt3A_83 = arith.cmpi slt, %add3A_81, %lt3A_82 : i32
        %convert_element_type3A_84 = arith.extui %lt3A_83 : i1 to i32
        %cond3A_85 = arith.constant 0 : i32
        %cond3A_86 = arith.cmpi ne, %convert_element_type3A_84, %cond3A_85 : i32
        scf.if %cond3A_86 {
          %dma_wait3A_113 = arith.constant 0 : i32
          %dma_wait3A_114 = tpu.memref_slice %arg2[%dma_wait3A_113] : memref<323584xi32, #tpu.memory_space<hbm>> -> memref<128xi32, #tpu.memory_space<hbm>>
          %dma_wait3A_115 = arith.constant 0 : i32
          %dma_wait3A_116 = tpu.memref_slice %arg2[%dma_wait3A_115] : memref<323584xi32, #tpu.memory_space<hbm>> -> memref<128xi32, #tpu.memory_space<hbm>>
          tpu.wait_dma2 semaphore(%arg20 : memref<!tpu.dma_semaphore, #tpu.memory_space<semaphore_mem>>) src(%dma_wait3A_116 : memref<128xi32, #tpu.memory_space<hbm>>) dst(%arg12 : memref<128xi32, #tpu.memory_space<vmem>>)
          %dma_wait3A_117 = arith.constant 0 : i32
          %dma_wait3A_118 = tpu.memref_slice %arg3[%dma_wait3A_117] : memref<323584xi32, #tpu.memory_space<hbm>> -> memref<128xi32, #tpu.memory_space<hbm>>
          %dma_wait3A_119 = arith.constant 0 : i32
          %dma_wait3A_120 = tpu.memref_slice %arg3[%dma_wait3A_119] : memref<323584xi32, #tpu.memory_space<hbm>> -> memref<128xi32, #tpu.memory_space<hbm>>
          tpu.wait_dma2 semaphore(%arg20 : memref<!tpu.dma_semaphore, #tpu.memory_space<semaphore_mem>>) src(%dma_wait3A_120 : memref<128xi32, #tpu.memory_space<hbm>>) dst(%arg13 : memref<128xi32, #tpu.memory_space<vmem>>)
          %add3A_121 = arith.constant 1 : i32
          %add3A_122 = arith.addi %add3A_64, %add3A_121 : i32
          %mul3A_123 = arith.constant 32 : i32
          %mul3A_124 = arith.muli %mul3A_123, %add3A_122 : i32
          %add3A_125 = arith.addi %add3A, %mul3A_124 : i32
          %mul3A_126 = arith.constant 128 : i32
          %mul3A_127 = arith.muli %add3A_125, %mul3A_126 : i32
          %dma_start3A_128 = arith.constant 0 : i32
          %dma_start3A_129 = tpu.memref_slice %arg4[%mul3A_127, %dma_start3A_128] : memref<323584x16xf32, #tpu.memory_space<hbm>> -> memref<128x16xf32, #tpu.memory_space<hbm>>
          %dma_start3A_130 = arith.constant 0 : i32
          %dma_start3A_131 = tpu.memref_slice %arg4[%mul3A_127, %dma_start3A_130] : memref<323584x16xf32, #tpu.memory_space<hbm>> -> memref<128x16xf32, #tpu.memory_space<hbm>>
          tpu.enqueue_dma source(%dma_start3A_131 : memref<128x16xf32, #tpu.memory_space<hbm>>) target(%arg15 : memref<128x16xf32, #tpu.memory_space<vmem>>) target_semaphore(%arg22 : memref<!tpu.dma_semaphore, #tpu.memory_space<semaphore_mem>>)
          %dma_start3A_132 = arith.constant 0 : i32
          %dma_start3A_133 = arith.constant 0 : i32
          %dma_start3A_134 = tpu.memref_slice %arg5[%dma_start3A_132, %dma_start3A_133] : memref<10240x128xf32, #tpu.memory_space<hbm>> -> memref<10240x128xf32, #tpu.memory_space<hbm>>
          tpu.enqueue_indirect_dma source(%dma_start3A_134 : memref<10240x128xf32, #tpu.memory_space<hbm>>) target(%arg16 : memref<128x128xf32, #tpu.memory_space<vmem>>) offsets(%arg12 : memref<128xi32, #tpu.memory_space<vmem>>) semaphore(%arg24 : memref<!tpu.dma_semaphore, #tpu.memory_space<semaphore_mem>>)
        } else {
        }
        %dma_wait3A_87 = arith.constant 0 : i32
        %dma_wait3A_88 = arith.constant 0 : i32
        %dma_wait3A_89 = tpu.memref_slice %arg4[%dma_wait3A_87, %dma_wait3A_88] : memref<323584x16xf32, #tpu.memory_space<hbm>> -> memref<128x16xf32, #tpu.memory_space<hbm>>
        %dma_wait3A_90 = arith.constant 0 : i32
        %dma_wait3A_91 = arith.constant 0 : i32
        %dma_wait3A_92 = tpu.memref_slice %arg4[%dma_wait3A_90, %dma_wait3A_91] : memref<323584x16xf32, #tpu.memory_space<hbm>> -> memref<128x16xf32, #tpu.memory_space<hbm>>
        tpu.wait_dma2 semaphore(%arg21 : memref<!tpu.dma_semaphore, #tpu.memory_space<semaphore_mem>>) src(%dma_wait3A_92 : memref<128x16xf32, #tpu.memory_space<hbm>>) dst(%arg10 : memref<128x16xf32, #tpu.memory_space<vmem>>)
        %dma_wait3A_93 = arith.constant 0 : i32
        %dma_wait3A_94 = arith.constant 0 : i32
        %dma_wait3A_95 = tpu.memref_slice %arg5[%dma_wait3A_93, %dma_wait3A_94] : memref<10240x128xf32, #tpu.memory_space<hbm>> -> memref<10240x128xf32, #tpu.memory_space<hbm>>
        tpu.wait_indirect_dma semaphore(%arg23 : memref<!tpu.dma_semaphore, #tpu.memory_space<semaphore_mem>>) src(%dma_wait3A_95 : memref<10240x128xf32, #tpu.memory_space<hbm>>) dst(%arg11 : memref<128x128xf32, #tpu.memory_space<vmem>>)
        %add3A_96 = arith.constant 2 : i32
        %add3A_97 = arith.addi %add3A_64, %add3A_96 : i32
        %lt3A_98 = arith.constant 79 : i32
        %lt3A_99 = arith.cmpi slt, %add3A_97, %lt3A_98 : i32
        %convert_element_type3A_100 = arith.extui %lt3A_99 : i1 to i32
        %cond3A_101 = arith.constant 0 : i32
        %cond3A_102 = arith.cmpi ne, %convert_element_type3A_100, %cond3A_101 : i32
        scf.if %cond3A_102 {
          %add3A_113 = arith.constant 2 : i32
          %add3A_114 = arith.addi %add3A_64, %add3A_113 : i32
          %mul3A_115 = arith.constant 32 : i32
          %mul3A_116 = arith.muli %mul3A_115, %add3A_114 : i32
          %add3A_117 = arith.addi %add3A, %mul3A_116 : i32
          %mul3A_118 = arith.constant 128 : i32
          %mul3A_119 = arith.muli %add3A_117, %mul3A_118 : i32
          %dma_start3A_120 = tpu.memref_slice %arg2[%mul3A_119] : memref<323584xi32, #tpu.memory_space<hbm>> -> memref<128xi32, #tpu.memory_space<hbm>>
          %dma_start3A_121 = tpu.memref_slice %arg2[%mul3A_119] : memref<323584xi32, #tpu.memory_space<hbm>> -> memref<128xi32, #tpu.memory_space<hbm>>
          tpu.enqueue_dma source(%dma_start3A_121 : memref<128xi32, #tpu.memory_space<hbm>>) target(%arg7 : memref<128xi32, #tpu.memory_space<vmem>>) target_semaphore(%arg19 : memref<!tpu.dma_semaphore, #tpu.memory_space<semaphore_mem>>)
          %dma_start3A_122 = tpu.memref_slice %arg3[%mul3A_119] : memref<323584xi32, #tpu.memory_space<hbm>> -> memref<128xi32, #tpu.memory_space<hbm>>
          %dma_start3A_123 = tpu.memref_slice %arg3[%mul3A_119] : memref<323584xi32, #tpu.memory_space<hbm>> -> memref<128xi32, #tpu.memory_space<hbm>>
          tpu.enqueue_dma source(%dma_start3A_123 : memref<128xi32, #tpu.memory_space<hbm>>) target(%arg8 : memref<128xi32, #tpu.memory_space<vmem>>) target_semaphore(%arg19 : memref<!tpu.dma_semaphore, #tpu.memory_space<semaphore_mem>>)
        } else {
        }
        %mul3A_103 = arith.constant 32 : i32
        %mul3A_104 = arith.muli %mul3A_103, %add3A_64 : i32
        %add3A_105 = arith.addi %add3A, %mul3A_104 : i32
        %mul3A_106 = arith.constant 128 : i32
        %mul3A_107 = arith.muli %add3A_105, %mul3A_106 : i32
        "tpu.region"() ({
          %run_scoped3A = tpu.sem_alloc : memref<!tpu.dma_semaphore, #tpu.memory_space<semaphore_mem>>
          %dma_start3A_113 = tpu.memref_slice %arg3[%mul3A_107] : memref<323584xi32, #tpu.memory_space<hbm>> -> memref<128xi32, #tpu.memory_space<hbm>>
          %dma_start3A_114 = tpu.memref_slice %arg3[%mul3A_107] : memref<323584xi32, #tpu.memory_space<hbm>> -> memref<128xi32, #tpu.memory_space<hbm>>
          tpu.enqueue_dma source(%dma_start3A_114 : memref<128xi32, #tpu.memory_space<hbm>>) target(%arg9 : memref<128xi32, #tpu.memory_space<vmem>>) target_semaphore(%run_scoped3A : memref<!tpu.dma_semaphore, #tpu.memory_space<semaphore_mem>>)
          %dma_wait3A_115 = tpu.memref_slice %arg3[%mul3A_107] : memref<323584xi32, #tpu.memory_space<hbm>> -> memref<128xi32, #tpu.memory_space<hbm>>
          %dma_wait3A_116 = tpu.memref_slice %arg3[%mul3A_107] : memref<323584xi32, #tpu.memory_space<hbm>> -> memref<128xi32, #tpu.memory_space<hbm>>
          tpu.wait_dma2 semaphore(%run_scoped3A : memref<!tpu.dma_semaphore, #tpu.memory_space<semaphore_mem>>) src(%dma_wait3A_116 : memref<128xi32, #tpu.memory_space<hbm>>) dst(%arg9 : memref<128xi32, #tpu.memory_space<vmem>>)
          tpu.yield
        }) : () -> ()
        %parallel_loop3A = arith.constant 0 : i32
        %parallel_loop3A_108 = arith.constant 128 : i32
        %parallel_loop3A_109 = arith.constant 1 : i32
        scf.for %parallel_loop3A_113 = %parallel_loop3A to %parallel_loop3A_108 step %parallel_loop3A_109  : i32 {
          %parallel_loop3A_114 = arith.index_cast %parallel_loop3A_113 : i32 to index
          %parallel_loop3A_115 = arith.constant 0 : index
          %parallel_loop3A_116 = tpu.vector_load %arg10[%parallel_loop3A_114, %parallel_loop3A_115] {strides = array<i32>} : memref<128x16xf32, #tpu.memory_space<vmem>>, vector<1x16xf32>,
          %parallel_loop3A_117 = vector.shape_cast %parallel_loop3A_116 : vector<1x16xf32> to vector<1x16xf32>
          %parallel_loop3A_118 = vector.extract_strided_slice %parallel_loop3A_117 {offsets = [0, 0], sizes = [1, 1], strides = [1, 1]} : vector<1x16xf32> to vector<1x1xf32>
          %parallel_loop3A_119 = vector.extract %parallel_loop3A_118[0, 0] : f32 from vector<1x1xf32>
          %parallel_loop3A_120 = vector.broadcast %parallel_loop3A_119 : f32 to vector<1x16xf32>
          %parallel_loop3A_121 = arith.index_cast %parallel_loop3A_113 : i32 to index
          %parallel_loop3A_122 = arith.constant 0 : index
          %parallel_loop3A_123 = tpu.vector_load %arg11[%parallel_loop3A_121, %parallel_loop3A_122] {strides = array<i32>} : memref<128x128xf32, #tpu.memory_space<vmem>>, vector<1x16xf32>,
          %parallel_loop3A_124 = vector.shape_cast %parallel_loop3A_123 : vector<1x16xf32> to vector<1x16xf32>
          %parallel_loop3A_125 = arith.mulf %parallel_loop3A_124, %parallel_loop3A_120 : vector<1x16xf32>
          %parallel_loop3A_126 = arith.index_cast %parallel_loop3A_113 : i32 to index
          %parallel_loop3A_127 = arith.constant 0 : index
          %parallel_loop3A_128 = tpu.vector_load %arg11[%parallel_loop3A_126, %parallel_loop3A_127] {strides = array<i32>} : memref<128x128xf32, #tpu.memory_space<vmem>>, vector<1x16xf32>,
          %parallel_loop3A_129 = vector.shape_cast %parallel_loop3A_128 : vector<1x16xf32> to vector<1x16xf32>
          %parallel_loop3A_130 = vector.shape_cast %parallel_loop3A_125 : vector<1x16xf32> to vector<1x16xf32>
          tpu.vector_store %arg11[%parallel_loop3A_126, %parallel_loop3A_127], %parallel_loop3A_130 {strides = array<i32>} : memref<128x128xf32, #tpu.memory_space<vmem>>, vector<1x16xf32>,
          %parallel_loop3A_131 = vector.extract_strided_slice %parallel_loop3A_117 {offsets = [0, 1], sizes = [1, 1], strides = [1, 1]} : vector<1x16xf32> to vector<1x1xf32>
          %parallel_loop3A_132 = vector.extract %parallel_loop3A_131[0, 0] : f32 from vector<1x1xf32>
          %parallel_loop3A_133 = vector.broadcast %parallel_loop3A_132 : f32 to vector<1x16xf32>
          %parallel_loop3A_134 = arith.index_cast %parallel_loop3A_113 : i32 to index
          %parallel_loop3A_135 = arith.constant 16 : index
          %parallel_loop3A_136 = tpu.vector_load %arg11[%parallel_loop3A_134, %parallel_loop3A_135] {strides = array<i32>} : memref<128x128xf32, #tpu.memory_space<vmem>>, vector<1x16xf32>,
          %parallel_loop3A_137 = vector.shape_cast %parallel_loop3A_136 : vector<1x16xf32> to vector<1x16xf32>
          %parallel_loop3A_138 = arith.mulf %parallel_loop3A_137, %parallel_loop3A_133 : vector<1x16xf32>
          %parallel_loop3A_139 = arith.index_cast %parallel_loop3A_113 : i32 to index
          %parallel_loop3A_140 = arith.constant 16 : index
          %parallel_loop3A_141 = tpu.vector_load %arg11[%parallel_loop3A_139, %parallel_loop3A_140] {strides = array<i32>} : memref<128x128xf32, #tpu.memory_space<vmem>>, vector<1x16xf32>,
          %parallel_loop3A_142 = vector.shape_cast %parallel_loop3A_141 : vector<1x16xf32> to vector<1x16xf32>
          %parallel_loop3A_143 = vector.shape_cast %parallel_loop3A_138 : vector<1x16xf32> to vector<1x16xf32>
          tpu.vector_store %arg11[%parallel_loop3A_139, %parallel_loop3A_140], %parallel_loop3A_143 {strides = array<i32>} : memref<128x128xf32, #tpu.memory_space<vmem>>, vector<1x16xf32>,
          %parallel_loop3A_144 = vector.extract_strided_slice %parallel_loop3A_117 {offsets = [0, 2], sizes = [1, 1], strides = [1, 1]} : vector<1x16xf32> to vector<1x1xf32>
          %parallel_loop3A_145 = vector.extract %parallel_loop3A_144[0, 0] : f32 from vector<1x1xf32>
          %parallel_loop3A_146 = vector.broadcast %parallel_loop3A_145 : f32 to vector<1x16xf32>
          %parallel_loop3A_147 = arith.index_cast %parallel_loop3A_113 : i32 to index
          %parallel_loop3A_148 = arith.constant 32 : index
          %parallel_loop3A_149 = tpu.vector_load %arg11[%parallel_loop3A_147, %parallel_loop3A_148] {strides = array<i32>} : memref<128x128xf32, #tpu.memory_space<vmem>>, vector<1x16xf32>,
          %parallel_loop3A_150 = vector.shape_cast %parallel_loop3A_149 : vector<1x16xf32> to vector<1x16xf32>
          %parallel_loop3A_151 = arith.mulf %parallel_loop3A_150, %parallel_loop3A_146 : vector<1x16xf32>
          %parallel_loop3A_152 = arith.index_cast %parallel_loop3A_113 : i32 to index
          %parallel_loop3A_153 = arith.constant 32 : index
          %parallel_loop3A_154 = tpu.vector_load %arg11[%parallel_loop3A_152, %parallel_loop3A_153] {strides = array<i32>} : memref<128x128xf32, #tpu.memory_space<vmem>>, vector<1x16xf32>,
          %parallel_loop3A_155 = vector.shape_cast %parallel_loop3A_154 : vector<1x16xf32> to vector<1x16xf32>
          %parallel_loop3A_156 = vector.shape_cast %parallel_loop3A_151 : vector<1x16xf32> to vector<1x16xf32>
          tpu.vector_store %arg11[%parallel_loop3A_152, %parallel_loop3A_153], %parallel_loop3A_156 {strides = array<i32>} : memref<128x128xf32, #tpu.memory_space<vmem>>, vector<1x16xf32>,
          %parallel_loop3A_157 = vector.extract_strided_slice %parallel_loop3A_117 {offsets = [0, 3], sizes = [1, 1], strides = [1, 1]} : vector<1x16xf32> to vector<1x1xf32>
          %parallel_loop3A_158 = vector.extract %parallel_loop3A_157[0, 0] : f32 from vector<1x1xf32>
          %parallel_loop3A_159 = vector.broadcast %parallel_loop3A_158 : f32 to vector<1x16xf32>
          %parallel_loop3A_160 = arith.index_cast %parallel_loop3A_113 : i32 to index
          %parallel_loop3A_161 = arith.constant 48 : index
          %parallel_loop3A_162 = tpu.vector_load %arg11[%parallel_loop3A_160, %parallel_loop3A_161] {strides = array<i32>} : memref<128x128xf32, #tpu.memory_space<vmem>>, vector<1x16xf32>,
          %parallel_loop3A_163 = vector.shape_cast %parallel_loop3A_162 : vector<1x16xf32> to vector<1x16xf32>
          %parallel_loop3A_164 = arith.mulf %parallel_loop3A_163, %parallel_loop3A_159 : vector<1x16xf32>
          %parallel_loop3A_165 = arith.index_cast %parallel_loop3A_113 : i32 to index
          %parallel_loop3A_166 = arith.constant 48 : index
          %parallel_loop3A_167 = tpu.vector_load %arg11[%parallel_loop3A_165, %parallel_loop3A_166] {strides = array<i32>} : memref<128x128xf32, #tpu.memory_space<vmem>>, vector<1x16xf32>,
          %parallel_loop3A_168 = vector.shape_cast %parallel_loop3A_167 : vector<1x16xf32> to vector<1x16xf32>
          %parallel_loop3A_169 = vector.shape_cast %parallel_loop3A_164 : vector<1x16xf32> to vector<1x16xf32>
          tpu.vector_store %arg11[%parallel_loop3A_165, %parallel_loop3A_166], %parallel_loop3A_169 {strides = array<i32>} : memref<128x128xf32, #tpu.memory_space<vmem>>, vector<1x16xf32>,
          %parallel_loop3A_170 = vector.extract_strided_slice %parallel_loop3A_117 {offsets = [0, 4], sizes = [1, 1], strides = [1, 1]} : vector<1x16xf32> to vector<1x1xf32>
          %parallel_loop3A_171 = vector.extract %parallel_loop3A_170[0, 0] : f32 from vector<1x1xf32>
          %parallel_loop3A_172 = vector.broadcast %parallel_loop3A_171 : f32 to vector<1x16xf32>
          %parallel_loop3A_173 = arith.index_cast %parallel_loop3A_113 : i32 to index
          %parallel_loop3A_174 = arith.constant 64 : index
          %parallel_loop3A_175 = tpu.vector_load %arg11[%parallel_loop3A_173, %parallel_loop3A_174] {strides = array<i32>} : memref<128x128xf32, #tpu.memory_space<vmem>>, vector<1x16xf32>,
          %parallel_loop3A_176 = vector.shape_cast %parallel_loop3A_175 : vector<1x16xf32> to vector<1x16xf32>
          %parallel_loop3A_177 = arith.mulf %parallel_loop3A_176, %parallel_loop3A_172 : vector<1x16xf32>
          %parallel_loop3A_178 = arith.index_cast %parallel_loop3A_113 : i32 to index
          %parallel_loop3A_179 = arith.constant 64 : index
          %parallel_loop3A_180 = tpu.vector_load %arg11[%parallel_loop3A_178, %parallel_loop3A_179] {strides = array<i32>} : memref<128x128xf32, #tpu.memory_space<vmem>>, vector<1x16xf32>,
          %parallel_loop3A_181 = vector.shape_cast %parallel_loop3A_180 : vector<1x16xf32> to vector<1x16xf32>
          %parallel_loop3A_182 = vector.shape_cast %parallel_loop3A_177 : vector<1x16xf32> to vector<1x16xf32>
          tpu.vector_store %arg11[%parallel_loop3A_178, %parallel_loop3A_179], %parallel_loop3A_182 {strides = array<i32>} : memref<128x128xf32, #tpu.memory_space<vmem>>, vector<1x16xf32>,
          %parallel_loop3A_183 = vector.extract_strided_slice %parallel_loop3A_117 {offsets = [0, 5], sizes = [1, 1], strides = [1, 1]} : vector<1x16xf32> to vector<1x1xf32>
          %parallel_loop3A_184 = vector.extract %parallel_loop3A_183[0, 0] : f32 from vector<1x1xf32>
          %parallel_loop3A_185 = vector.broadcast %parallel_loop3A_184 : f32 to vector<1x16xf32>
          %parallel_loop3A_186 = arith.index_cast %parallel_loop3A_113 : i32 to index
          %parallel_loop3A_187 = arith.constant 80 : index
          %parallel_loop3A_188 = tpu.vector_load %arg11[%parallel_loop3A_186, %parallel_loop3A_187] {strides = array<i32>} : memref<128x128xf32, #tpu.memory_space<vmem>>, vector<1x16xf32>,
          %parallel_loop3A_189 = vector.shape_cast %parallel_loop3A_188 : vector<1x16xf32> to vector<1x16xf32>
          %parallel_loop3A_190 = arith.mulf %parallel_loop3A_189, %parallel_loop3A_185 : vector<1x16xf32>
          %parallel_loop3A_191 = arith.index_cast %parallel_loop3A_113 : i32 to index
          %parallel_loop3A_192 = arith.constant 80 : index
          %parallel_loop3A_193 = tpu.vector_load %arg11[%parallel_loop3A_191, %parallel_loop3A_192] {strides = array<i32>} : memref<128x128xf32, #tpu.memory_space<vmem>>, vector<1x16xf32>,
          %parallel_loop3A_194 = vector.shape_cast %parallel_loop3A_193 : vector<1x16xf32> to vector<1x16xf32>
          %parallel_loop3A_195 = vector.shape_cast %parallel_loop3A_190 : vector<1x16xf32> to vector<1x16xf32>
          tpu.vector_store %arg11[%parallel_loop3A_191, %parallel_loop3A_192], %parallel_loop3A_195 {strides = array<i32>} : memref<128x128xf32, #tpu.memory_space<vmem>>, vector<1x16xf32>,
          %parallel_loop3A_196 = vector.extract_strided_slice %parallel_loop3A_117 {offsets = [0, 6], sizes = [1, 1], strides = [1, 1]} : vector<1x16xf32> to vector<1x1xf32>
          %parallel_loop3A_197 = vector.extract %parallel_loop3A_196[0, 0] : f32 from vector<1x1xf32>
          %parallel_loop3A_198 = vector.broadcast %parallel_loop3A_197 : f32 to vector<1x16xf32>
          %parallel_loop3A_199 = arith.index_cast %parallel_loop3A_113 : i32 to index
          %parallel_loop3A_200 = arith.constant 96 : index
          %parallel_loop3A_201 = tpu.vector_load %arg11[%parallel_loop3A_199, %parallel_loop3A_200] {strides = array<i32>} : memref<128x128xf32, #tpu.memory_space<vmem>>, vector<1x16xf32>,
          %parallel_loop3A_202 = vector.shape_cast %parallel_loop3A_201 : vector<1x16xf32> to vector<1x16xf32>
          %parallel_loop3A_203 = arith.mulf %parallel_loop3A_202, %parallel_loop3A_198 : vector<1x16xf32>
          %parallel_loop3A_204 = arith.index_cast %parallel_loop3A_113 : i32 to index
          %parallel_loop3A_205 = arith.constant 96 : index
          %parallel_loop3A_206 = tpu.vector_load %arg11[%parallel_loop3A_204, %parallel_loop3A_205] {strides = array<i32>} : memref<128x128xf32, #tpu.memory_space<vmem>>, vector<1x16xf32>,
          %parallel_loop3A_207 = vector.shape_cast %parallel_loop3A_206 : vector<1x16xf32> to vector<1x16xf32>
          %parallel_loop3A_208 = vector.shape_cast %parallel_loop3A_203 : vector<1x16xf32> to vector<1x16xf32>
          tpu.vector_store %arg11[%parallel_loop3A_204, %parallel_loop3A_205], %parallel_loop3A_208 {strides = array<i32>} : memref<128x128xf32, #tpu.memory_space<vmem>>, vector<1x16xf32>,
          %parallel_loop3A_209 = vector.extract_strided_slice %parallel_loop3A_117 {offsets = [0, 7], sizes = [1, 1], strides = [1, 1]} : vector<1x16xf32> to vector<1x1xf32>
          %parallel_loop3A_210 = vector.extract %parallel_loop3A_209[0, 0] : f32 from vector<1x1xf32>
          %parallel_loop3A_211 = vector.broadcast %parallel_loop3A_210 : f32 to vector<1x16xf32>
          %parallel_loop3A_212 = arith.index_cast %parallel_loop3A_113 : i32 to index
          %parallel_loop3A_213 = arith.constant 112 : index
          %parallel_loop3A_214 = tpu.vector_load %arg11[%parallel_loop3A_212, %parallel_loop3A_213] {strides = array<i32>} : memref<128x128xf32, #tpu.memory_space<vmem>>, vector<1x16xf32>,
          %parallel_loop3A_215 = vector.shape_cast %parallel_loop3A_214 : vector<1x16xf32> to vector<1x16xf32>
          %parallel_loop3A_216 = arith.mulf %parallel_loop3A_215, %parallel_loop3A_211 : vector<1x16xf32>
          %parallel_loop3A_217 = arith.index_cast %parallel_loop3A_113 : i32 to index
          %parallel_loop3A_218 = arith.constant 112 : index
          %parallel_loop3A_219 = tpu.vector_load %arg11[%parallel_loop3A_217, %parallel_loop3A_218] {strides = array<i32>} : memref<128x128xf32, #tpu.memory_space<vmem>>, vector<1x16xf32>,
          %parallel_loop3A_220 = vector.shape_cast %parallel_loop3A_219 : vector<1x16xf32> to vector<1x16xf32>
          %parallel_loop3A_221 = vector.shape_cast %parallel_loop3A_216 : vector<1x16xf32> to vector<1x16xf32>
          tpu.vector_store %arg11[%parallel_loop3A_217, %parallel_loop3A_218], %parallel_loop3A_221 {strides = array<i32>} : memref<128x128xf32, #tpu.memory_space<vmem>>, vector<1x16xf32>,
        } {sc.loop_unroll_factor = 4 : i64, sc.parallel_access}
        %dma_start3A_110 = arith.constant 0 : i32
        %dma_start3A_111 = arith.constant 0 : i32
        %dma_start3A_112 = tpu.memref_slice %arg18[%dma_start3A_110, %dma_start3A_111] : memref<10240x128xf32, #tpu.memory_space<vmem_shared>> -> memref<10240x128xf32, #tpu.memory_space<vmem_shared>>
        tpu.enqueue_indirect_dma source(%arg11 : memref<128x128xf32, #tpu.memory_space<vmem>>) target(%dma_start3A_112 : memref<10240x128xf32, #tpu.memory_space<vmem_shared>>) offsets(%arg9 : memref<128xi32, #tpu.memory_space<vmem>>) semaphore(%arg25 : memref<!tpu.dma_semaphore, #tpu.memory_space<semaphore_mem>>) {add = true}
      } else {
      }
      %mul3A_67 = arith.constant 2 : i32
      %mul3A_68 = arith.muli %add3A_60, %mul3A_67 : i32
      %add3A_69 = arith.constant 1 : i32
      %add3A_70 = arith.addi %mul3A_68, %add3A_69 : i32
      %lt3A_71 = arith.constant 79 : i32
      %lt3A_72 = arith.cmpi slt, %add3A_70, %lt3A_71 : i32
      %convert_element_type3A_73 = arith.extui %lt3A_72 : i1 to i32
      %cond3A_74 = arith.constant 0 : i32
      %cond3A_75 = arith.cmpi ne, %convert_element_type3A_73, %cond3A_74 : i32
      scf.if %cond3A_75 {
        %ge3A = arith.constant 1 : i32
        %ge3A_76 = arith.cmpi sge, %add3A_70, %ge3A : i32
        %convert_element_type3A_77 = arith.extui %ge3A_76 : i1 to i32
        %cond3A_78 = arith.constant 0 : i32
        %cond3A_79 = arith.cmpi ne, %convert_element_type3A_77, %cond3A_78 : i32
        scf.if %cond3A_79 {
          %dma_wait3A_113 = arith.constant 0 : i32
          %dma_wait3A_114 = arith.constant 0 : i32
          %dma_wait3A_115 = tpu.memref_slice %arg18[%dma_wait3A_113, %dma_wait3A_114] : memref<10240x128xf32, #tpu.memory_space<vmem_shared>> -> memref<10240x128xf32, #tpu.memory_space<vmem_shared>>
          tpu.wait_indirect_dma semaphore(%arg25 : memref<!tpu.dma_semaphore, #tpu.memory_space<semaphore_mem>>) src(%arg11 : memref<128x128xf32, #tpu.memory_space<vmem>>) dst(%dma_wait3A_115 : memref<10240x128xf32, #tpu.memory_space<vmem_shared>>)
        } else {
        }
        %add3A_80 = arith.constant 1 : i32
        %add3A_81 = arith.addi %add3A_70, %add3A_80 : i32
        %lt3A_82 = arith.constant 79 : i32
        %lt3A_83 = arith.cmpi slt, %add3A_81, %lt3A_82 : i32
        %convert_element_type3A_84 = arith.extui %lt3A_83 : i1 to i32
        %cond3A_85 = arith.constant 0 : i32
        %cond3A_86 = arith.cmpi ne, %convert_element_type3A_84, %cond3A_85 : i32
        scf.if %cond3A_86 {
          %dma_wait3A_113 = arith.constant 0 : i32
          %dma_wait3A_114 = tpu.memref_slice %arg2[%dma_wait3A_113] : memref<323584xi32, #tpu.memory_space<hbm>> -> memref<128xi32, #tpu.memory_space<hbm>>
          %dma_wait3A_115 = arith.constant 0 : i32
          %dma_wait3A_116 = tpu.memref_slice %arg2[%dma_wait3A_115] : memref<323584xi32, #tpu.memory_space<hbm>> -> memref<128xi32, #tpu.memory_space<hbm>>
          tpu.wait_dma2 semaphore(%arg19 : memref<!tpu.dma_semaphore, #tpu.memory_space<semaphore_mem>>) src(%dma_wait3A_116 : memref<128xi32, #tpu.memory_space<hbm>>) dst(%arg7 : memref<128xi32, #tpu.memory_space<vmem>>)
          %dma_wait3A_117 = arith.constant 0 : i32
          %dma_wait3A_118 = tpu.memref_slice %arg3[%dma_wait3A_117] : memref<323584xi32, #tpu.memory_space<hbm>> -> memref<128xi32, #tpu.memory_space<hbm>>
          %dma_wait3A_119 = arith.constant 0 : i32
          %dma_wait3A_120 = tpu.memref_slice %arg3[%dma_wait3A_119] : memref<323584xi32, #tpu.memory_space<hbm>> -> memref<128xi32, #tpu.memory_space<hbm>>
          tpu.wait_dma2 semaphore(%arg19 : memref<!tpu.dma_semaphore, #tpu.memory_space<semaphore_mem>>) src(%dma_wait3A_120 : memref<128xi32, #tpu.memory_space<hbm>>) dst(%arg8 : memref<128xi32, #tpu.memory_space<vmem>>)
          %add3A_121 = arith.constant 1 : i32
          %add3A_122 = arith.addi %add3A_70, %add3A_121 : i32
          %mul3A_123 = arith.constant 32 : i32
          %mul3A_124 = arith.muli %mul3A_123, %add3A_122 : i32
          %add3A_125 = arith.addi %add3A, %mul3A_124 : i32
          %mul3A_126 = arith.constant 128 : i32
          %mul3A_127 = arith.muli %add3A_125, %mul3A_126 : i32
          %dma_start3A_128 = arith.constant 0 : i32
          %dma_start3A_129 = tpu.memref_slice %arg4[%mul3A_127, %dma_start3A_128] : memref<323584x16xf32, #tpu.memory_space<hbm>> -> memref<128x16xf32, #tpu.memory_space<hbm>>
          %dma_start3A_130 = arith.constant 0 : i32
          %dma_start3A_131 = tpu.memref_slice %arg4[%mul3A_127, %dma_start3A_130] : memref<323584x16xf32, #tpu.memory_space<hbm>> -> memref<128x16xf32, #tpu.memory_space<hbm>>
          tpu.enqueue_dma source(%dma_start3A_131 : memref<128x16xf32, #tpu.memory_space<hbm>>) target(%arg10 : memref<128x16xf32, #tpu.memory_space<vmem>>) target_semaphore(%arg21 : memref<!tpu.dma_semaphore, #tpu.memory_space<semaphore_mem>>)
          %dma_start3A_132 = arith.constant 0 : i32
          %dma_start3A_133 = arith.constant 0 : i32
          %dma_start3A_134 = tpu.memref_slice %arg5[%dma_start3A_132, %dma_start3A_133] : memref<10240x128xf32, #tpu.memory_space<hbm>> -> memref<10240x128xf32, #tpu.memory_space<hbm>>
          tpu.enqueue_indirect_dma source(%dma_start3A_134 : memref<10240x128xf32, #tpu.memory_space<hbm>>) target(%arg11 : memref<128x128xf32, #tpu.memory_space<vmem>>) offsets(%arg7 : memref<128xi32, #tpu.memory_space<vmem>>) semaphore(%arg23 : memref<!tpu.dma_semaphore, #tpu.memory_space<semaphore_mem>>)
        } else {
        }
        %dma_wait3A_87 = arith.constant 0 : i32
        %dma_wait3A_88 = arith.constant 0 : i32
        %dma_wait3A_89 = tpu.memref_slice %arg4[%dma_wait3A_87, %dma_wait3A_88] : memref<323584x16xf32, #tpu.memory_space<hbm>> -> memref<128x16xf32, #tpu.memory_space<hbm>>
        %dma_wait3A_90 = arith.constant 0 : i32
        %dma_wait3A_91 = arith.constant 0 : i32
        %dma_wait3A_92 = tpu.memref_slice %arg4[%dma_wait3A_90, %dma_wait3A_91] : memref<323584x16xf32, #tpu.memory_space<hbm>> -> memref<128x16xf32, #tpu.memory_space<hbm>>
        tpu.wait_dma2 semaphore(%arg22 : memref<!tpu.dma_semaphore, #tpu.memory_space<semaphore_mem>>) src(%dma_wait3A_92 : memref<128x16xf32, #tpu.memory_space<hbm>>) dst(%arg15 : memref<128x16xf32, #tpu.memory_space<vmem>>)
        %dma_wait3A_93 = arith.constant 0 : i32
        %dma_wait3A_94 = arith.constant 0 : i32
        %dma_wait3A_95 = tpu.memref_slice %arg5[%dma_wait3A_93, %dma_wait3A_94] : memref<10240x128xf32, #tpu.memory_space<hbm>> -> memref<10240x128xf32, #tpu.memory_space<hbm>>
        tpu.wait_indirect_dma semaphore(%arg24 : memref<!tpu.dma_semaphore, #tpu.memory_space<semaphore_mem>>) src(%dma_wait3A_95 : memref<10240x128xf32, #tpu.memory_space<hbm>>) dst(%arg16 : memref<128x128xf32, #tpu.memory_space<vmem>>)
        %add3A_96 = arith.constant 2 : i32
        %add3A_97 = arith.addi %add3A_70, %add3A_96 : i32
        %lt3A_98 = arith.constant 79 : i32
        %lt3A_99 = arith.cmpi slt, %add3A_97, %lt3A_98 : i32
        %convert_element_type3A_100 = arith.extui %lt3A_99 : i1 to i32
        %cond3A_101 = arith.constant 0 : i32
        %cond3A_102 = arith.cmpi ne, %convert_element_type3A_100, %cond3A_101 : i32
        scf.if %cond3A_102 {
          %add3A_113 = arith.constant 2 : i32
          %add3A_114 = arith.addi %add3A_70, %add3A_113 : i32
          %mul3A_115 = arith.constant 32 : i32
          %mul3A_116 = arith.muli %mul3A_115, %add3A_114 : i32
          %add3A_117 = arith.addi %add3A, %mul3A_116 : i32
          %mul3A_118 = arith.constant 128 : i32
          %mul3A_119 = arith.muli %add3A_117, %mul3A_118 : i32
          %dma_start3A_120 = tpu.memref_slice %arg2[%mul3A_119] : memref<323584xi32, #tpu.memory_space<hbm>> -> memref<128xi32, #tpu.memory_space<hbm>>
          %dma_start3A_121 = tpu.memref_slice %arg2[%mul3A_119] : memref<323584xi32, #tpu.memory_space<hbm>> -> memref<128xi32, #tpu.memory_space<hbm>>
          tpu.enqueue_dma source(%dma_start3A_121 : memref<128xi32, #tpu.memory_space<hbm>>) target(%arg12 : memref<128xi32, #tpu.memory_space<vmem>>) target_semaphore(%arg20 : memref<!tpu.dma_semaphore, #tpu.memory_space<semaphore_mem>>)
          %dma_start3A_122 = tpu.memref_slice %arg3[%mul3A_119] : memref<323584xi32, #tpu.memory_space<hbm>> -> memref<128xi32, #tpu.memory_space<hbm>>
          %dma_start3A_123 = tpu.memref_slice %arg3[%mul3A_119] : memref<323584xi32, #tpu.memory_space<hbm>> -> memref<128xi32, #tpu.memory_space<hbm>>
          tpu.enqueue_dma source(%dma_start3A_123 : memref<128xi32, #tpu.memory_space<hbm>>) target(%arg13 : memref<128xi32, #tpu.memory_space<vmem>>) target_semaphore(%arg20 : memref<!tpu.dma_semaphore, #tpu.memory_space<semaphore_mem>>)
        } else {
        }
        %mul3A_103 = arith.constant 32 : i32
        %mul3A_104 = arith.muli %mul3A_103, %add3A_70 : i32
        %add3A_105 = arith.addi %add3A, %mul3A_104 : i32
        %mul3A_106 = arith.constant 128 : i32
        %mul3A_107 = arith.muli %add3A_105, %mul3A_106 : i32
        "tpu.region"() ({
          %run_scoped3A = tpu.sem_alloc : memref<!tpu.dma_semaphore, #tpu.memory_space<semaphore_mem>>
          %dma_start3A_113 = tpu.memref_slice %arg3[%mul3A_107] : memref<323584xi32, #tpu.memory_space<hbm>> -> memref<128xi32, #tpu.memory_space<hbm>>
          %dma_start3A_114 = tpu.memref_slice %arg3[%mul3A_107] : memref<323584xi32, #tpu.memory_space<hbm>> -> memref<128xi32, #tpu.memory_space<hbm>>
          tpu.enqueue_dma source(%dma_start3A_114 : memref<128xi32, #tpu.memory_space<hbm>>) target(%arg14 : memref<128xi32, #tpu.memory_space<vmem>>) target_semaphore(%run_scoped3A : memref<!tpu.dma_semaphore, #tpu.memory_space<semaphore_mem>>)
          %dma_wait3A_115 = tpu.memref_slice %arg3[%mul3A_107] : memref<323584xi32, #tpu.memory_space<hbm>> -> memref<128xi32, #tpu.memory_space<hbm>>
          %dma_wait3A_116 = tpu.memref_slice %arg3[%mul3A_107] : memref<323584xi32, #tpu.memory_space<hbm>> -> memref<128xi32, #tpu.memory_space<hbm>>
          tpu.wait_dma2 semaphore(%run_scoped3A : memref<!tpu.dma_semaphore, #tpu.memory_space<semaphore_mem>>) src(%dma_wait3A_116 : memref<128xi32, #tpu.memory_space<hbm>>) dst(%arg14 : memref<128xi32, #tpu.memory_space<vmem>>)
          tpu.yield
        }) : () -> ()
        %parallel_loop3A = arith.constant 0 : i32
        %parallel_loop3A_108 = arith.constant 128 : i32
        %parallel_loop3A_109 = arith.constant 1 : i32
        scf.for %parallel_loop3A_113 = %parallel_loop3A to %parallel_loop3A_108 step %parallel_loop3A_109  : i32 {
          %parallel_loop3A_114 = arith.index_cast %parallel_loop3A_113 : i32 to index
          %parallel_loop3A_115 = arith.constant 0 : index
          %parallel_loop3A_116 = tpu.vector_load %arg15[%parallel_loop3A_114, %parallel_loop3A_115] {strides = array<i32>} : memref<128x16xf32, #tpu.memory_space<vmem>>, vector<1x16xf32>,
          %parallel_loop3A_117 = vector.shape_cast %parallel_loop3A_116 : vector<1x16xf32> to vector<1x16xf32>
          %parallel_loop3A_118 = vector.extract_strided_slice %parallel_loop3A_117 {offsets = [0, 0], sizes = [1, 1], strides = [1, 1]} : vector<1x16xf32> to vector<1x1xf32>
          %parallel_loop3A_119 = vector.extract %parallel_loop3A_118[0, 0] : f32 from vector<1x1xf32>
          %parallel_loop3A_120 = vector.broadcast %parallel_loop3A_119 : f32 to vector<1x16xf32>
          %parallel_loop3A_121 = arith.index_cast %parallel_loop3A_113 : i32 to index
          %parallel_loop3A_122 = arith.constant 0 : index
          %parallel_loop3A_123 = tpu.vector_load %arg16[%parallel_loop3A_121, %parallel_loop3A_122] {strides = array<i32>} : memref<128x128xf32, #tpu.memory_space<vmem>>, vector<1x16xf32>,
          %parallel_loop3A_124 = vector.shape_cast %parallel_loop3A_123 : vector<1x16xf32> to vector<1x16xf32>
          %parallel_loop3A_125 = arith.mulf %parallel_loop3A_124, %parallel_loop3A_120 : vector<1x16xf32>
          %parallel_loop3A_126 = arith.index_cast %parallel_loop3A_113 : i32 to index
          %parallel_loop3A_127 = arith.constant 0 : index
          %parallel_loop3A_128 = tpu.vector_load %arg16[%parallel_loop3A_126, %parallel_loop3A_127] {strides = array<i32>} : memref<128x128xf32, #tpu.memory_space<vmem>>, vector<1x16xf32>,
          %parallel_loop3A_129 = vector.shape_cast %parallel_loop3A_128 : vector<1x16xf32> to vector<1x16xf32>
          %parallel_loop3A_130 = vector.shape_cast %parallel_loop3A_125 : vector<1x16xf32> to vector<1x16xf32>
          tpu.vector_store %arg16[%parallel_loop3A_126, %parallel_loop3A_127], %parallel_loop3A_130 {strides = array<i32>} : memref<128x128xf32, #tpu.memory_space<vmem>>, vector<1x16xf32>,
          %parallel_loop3A_131 = vector.extract_strided_slice %parallel_loop3A_117 {offsets = [0, 1], sizes = [1, 1], strides = [1, 1]} : vector<1x16xf32> to vector<1x1xf32>
          %parallel_loop3A_132 = vector.extract %parallel_loop3A_131[0, 0] : f32 from vector<1x1xf32>
          %parallel_loop3A_133 = vector.broadcast %parallel_loop3A_132 : f32 to vector<1x16xf32>
          %parallel_loop3A_134 = arith.index_cast %parallel_loop3A_113 : i32 to index
          %parallel_loop3A_135 = arith.constant 16 : index
          %parallel_loop3A_136 = tpu.vector_load %arg16[%parallel_loop3A_134, %parallel_loop3A_135] {strides = array<i32>} : memref<128x128xf32, #tpu.memory_space<vmem>>, vector<1x16xf32>,
          %parallel_loop3A_137 = vector.shape_cast %parallel_loop3A_136 : vector<1x16xf32> to vector<1x16xf32>
          %parallel_loop3A_138 = arith.mulf %parallel_loop3A_137, %parallel_loop3A_133 : vector<1x16xf32>
          %parallel_loop3A_139 = arith.index_cast %parallel_loop3A_113 : i32 to index
          %parallel_loop3A_140 = arith.constant 16 : index
          %parallel_loop3A_141 = tpu.vector_load %arg16[%parallel_loop3A_139, %parallel_loop3A_140] {strides = array<i32>} : memref<128x128xf32, #tpu.memory_space<vmem>>, vector<1x16xf32>,
          %parallel_loop3A_142 = vector.shape_cast %parallel_loop3A_141 : vector<1x16xf32> to vector<1x16xf32>
          %parallel_loop3A_143 = vector.shape_cast %parallel_loop3A_138 : vector<1x16xf32> to vector<1x16xf32>
          tpu.vector_store %arg16[%parallel_loop3A_139, %parallel_loop3A_140], %parallel_loop3A_143 {strides = array<i32>} : memref<128x128xf32, #tpu.memory_space<vmem>>, vector<1x16xf32>,
          %parallel_loop3A_144 = vector.extract_strided_slice %parallel_loop3A_117 {offsets = [0, 2], sizes = [1, 1], strides = [1, 1]} : vector<1x16xf32> to vector<1x1xf32>
          %parallel_loop3A_145 = vector.extract %parallel_loop3A_144[0, 0] : f32 from vector<1x1xf32>
          %parallel_loop3A_146 = vector.broadcast %parallel_loop3A_145 : f32 to vector<1x16xf32>
          %parallel_loop3A_147 = arith.index_cast %parallel_loop3A_113 : i32 to index
          %parallel_loop3A_148 = arith.constant 32 : index
          %parallel_loop3A_149 = tpu.vector_load %arg16[%parallel_loop3A_147, %parallel_loop3A_148] {strides = array<i32>} : memref<128x128xf32, #tpu.memory_space<vmem>>, vector<1x16xf32>,
          %parallel_loop3A_150 = vector.shape_cast %parallel_loop3A_149 : vector<1x16xf32> to vector<1x16xf32>
          %parallel_loop3A_151 = arith.mulf %parallel_loop3A_150, %parallel_loop3A_146 : vector<1x16xf32>
          %parallel_loop3A_152 = arith.index_cast %parallel_loop3A_113 : i32 to index
          %parallel_loop3A_153 = arith.constant 32 : index
          %parallel_loop3A_154 = tpu.vector_load %arg16[%parallel_loop3A_152, %parallel_loop3A_153] {strides = array<i32>} : memref<128x128xf32, #tpu.memory_space<vmem>>, vector<1x16xf32>,
          %parallel_loop3A_155 = vector.shape_cast %parallel_loop3A_154 : vector<1x16xf32> to vector<1x16xf32>
          %parallel_loop3A_156 = vector.shape_cast %parallel_loop3A_151 : vector<1x16xf32> to vector<1x16xf32>
          tpu.vector_store %arg16[%parallel_loop3A_152, %parallel_loop3A_153], %parallel_loop3A_156 {strides = array<i32>} : memref<128x128xf32, #tpu.memory_space<vmem>>, vector<1x16xf32>,
          %parallel_loop3A_157 = vector.extract_strided_slice %parallel_loop3A_117 {offsets = [0, 3], sizes = [1, 1], strides = [1, 1]} : vector<1x16xf32> to vector<1x1xf32>
          %parallel_loop3A_158 = vector.extract %parallel_loop3A_157[0, 0] : f32 from vector<1x1xf32>
          %parallel_loop3A_159 = vector.broadcast %parallel_loop3A_158 : f32 to vector<1x16xf32>
          %parallel_loop3A_160 = arith.index_cast %parallel_loop3A_113 : i32 to index
          %parallel_loop3A_161 = arith.constant 48 : index
          %parallel_loop3A_162 = tpu.vector_load %arg16[%parallel_loop3A_160, %parallel_loop3A_161] {strides = array<i32>} : memref<128x128xf32, #tpu.memory_space<vmem>>, vector<1x16xf32>,
          %parallel_loop3A_163 = vector.shape_cast %parallel_loop3A_162 : vector<1x16xf32> to vector<1x16xf32>
          %parallel_loop3A_164 = arith.mulf %parallel_loop3A_163, %parallel_loop3A_159 : vector<1x16xf32>
          %parallel_loop3A_165 = arith.index_cast %parallel_loop3A_113 : i32 to index
          %parallel_loop3A_166 = arith.constant 48 : index
          %parallel_loop3A_167 = tpu.vector_load %arg16[%parallel_loop3A_165, %parallel_loop3A_166] {strides = array<i32>} : memref<128x128xf32, #tpu.memory_space<vmem>>, vector<1x16xf32>,
          %parallel_loop3A_168 = vector.shape_cast %parallel_loop3A_167 : vector<1x16xf32> to vector<1x16xf32>
          %parallel_loop3A_169 = vector.shape_cast %parallel_loop3A_164 : vector<1x16xf32> to vector<1x16xf32>
          tpu.vector_store %arg16[%parallel_loop3A_165, %parallel_loop3A_166], %parallel_loop3A_169 {strides = array<i32>} : memref<128x128xf32, #tpu.memory_space<vmem>>, vector<1x16xf32>,
          %parallel_loop3A_170 = vector.extract_strided_slice %parallel_loop3A_117 {offsets = [0, 4], sizes = [1, 1], strides = [1, 1]} : vector<1x16xf32> to vector<1x1xf32>
          %parallel_loop3A_171 = vector.extract %parallel_loop3A_170[0, 0] : f32 from vector<1x1xf32>
          %parallel_loop3A_172 = vector.broadcast %parallel_loop3A_171 : f32 to vector<1x16xf32>
          %parallel_loop3A_173 = arith.index_cast %parallel_loop3A_113 : i32 to index
          %parallel_loop3A_174 = arith.constant 64 : index
          %parallel_loop3A_175 = tpu.vector_load %arg16[%parallel_loop3A_173, %parallel_loop3A_174] {strides = array<i32>} : memref<128x128xf32, #tpu.memory_space<vmem>>, vector<1x16xf32>,
          %parallel_loop3A_176 = vector.shape_cast %parallel_loop3A_175 : vector<1x16xf32> to vector<1x16xf32>
          %parallel_loop3A_177 = arith.mulf %parallel_loop3A_176, %parallel_loop3A_172 : vector<1x16xf32>
          %parallel_loop3A_178 = arith.index_cast %parallel_loop3A_113 : i32 to index
          %parallel_loop3A_179 = arith.constant 64 : index
          %parallel_loop3A_180 = tpu.vector_load %arg16[%parallel_loop3A_178, %parallel_loop3A_179] {strides = array<i32>} : memref<128x128xf32, #tpu.memory_space<vmem>>, vector<1x16xf32>,
          %parallel_loop3A_181 = vector.shape_cast %parallel_loop3A_180 : vector<1x16xf32> to vector<1x16xf32>
          %parallel_loop3A_182 = vector.shape_cast %parallel_loop3A_177 : vector<1x16xf32> to vector<1x16xf32>
          tpu.vector_store %arg16[%parallel_loop3A_178, %parallel_loop3A_179], %parallel_loop3A_182 {strides = array<i32>} : memref<128x128xf32, #tpu.memory_space<vmem>>, vector<1x16xf32>,
          %parallel_loop3A_183 = vector.extract_strided_slice %parallel_loop3A_117 {offsets = [0, 5], sizes = [1, 1], strides = [1, 1]} : vector<1x16xf32> to vector<1x1xf32>
          %parallel_loop3A_184 = vector.extract %parallel_loop3A_183[0, 0] : f32 from vector<1x1xf32>
          %parallel_loop3A_185 = vector.broadcast %parallel_loop3A_184 : f32 to vector<1x16xf32>
          %parallel_loop3A_186 = arith.index_cast %parallel_loop3A_113 : i32 to index
          %parallel_loop3A_187 = arith.constant 80 : index
          %parallel_loop3A_188 = tpu.vector_load %arg16[%parallel_loop3A_186, %parallel_loop3A_187] {strides = array<i32>} : memref<128x128xf32, #tpu.memory_space<vmem>>, vector<1x16xf32>,
          %parallel_loop3A_189 = vector.shape_cast %parallel_loop3A_188 : vector<1x16xf32> to vector<1x16xf32>
          %parallel_loop3A_190 = arith.mulf %parallel_loop3A_189, %parallel_loop3A_185 : vector<1x16xf32>
          %parallel_loop3A_191 = arith.index_cast %parallel_loop3A_113 : i32 to index
          %parallel_loop3A_192 = arith.constant 80 : index
          %parallel_loop3A_193 = tpu.vector_load %arg16[%parallel_loop3A_191, %parallel_loop3A_192] {strides = array<i32>} : memref<128x128xf32, #tpu.memory_space<vmem>>, vector<1x16xf32>,
          %parallel_loop3A_194 = vector.shape_cast %parallel_loop3A_193 : vector<1x16xf32> to vector<1x16xf32>
          %parallel_loop3A_195 = vector.shape_cast %parallel_loop3A_190 : vector<1x16xf32> to vector<1x16xf32>
          tpu.vector_store %arg16[%parallel_loop3A_191, %parallel_loop3A_192], %parallel_loop3A_195 {strides = array<i32>} : memref<128x128xf32, #tpu.memory_space<vmem>>, vector<1x16xf32>,
          %parallel_loop3A_196 = vector.extract_strided_slice %parallel_loop3A_117 {offsets = [0, 6], sizes = [1, 1], strides = [1, 1]} : vector<1x16xf32> to vector<1x1xf32>
          %parallel_loop3A_197 = vector.extract %parallel_loop3A_196[0, 0] : f32 from vector<1x1xf32>
          %parallel_loop3A_198 = vector.broadcast %parallel_loop3A_197 : f32 to vector<1x16xf32>
          %parallel_loop3A_199 = arith.index_cast %parallel_loop3A_113 : i32 to index
          %parallel_loop3A_200 = arith.constant 96 : index
          %parallel_loop3A_201 = tpu.vector_load %arg16[%parallel_loop3A_199, %parallel_loop3A_200] {strides = array<i32>} : memref<128x128xf32, #tpu.memory_space<vmem>>, vector<1x16xf32>,
          %parallel_loop3A_202 = vector.shape_cast %parallel_loop3A_201 : vector<1x16xf32> to vector<1x16xf32>
          %parallel_loop3A_203 = arith.mulf %parallel_loop3A_202, %parallel_loop3A_198 : vector<1x16xf32>
          %parallel_loop3A_204 = arith.index_cast %parallel_loop3A_113 : i32 to index
          %parallel_loop3A_205 = arith.constant 96 : index
          %parallel_loop3A_206 = tpu.vector_load %arg16[%parallel_loop3A_204, %parallel_loop3A_205] {strides = array<i32>} : memref<128x128xf32, #tpu.memory_space<vmem>>, vector<1x16xf32>,
          %parallel_loop3A_207 = vector.shape_cast %parallel_loop3A_206 : vector<1x16xf32> to vector<1x16xf32>
          %parallel_loop3A_208 = vector.shape_cast %parallel_loop3A_203 : vector<1x16xf32> to vector<1x16xf32>
          tpu.vector_store %arg16[%parallel_loop3A_204, %parallel_loop3A_205], %parallel_loop3A_208 {strides = array<i32>} : memref<128x128xf32, #tpu.memory_space<vmem>>, vector<1x16xf32>,
          %parallel_loop3A_209 = vector.extract_strided_slice %parallel_loop3A_117 {offsets = [0, 7], sizes = [1, 1], strides = [1, 1]} : vector<1x16xf32> to vector<1x1xf32>
          %parallel_loop3A_210 = vector.extract %parallel_loop3A_209[0, 0] : f32 from vector<1x1xf32>
          %parallel_loop3A_211 = vector.broadcast %parallel_loop3A_210 : f32 to vector<1x16xf32>
          %parallel_loop3A_212 = arith.index_cast %parallel_loop3A_113 : i32 to index
          %parallel_loop3A_213 = arith.constant 112 : index
          %parallel_loop3A_214 = tpu.vector_load %arg16[%parallel_loop3A_212, %parallel_loop3A_213] {strides = array<i32>} : memref<128x128xf32, #tpu.memory_space<vmem>>, vector<1x16xf32>,
          %parallel_loop3A_215 = vector.shape_cast %parallel_loop3A_214 : vector<1x16xf32> to vector<1x16xf32>
          %parallel_loop3A_216 = arith.mulf %parallel_loop3A_215, %parallel_loop3A_211 : vector<1x16xf32>
          %parallel_loop3A_217 = arith.index_cast %parallel_loop3A_113 : i32 to index
          %parallel_loop3A_218 = arith.constant 112 : index
          %parallel_loop3A_219 = tpu.vector_load %arg16[%parallel_loop3A_217, %parallel_loop3A_218] {strides = array<i32>} : memref<128x128xf32, #tpu.memory_space<vmem>>, vector<1x16xf32>,
          %parallel_loop3A_220 = vector.shape_cast %parallel_loop3A_219 : vector<1x16xf32> to vector<1x16xf32>
          %parallel_loop3A_221 = vector.shape_cast %parallel_loop3A_216 : vector<1x16xf32> to vector<1x16xf32>
          tpu.vector_store %arg16[%parallel_loop3A_217, %parallel_loop3A_218], %parallel_loop3A_221 {strides = array<i32>} : memref<128x128xf32, #tpu.memory_space<vmem>>, vector<1x16xf32>,
        } {sc.loop_unroll_factor = 4 : i64, sc.parallel_access}
        %dma_start3A_110 = arith.constant 0 : i32
        %dma_start3A_111 = arith.constant 0 : i32
        %dma_start3A_112 = tpu.memref_slice %arg18[%dma_start3A_110, %dma_start3A_111] : memref<10240x128xf32, #tpu.memory_space<vmem_shared>> -> memref<10240x128xf32, #tpu.memory_space<vmem_shared>>
        tpu.enqueue_indirect_dma source(%arg16 : memref<128x128xf32, #tpu.memory_space<vmem>>) target(%dma_start3A_112 : memref<10240x128xf32, #tpu.memory_space<vmem_shared>>) offsets(%arg14 : memref<128xi32, #tpu.memory_space<vmem>>) semaphore(%arg26 : memref<!tpu.dma_semaphore, #tpu.memory_space<semaphore_mem>>) {add = true}
      } else {
      }
    }
    %scan3A_47 = arith.constant 40 : i32
    %dma_wait3A_48 = arith.constant 0 : i32
    %dma_wait3A_49 = arith.constant 0 : i32
    %dma_wait3A_50 = tpu.memref_slice %arg18[%dma_wait3A_48, %dma_wait3A_49] : memref<10240x128xf32, #tpu.memory_space<vmem_shared>> -> memref<10240x128xf32, #tpu.memory_space<vmem_shared>>
    tpu.wait_indirect_dma semaphore(%arg25 : memref<!tpu.dma_semaphore, #tpu.memory_space<semaphore_mem>>) src(%arg11 : memref<128x128xf32, #tpu.memory_space<vmem>>) dst(%dma_wait3A_50 : memref<10240x128xf32, #tpu.memory_space<vmem_shared>>)
    %barrier3A_51 = arith.constant 0 : index
    tpu.barrier barrier_id(%barrier3A_51)
    %mul3A_52 = arith.constant 640 : i32
    %mul3A_53 = arith.muli %arg1, %mul3A_52 : i32
    %mul3A_54 = arith.constant 640 : i32
    %mul3A_55 = arith.muli %arg1, %mul3A_54 : i32
    "tpu.region"() ({
      %run_scoped3A = tpu.sem_alloc : memref<!tpu.dma_semaphore, #tpu.memory_space<semaphore_mem>>
      %dma_start3A_56 = arith.constant 0 : i32
      %dma_start3A_57 = tpu.memref_slice %arg6[%arg0, %mul3A_55, %dma_start3A_56] : memref<2x10240x128xf32, #tpu.memory_space<hbm>> -> memref<1x640x128xf32, #tpu.memory_space<hbm>>
      %dma_start3A_58 = tpu.memref_squeeze %dma_start3A_57 : memref<1x640x128xf32, #tpu.memory_space<hbm>> -> memref<640x128xf32, #tpu.memory_space<hbm>>
      %dma_start3A_59 = arith.constant 0 : i32
      %dma_start3A_60 = tpu.memref_slice %arg18[%mul3A_53, %dma_start3A_59] : memref<10240x128xf32, #tpu.memory_space<vmem_shared>> -> memref<640x128xf32, #tpu.memory_space<vmem_shared>>
      tpu.enqueue_dma source(%dma_start3A_60 : memref<640x128xf32, #tpu.memory_space<vmem_shared>>) target(%dma_start3A_58 : memref<640x128xf32, #tpu.memory_space<hbm>>) target_semaphore(%run_scoped3A : memref<!tpu.dma_semaphore, #tpu.memory_space<semaphore_mem>>)
      %dma_wait3A_61 = arith.constant 0 : i32
      %dma_wait3A_62 = tpu.memref_slice %arg6[%arg0, %mul3A_55, %dma_wait3A_61] : memref<2x10240x128xf32, #tpu.memory_space<hbm>> -> memref<1x640x128xf32, #tpu.memory_space<hbm>>
      %dma_wait3A_63 = tpu.memref_squeeze %dma_wait3A_62 : memref<1x640x128xf32, #tpu.memory_space<hbm>> -> memref<640x128xf32, #tpu.memory_space<hbm>>
      %dma_wait3A_64 = arith.constant 0 : i32
      %dma_wait3A_65 = tpu.memref_slice %arg18[%mul3A_53, %dma_wait3A_64] : memref<10240x128xf32, #tpu.memory_space<vmem_shared>> -> memref<640x128xf32, #tpu.memory_space<vmem_shared>>
      tpu.wait_dma2 semaphore(%run_scoped3A : memref<!tpu.dma_semaphore, #tpu.memory_space<semaphore_mem>>) src(%dma_wait3A_65 : memref<640x128xf32, #tpu.memory_space<vmem_shared>>) dst(%dma_wait3A_63 : memref<640x128xf32, #tpu.memory_space<hbm>>)
      tpu.yield
    }) : () -> ()
    return
  }
}

module attributes {stable_mosaic.version = 14 : i64} {
  func.func @body(%arg0: memref<10240x128xf32, #tpu.memory_space<vmem>>, %arg1: memref<128x128xf32, #tpu.memory_space<vmem>>, %arg2: memref<128x16xf32, #tpu.memory_space<vmem>>, %arg3: memref<128x16xf32, #tpu.memory_space<vmem>>, %arg4: memref<10240x128xf32, #tpu.memory_space<vmem>>, %arg5: memref<10240x16xf32, #tpu.memory_space<vmem>>, %arg6: memref<10240x16xf32, #tpu.memory_space<vmem>>) attributes {dimension_semantics = [], scalar_prefetch = 0 : i64, scratch_operands = 0 : i64, tpu.core_type = #tpu.core_type<tc>} {
    %get3A = arith.constant 0 : index
    %get3A_0 = arith.constant 0 : index
    %get3A_1 = vector.load %arg0[%get3A, %get3A_0] : memref<10240x128xf32, #tpu.memory_space<vmem>>, vector<10240x128xf32>
    %get3A_2 = arith.constant 0 : index
    %get3A_3 = arith.constant 0 : index
    %get3A_4 = vector.load %arg1[%get3A_2, %get3A_3] : memref<128x128xf32, #tpu.memory_space<vmem>>, vector<128x128xf32>
    %dot_general3A = arith.constant dense<0.000000e+00> : vector<10240x128xf32>
    %dot_general3A_5 = tpu.matmul %get3A_1, %get3A_4, %dot_general3A {dimension_numbers = #tpu.dot_dimension_numbers<[1], [0], [0], [1], [0, 0, 1, 1], [], []>, transpose_lhs_hint = false} : vector<10240x128xf32>, vector<128x128xf32>, vector<10240x128xf32> -> vector<10240x128xf32>
    %swap3A = arith.constant 0 : index
    %swap3A_6 = arith.constant 0 : index
    %swap3A_7 = vector.load %arg4[%swap3A, %swap3A_6] : memref<10240x128xf32, #tpu.memory_space<vmem>>, vector<10240x128xf32>
    tpu.vector_store %arg4[%swap3A, %swap3A_6], %dot_general3A_5 {strides = array<i32>} : memref<10240x128xf32, #tpu.memory_space<vmem>>, vector<10240x128xf32>,
    %get3A_8 = arith.constant 0 : index
    %get3A_9 = arith.constant 0 : index
    %get3A_10 = vector.load %arg2[%get3A_8, %get3A_9] : memref<128x16xf32, #tpu.memory_space<vmem>>, vector<128x16xf32>
    %dot_general3A_11 = arith.constant dense<0.000000e+00> : vector<10240x16xf32>
    %dot_general3A_12 = tpu.matmul %dot_general3A_5, %get3A_10, %dot_general3A_11 {dimension_numbers = #tpu.dot_dimension_numbers<[1], [0], [0], [1], [0, 0, 1, 1], [], []>, transpose_lhs_hint = false} : vector<10240x128xf32>, vector<128x16xf32>, vector<10240x16xf32> -> vector<10240x16xf32>
    %swap3A_13 = arith.constant 0 : index
    %swap3A_14 = arith.constant 0 : index
    %swap3A_15 = vector.load %arg5[%swap3A_13, %swap3A_14] : memref<10240x16xf32, #tpu.memory_space<vmem>>, vector<10240x16xf32>
    tpu.vector_store %arg5[%swap3A_13, %swap3A_14], %dot_general3A_12 {strides = array<i32>} : memref<10240x16xf32, #tpu.memory_space<vmem>>, vector<10240x16xf32>,
    %get3A_16 = arith.constant 0 : index
    %get3A_17 = arith.constant 0 : index
    %get3A_18 = vector.load %arg3[%get3A_16, %get3A_17] : memref<128x16xf32, #tpu.memory_space<vmem>>, vector<128x16xf32>
    %dot_general3A_19 = arith.constant dense<0.000000e+00> : vector<10240x16xf32>
    %dot_general3A_20 = tpu.matmul %dot_general3A_5, %get3A_18, %dot_general3A_19 {dimension_numbers = #tpu.dot_dimension_numbers<[1], [0], [0], [1], [0, 0, 1, 1], [], []>, transpose_lhs_hint = false} : vector<10240x128xf32>, vector<128x16xf32>, vector<10240x16xf32> -> vector<10240x16xf32>
    %swap3A_21 = arith.constant 0 : index
    %swap3A_22 = arith.constant 0 : index
    %swap3A_23 = vector.load %arg6[%swap3A_21, %swap3A_22] : memref<10240x16xf32, #tpu.memory_space<vmem>>, vector<10240x16xf32>
    tpu.vector_store %arg6[%swap3A_21, %swap3A_22], %dot_general3A_20 {strides = array<i32>} : memref<10240x16xf32, #tpu.memory_space<vmem>>, vector<10240x16xf32>,
    return
  }
}

module attributes {stable_mosaic.version = 14 : i64} {
  func.func @body(%arg0: i32, %arg1: memref<2x1280x128xf32, #tpu.memory_space<vmem>>, %arg2: memref<2x1280x16xf32, #tpu.memory_space<vmem>>, %arg3: memref<1x128xf32, #tpu.memory_space<vmem>>, %arg4: memref<128x48xf32, #tpu.memory_space<vmem>>, %arg5: memref<48x16xf32, #tpu.memory_space<vmem>>, %arg6: memref<48x16xf32, #tpu.memory_space<vmem>>, %arg7: memref<1280x48xf32, #tpu.memory_space<vmem>>, %arg8: memref<1280x16xf32, #tpu.memory_space<vmem>>, %arg9: memref<1280x16xf32, #tpu.memory_space<vmem>>) attributes {dimension_semantics = [#tpu.dimension_semantics<arbitrary>], iteration_bounds = array<i64: 8>, scalar_prefetch = 0 : i64, scratch_operands = 0 : i64, tpu.core_type = #tpu.core_type<tc>, window_params = [{transform_indices = @transform_0, window_bounds = array<i64: 2, 1280, 128>}, {transform_indices = @transform_1, window_bounds = array<i64: 2, 1280, 16>}, {pipeline_mode = #tpu.pipeline_mode<synchronous>, transform_indices = @transform_2, window_bounds = array<i64: 1, 128>}, {pipeline_mode = #tpu.pipeline_mode<synchronous>, transform_indices = @transform_3, window_bounds = array<i64: 128, 48>}, {pipeline_mode = #tpu.pipeline_mode<synchronous>, transform_indices = @transform_4, window_bounds = array<i64: 48, 16>}, {pipeline_mode = #tpu.pipeline_mode<synchronous>, transform_indices = @transform_5, window_bounds = array<i64: 48, 16>}, {transform_indices = @transform_6, window_bounds = array<i64: 1280, 48>}, {transform_indices = @transform_7, window_bounds = array<i64: 1280, 16>}, {transform_indices = @transform_8, window_bounds = array<i64: 1280, 16>}]} {
    %get3A = arith.constant 0 : index
    %get3A_0 = arith.constant 0 : index
    %get3A_1 = arith.constant 0 : index
    %get3A_2 = vector.load %arg2[%get3A, %get3A_0, %get3A_1] : memref<2x1280x16xf32, #tpu.memory_space<vmem>>, vector<1x1280x16xf32>
    %get3A_3 = vector.shape_cast %get3A_2 : vector<1x1280x16xf32> to vector<1280x16xf32>
    %get3A_4 = arith.constant 1 : index
    %get3A_5 = arith.constant 0 : index
    %get3A_6 = arith.constant 0 : index
    %get3A_7 = vector.load %arg2[%get3A_4, %get3A_5, %get3A_6] : memref<2x1280x16xf32, #tpu.memory_space<vmem>>, vector<1x1280x16xf32>
    %get3A_8 = vector.shape_cast %get3A_7 : vector<1x1280x16xf32> to vector<1280x16xf32>
    %add3A = arith.addf %get3A_3, %get3A_8 : vector<1280x16xf32>
    %add3A_9 = arith.constant 1.000000e-16 : f32
    %add3A_10 = vector.broadcast %add3A_9 : f32 to vector<1280x16xf32>
    %add3A_11 = arith.addf %add3A, %add3A_10 : vector<1280x16xf32>
    %div3A = arith.constant 1.000000e+00 : f32
    %div3A_12 = vector.broadcast %div3A : f32 to vector<1280x16xf32>
    %div3A_13 = arith.divf %div3A_12, %add3A_11 : vector<1280x16xf32>
    %slice3A = vector.extract_strided_slice %div3A_13 {offsets = [0, 0], sizes = [1280, 8], strides = [1, 1]} : vector<1280x16xf32> to vector<1280x8xf32>
    %broadcast_in_dim3A = vector.shape_cast %slice3A : vector<1280x8xf32> to vector<1280x8x1xf32>
    %broadcast_in_dim3A_14 = vector.shape_cast %broadcast_in_dim3A : vector<1280x8x1xf32> to vector<1280x8x1xf32>
    %broadcast_in_dim3A_15 = vector.broadcast %broadcast_in_dim3A_14 : vector<1280x8x1xf32> to vector<1280x8x16xf32>
    %reshape3A = vector.shape_cast %broadcast_in_dim3A_15 : vector<1280x8x16xf32> to vector<1280x128xf32>
    %get3A_16 = arith.constant 0 : index
    %get3A_17 = arith.constant 0 : index
    %get3A_18 = arith.constant 0 : index
    %get3A_19 = vector.load %arg1[%get3A_16, %get3A_17, %get3A_18] : memref<2x1280x128xf32, #tpu.memory_space<vmem>>, vector<1x1280x128xf32>
    %get3A_20 = vector.shape_cast %get3A_19 : vector<1x1280x128xf32> to vector<1280x128xf32>
    %get3A_21 = arith.constant 1 : index
    %get3A_22 = arith.constant 0 : index
    %get3A_23 = arith.constant 0 : index
    %get3A_24 = vector.load %arg1[%get3A_21, %get3A_22, %get3A_23] : memref<2x1280x128xf32, #tpu.memory_space<vmem>>, vector<1x1280x128xf32>
    %get3A_25 = vector.shape_cast %get3A_24 : vector<1x1280x128xf32> to vector<1280x128xf32>
    %add3A_26 = arith.addf %get3A_20, %get3A_25 : vector<1280x128xf32>
    %mul3A = arith.mulf %add3A_26, %reshape3A : vector<1280x128xf32>
    %get3A_27 = arith.constant 0 : index
    %get3A_28 = arith.constant 0 : index
    %get3A_29 = vector.load %arg3[%get3A_27, %get3A_28] : memref<1x128xf32, #tpu.memory_space<vmem>>, vector<1x128xf32>
    %add3A_30 = vector.broadcast %get3A_29 : vector<1x128xf32> to vector<1280x128xf32>
    %add3A_31 = arith.addf %mul3A, %add3A_30 : vector<1280x128xf32>
    %gt3A = arith.constant 0.000000e+00 : f32
    %gt3A_32 = vector.broadcast %gt3A : f32 to vector<1280x128xf32>
    %gt3A_33 = arith.cmpf ogt, %add3A_31, %gt3A_32 : vector<1280x128xf32>
    %exp3A = math.exp %add3A_31 : vector<1280x128xf32>
    %sub3A = arith.constant 1.000000e+00 : f32
    %sub3A_34 = vector.broadcast %sub3A : f32 to vector<1280x128xf32>
    %sub3A_35 = arith.subf %exp3A, %sub3A_34 : vector<1280x128xf32>
    %select_n3A = arith.select %gt3A_33, %add3A_31, %sub3A_35 : vector<1280x128xi1>, vector<1280x128xf32>
    %get3A_36 = arith.constant 0 : index
    %get3A_37 = arith.constant 0 : index
    %get3A_38 = vector.load %arg4[%get3A_36, %get3A_37] : memref<128x48xf32, #tpu.memory_space<vmem>>, vector<128x48xf32>
    %dot_general3A = arith.constant dense<0.000000e+00> : vector<1280x48xf32>
    %dot_general3A_39 = tpu.matmul %select_n3A, %get3A_38, %dot_general3A {dimension_numbers = #tpu.dot_dimension_numbers<[1], [0], [0], [1], [0, 0, 1, 1], [], []>, transpose_lhs_hint = false} : vector<1280x128xf32>, vector<128x48xf32>, vector<1280x48xf32> -> vector<1280x48xf32>
    %swap3A = arith.constant 0 : index
    %swap3A_40 = arith.constant 0 : index
    %swap3A_41 = vector.load %arg7[%swap3A, %swap3A_40] : memref<1280x48xf32, #tpu.memory_space<vmem>>, vector<1280x48xf32>
    tpu.vector_store %arg7[%swap3A, %swap3A_40], %dot_general3A_39 {strides = array<i32>} : memref<1280x48xf32, #tpu.memory_space<vmem>>, vector<1280x48xf32>,
    %get3A_42 = arith.constant 0 : index
    %get3A_43 = arith.constant 0 : index
    %get3A_44 = vector.load %arg5[%get3A_42, %get3A_43] : memref<48x16xf32, #tpu.memory_space<vmem>>, vector<48x16xf32>
    %dot_general3A_45 = arith.constant dense<0.000000e+00> : vector<1280x16xf32>
    %dot_general3A_46 = tpu.matmul %dot_general3A_39, %get3A_44, %dot_general3A_45 {dimension_numbers = #tpu.dot_dimension_numbers<[1], [0], [0], [1], [0, 0, 1, 1], [], []>, transpose_lhs_hint = false} : vector<1280x48xf32>, vector<48x16xf32>, vector<1280x16xf32> -> vector<1280x16xf32>
    %swap3A_47 = arith.constant 0 : index
    %swap3A_48 = arith.constant 0 : index
    %swap3A_49 = vector.load %arg8[%swap3A_47, %swap3A_48] : memref<1280x16xf32, #tpu.memory_space<vmem>>, vector<1280x16xf32>
    tpu.vector_store %arg8[%swap3A_47, %swap3A_48], %dot_general3A_46 {strides = array<i32>} : memref<1280x16xf32, #tpu.memory_space<vmem>>, vector<1280x16xf32>,
    %get3A_50 = arith.constant 0 : index
    %get3A_51 = arith.constant 0 : index
    %get3A_52 = vector.load %arg6[%get3A_50, %get3A_51] : memref<48x16xf32, #tpu.memory_space<vmem>>, vector<48x16xf32>
    %dot_general3A_53 = arith.constant dense<0.000000e+00> : vector<1280x16xf32>
    %dot_general3A_54 = tpu.matmul %dot_general3A_39, %get3A_52, %dot_general3A_53 {dimension_numbers = #tpu.dot_dimension_numbers<[1], [0], [0], [1], [0, 0, 1, 1], [], []>, transpose_lhs_hint = false} : vector<1280x48xf32>, vector<48x16xf32>, vector<1280x16xf32> -> vector<1280x16xf32>
    %swap3A_55 = arith.constant 0 : index
    %swap3A_56 = arith.constant 0 : index
    %swap3A_57 = vector.load %arg9[%swap3A_55, %swap3A_56] : memref<1280x16xf32, #tpu.memory_space<vmem>>, vector<1280x16xf32>
    tpu.vector_store %arg9[%swap3A_55, %swap3A_56], %dot_general3A_54 {strides = array<i32>} : memref<1280x16xf32, #tpu.memory_space<vmem>>, vector<1280x16xf32>,
    return
  }
  func.func @transform_0(%arg0: i32) -> (i32, i32, i32) {
    %c0_i32 = arith.constant 0 : i32
    %c0_i32_0 = arith.constant 0 : i32
    %c0_i32_1 = arith.constant 0 : i32
    return %c0_i32, %arg0, %c0_i32_0 : i32, i32, i32
  }
  func.func @transform_1(%arg0: i32) -> (i32, i32, i32) {
    %c0_i32 = arith.constant 0 : i32
    %c0_i32_0 = arith.constant 0 : i32
    %c0_i32_1 = arith.constant 0 : i32
    return %c0_i32, %arg0, %c0_i32_0 : i32, i32, i32
  }
  func.func @transform_2(%arg0: i32) -> (i32, i32) {
    %c0_i32 = arith.constant 0 : i32
    %c0_i32_0 = arith.constant 0 : i32
    %c0_i32_1 = arith.constant 0 : i32
    return %c0_i32, %c0_i32_0 : i32, i32
  }
  func.func @transform_3(%arg0: i32) -> (i32, i32) {
    %c0_i32 = arith.constant 0 : i32
    %c0_i32_0 = arith.constant 0 : i32
    %c0_i32_1 = arith.constant 0 : i32
    return %c0_i32, %c0_i32_0 : i32, i32
  }
  func.func @transform_4(%arg0: i32) -> (i32, i32) {
    %c0_i32 = arith.constant 0 : i32
    %c0_i32_0 = arith.constant 0 : i32
    %c0_i32_1 = arith.constant 0 : i32
    return %c0_i32, %c0_i32_0 : i32, i32
  }
  func.func @transform_5(%arg0: i32) -> (i32, i32) {
    %c0_i32 = arith.constant 0 : i32
    %c0_i32_0 = arith.constant 0 : i32
    %c0_i32_1 = arith.constant 0 : i32
    return %c0_i32, %c0_i32_0 : i32, i32
  }
  func.func @transform_6(%arg0: i32) -> (i32, i32) {
    %c0_i32 = arith.constant 0 : i32
    %c0_i32_0 = arith.constant 0 : i32
    return %arg0, %c0_i32 : i32, i32
  }
  func.func @transform_7(%arg0: i32) -> (i32, i32) {
    %c0_i32 = arith.constant 0 : i32
    %c0_i32_0 = arith.constant 0 : i32
    return %arg0, %c0_i32 : i32, i32
  }
  func.func @transform_8(%arg0: i32) -> (i32, i32) {
    %c0_i32 = arith.constant 0 : i32
    %c0_i32_0 = arith.constant 0 : i32
    return %arg0, %c0_i32 : i32, i32
  }
}

module attributes {stable_mosaic.version = 14 : i64} {
  func.func @body(%arg0: i32, %arg1: memref<2x1280x48xf32, #tpu.memory_space<vmem>>, %arg2: memref<2x1280x16xf32, #tpu.memory_space<vmem>>, %arg3: memref<1x48xf32, #tpu.memory_space<vmem>>, %arg4: memref<1280x48xf32, #tpu.memory_space<vmem>>) attributes {dimension_semantics = [#tpu.dimension_semantics<arbitrary>], iteration_bounds = array<i64: 8>, scalar_prefetch = 0 : i64, scratch_operands = 0 : i64, tpu.core_type = #tpu.core_type<tc>, window_params = [{transform_indices = @transform_0, window_bounds = array<i64: 2, 1280, 48>}, {transform_indices = @transform_1, window_bounds = array<i64: 2, 1280, 16>}, {pipeline_mode = #tpu.pipeline_mode<synchronous>, transform_indices = @transform_2, window_bounds = array<i64: 1, 48>}, {transform_indices = @transform_3, window_bounds = array<i64: 1280, 48>}]} {
    %get3A = arith.constant 0 : index
    %get3A_0 = arith.constant 0 : index
    %get3A_1 = arith.constant 0 : index
    %get3A_2 = vector.load %arg2[%get3A, %get3A_0, %get3A_1] : memref<2x1280x16xf32, #tpu.memory_space<vmem>>, vector<1x1280x16xf32>
    %get3A_3 = vector.shape_cast %get3A_2 : vector<1x1280x16xf32> to vector<1280x16xf32>
    %get3A_4 = arith.constant 1 : index
    %get3A_5 = arith.constant 0 : index
    %get3A_6 = arith.constant 0 : index
    %get3A_7 = vector.load %arg2[%get3A_4, %get3A_5, %get3A_6] : memref<2x1280x16xf32, #tpu.memory_space<vmem>>, vector<1x1280x16xf32>
    %get3A_8 = vector.shape_cast %get3A_7 : vector<1x1280x16xf32> to vector<1280x16xf32>
    %add3A = arith.addf %get3A_3, %get3A_8 : vector<1280x16xf32>
    %add3A_9 = arith.constant 1.000000e-16 : f32
    %add3A_10 = vector.broadcast %add3A_9 : f32 to vector<1280x16xf32>
    %add3A_11 = arith.addf %add3A, %add3A_10 : vector<1280x16xf32>
    %div3A = arith.constant 1.000000e+00 : f32
    %div3A_12 = vector.broadcast %div3A : f32 to vector<1280x16xf32>
    %div3A_13 = arith.divf %div3A_12, %add3A_11 : vector<1280x16xf32>
    %get3A_14 = arith.constant 0 : index
    %get3A_15 = arith.constant 0 : index
    %get3A_16 = arith.constant 0 : index
    %get3A_17 = vector.load %arg1[%get3A_14, %get3A_15, %get3A_16] : memref<2x1280x48xf32, #tpu.memory_space<vmem>>, vector<1x1280x48xf32>
    %get3A_18 = vector.shape_cast %get3A_17 : vector<1x1280x48xf32> to vector<1280x48xf32>
    %get3A_19 = arith.constant 1 : index
    %get3A_20 = arith.constant 0 : index
    %get3A_21 = arith.constant 0 : index
    %get3A_22 = vector.load %arg1[%get3A_19, %get3A_20, %get3A_21] : memref<2x1280x48xf32, #tpu.memory_space<vmem>>, vector<1x1280x48xf32>
    %get3A_23 = vector.shape_cast %get3A_22 : vector<1x1280x48xf32> to vector<1280x48xf32>
    %add3A_24 = arith.addf %get3A_18, %get3A_23 : vector<1280x48xf32>
    %slice3A = vector.extract_strided_slice %div3A_13 {offsets = [0, 0], sizes = [1280, 1], strides = [1, 1]} : vector<1280x16xf32> to vector<1280x1xf32>
    %broadcast_in_dim3A = vector.shape_cast %slice3A : vector<1280x1xf32> to vector<1280x1xf32>
    %broadcast_in_dim3A_25 = vector.broadcast %broadcast_in_dim3A : vector<1280x1xf32> to vector<1280x48xf32>
    %mul3A = arith.mulf %add3A_24, %broadcast_in_dim3A_25 : vector<1280x48xf32>
    %get3A_26 = arith.constant 0 : index
    %get3A_27 = arith.constant 0 : index
    %get3A_28 = vector.load %arg3[%get3A_26, %get3A_27] : memref<1x48xf32, #tpu.memory_space<vmem>>, vector<1x48xf32>
    %add3A_29 = vector.broadcast %get3A_28 : vector<1x48xf32> to vector<1280x48xf32>
    %add3A_30 = arith.addf %mul3A, %add3A_29 : vector<1280x48xf32>
    %swap3A = arith.constant 0 : index
    %swap3A_31 = arith.constant 0 : index
    %swap3A_32 = vector.load %arg4[%swap3A, %swap3A_31] : memref<1280x48xf32, #tpu.memory_space<vmem>>, vector<1280x48xf32>
    tpu.vector_store %arg4[%swap3A, %swap3A_31], %add3A_30 {strides = array<i32>} : memref<1280x48xf32, #tpu.memory_space<vmem>>, vector<1280x48xf32>,
    return
  }
  func.func @transform_0(%arg0: i32) -> (i32, i32, i32) {
    %c0_i32 = arith.constant 0 : i32
    %c0_i32_0 = arith.constant 0 : i32
    %c0_i32_1 = arith.constant 0 : i32
    return %c0_i32, %arg0, %c0_i32_0 : i32, i32, i32
  }
  func.func @transform_1(%arg0: i32) -> (i32, i32, i32) {
    %c0_i32 = arith.constant 0 : i32
    %c0_i32_0 = arith.constant 0 : i32
    %c0_i32_1 = arith.constant 0 : i32
    return %c0_i32, %arg0, %c0_i32_0 : i32, i32, i32
  }
  func.func @transform_2(%arg0: i32) -> (i32, i32) {
    %c0_i32 = arith.constant 0 : i32
    %c0_i32_0 = arith.constant 0 : i32
    %c0_i32_1 = arith.constant 0 : i32
    return %c0_i32, %c0_i32_0 : i32, i32
  }
  func.func @transform_3(%arg0: i32) -> (i32, i32) {
    %c0_i32 = arith.constant 0 : i32
    %c0_i32_0 = arith.constant 0 : i32
    return %arg0, %c0_i32 : i32, i32
  }
}

</mosaic_0001>

<sc_bundles>
// kernel: kernel.12.cloned.1.call-start
scs
__scs_entry_jumppad:
0x0: {  	(pc) =	sbr.rel $0x88, $3  }
0x1: {  	(tag) =	ssettag $0x0;
	lr =	simm.s32 $0x1  }
0x2: {  	[smem:$0x3F97] =	sst lr;
	_ =	strace $0xD0000000  }
0x3: {  	_ = 	snop  }
0x4: {  	_ = 	snop  }
0x5: {  	_ = 	snop  }
0x6: {  	_ = 	snop  }
0x7: {  	_ = 	snop  }
__scs_overlays_trampoline_lowered:
0x8: {  	[smem:$0x3FA6] =	sst s0  }
0x9: {  	[smem:$0x3FA7] =	sst s1  }
0xa: {  	[smem:$0x3FA8] =	sst s2  }
0xb: {  	[smem:$0x3FA9] =	sst s3  }
0xc: {  	[smem:$0x3FAA] =	sst s4  }
0xd: {  	[smem:$0x3FAB] =	sst s5  }
0xe: {  	[smem:$0x3FAC] =	sst s6  }
0xf: {  	[smem:$0x3FAD] =	sst s7  }
0x10: {  	[smem:$0x3FAE] =	sst s8  }
0x11: {  	[smem:$0x3FAF] =	sst s9;
	s0 =	simm.s32 @!p0 $0x0  }
0x12: {  	s1 =	sld [smem:$0x3F95];
	s0 =	simm.s32 @p0 $0x1  }
0x13: {  	[smem:$0x3FB0] =	sst s0;
	s0 =	simm.s32 @!p1 $0x0  }
0x14: {  	s2 =	sld [smem:$0x3F94];
	s0 =	simm.s32 @p1 $0x1  }
0x15: {  	[smem:$0x3FB1] =	sst s0;
	s0 =	simm.s32 @!p2 $0x0  }
0x16: {  	s3 =	sld [smem:$0x3FDB];
	s0 =	simm.s32 @p2 $0x1  }
0x17: {  	s4 =	simm.s32 $0x1BF5;
	[smem:$0x3FB3] =	sst s0  }
0x18: {  	s0 =	sld [smem:$0x3F96];
	_ =	swait.ge [sflag:s4], $0x0  }
0x19: {  	s7 =	sld [smem:$0x3F97]  }
0x1a: {  	s8 =	sadd.s32 $0xFFFFE003, lr  }
0x1b: {  	s9 =	sadd.s32 $0xFFFFFEF7, lr;
	s5 =	simm.s32 $0xFFFFFFFF;
	p2 =	slt.u32 s8, $0xFFFFF086  }
0x1c: {  	p1 =	slt.u32 s9, $0xF7A;
	s5 =	simm.s32 @!p2 $0x0  }
0x1d: {  	s5 =	simm.s32 @p1 $0x1;
	p0 =	seq.s32 s7, s2  }
0x1e: {  	s7 =	smul.u32 @!p0 $0xF7A, s2;
	p2 =	seq.s32 @!p0 s5, $0x0  }
0x1f: {  	s9 =	smul.u32 $0xF7A, s1;
	s8 =	simm.s32 @!p0 $0x1BF5;
	p2 =	por !p2, p0  }
0x20: {  	[sflag:s8] =	ssyncset.s32 @!p0 $0xFFFFF086;
	s6 =	sadd.s32 @!p0 s3, s7;
	s7 =	simm.s32 @!p0 $0x108  }
0x21: {  	s3 =	sadd.s32 s3, s9;
	s6 =	sadd.s32 @!p0 $0x88, s6;
	s7 =	simm.s32 @p2 $0x1082  }
0x22: {  	[simem:s7], [sflag:s8] =	dma.local @!p0 [hbm:s6], $0xF7A  }
0x23: {  	s9 =	sor.u32 $0xD0000000, s2;
	s6 =	simm.s32 $0x108;
	_ =	swait.ge @!p0 [sflag:s8], $0x0  }
0x24: {  	s3 =	sadd.s32 $0x88, s3;
	s6 =	simm.s32 @!p1 $0x1082;
	[sflag:s4] =	ssyncset.s32 $0xFFFFF086  }
0x25: {  	[simem:s6], [sflag:s4] =	dma.local [hbm:s3], $0xF7A  }
0x26: {  	[smem:$0x3F97] =	sst s1;
	(tag) =	ssettag s2;
	_ =	strace s9  }
0x27: {  	s1 =	sld [smem:$0x3FA7]  }
0x28: {  	s2 =	sld [smem:$0x3FA8]  }
0x29: {  	s4 =	sld [smem:$0x3FAA]  }
0x2a: {  	p0 =	seq.s32 s5, $0x0;
	s5 =	sld [smem:$0x3FAB]  }
0x2b: {  	s6 =	sld [smem:$0x3FAC]  }
0x2c: {  	s7 =	sld [smem:$0x3FAD]  }
0x2d: {  	s3 =	simm.s32 $0x108;
	s8 =	sld [smem:$0x3FAE]  }
0x2e: {  	s3 =	simm.s32 @!p0 $0x1082;
	s9 =	sld [smem:$0x3FAF]  }
0x2f: {  	lr =	sadd.s32 s0, s3;
	s0 =	sld [smem:$0x3FA6]  }
0x30: {  	s3 =	sld [smem:$0x3FA9]  }
0x31: {  	[smem:$0x3FB2] =	sst s10  }
0x32: {  	s10 =	sld [smem:$0x3FB0];
	_ =	sdelay $0x3  }
0x33: {  	p0 =	seq.s32 s10, $0x1;
	s10 =	sld [smem:$0x3FB2];
	_ =	sdelay $0x3  }
0x34: {  	[smem:$0x3FB2] =	sst s10  }
0x35: {  	s10 =	sld [smem:$0x3FB1];
	_ =	sdelay $0x3  }
0x36: {  	p1 =	seq.s32 s10, $0x1;
	s10 =	sld [smem:$0x3FB2];
	_ =	sdelay $0x3  }
0x37: {  	[smem:$0x3FB2] =	sst s10  }
0x38: {  	s10 =	sld [smem:$0x3FB3]  }
0x39: {  	_ = 	snop;
	(pc) =	sbr.ind lr, $3  }
0x3a: {  	_ = 	snop  }
0x3b: {  	_ = 	snop  }
0x3c: {  	p2 =	seq.s32 s10, $0x1;
	s10 =	sld [smem:$0x3FB2]  }
0x3d: {  	_ =	shalt  }
0x3e: {  	_ =	shalt  }
0x3f: {  	_ =	shalt  }
0x40: {  	_ =	shalt  }
0x41: {  	_ =	shalt  }
0x42: {  	_ =	shalt  }
0x43: {  	_ =	shalt  }
0x44: {  	_ =	shalt  }
0x45: {  	_ =	shalt  }
0x46: {  	_ =	shalt  }
0x47: {  	_ =	shalt  }
0x48: {  	_ =	shalt  }
0x49: {  	_ =	shalt  }
0x4a: {  	_ =	shalt  }
0x4b: {  	_ =	shalt  }
0x4c: {  	_ =	shalt  }
0x4d: {  	_ =	shalt  }
0x4e: {  	_ =	shalt  }
0x4f: {  	_ =	shalt  }
0x50: {  	_ =	shalt  }
0x51: {  	_ =	shalt  }
0x52: {  	_ =	shalt  }
0x53: {  	_ =	shalt  }
0x54: {  	_ =	shalt  }
0x55: {  	_ =	shalt  }
0x56: {  	_ =	shalt  }
0x57: {  	_ =	shalt  }
0x58: {  	_ =	shalt  }
0x59: {  	_ =	shalt  }
0x5a: {  	_ =	shalt  }
0x5b: {  	_ =	shalt  }
0x5c: {  	_ =	shalt  }
0x5d: {  	_ =	shalt  }
0x5e: {  	_ =	shalt  }
0x5f: {  	_ =	shalt  }
0x60: {  	_ =	shalt  }
0x61: {  	_ =	shalt  }
0x62: {  	_ =	shalt  }
0x63: {  	_ =	shalt  }
0x64: {  	_ =	shalt  }
0x65: {  	_ =	shalt  }
0x66: {  	_ =	shalt  }
0x67: {  	_ =	shalt  }
0x68: {  	_ =	shalt  }
0x69: {  	_ =	shalt  }
0x6a: {  	_ =	shalt  }
0x6b: {  	_ =	shalt  }
0x6c: {  	_ =	shalt  }
0x6d: {  	_ =	shalt  }
0x6e: {  	_ =	shalt  }
0x6f: {  	_ =	shalt  }
0x70: {  	_ =	shalt  }
0x71: {  	_ =	shalt  }
0x72: {  	_ =	shalt  }
0x73: {  	_ =	shalt  }
0x74: {  	_ =	shalt  }
0x75: {  	_ =	shalt  }
0x76: {  	_ =	shalt  }
0x77: {  	_ =	shalt  }
0x78: {  	_ =	shalt  }
0x79: {  	_ =	shalt  }
0x7a: {  	_ =	shalt  }
0x7b: {  	_ =	shalt  }
0x7c: {  	_ =	shalt  }
0x7d: {  	_ =	shalt  }
0x7e: {  	_ =	shalt  }
0x7f: {  	_ =	shalt  }
0x80: {  	_ =	shalt  }
0x81: {  	_ =	shalt  }
0x82: {  	_ =	shalt  }
0x83: {  	_ =	shalt  }
0x84: {  	_ =	shalt  }
0x85: {  	_ =	shalt  }
0x86: {  	_ =	shalt  }
0x87: {  	_ =	shalt  }
.Lfunc_end0:
.L_simem_size_0:
called_computation.1_lowered:
.L_overlay_start_0:
0x88: {  	s2 =	sld [smem:$0x3FD9]  }
0x89: {  	s3 =	sld [smem:$0x3FFE];
	_ =	sdelay $0x1  }
0x8a: {  	s1 =	srdreg.scid  }
0x8b: {  	s0 =	sand.u32 $0x1, s1  }
0x8c: {  	s16 =	sshll.u32 s0, $0xA;
	s2 =	sadd.s32 s3, s2  }
0x8d: {  	s2 =	sadd.s32 s2, s16  }
0x8e: {  	[smem:$0x3FBE] =	sst s2  }
0x8f: {  	_ = 	snop  }
0x90: {  	(tm) =	ssettm $0x1  }
0x91: {  	s17 =	sld [smem:$0x3FFB];
	_ =	sdelay $0x3  }
0x92: {  	_ =	strace s17  }
0x93: {  	s2 =	sld [smem:$0x3FFC];
	_ =	sdelay $0x3  }
0x94: {  	_ =	strace s2  }
0x95: {  	s2 =	sld [smem:$0x3FFD];
	_ =	sdelay $0x3  }
0x96: {  	_ =	strace s2  }
0x97: {  	_ =	strace $0x8FFFFFFF  }
0x98: {  	s18 =	sld [smem:$0x3FDB];
	_ =	sdelay $0x1  }
0x99: {  	s19 =	simm.s32 $_scs_section_size  }
0x9a: {  	s4 =	simm.s32 $_size__tile_overlayer_lowered;
	s5 =	simm.s32 $_tile_overlayer_lowered  }
0x9b: {  	s22 =	simm.s32 $0x1BFF;
	s21 =	sshll.u32 s5, $0x1;
	s2 =	sadd.s32 s19, s18  }
0x9c: {  	s6 =	simm.s32 $0x0;
	s20 =	sshll.u32 s4, $0x1;
	s4 =	sadd.s32 s21, s2  }
0x9d: {  	[timem:s6], [sflag:s22] =	dma.local [hbm:s4], s20  }
0x9e: {  	_ =	swait.ge [sflag:s22], s20  }
0x9f: {  	s3 =	ssub.s32 $0x0, s20;
	[sflag:s22] =	ssyncset.done $0x0  }
0xa0: {  	[sflag:s22] =	ssyncadd.s32 s3;
	_ =	sdelay $0x1  }
0xa1: {  	s23 =	simm.s32 $0x1B8B  }
0xa2: {  	_ =	swait.ge [sflag:s23], $0x1  }
0xa3: {  	[sflag:s23] =	ssyncset.done $0x0  }
0xa4: {  	s25 =	simm.s32 $0x1B8E;
	s24 =	sld [smem:$0x3FFE];
	[sflag:s23] =	ssyncadd.s32 $0xFFFFFFFF  }
0xa5: {  	s26 =	simm.s32 $execute0_lowered;
	[smem:$0x3FD2] =	sst s25  }
0xa6: {  	s4 =	sshll.u32 s26, $0x1;
	_ =	strace $0x80000049;
	[dreg:$0x1] =	wrdreg $0xFFFFFFFF  }
0xa7: {  	s28 =	simm.s32 $_size_execute0_lowered;
	s2 =	sadd.s32 s2, s4;
	[dreg:$0x0] =	wrdreg $0x0  }
0xa8: {  	s4 =	sshll.u32 s28, $0x1;
	[dreg:$0x2] =	wrdreg s2  }
0xa9: {  	[dreg:$0x3] =	wrdreg s4  }
0xaa: {  	[dreg:$0x4] =	wrdreg $0xC0  }
0xab: {  	_ =	task [dreg:s6], $0x5FFFF  }
0xac: {  	[dreg:$0x1] =	wrdreg $0xFFFFFFFF  }
0xad: {  	[dreg:$0x0] =	wrdreg $0x60  }
0xae: {  	[dreg:$0x2] =	wrdreg s24  }
0xaf: {  	[dreg:$0x3] =	wrdreg $0xA3000  }
0xb0: {  	[dreg:$0x4] =	wrdreg $0x9  }
0xb1: {  	_ =	task.clear_ibuf [dreg:s6], $0x5FFFF;
	_ =	strace $0x90000049  }
0xb2: {  	s29 =	simm.s32 $0x9;
	_ =	strace $0x8000004B  }
0xb3: {  	_ =	swait.ge [sflag:s29], $0x1  }
0xb4: {  	[sflag:s29] =	ssyncadd.s32 $0xFFFFFFFF  }
0xb5: {  	_ =	strace $0x9000004B  }
0xb6: {  	_ =	sfence  }
0xb7: {  	s30 =	sld [smem:$0x0];
	_ =	sdelay $0x2  }
0xb8: {  	s31 =	sshll.u32 s1, $0xD;
	s1 =	sshrl.u32 s1, $0x2  }
0xb9: {  	s3 =	sand.u32 $0x4000, s31;
	s1 =	sadd.s32 s1, s30  }
0xba: {  	s0 =	sor.u32 s3, s0;
	s1 =	sshll.u32 s1, $0x11  }
0xbb: {  	s0 =	sor.u32 s1, s0  }
0xbc: {  	s0 =	sadd.s32 $0x8F2B, s0  }
0xbd: {  	[sflag:s0] =	ssyncadd.remote.s32 $0x1  }
0xbe: {  	_ =	sfence.sel $0xFFFF  }
0xbf: {  	[dreg:$0x0] =	wrdreg $0xFFFFFFFF;
	(pc) =	sbr.abs _section_cstart, $3  }
0xc0: {  	[dreg:$0x1] =	wrdreg $0xFFFFFFFF  }
0xc1: {  	_ =	task.clear_ibuf [dreg:s6], $0x2FFFF;
	_ =	strace $0x9FFFFFFF  }
0xc2: {  	(tm) =	ssettm $0x7FFFFFFF  }
0xc3: {  	_ =	shalt  }
tec
execute0_lowered:
.L_overlay_start_1:
0x0: {  	(tag) =	ssettag $0x1  }
0x1: {  	s0 =	rddreg [dreg:$0x0]  }
0x2: {  	s1 =	rddreg [dreg:$0x1];
	s3 =	simm.s32 $0x0;
	s2 =	srdreg.scid  }
0x3: {  	s11 =	stileid.u32;
	[smem:$0x7FF] =	sst s3  }
0x4: {  	s2 =	sand.u32 $0x1, s2;
	s8 =	smul.u32 $0x14000, s11;
	s5 =	sadd.s32 $0x33A00, s0  }
0x5: {  	s4 =	sshll.u32 s2, $0x4;
	s6 =	smul.u32 $0x140000, s2;
	_ =	strace $0x8000004A  }
0x6: {  	s2 =	ssub.s32 $0x2, s2;
	s7 =	sor.u32 s11, s4;
	s4 =	sadd.s32 $0x3D800, s0  }
0x7: {  	s11 =	smul.u32 $0x50000, s11;
	s18 =	sshrl.u32 s2, $0x1;
	s9 =	sshll.u32 s7, $0x8  }
0x8: {  	s17 =	sadd.s32 s8, s6;
	s2 =	ssub.s32 s2, s18;
	s7 =	sshll.u32 s7, $0x4  }
0x9: {  	s10 =	sadd.s32 s9, s0;
	s9 =	sshrl.u32 s17, $0x3;
	s19 =	sadd.s32 s4, s7  }
0xa: {  	s20 =	sor.u32 $0x200, s7;
	s2 =	smax.u32 s2, $0x1;
	[dreg:$0x4] =	wrdreg s19  }
0xb: {  	s11 =	sshrl.u32 s11, $0x2;
	s12 =	sadd.s32 s4, s20;
	[dreg:$0x8] =	wrdreg s2  }
0xc: {  	s16 =	sadd.s32 s11, s1;
	s11 =	sadd.s32 s5, s20;
	[dreg:$0x5] =	wrdreg s12  }
0xd: {  	s6 =	sadd.s32 $0x1A00, s0;
	s0 =	sadd.s32 s9, s0;
	[dreg:$0x6] =	wrdreg s11  }
0xe: {  	s0 =	sadd.s32 $0xE5600, s0;
	[dreg:$0x3] =	wrdreg s16  }
0xf: {  	s22 =	sadd.s32 $0x1000, s16;
	[dreg:$0x7] =	wrdreg s0  }
0x10: {  	s23 =	sadd.s32 $0x2000, s16;
	[dreg:$0x9] =	wrdreg s22  }
0x11: {  	s21 =	sadd.s32 s8, s1;
	s24 =	sadd.s32 $0x3000, s16;
	[dreg:$0xa] =	wrdreg s23  }
0x12: {  	s13 =	sor.u32 $0x400, s7;
	s25 =	sadd.s32 $0x4000, s16;
	[dreg:$0xb] =	wrdreg s24  }
0x13: {  	s14 =	sor.u32 $0x600, s7;
	s26 =	sadd.s32 $0x5000, s16;
	[dreg:$0xc] =	wrdreg s25  }
0x14: {  	s9 =	sadd.s32 s5, s7;
	s7 =	sadd.s32 $0x6000, s16;
	[dreg:$0xd] =	wrdreg s26  }
0x15: {  	s15 =	sadd.s32 $0x4B600, s10;
	s8 =	sadd.s32 $0x7000, s16;
	[dreg:$0xe] =	wrdreg s7  }
0x16: {  	s12 =	sadd.s32 $0x47600, s10;
	s10 =	sadd.s32 $0x8000, s16;
	[dreg:$0xf] =	wrdreg s8  }
0x17: {  	s11 =	sadd.s32 $0x9000, s16;
	[dreg:$0x11] =	wrdreg s10  }
0x18: {  	s28 =	simm.s32 $0x3;
	s17 =	sadd.s32 $0xA000, s16;
	[dreg:$0x12] =	wrdreg s11  }
0x19: {  	s29 =	simm.s32 $0x5;
	s18 =	sadd.s32 $0xB000, s16;
	[dreg:$0x13] =	wrdreg s17  }
0x1a: {  	s30 =	simm.s32 $0x100;
	s19 =	sadd.s32 $0xC000, s16;
	[dreg:$0x14] =	wrdreg s18  }
0x1b: {  	s31 =	simm.s32 $0x7;
	s20 =	sadd.s32 $0xD000, s16;
	[dreg:$0x15] =	wrdreg s19  }
0x1c: {  	s2 =	simm.s32 $0x6;
	s0 =	sshrl.u32 s21, $0x3;
	[dreg:$0x16] =	wrdreg s20  }
0x1d: {  	s21 =	sadd.s32 $0xE000, s16;
	s22 =	sadd.s32 $0xF000, s16;
	[dreg:$0x10] =	wrdreg s0  }
0x1e: {  	s23 =	sadd.s32 $0x10000, s16;
	s24 =	sadd.s32 $0x11000, s16;
	[dreg:$0x17] =	wrdreg s21  }
0x1f: {  	s25 =	sadd.s32 $0x12000, s16;
	s26 =	sadd.s32 $0x13000, s16;
	[dreg:$0x18] =	wrdreg s22  }
.Ltmp0:
0x20: {  	s18 =	simm.s32 $0x9300;
	[dreg:$0x19] =	wrdreg s23;
	(pc) =	sbr.rel .LBB2_1-.Ltmp0, $4  }
0x21: {  	s19 =	simm.s32 $0x9;
	s20 =	simm.s32 $0x80;
	[dreg:$0x1a] =	wrdreg s24  }
0x22: {  	s8 =	simm.s32 $0x4A80;
	s10 =	simm.s32 $0x0;
	[dreg:$0x1b] =	wrdreg s25  }
0x23: {  	[dreg:$0x1c] =	wrdreg s26;
	s21 =	simm.s32 $0x4980;
	s23 =	simm.s32 $0x980  }
0x24: {  	v0 =	vimm.f32 $0.0e+00;
	s24 =	simm.s32 $0x2;
	s26 =	simm.s32 $0x5300;
	s0 =	simm.s32 $0x4  }
.LBB2_14:
0x25: {  	_ =	swait.ge [sflag:s31], $0x4000  }
0x26: {  	[sflag:s31] =	ssyncset.done $0x0  }
0x27: {  	[sflag:s31] =	ssyncadd.s32 $0xFFFFC000  }
0x28: {  	s7 =	stileid.u32;
	[bflag:$0x0] =	sbarrier.arrive $0xFFFF  }
0x29: {  	s7 =	sshll.u32 s7, $0x6;
	s10 =	rddreg [dreg:$0x7]  }
0x2a: {  	s7 =	sor.u32 $0x1C09, s7;
	s11 =	rddreg [dreg:$0x10]  }
0x2b: {  	[hbm:s10], [sflag:s7] =	dma.local [spmem:s11], $0x2800  }
0x2c: {  	_ =	swait.ge [sflag:s19], $0x2800  }
0x2d: {  	s22 =	rddreg [dreg:$0x1d]  }
0x2e: {  	s25 =	rddreg [dreg:$0x8];
	s10 =	sadd.s32 $0x1, s22  }
0x2f: {  	p0 =	sne.s32 s10, s25  }
.Ltmp1:
0x30: {  	_ = 	snop;
	(pc) =	sbr.rel @!p0 .LBB2_15-.Ltmp1, $3  }
0x31: {  	_ =	sdelay $0x1  }
0x32: {  	[sflag:s19] =	ssyncset.done $0x0  }
0x33: {  	[sflag:s19] =	ssyncadd.s32 $0xFFFFD800  }
.LBB2_1:
0x34: {  	[dreg:$0x1d] =	wrdreg s10;
	s7 =	simm.s32 $0x0;
	s10 =	simm.s32 $0x200  }
.LBB2_2:
0x35: {  	p0 =	sne.s32 s10, $0x3E00;
	[tilespmem:s7+$0x9370] =	vst v0  }
0x36: {  	[tilespmem:s7+$0x9300] =	vst v0  }
0x37: {  	[tilespmem:s7+$0x9310] =	vst v0  }
.Ltmp2:
0x38: {  	[tilespmem:s7+$0x9320] =	vst v0;
	(pc) =	sbr.rel @p0 .LBB2_2-.Ltmp2, $4  }
0x39: {  	[tilespmem:s7+$0x9330] =	vst v0  }
0x3a: {  	[tilespmem:s7+$0x9340] =	vst v0  }
0x3b: {  	[tilespmem:s7+$0x9350] =	vst v0  }
0x3c: {  	[tilespmem:s7+$0x9360] =	vst v0;
	s7 =	sshra.s32 s10, $0x2;
	s10 =	sadd.s32 $0x200, s10  }
0x3d: {  	[tilespmem:s7+$0x9370] =	vst v0  }
0x3e: {  	[tilespmem:s7+$0x9300] =	vst v0  }
0x3f: {  	[tilespmem:s7+$0x9310] =	vst v0  }
0x40: {  	[tilespmem:s7+$0x9320] =	vst v0  }
0x41: {  	[tilespmem:s7+$0x9330] =	vst v0  }
0x42: {  	[tilespmem:s7+$0x9340] =	vst v0  }
0x43: {  	[tilespmem:s7+$0x9350] =	vst v0  }
0x44: {  	[tilespmem:s7+$0x9360] =	vst v0;
	s22 =	rddreg [dreg:$0x3]  }
0x45: {  	[spmem:s22] =	stream.linear.scatter [tilespmem:s18], [sflag:$0x9], $0x1000, $0x38;
	[tilespmem:$0x1E300] =	vst v63  }
0x46: {  	_ =	swait.ge [sflag:s19], $0x1000  }
0x47: {  	[sflag:s19] =	ssyncset.done $0x0  }
0x48: {  	s25 =	rddreg [dreg:$0x9];
	[sflag:s19] =	ssyncadd.s32 $0xFFFFF000  }
0x49: {  	[spmem:s25] =	stream.linear.scatter [tilespmem:s18], [sflag:$0x9], $0x1000, $0x38;
	[tilespmem:$0x1E300] =	vst v63  }
0x4a: {  	_ =	swait.ge [sflag:s19], $0x1000  }
0x4b: {  	[sflag:s19] =	ssyncset.done $0x0  }
0x4c: {  	s10 =	rddreg [dreg:$0xa];
	[sflag:s19] =	ssyncadd.s32 $0xFFFFF000  }
0x4d: {  	[spmem:s10] =	stream.linear.scatter [tilespmem:s18], [sflag:$0x9], $0x1000, $0x38;
	[tilespmem:$0x1E300] =	vst v63  }
0x4e: {  	_ =	swait.ge [sflag:s19], $0x1000  }
0x4f: {  	[sflag:s19] =	ssyncset.done $0x0  }
0x50: {  	s11 =	rddreg [dreg:$0xb];
	[sflag:s19] =	ssyncadd.s32 $0xFFFFF000  }
0x51: {  	[spmem:s11] =	stream.linear.scatter [tilespmem:s18], [sflag:$0x9], $0x1000, $0x38;
	[tilespmem:$0x1E300] =	vst v63  }
0x52: {  	_ =	swait.ge [sflag:s19], $0x1000  }
0x53: {  	[sflag:s19] =	ssyncset.done $0x0  }
0x54: {  	s16 =	rddreg [dreg:$0xc];
	[sflag:s19] =	ssyncadd.s32 $0xFFFFF000  }
0x55: {  	[spmem:s16] =	stream.linear.scatter [tilespmem:s18], [sflag:$0x9], $0x1000, $0x38;
	[tilespmem:$0x1E300] =	vst v63  }
0x56: {  	_ =	swait.ge [sflag:s19], $0x1000  }
0x57: {  	[sflag:s19] =	ssyncset.done $0x0  }
0x58: {  	s17 =	rddreg [dreg:$0xd];
	[sflag:s19] =	ssyncadd.s32 $0xFFFFF000  }
0x59: {  	[spmem:s17] =	stream.linear.scatter [tilespmem:s18], [sflag:$0x9], $0x1000, $0x38;
	[tilespmem:$0x1E300] =	vst v63  }
0x5a: {  	_ =	swait.ge [sflag:s19], $0x1000  }
0x5b: {  	[sflag:s19] =	ssyncset.done $0x0  }
0x5c: {  	s22 =	rddreg [dreg:$0xe];
	[sflag:s19] =	ssyncadd.s32 $0xFFFFF000  }
0x5d: {  	[spmem:s22] =	stream.linear.scatter [tilespmem:s18], [sflag:$0x9], $0x1000, $0x38;
	[tilespmem:$0x1E300] =	vst v63  }
0x5e: {  	_ =	swait.ge [sflag:s19], $0x1000  }
0x5f: {  	[sflag:s19] =	ssyncset.done $0x0  }
0x60: {  	s25 =	rddreg [dreg:$0xf];
	[sflag:s19] =	ssyncadd.s32 $0xFFFFF000  }
0x61: {  	[spmem:s25] =	stream.linear.scatter [tilespmem:s18], [sflag:$0x9], $0x1000, $0x38;
	[tilespmem:$0x1E300] =	vst v63  }
0x62: {  	_ =	swait.ge [sflag:s19], $0x1000  }
0x63: {  	[sflag:s19] =	ssyncset.done $0x0  }
0x64: {  	s10 =	rddreg [dreg:$0x11];
	[sflag:s19] =	ssyncadd.s32 $0xFFFFF000  }
0x65: {  	[spmem:s10] =	stream.linear.scatter [tilespmem:s18], [sflag:$0x9], $0x1000, $0x38;
	[tilespmem:$0x1E300] =	vst v63  }
0x66: {  	_ =	swait.ge [sflag:s19], $0x1000  }
0x67: {  	[sflag:s19] =	ssyncset.done $0x0  }
0x68: {  	s11 =	rddreg [dreg:$0x12];
	[sflag:s19] =	ssyncadd.s32 $0xFFFFF000  }
0x69: {  	[spmem:s11] =	stream.linear.scatter [tilespmem:s18], [sflag:$0x9], $0x1000, $0x38;
	[tilespmem:$0x1E300] =	vst v63  }
0x6a: {  	_ =	swait.ge [sflag:s19], $0x1000  }
0x6b: {  	[sflag:s19] =	ssyncset.done $0x0  }
0x6c: {  	s16 =	rddreg [dreg:$0x13];
	[sflag:s19] =	ssyncadd.s32 $0xFFFFF000  }
0x6d: {  	[spmem:s16] =	stream.linear.scatter [tilespmem:s18], [sflag:$0x9], $0x1000, $0x38;
	[tilespmem:$0x1E300] =	vst v63  }
0x6e: {  	_ =	swait.ge [sflag:s19], $0x1000  }
0x6f: {  	[sflag:s19] =	ssyncset.done $0x0  }
0x70: {  	s17 =	rddreg [dreg:$0x14];
	[sflag:s19] =	ssyncadd.s32 $0xFFFFF000  }
0x71: {  	[spmem:s17] =	stream.linear.scatter [tilespmem:s18], [sflag:$0x9], $0x1000, $0x38;
	[tilespmem:$0x1E300] =	vst v63  }
0x72: {  	_ =	swait.ge [sflag:s19], $0x1000  }
0x73: {  	[sflag:s19] =	ssyncset.done $0x0  }
0x74: {  	s22 =	rddreg [dreg:$0x15];
	[sflag:s19] =	ssyncadd.s32 $0xFFFFF000  }
0x75: {  	[spmem:s22] =	stream.linear.scatter [tilespmem:s18], [sflag:$0x9], $0x1000, $0x38;
	[tilespmem:$0x1E300] =	vst v63  }
0x76: {  	_ =	swait.ge [sflag:s19], $0x1000  }
0x77: {  	[sflag:s19] =	ssyncset.done $0x0  }
0x78: {  	s25 =	rddreg [dreg:$0x16];
	[sflag:s19] =	ssyncadd.s32 $0xFFFFF000  }
0x79: {  	[spmem:s25] =	stream.linear.scatter [tilespmem:s18], [sflag:$0x9], $0x1000, $0x38;
	[tilespmem:$0x1E300] =	vst v63  }
0x7a: {  	_ =	swait.ge [sflag:s19], $0x1000  }
0x7b: {  	[sflag:s19] =	ssyncset.done $0x0  }
0x7c: {  	s10 =	rddreg [dreg:$0x17];
	[sflag:s19] =	ssyncadd.s32 $0xFFFFF000  }
0x7d: {  	[spmem:s10] =	stream.linear.scatter [tilespmem:s18], [sflag:$0x9], $0x1000, $0x38;
	[tilespmem:$0x1E300] =	vst v63  }
0x7e: {  	_ =	swait.ge [sflag:s19], $0x1000  }
0x7f: {  	[sflag:s19] =	ssyncset.done $0x0  }
0x80: {  	s11 =	rddreg [dreg:$0x18];
	[sflag:s19] =	ssyncadd.s32 $0xFFFFF000  }
0x81: {  	[spmem:s11] =	stream.linear.scatter [tilespmem:s18], [sflag:$0x9], $0x1000, $0x38;
	[tilespmem:$0x1E300] =	vst v63  }
0x82: {  	_ =	swait.ge [sflag:s19], $0x1000  }
0x83: {  	[sflag:s19] =	ssyncset.done $0x0  }
0x84: {  	s16 =	rddreg [dreg:$0x19];
	[sflag:s19] =	ssyncadd.s32 $0xFFFFF000  }
0x85: {  	[spmem:s16] =	stream.linear.scatter [tilespmem:s18], [sflag:$0x9], $0x1000, $0x38;
	[tilespmem:$0x1E300] =	vst v63  }
0x86: {  	_ =	swait.ge [sflag:s19], $0x1000  }
0x87: {  	[sflag:s19] =	ssyncset.done $0x0  }
0x88: {  	s17 =	rddreg [dreg:$0x1a];
	[sflag:s19] =	ssyncadd.s32 $0xFFFFF000  }
0x89: {  	[spmem:s17] =	stream.linear.scatter [tilespmem:s18], [sflag:$0x9], $0x1000, $0x38;
	[tilespmem:$0x1E300] =	vst v63  }
0x8a: {  	_ =	swait.ge [sflag:s19], $0x1000  }
0x8b: {  	[sflag:s19] =	ssyncset.done $0x0  }
0x8c: {  	s22 =	rddreg [dreg:$0x1b];
	[sflag:s19] =	ssyncadd.s32 $0xFFFFF000  }
0x8d: {  	[spmem:s22] =	stream.linear.scatter [tilespmem:s18], [sflag:$0x9], $0x1000, $0x38;
	[tilespmem:$0x1E300] =	vst v63  }
0x8e: {  	_ =	swait.ge [sflag:s19], $0x1000  }
0x8f: {  	[sflag:s19] =	ssyncset.done $0x0  }
0x90: {  	s25 =	rddreg [dreg:$0x1c];
	[sflag:s19] =	ssyncadd.s32 $0xFFFFF000  }
0x91: {  	[spmem:s25] =	stream.linear.scatter [tilespmem:s18], [sflag:$0x9], $0x1000, $0x38;
	[tilespmem:$0x1E300] =	vst v63  }
0x92: {  	_ =	swait.ge [sflag:s19], $0x1000  }
0x93: {  	[sflag:s19] =	ssyncset.done $0x0  }
0x94: {  	[sflag:s19] =	ssyncadd.s32 $0xFFFFF000  }
0x95: {  	[bflag:$0x0] =	sbarrier.arrive $0xFFFF  }
0x96: {  	s11 =	simm.s32 $0x0;
	s10 =	rddreg [dreg:$0x4]  }
0x97: {  	[tilespmem:s11], [sflag:$0x1] =	stream.linear.gather [hbm4b:s10+s11], $0x80, $0x38;
	[tilespmem:$0x1E300] =	vst v63  }
0x98: {  	_ = 	snop  }
0x99: {  	[tilespmem:s20], [sflag:$0x1] =	stream.linear.gather [hbm4b:s9+s11], $0x80, $0x38;
	[tilespmem:$0x1E300] =	vst v63  }
0x9a: {  	s16 =	rddreg [dreg:$0x5]  }
0x9b: {  	[tilespmem:s21], [sflag:$0x2] =	stream.linear.gather [hbm4b:s16+s11], $0x80, $0x38;
	[tilespmem:$0x1E300] =	vst v63  }
0x9c: {  	s22 =	simm.s32 $0x1;
	s17 =	rddreg [dreg:$0x6];
	s10 =	simm.s32 $0x4A00  }
0x9d: {  	[tilespmem:s10], [sflag:$0x2] =	stream.linear.gather [hbm4b:s17+s11], $0x80, $0x38;
	[tilespmem:$0x1E300] =	vst v63  }
0x9e: {  	_ =	swait.ge [sflag:s22], $0x80  }
0x9f: {  	[sflag:s22] =	ssyncset.done $0x0  }
0xa0: {  	[sflag:s22] =	ssyncadd.s32 $0xFFFFFF80  }
0xa1: {  	_ =	swait.ge [sflag:s22], $0x80  }
.Ltmp3:
0xa2: {  	[sflag:s22] =	ssyncset.done $0x0;
	(pc) =	sbr.rel .LBB2_4-.Ltmp3, $4  }
0xa3: {  	s25 =	simm.s32 $0x180;
	[sflag:s22] =	ssyncadd.s32 $0xFFFFFF80  }
0xa4: {  	[tilespmem:s25], [sflag:$0x3] =	stream.linear.gather [hbm4b:s12+s11], $0x800, $0x38;
	[tilespmem:$0x1E300] =	vst v63  }
0xa5: {  	_ = 	snop  }
0xa6: {  	[tilespmem:s23], [sflag:$0x5] =	stream.indirect.gather [hbm4b:s6+s20], $0x80, s11, s20, $0xb8;
	[tilespmem:$0x1E300] =	vst v63  }
.LBB2_13:
0xa7: {  	s11 =	sadd.s32 $0x1, s11  }
0xa8: {  	p0 =	sne.s32 s11, $0x28  }
.Ltmp4:
0xa9: {  	_ = 	snop;
	(pc) =	sbr.rel @!p0 .LBB2_14-.Ltmp4, $1  }
0xaa: {  	_ =	sdelay $0x3  }
.LBB2_4:
0xab: {  	p0 =	seq.s32 s11, $0x0  }
0xac: {  	s7 =	sshllo.u32 @!p0 s11, $0x1  }
0xad: {  	p1 =	sgt.u32 @!p0 s7, $0x4E  }
0xae: {  	p1 =	por p0, !p1  }
.Ltmp5:
0xaf: {  	_ = 	snop;
	(pc) =	sbr.rel @!p1 .LBB2_5-.Ltmp5, $4  }
0xb0: {  	s10 =	simm.s32 @!p0 $0x8  }
0xb1: {  	_ =	swait.ge @!p0 [sflag:s10], $0x4000  }
0xb2: {  	[sflag:s10] =	ssyncset.done @!p0 $0x0  }
0xb3: {  	[sflag:s10] =	ssyncadd.s32 @!p0 $0xFFFFC000  }
0xb4: {  	_ =	swait.ge [sflag:s24], $0x80  }
0xb5: {  	[sflag:s24] =	ssyncset.done $0x0  }
0xb6: {  	[sflag:s24] =	ssyncadd.s32 $0xFFFFFF80  }
0xb7: {  	s7 =	simm.s32 @p0 $0x1;
	_ =	swait.ge [sflag:s24], $0x80  }
.Ltmp6:
0xb8: {  	s10 =	sshll.u32 s7, $0xD;
	[sflag:s24] =	ssyncset.done $0x0;
	(pc) =	sbr.rel .LBB2_7-.Ltmp6, $4  }
0xb9: {  	s16 =	simm.s32 $0x4B00;
	s10 =	sadd.s32 s10, s12;
	[sflag:s24] =	ssyncadd.s32 $0xFFFFFF80  }
0xba: {  	[tilespmem:s16], [sflag:$0x4] =	stream.linear.gather [hbm4b:s10+s3], $0x800, $0x38;
	[tilespmem:$0x1E300] =	vst v63  }
0xbb: {  	p1 =	por $0x1, $0x1;
	s16 =	sshll.u32 s7, $0x9  }
0xbc: {  	[tilespmem:s26], [sflag:$0x6] =	stream.indirect.gather [hbm4b:s6+s20], $0x80, s21, s20, $0xb8;
	[tilespmem:$0x1E300] =	vst v63  }
.LBB2_5:
0xbd: {  	s16 =	simm.s32 @!p0 $0x9E00;
	p1 =	por @!p0 $0x0, $0x0  }
.LBB2_7:
0xbe: {  	_ =	swait.ge [sflag:s28], $0x800  }
0xbf: {  	[sflag:s28] =	ssyncset.done $0x0  }
0xc0: {  	p0 =	seq.s32 s11, $0x27;
	[sflag:s28] =	ssyncadd.s32 $0xFFFFF800  }
0xc1: {  	s17 =	sshll.u32 @!p0 s11, $0xA;
	_ =	swait.ge [sflag:s29], $0x4000  }
0xc2: {  	s7 =	sadd.s32 @!p0 s13, s17;
	[sflag:s29] =	ssyncset.done $0x0  }
0xc3: {  	s22 =	simm.s32 @!p0 $0x0;
	s10 =	sadd.s32 @!p0 s4, s7;
	[sflag:s29] =	ssyncadd.s32 $0xFFFFC000  }
0xc4: {  	[tilespmem:s22], [sflag:$0x1] =	stream.linear.gather @!p0 [hbm4b:s10+s22], $0x80, $0x38;
	[tilespmem:$0x1E300] =	vst v63  }
0xc5: {  	s17 =	simm.s32 @p0 $0x9C00;
	s7 =	sadd.s32 @!p0 s5, s7;
	s10 =	simm.s32 @!p0 $0x80  }
0xc6: {  	[tilespmem:s10], [sflag:$0x1] =	stream.linear.gather @!p0 [hbm4b:s7+s22], $0x80, $0x38;
	[tilespmem:$0x1E300] =	vst v63  }
0xc7: {  	s22 =	sadd.s32 s17, s9  }
0xc8: {  	[tilespmem:s30], [sflag:$0x9] =	stream.linear.gather [hbm4b:s22+s3], $0x80, $0x38;
	[tilespmem:$0x1E300] =	vst v63  }
0xc9: {  	_ =	swait.ge [sflag:s19], $0x80  }
0xca: {  	[sflag:s19] =	ssyncset.done $0x0  }
0xcb: {  	s25 =	simm.s32 $0x1A0;
	[sflag:s19] =	ssyncadd.s32 $0xFFFFFF80  }
0xcc: {  	v4 =	vld [tilespmem:s25+$0x10]  }
0xcd: {  	s7 =	simm.s32 $0xA80;
	v1 =	vld [tilespmem:s25+$0xFFFFFFF0]  }
0xce: {  	v2 =	vld [tilespmem:s7+$0xF0]  }
0xcf: {  	v3 =	vld [tilespmem:s25+$0x0]  }
0xd0: {  	v5 =	vld [tilespmem:s25+$0xFFFFFFE0]  }
0xd1: {  	v6 =	vld [tilespmem:s7+$0xFFFFFF00]  }
0xd2: {  	v7 =	vld [tilespmem:s7+$0xFFFFFF10];
	v8 =	vbroadcast v4, $0x0  }
0xd3: {  	v11 =	vld [tilespmem:s7+$0xFFFFFF20];
	v9 =	vbroadcast v4, $0x7;
	v10 =	vbroadcast v1, $0x0  }
0xd4: {  	v14 =	vld [tilespmem:s7+$0xFFFFFF30];
	v12 =	vbroadcast v1, $0x1;
	v13 =	vbroadcast v1, $0x2  }
0xd5: {  	v16 =	vld [tilespmem:s7+$0xFFFFFF40];
	v15 =	vbroadcast v1, $0x3;
	v17 =	vbroadcast v1, $0x4  }
0xd6: {  	v19 =	vld [tilespmem:s7+$0xFFFFFF50];
	v18 =	vbroadcast v5, $0x0;
	v20 =	vbroadcast v5, $0x1  }
0xd7: {  	v22 =	vld [tilespmem:s7+$0xFFFFFF60];
	v21 =	vbroadcast v5, $0x2;
	v23 =	vbroadcast v5, $0x3  }
0xd8: {  	v25 =	vld [tilespmem:s7+$0xFFFFFF70];
	v24 =	vbroadcast v5, $0x4;
	v26 =	vbroadcast v5, $0x5  }
0xd9: {  	v28 =	vld [tilespmem:s7+$0xFFFFFF80];
	v27 =	vbroadcast v5, $0x6;
	v29 =	vbroadcast v5, $0x7  }
0xda: {  	v31 =	vld [tilespmem:s7+$0xFFFFFF90];
	v30 =	vbroadcast v1, $0x5;
	v32 =	vbroadcast v1, $0x6  }
0xdb: {  	v34 =	vld [tilespmem:s7+$0xFFFFFFA0];
	v33 =	vbroadcast v1, $0x7;
	v35 =	vbroadcast v3, $0x0  }
0xdc: {  	v37 =	vld [tilespmem:s7+$0xFFFFFFB0];
	v36 =	vbroadcast v3, $0x1;
	v38 =	vbroadcast v3, $0x2  }
0xdd: {  	v40 =	vld [tilespmem:s7+$0xFFFFFFC0];
	v39 =	vbroadcast v3, $0x3;
	v41 =	vbroadcast v3, $0x4  }
0xde: {  	v43 =	vld [tilespmem:s7+$0xFFFFFFD0];
	v42 =	vbroadcast v3, $0x5;
	v44 =	vbroadcast v3, $0x6  }
0xdf: {  	v46 =	vld [tilespmem:s7+$0xFFFFFFE0];
	v45 =	vbroadcast v3, $0x7;
	v47 =	vbroadcast v4, $0x1  }
0xe0: {  	v48 =	vld [tilespmem:s7+$0xFFFFFFF0];
	v5 =	vbroadcast v4, $0x2;
	v9 =	vmul.f32 v2, v9  }
0xe1: {  	v49 =	vld [tilespmem:s7+$0x0];
	v3 =	vbroadcast v4, $0x4;
	v6 =	vmul.f32 v18, v6  }
0xe2: {  	v60 =	vld [tilespmem:s7+$0x70];
	v1 =	vbroadcast v4, $0x5;
	v7 =	vmul.f32 v7, v20;
	[tilespmem:s7+$0xF0] =	vst v9  }
0xe3: {  	v62 =	vld [tilespmem:s7+$0x80];
	v2 =	vbroadcast v4, $0x3;
	v11 =	vmul.f32 v11, v21;
	[tilespmem:s7+$0xFFFFFF00] =	vst v6  }
0xe4: {  	v63 =	vld [tilespmem:s7+$0x90];
	v4 =	vbroadcast v4, $0x6;
	v14 =	vmul.f32 v14, v23;
	[tilespmem:s7+$0xFFFFFF10] =	vst v7  }
0xe5: {  	v16 =	vmul.f32 v16, v24;
	v20 =	vmul.f32 v22, v27;
	v22 =	vld [tilespmem:s7+$0x50];
	[tilespmem:s7+$0xFFFFFF20] =	vst v11  }
0xe6: {  	v18 =	vmul.f32 v19, v26;
	v21 =	vmul.f32 v25, v29;
	v9 =	vld [tilespmem:s7+$0x10];
	[tilespmem:s7+$0xFFFFFF30] =	vst v14  }
0xe7: {  	v10 =	vmul.f32 v10, v28;
	v12 =	vmul.f32 v31, v12;
	v6 =	vld [tilespmem:s7+$0x20];
	[tilespmem:s7+$0xFFFFFF40] =	vst v16  }
0xe8: {  	v58 =	vmul.f32 v34, v13;
	v59 =	vmul.f32 v37, v15;
	v11 =	vld [tilespmem:s7+$0x40];
	[tilespmem:s7+$0xFFFFFF50] =	vst v18  }
0xe9: {  	v61 =	vmul.f32 v40, v17;
	v19 =	vmul.f32 v43, v30;
	v7 =	vld [tilespmem:s7+$0x30];
	[tilespmem:s7+$0xFFFFFF60] =	vst v20  }
0xea: {  	v23 =	vld [tilespmem:s7+$0x60];
	v17 =	vmul.f32 v48, v33;
	v15 =	vmul.f32 v35, v49;
	[tilespmem:s7+$0xFFFFFF70] =	vst v21  }
0xeb: {  	v18 =	vmul.f32 v46, v32;
	[tilespmem:s7+$0xFFFFFF80] =	vst v10;
	v20 =	vld [tilespmem:s7+$0xA0];
	v10 =	vmul.f32 v8, v62  }
0xec: {  	[tilespmem:s7+$0xFFFFFF90] =	vst v12;
	v21 =	vld [tilespmem:s7+$0xB0];
	v8 =	vmul.f32 v63, v47;
	v16 =	vmul.f32 v9, v36  }
0xed: {  	[tilespmem:s7+$0xFFFFFFA0] =	vst v58;
	v12 =	vmul.f32 v11, v41;
	v11 =	vmul.f32 v22, v42;
	v22 =	vld [tilespmem:s7+$0xC0]  }
0xee: {  	[tilespmem:s7+$0xFFFFFFB0] =	vst v59;
	v14 =	vmul.f32 v6, v38;
	v13 =	vmul.f32 v7, v39;
	v6 =	vld [tilespmem:s7+$0xD0]  }
0xef: {  	s10 =	simm.s32 $0x0;
	s22 =	simm.s32 $0xA80;
	s25 =	simm.s32 $0x1E0;
	[tilespmem:s7+$0xFFFFFFC0] =	vst v61;
	v9 =	vmul.f32 v23, v44;
	v7 =	vmul.f32 v60, v45;
	v23 =	vld [tilespmem:s7+$0xE0]  }
.LBB2_8:
0xf0: {  	v24 =	vld [tilespmem:s25+$0x10];
	s10 =	sadd.s32 $0x4, s10;
	[tilespmem:s7+$0xFFFFFFD0] =	vst v19;
	v5 =	vmul.f32 v20, v5  }
0xf1: {  	s7 =	sadd.s32 $0x200, s7;
	v19 =	vld [tilespmem:s25+$0xFFFFFFF0];
	p2 =	slt.u32 s10, $0x7C;
	[tilespmem:s22+$0xFFFFFFE0] =	vst v18;
	v2 =	vmul.f32 v21, v2  }
0xf2: {  	v18 =	vld [tilespmem:s7+$0xF0];
	[tilespmem:s22+$0xFFFFFFF0] =	vst v17;
	v3 =	vmul.f32 v22, v3  }
0xf3: {  	v17 =	vld [tilespmem:s25+$0x0];
	[tilespmem:s22+$0x0] =	vst v15;
	v1 =	vmul.f32 v6, v1  }
0xf4: {  	v15 =	vld [tilespmem:s25+$0xFFFFFFE0];
	[tilespmem:s22+$0x10] =	vst v16;
	v4 =	vmul.f32 v23, v4  }
0xf5: {  	v16 =	vld [tilespmem:s7+$0xFFFFFF00];
	v6 =	vbroadcast v24, $0x0;
	v20 =	vbroadcast v24, $0x7;
	[tilespmem:s22+$0x20] =	vst v14  }
0xf6: {  	v14 =	vld [tilespmem:s7+$0xFFFFFF10];
	v21 =	vbroadcast v19, $0x0;
	v22 =	vbroadcast v19, $0x1;
	[tilespmem:s22+$0x30] =	vst v13  }
0xf7: {  	v23 =	vbroadcast v19, $0x2;
	v13 =	vld [tilespmem:s7+$0xFFFFFF20];
	v18 =	vmul.f32 v18, v20;
	[tilespmem:s22+$0x40] =	vst v12  }
0xf8: {  	v25 =	vbroadcast v19, $0x4;
	v20 =	vbroadcast v19, $0x3;
	v12 =	vld [tilespmem:s7+$0xFFFFFF30];
	[tilespmem:s22+$0x50] =	vst v11  }
0xf9: {  	v11 =	vbroadcast v15, $0x0;
	v26 =	vbroadcast v15, $0x1;
	v27 =	vld [tilespmem:s7+$0xFFFFFF40];
	[tilespmem:s7+$0xF0] =	vst v18  }
0xfa: {  	v18 =	vbroadcast v15, $0x2;
	v28 =	vbroadcast v15, $0x3;
	v29 =	vld [tilespmem:s7+$0xFFFFFF50];
	[tilespmem:s22+$0x60] =	vst v9  }
0xfb: {  	v30 =	vbroadcast v15, $0x5;
	v9 =	vbroadcast v15, $0x4;
	v31 =	vld [tilespmem:s7+$0xFFFFFF60];
	[tilespmem:s22+$0x70] =	vst v7  }
0xfc: {  	v7 =	vbroadcast v15, $0x6;
	v15 =	vbroadcast v15, $0x7;
	v32 =	vld [tilespmem:s7+$0xFFFFFF70];
	[tilespmem:s22+$0x80] =	vst v10  }
0xfd: {  	v33 =	vbroadcast v19, $0x5;
	v34 =	vbroadcast v19, $0x6;
	v10 =	vld [tilespmem:s7+$0xFFFFFF80];
	[tilespmem:s22+$0x90] =	vst v8  }
0xfe: {  	v35 =	vbroadcast v19, $0x7;
	v36 =	vbroadcast v17, $0x0;
	v8 =	vld [tilespmem:s7+$0xFFFFFF90];
	[tilespmem:s22+$0xA0] =	vst v5  }
0xff: {  	v37 =	vbroadcast v17, $0x1;
	v38 =	vbroadcast v17, $0x2;
	v19 =	vld [tilespmem:s7+$0xFFFFFFA0];
	[tilespmem:s22+$0xB0] =	vst v2  }
0x100: {  	v40 =	vbroadcast v17, $0x3;
	v41 =	vbroadcast v17, $0x4;
	v39 =	vld [tilespmem:s7+$0xFFFFFFB0];
	[tilespmem:s22+$0xC0] =	vst v3  }
0x101: {  	v43 =	vbroadcast v17, $0x5;
	v44 =	vbroadcast v17, $0x6;
	v42 =	vld [tilespmem:s7+$0xFFFFFFC0];
	[tilespmem:s22+$0xD0] =	vst v1  }
0x102: {  	v47 =	vbroadcast v24, $0x1;
	v46 =	vbroadcast v17, $0x7;
	v45 =	vld [tilespmem:s7+$0xFFFFFFD0];
	[tilespmem:s22+$0xE0] =	vst v4;
	s22 =	smov.u32 s7  }
0x103: {  	v5 =	vbroadcast v24, $0x2;
	v2 =	vbroadcast v24, $0x3;
	v17 =	vld [tilespmem:s7+$0xFFFFFFE0]  }
0x104: {  	v3 =	vbroadcast v24, $0x4;
	v1 =	vbroadcast v24, $0x5;
	v48 =	vld [tilespmem:s7+$0xFFFFFFF0]  }
0x105: {  	v11 =	vmul.f32 v11, v16;
	v4 =	vbroadcast v24, $0x6;
	v16 =	vld [tilespmem:s7+$0x0]  }
0x106: {  	v14 =	vmul.f32 v14, v26;
	v13 =	vmul.f32 v13, v18;
	v24 =	vld [tilespmem:s7+$0x10]  }
0x107: {  	v9 =	vmul.f32 v27, v9;
	[tilespmem:s7+$0xFFFFFF00] =	vst v11;
	v11 =	vmul.f32 v12, v28;
	v12 =	vld [tilespmem:s7+$0x20]  }
0x108: {  	v7 =	vmul.f32 v31, v7;
	[tilespmem:s7+$0xFFFFFF10] =	vst v14;
	v14 =	vmul.f32 v29, v30;
	v26 =	vld [tilespmem:s7+$0x30]  }
0x109: {  	v10 =	vmul.f32 v21, v10;
	[tilespmem:s7+$0xFFFFFF20] =	vst v13;
	v13 =	vmul.f32 v32, v15;
	v21 =	vld [tilespmem:s7+$0x40]  }
0x10a: {  	v8 =	vmul.f32 v8, v22;
	v22 =	vmul.f32 v19, v23;
	[tilespmem:s7+$0xFFFFFF30] =	vst v11;
	v11 =	vld [tilespmem:s7+$0x50]  }
0x10b: {  	v23 =	vmul.f32 v39, v20;
	v25 =	vmul.f32 v42, v25;
	[tilespmem:s7+$0xFFFFFF40] =	vst v9;
	v9 =	vld [tilespmem:s7+$0x60]  }
0x10c: {  	v19 =	vmul.f32 v45, v33;
	v18 =	vmul.f32 v17, v34;
	[tilespmem:s7+$0xFFFFFF50] =	vst v14;
	v27 =	vld [tilespmem:s7+$0x70]  }
0x10d: {  	v17 =	vmul.f32 v48, v35;
	v15 =	vmul.f32 v36, v16;
	[tilespmem:s7+$0xFFFFFF60] =	vst v7;
	v28 =	vld [tilespmem:s7+$0x80]  }
0x10e: {  	v16 =	vmul.f32 v24, v37;
	v14 =	vmul.f32 v12, v38;
	[tilespmem:s7+$0xFFFFFF70] =	vst v13;
	v24 =	vld [tilespmem:s7+$0x90]  }
.Ltmp7:
0x10f: {  	v13 =	vmul.f32 v26, v40;
	v12 =	vmul.f32 v21, v41;
	[tilespmem:s7+$0xFFFFFF80] =	vst v10;
	v20 =	vld [tilespmem:s7+$0xA0];
	(pc) =	sbr.rel @p2 .LBB2_8-.Ltmp7, $4  }
0x110: {  	v11 =	vmul.f32 v11, v43;
	[tilespmem:s7+$0xFFFFFF90] =	vst v8;
	v9 =	vmul.f32 v9, v44;
	v21 =	vld [tilespmem:s7+$0xB0]  }
0x111: {  	[tilespmem:s7+$0xFFFFFFA0] =	vst v22;
	v7 =	vmul.f32 v27, v46;
	v22 =	vld [tilespmem:s7+$0xC0]  }
0x112: {  	[tilespmem:s7+$0xFFFFFFB0] =	vst v23;
	v10 =	vmul.f32 v6, v28;
	v6 =	vld [tilespmem:s7+$0xD0]  }
0x113: {  	s25 =	sadd.s32 $0x40, s25;
	[tilespmem:s7+$0xFFFFFFC0] =	vst v25;
	v8 =	vmul.f32 v24, v47;
	v23 =	vld [tilespmem:s7+$0xE0]  }
0x114: {  	[tilespmem:s7+$0xFFFFFFD0] =	vst v19  }
0x115: {  	[tilespmem:s22+$0x0] =	vst v15  }
0x116: {  	[tilespmem:s22+$0x10] =	vst v16  }
0x117: {  	[tilespmem:s22+$0x20] =	vst v14  }
0x118: {  	[tilespmem:s22+$0x30] =	vst v13  }
0x119: {  	[tilespmem:s22+$0x40] =	vst v12  }
0x11a: {  	[tilespmem:s22+$0x50] =	vst v11  }
0x11b: {  	[tilespmem:s22+$0x60] =	vst v9  }
0x11c: {  	[tilespmem:s22+$0x70] =	vst v7  }
0x11d: {  	[tilespmem:s22+$0x80] =	vst v10  }
0x11e: {  	[tilespmem:s22+$0xFFFFFFE0] =	vst v18  }
0x11f: {  	v5 =	vmul.f32 v20, v5;
	[tilespmem:s22+$0xFFFFFFF0] =	vst v17  }
0x120: {  	v2 =	vmul.f32 v21, v2;
	[tilespmem:s22+$0x90] =	vst v8  }
0x121: {  	v3 =	vmul.f32 v22, v3;
	[tilespmem:s22+$0xA0] =	vst v5  }
.Ltmp8:
0x122: {  	v1 =	vmul.f32 v6, v1;
	[tilespmem:s22+$0xB0] =	vst v2;
	(pc) =	sbr.rel @!p1 .LBB2_13-.Ltmp8, $4  }
0x123: {  	v2 =	vmul.f32 v23, v4;
	[tilespmem:s22+$0xC0] =	vst v3  }
0x124: {  	[tilespmem:s22+$0xD0] =	vst v1  }
0x125: {  	[tilespmem:s22+$0xE0] =	vst v2  }
0x126: {  	[spmem:s1] =	stream.indirect.scatter.add.f32 [tilespmem:s23], [sflag:$0x7], $0x80, s30, s20, $0xb8;
	[tilespmem:$0x1E300] =	vst v63  }
0x127: {  	_ =	swait.ge [sflag:s31], $0x4000  }
0x128: {  	[sflag:s31] =	ssyncset.done $0x0  }
0x129: {  	s7 =	simm.s32 @!p0 $0x1;
	[sflag:s31] =	ssyncadd.s32 $0xFFFFC000  }
0x12a: {  	_ =	swait.ge @!p0 [sflag:s7], $0x80  }
0x12b: {  	[sflag:s7] =	ssyncset.done @!p0 $0x0  }
0x12c: {  	[sflag:s7] =	ssyncadd.s32 @!p0 $0xFFFFFF80  }
0x12d: {  	_ =	swait.ge @!p0 [sflag:s7], $0x80  }
0x12e: {  	[sflag:s7] =	ssyncset.done @!p0 $0x0  }
0x12f: {  	[sflag:s7] =	ssyncadd.s32 @!p0 $0xFFFFFF80;
	s7 =	sshll.u32 @!p0 s11, $0xE  }
0x130: {  	s10 =	simm.s32 @!p0 $0x0;
	s22 =	simm.s32 @!p0 $0x180;
	s7 =	sadd.s32 @!p0 s7, s15  }
0x131: {  	[tilespmem:s22], [sflag:$0x3] =	stream.linear.gather @!p0 [hbm4b:s7+s10], $0x800, $0x38;
	[tilespmem:$0x1E300] =	vst v63  }
0x132: {  	s7 =	simm.s32 @!p0 $0x80;
	s22 =	simm.s32 @!p0 $0x980  }
0x133: {  	[tilespmem:s22], [sflag:$0x5] =	stream.indirect.gather @!p0 [hbm4b:s6+s7], $0x80, s10, s7, $0xb8;
	[tilespmem:$0x1E300] =	vst v63  }
0x134: {  	_ =	swait.ge [sflag:s0], $0x800  }
0x135: {  	[sflag:s0] =	ssyncset.done $0x0  }
0x136: {  	[sflag:s0] =	ssyncadd.s32 $0xFFFFF800  }
0x137: {  	p0 =	sgt.u32 s11, $0x25;
	_ =	swait.ge [sflag:s2], $0x4000  }
0x138: {  	s7 =	sadd.s32 @!p0 s14, s17;
	s17 =	simm.s32 @!p0 $0x0;
	[sflag:s2] =	ssyncset.done $0x0  }
0x139: {  	s22 =	simm.s32 @!p0 $0x4980;
	s10 =	sadd.s32 @!p0 s4, s7;
	[sflag:s2] =	ssyncadd.s32 $0xFFFFC000  }
0x13a: {  	[tilespmem:s22], [sflag:$0x2] =	stream.linear.gather @!p0 [hbm4b:s10+s17], $0x80, $0x38;
	[tilespmem:$0x1E300] =	vst v63  }
0x13b: {  	s7 =	sadd.s32 @!p0 s5, s7;
	s10 =	simm.s32 @!p0 $0x4A00  }
0x13c: {  	[tilespmem:s10], [sflag:$0x2] =	stream.linear.gather @!p0 [hbm4b:s7+s17], $0x80, $0x38;
	[tilespmem:$0x1E300] =	vst v63  }
0x13d: {  	s22 =	sadd.s32 s16, s9  }
0x13e: {  	[tilespmem:s8], [sflag:$0x9] =	stream.linear.gather [hbm4b:s22+s3], $0x80, $0x38;
	[tilespmem:$0x1E300] =	vst v63  }
0x13f: {  	_ =	swait.ge [sflag:s19], $0x80  }
0x140: {  	[sflag:s19] =	ssyncset.done $0x0  }
0x141: {  	s25 =	simm.s32 $0x4B20;
	[sflag:s19] =	ssyncadd.s32 $0xFFFFFF80  }
0x142: {  	v4 =	vld [tilespmem:s25+$0x10]  }
0x143: {  	s7 =	simm.s32 $0x5400;
	v1 =	vld [tilespmem:s25+$0xFFFFFFF0]  }
0x144: {  	v2 =	vld [tilespmem:s7+$0xF0]  }
0x145: {  	v3 =	vld [tilespmem:s25+$0x0]  }
0x146: {  	v5 =	vld [tilespmem:s25+$0xFFFFFFE0]  }
0x147: {  	v6 =	vld [tilespmem:s7+$0xFFFFFF00]  }
0x148: {  	v7 =	vld [tilespmem:s7+$0xFFFFFF10];
	v8 =	vbroadcast v4, $0x0  }
0x149: {  	v11 =	vld [tilespmem:s7+$0xFFFFFF20];
	v9 =	vbroadcast v4, $0x7;
	v10 =	vbroadcast v1, $0x0  }
0x14a: {  	v14 =	vld [tilespmem:s7+$0xFFFFFF30];
	v12 =	vbroadcast v1, $0x1;
	v13 =	vbroadcast v1, $0x2  }
0x14b: {  	v16 =	vld [tilespmem:s7+$0xFFFFFF40];
	v15 =	vbroadcast v1, $0x3;
	v17 =	vbroadcast v1, $0x4  }
0x14c: {  	v19 =	vld [tilespmem:s7+$0xFFFFFF50];
	v18 =	vbroadcast v5, $0x0;
	v20 =	vbroadcast v5, $0x1  }
0x14d: {  	v22 =	vld [tilespmem:s7+$0xFFFFFF60];
	v21 =	vbroadcast v5, $0x2;
	v23 =	vbroadcast v5, $0x3  }
0x14e: {  	v25 =	vld [tilespmem:s7+$0xFFFFFF70];
	v24 =	vbroadcast v5, $0x4;
	v26 =	vbroadcast v5, $0x5  }
0x14f: {  	v28 =	vld [tilespmem:s7+$0xFFFFFF80];
	v27 =	vbroadcast v5, $0x6;
	v29 =	vbroadcast v5, $0x7  }
0x150: {  	v31 =	vld [tilespmem:s7+$0xFFFFFF90];
	v30 =	vbroadcast v1, $0x5;
	v32 =	vbroadcast v1, $0x6  }
0x151: {  	v34 =	vld [tilespmem:s7+$0xFFFFFFA0];
	v33 =	vbroadcast v1, $0x7;
	v35 =	vbroadcast v3, $0x0  }
0x152: {  	v37 =	vld [tilespmem:s7+$0xFFFFFFB0];
	v36 =	vbroadcast v3, $0x1;
	v38 =	vbroadcast v3, $0x2  }
0x153: {  	v40 =	vld [tilespmem:s7+$0xFFFFFFC0];
	v39 =	vbroadcast v3, $0x3;
	v41 =	vbroadcast v3, $0x4  }
0x154: {  	v43 =	vld [tilespmem:s7+$0xFFFFFFD0];
	v42 =	vbroadcast v3, $0x5;
	v44 =	vbroadcast v3, $0x6  }
0x155: {  	v46 =	vld [tilespmem:s7+$0xFFFFFFE0];
	v45 =	vbroadcast v3, $0x7;
	v47 =	vbroadcast v4, $0x1  }
0x156: {  	v48 =	vld [tilespmem:s7+$0xFFFFFFF0];
	v5 =	vbroadcast v4, $0x2;
	v9 =	vmul.f32 v2, v9  }
0x157: {  	v49 =	vld [tilespmem:s7+$0x0];
	v3 =	vbroadcast v4, $0x4;
	v6 =	vmul.f32 v18, v6  }
0x158: {  	v60 =	vld [tilespmem:s7+$0x70];
	v1 =	vbroadcast v4, $0x5;
	v7 =	vmul.f32 v7, v20;
	[tilespmem:s7+$0xF0] =	vst v9  }
0x159: {  	v62 =	vld [tilespmem:s7+$0x80];
	v2 =	vbroadcast v4, $0x3;
	v11 =	vmul.f32 v11, v21;
	[tilespmem:s7+$0xFFFFFF00] =	vst v6  }
0x15a: {  	v63 =	vld [tilespmem:s7+$0x90];
	v4 =	vbroadcast v4, $0x6;
	v14 =	vmul.f32 v14, v23;
	[tilespmem:s7+$0xFFFFFF10] =	vst v7  }
0x15b: {  	v16 =	vmul.f32 v16, v24;
	v20 =	vmul.f32 v22, v27;
	v22 =	vld [tilespmem:s7+$0x50];
	[tilespmem:s7+$0xFFFFFF20] =	vst v11  }
0x15c: {  	v18 =	vmul.f32 v19, v26;
	v21 =	vmul.f32 v25, v29;
	v9 =	vld [tilespmem:s7+$0x10];
	[tilespmem:s7+$0xFFFFFF30] =	vst v14  }
0x15d: {  	v10 =	vmul.f32 v10, v28;
	v12 =	vmul.f32 v31, v12;
	v6 =	vld [tilespmem:s7+$0x20];
	[tilespmem:s7+$0xFFFFFF40] =	vst v16  }
0x15e: {  	v58 =	vmul.f32 v34, v13;
	v59 =	vmul.f32 v37, v15;
	v11 =	vld [tilespmem:s7+$0x40];
	[tilespmem:s7+$0xFFFFFF50] =	vst v18  }
0x15f: {  	v61 =	vmul.f32 v40, v17;
	v19 =	vmul.f32 v43, v30;
	v7 =	vld [tilespmem:s7+$0x30];
	[tilespmem:s7+$0xFFFFFF60] =	vst v20  }
0x160: {  	v23 =	vld [tilespmem:s7+$0x60];
	v17 =	vmul.f32 v48, v33;
	v15 =	vmul.f32 v35, v49;
	[tilespmem:s7+$0xFFFFFF70] =	vst v21  }
0x161: {  	v18 =	vmul.f32 v46, v32;
	[tilespmem:s7+$0xFFFFFF80] =	vst v10;
	v20 =	vld [tilespmem:s7+$0xA0];
	v10 =	vmul.f32 v8, v62  }
0x162: {  	[tilespmem:s7+$0xFFFFFF90] =	vst v12;
	v21 =	vld [tilespmem:s7+$0xB0];
	v8 =	vmul.f32 v63, v47;
	v16 =	vmul.f32 v9, v36  }
0x163: {  	[tilespmem:s7+$0xFFFFFFA0] =	vst v58;
	v12 =	vmul.f32 v11, v41;
	v11 =	vmul.f32 v22, v42;
	v22 =	vld [tilespmem:s7+$0xC0]  }
0x164: {  	[tilespmem:s7+$0xFFFFFFB0] =	vst v59;
	v14 =	vmul.f32 v6, v38;
	v13 =	vmul.f32 v7, v39;
	v6 =	vld [tilespmem:s7+$0xD0]  }
0x165: {  	s16 =	simm.s32 $0x5400;
	s10 =	simm.s32 $0x0;
	s17 =	simm.s32 $0x4B60;
	[tilespmem:s7+$0xFFFFFFC0] =	vst v61;
	v9 =	vmul.f32 v23, v44;
	v7 =	vmul.f32 v60, v45;
	v23 =	vld [tilespmem:s7+$0xE0]  }
.LBB2_11:
0x166: {  	v24 =	vld [tilespmem:s17+$0x10];
	s10 =	sadd.s32 $0x4, s10;
	[tilespmem:s7+$0xFFFFFFD0] =	vst v19;
	v5 =	vmul.f32 v20, v5  }
0x167: {  	s7 =	sadd.s32 $0x200, s7;
	v19 =	vld [tilespmem:s17+$0xFFFFFFF0];
	p0 =	slt.u32 s10, $0x7C;
	[tilespmem:s16+$0xFFFFFFE0] =	vst v18;
	v2 =	vmul.f32 v21, v2  }
0x168: {  	v18 =	vld [tilespmem:s7+$0xF0];
	[tilespmem:s16+$0xFFFFFFF0] =	vst v17;
	v3 =	vmul.f32 v22, v3  }
0x169: {  	v17 =	vld [tilespmem:s17+$0x0];
	[tilespmem:s16+$0x0] =	vst v15;
	v1 =	vmul.f32 v6, v1  }
0x16a: {  	v15 =	vld [tilespmem:s17+$0xFFFFFFE0];
	[tilespmem:s16+$0x10] =	vst v16;
	v4 =	vmul.f32 v23, v4  }
0x16b: {  	v16 =	vld [tilespmem:s7+$0xFFFFFF00];
	v6 =	vbroadcast v24, $0x0;
	v20 =	vbroadcast v24, $0x7;
	[tilespmem:s16+$0x20] =	vst v14  }
0x16c: {  	v14 =	vld [tilespmem:s7+$0xFFFFFF10];
	v21 =	vbroadcast v19, $0x0;
	v22 =	vbroadcast v19, $0x1;
	[tilespmem:s16+$0x30] =	vst v13  }
0x16d: {  	v23 =	vbroadcast v19, $0x2;
	v13 =	vld [tilespmem:s7+$0xFFFFFF20];
	v18 =	vmul.f32 v18, v20;
	[tilespmem:s16+$0x40] =	vst v12  }
0x16e: {  	v25 =	vbroadcast v19, $0x4;
	v20 =	vbroadcast v19, $0x3;
	v12 =	vld [tilespmem:s7+$0xFFFFFF30];
	[tilespmem:s16+$0x50] =	vst v11  }
0x16f: {  	v11 =	vbroadcast v15, $0x0;
	v26 =	vbroadcast v15, $0x1;
	v27 =	vld [tilespmem:s7+$0xFFFFFF40];
	[tilespmem:s7+$0xF0] =	vst v18  }
0x170: {  	v18 =	vbroadcast v15, $0x2;
	v28 =	vbroadcast v15, $0x3;
	v29 =	vld [tilespmem:s7+$0xFFFFFF50];
	[tilespmem:s16+$0x60] =	vst v9  }
0x171: {  	v30 =	vbroadcast v15, $0x5;
	v9 =	vbroadcast v15, $0x4;
	v31 =	vld [tilespmem:s7+$0xFFFFFF60];
	[tilespmem:s16+$0x70] =	vst v7  }
0x172: {  	v7 =	vbroadcast v15, $0x6;
	v15 =	vbroadcast v15, $0x7;
	v32 =	vld [tilespmem:s7+$0xFFFFFF70];
	[tilespmem:s16+$0x80] =	vst v10  }
0x173: {  	v33 =	vbroadcast v19, $0x5;
	v34 =	vbroadcast v19, $0x6;
	v10 =	vld [tilespmem:s7+$0xFFFFFF80];
	[tilespmem:s16+$0x90] =	vst v8  }
0x174: {  	v35 =	vbroadcast v19, $0x7;
	v36 =	vbroadcast v17, $0x0;
	v8 =	vld [tilespmem:s7+$0xFFFFFF90];
	[tilespmem:s16+$0xA0] =	vst v5  }
0x175: {  	v37 =	vbroadcast v17, $0x1;
	v38 =	vbroadcast v17, $0x2;
	v19 =	vld [tilespmem:s7+$0xFFFFFFA0];
	[tilespmem:s16+$0xB0] =	vst v2  }
0x176: {  	v40 =	vbroadcast v17, $0x3;
	v41 =	vbroadcast v17, $0x4;
	v39 =	vld [tilespmem:s7+$0xFFFFFFB0];
	[tilespmem:s16+$0xC0] =	vst v3  }
0x177: {  	v43 =	vbroadcast v17, $0x5;
	v44 =	vbroadcast v17, $0x6;
	v42 =	vld [tilespmem:s7+$0xFFFFFFC0];
	[tilespmem:s16+$0xD0] =	vst v1  }
0x178: {  	v47 =	vbroadcast v24, $0x1;
	v46 =	vbroadcast v17, $0x7;
	v45 =	vld [tilespmem:s7+$0xFFFFFFD0];
	[tilespmem:s16+$0xE0] =	vst v4;
	s16 =	smov.u32 s7  }
0x179: {  	v5 =	vbroadcast v24, $0x2;
	v2 =	vbroadcast v24, $0x3;
	v17 =	vld [tilespmem:s7+$0xFFFFFFE0]  }
0x17a: {  	v3 =	vbroadcast v24, $0x4;
	v1 =	vbroadcast v24, $0x5;
	v48 =	vld [tilespmem:s7+$0xFFFFFFF0]  }
0x17b: {  	v11 =	vmul.f32 v11, v16;
	v4 =	vbroadcast v24, $0x6;
	v16 =	vld [tilespmem:s7+$0x0]  }
0x17c: {  	v14 =	vmul.f32 v14, v26;
	v13 =	vmul.f32 v13, v18;
	v24 =	vld [tilespmem:s7+$0x10]  }
0x17d: {  	v9 =	vmul.f32 v27, v9;
	[tilespmem:s7+$0xFFFFFF00] =	vst v11;
	v11 =	vmul.f32 v12, v28;
	v12 =	vld [tilespmem:s7+$0x20]  }
0x17e: {  	v7 =	vmul.f32 v31, v7;
	[tilespmem:s7+$0xFFFFFF10] =	vst v14;
	v14 =	vmul.f32 v29, v30;
	v26 =	vld [tilespmem:s7+$0x30]  }
0x17f: {  	v10 =	vmul.f32 v21, v10;
	[tilespmem:s7+$0xFFFFFF20] =	vst v13;
	v13 =	vmul.f32 v32, v15;
	v21 =	vld [tilespmem:s7+$0x40]  }
0x180: {  	v8 =	vmul.f32 v8, v22;
	v22 =	vmul.f32 v19, v23;
	[tilespmem:s7+$0xFFFFFF30] =	vst v11;
	v11 =	vld [tilespmem:s7+$0x50]  }
0x181: {  	v23 =	vmul.f32 v39, v20;
	v25 =	vmul.f32 v42, v25;
	[tilespmem:s7+$0xFFFFFF40] =	vst v9;
	v9 =	vld [tilespmem:s7+$0x60]  }
0x182: {  	v19 =	vmul.f32 v45, v33;
	v18 =	vmul.f32 v17, v34;
	[tilespmem:s7+$0xFFFFFF50] =	vst v14;
	v27 =	vld [tilespmem:s7+$0x70]  }
0x183: {  	v17 =	vmul.f32 v48, v35;
	v15 =	vmul.f32 v36, v16;
	[tilespmem:s7+$0xFFFFFF60] =	vst v7;
	v28 =	vld [tilespmem:s7+$0x80]  }
0x184: {  	v16 =	vmul.f32 v24, v37;
	v14 =	vmul.f32 v12, v38;
	[tilespmem:s7+$0xFFFFFF70] =	vst v13;
	v24 =	vld [tilespmem:s7+$0x90]  }
.Ltmp9:
0x185: {  	v13 =	vmul.f32 v26, v40;
	v12 =	vmul.f32 v21, v41;
	[tilespmem:s7+$0xFFFFFF80] =	vst v10;
	v20 =	vld [tilespmem:s7+$0xA0];
	(pc) =	sbr.rel @p0 .LBB2_11-.Ltmp9, $4  }
0x186: {  	v11 =	vmul.f32 v11, v43;
	[tilespmem:s7+$0xFFFFFF90] =	vst v8;
	v9 =	vmul.f32 v9, v44;
	v21 =	vld [tilespmem:s7+$0xB0]  }
0x187: {  	[tilespmem:s7+$0xFFFFFFA0] =	vst v22;
	v7 =	vmul.f32 v27, v46;
	v22 =	vld [tilespmem:s7+$0xC0]  }
0x188: {  	[tilespmem:s7+$0xFFFFFFB0] =	vst v23;
	v10 =	vmul.f32 v6, v28;
	v6 =	vld [tilespmem:s7+$0xD0]  }
0x189: {  	s17 =	sadd.s32 $0x40, s17;
	[tilespmem:s7+$0xFFFFFFC0] =	vst v25;
	v8 =	vmul.f32 v24, v47;
	v23 =	vld [tilespmem:s7+$0xE0]  }
0x18a: {  	[tilespmem:s7+$0xFFFFFFD0] =	vst v19  }
0x18b: {  	[tilespmem:s16+$0x0] =	vst v15  }
0x18c: {  	[tilespmem:s16+$0x10] =	vst v16  }
0x18d: {  	[tilespmem:s16+$0x20] =	vst v14  }
0x18e: {  	[tilespmem:s16+$0x30] =	vst v13  }
0x18f: {  	[tilespmem:s16+$0x40] =	vst v12  }
0x190: {  	[tilespmem:s16+$0x50] =	vst v11  }
0x191: {  	[tilespmem:s16+$0x60] =	vst v9  }
0x192: {  	[tilespmem:s16+$0x70] =	vst v7  }
0x193: {  	[tilespmem:s16+$0x80] =	vst v10  }
0x194: {  	[tilespmem:s16+$0xFFFFFFE0] =	vst v18  }
0x195: {  	v5 =	vmul.f32 v20, v5;
	[tilespmem:s16+$0xFFFFFFF0] =	vst v17  }
0x196: {  	v2 =	vmul.f32 v21, v2;
	[tilespmem:s16+$0x90] =	vst v8  }
0x197: {  	v3 =	vmul.f32 v22, v3;
	[tilespmem:s16+$0xA0] =	vst v5  }
.Ltmp10:
0x198: {  	v1 =	vmul.f32 v6, v1;
	[tilespmem:s16+$0xB0] =	vst v2;
	(pc) =	sbr.rel .LBB2_13-.Ltmp10, $4  }
0x199: {  	v2 =	vmul.f32 v23, v4;
	[tilespmem:s16+$0xC0] =	vst v3  }
0x19a: {  	[tilespmem:s16+$0xD0] =	vst v1  }
0x19b: {  	[tilespmem:s16+$0xE0] =	vst v2  }
0x19c: {  	[spmem:s1] =	stream.indirect.scatter.add.f32 [tilespmem:s26], [sflag:$0x8], $0x80, s8, s20, $0xb8;
	[tilespmem:$0x1E300] =	vst v63  }
.LBB2_15:
0x19d: {  	_ =	sfence.sel $0x180000  }
0x19e: {  	[bflag:$0x0] =	sbarrier.arrive $0xFFFF  }
0x19f: {  	_ =	strace $0x9000004A  }
0x1a0: {  	s0 =	stileid.u32;
	[bflag:$0x2] =	sbarrier.arrive $0xFFFF  }
0x1a1: {  	p0 =	sne.s32 s0, $0x0;
	s0 =	rddreg [dreg:$0x2]  }
0x1a2: {  	s0 =	sadd.s32 @!p0 $0x100000, s0  }
0x1a3: {  	[sflag:s0] =	ssyncadd.tile.s32 @!p0 $0x1;
	_ =	shalt  }
.Lfunc_end2:
_tile_overlayer_lowered:
.L_overlay_start_2:
0x1a4: {  	(tag) =	ssettag $0x2  }
0x1a5: {  	s0 =	rddreg [dreg:$0x0];
	s2 =	stileid.u32  }
0x1a6: {  	s1 =	rddreg [dreg:$0x1];
	p0 =	sne.s32 s2, $0x0  }
0x1a7: {  	s3 =	rddreg [dreg:$0x2];
	[bflag:$0x3] =	sbarrier.arrive $0xFFFF;
	s2 =	simm.s32 @!p0 $0x1C09  }
0x1a8: {  	[timem:s3], [sflag:s2] =	dma.local @!p0 [hbm:s0], s1  }
0x1a9: {  	s0 =	simm.s32 @!p0 $0x9  }
0x1aa: {  	_ =	swait.ge @!p0 [sflag:s0], s1  }
0x1ab: {  	s1 =	ssub.s32 @!p0 $0x0, s1;
	[sflag:s0] =	ssyncset.done @!p0 $0x0  }
0x1ac: {  	[sflag:s0] =	ssyncadd.s32 @!p0 s1  }
0x1ad: {  	[bflag:$0x3] =	sbarrier.arrive $0xFFFF  }
0x1ae: {  	_ =	shalt  }

// kernel: kernel.15.cloned.1.call-start
scs
__scs_entry_jumppad:
0x0: {  	(pc) =	sbr.rel $0x88, $3  }
0x1: {  	(tag) =	ssettag $0x0;
	lr =	simm.s32 $0x1  }
0x2: {  	[smem:$0x3F97] =	sst lr;
	_ =	strace $0xD0000000  }
0x3: {  	_ = 	snop  }
0x4: {  	_ = 	snop  }
0x5: {  	_ = 	snop  }
0x6: {  	_ = 	snop  }
0x7: {  	_ = 	snop  }
__scs_overlays_trampoline_lowered:
0x8: {  	[smem:$0x3FA6] =	sst s0  }
0x9: {  	[smem:$0x3FA7] =	sst s1  }
0xa: {  	[smem:$0x3FA8] =	sst s2  }
0xb: {  	[smem:$0x3FA9] =	sst s3  }
0xc: {  	[smem:$0x3FAA] =	sst s4  }
0xd: {  	[smem:$0x3FAB] =	sst s5  }
0xe: {  	[smem:$0x3FAC] =	sst s6  }
0xf: {  	[smem:$0x3FAD] =	sst s7  }
0x10: {  	[smem:$0x3FAE] =	sst s8  }
0x11: {  	[smem:$0x3FAF] =	sst s9;
	s0 =	simm.s32 @!p0 $0x0  }
0x12: {  	s1 =	sld [smem:$0x3F95];
	s0 =	simm.s32 @p0 $0x1  }
0x13: {  	[smem:$0x3FB0] =	sst s0;
	s0 =	simm.s32 @!p1 $0x0  }
0x14: {  	s2 =	sld [smem:$0x3F94];
	s0 =	simm.s32 @p1 $0x1  }
0x15: {  	[smem:$0x3FB1] =	sst s0;
	s0 =	simm.s32 @!p2 $0x0  }
0x16: {  	s3 =	sld [smem:$0x3FDB];
	s0 =	simm.s32 @p2 $0x1  }
0x17: {  	s4 =	simm.s32 $0x1BF5;
	[smem:$0x3FB3] =	sst s0  }
0x18: {  	s0 =	sld [smem:$0x3F96];
	_ =	swait.ge [sflag:s4], $0x0  }
0x19: {  	s7 =	sld [smem:$0x3F97]  }
0x1a: {  	s8 =	sadd.s32 $0xFFFFE003, lr  }
0x1b: {  	s9 =	sadd.s32 $0xFFFFFEF7, lr;
	s5 =	simm.s32 $0xFFFFFFFF;
	p2 =	slt.u32 s8, $0xFFFFF086  }
0x1c: {  	p1 =	slt.u32 s9, $0xF7A;
	s5 =	simm.s32 @!p2 $0x0  }
0x1d: {  	s5 =	simm.s32 @p1 $0x1;
	p0 =	seq.s32 s7, s2  }
0x1e: {  	s7 =	smul.u32 @!p0 $0xF7A, s2;
	p2 =	seq.s32 @!p0 s5, $0x0  }
0x1f: {  	s9 =	smul.u32 $0xF7A, s1;
	s8 =	simm.s32 @!p0 $0x1BF5;
	p2 =	por !p2, p0  }
0x20: {  	[sflag:s8] =	ssyncset.s32 @!p0 $0xFFFFF086;
	s6 =	sadd.s32 @!p0 s3, s7;
	s7 =	simm.s32 @!p0 $0x108  }
0x21: {  	s3 =	sadd.s32 s3, s9;
	s6 =	sadd.s32 @!p0 $0x88, s6;
	s7 =	simm.s32 @p2 $0x1082  }
0x22: {  	[simem:s7], [sflag:s8] =	dma.local @!p0 [hbm:s6], $0xF7A  }
0x23: {  	s9 =	sor.u32 $0xD0000000, s2;
	s6 =	simm.s32 $0x108;
	_ =	swait.ge @!p0 [sflag:s8], $0x0  }
0x24: {  	s3 =	sadd.s32 $0x88, s3;
	s6 =	simm.s32 @!p1 $0x1082;
	[sflag:s4] =	ssyncset.s32 $0xFFFFF086  }
0x25: {  	[simem:s6], [sflag:s4] =	dma.local [hbm:s3], $0xF7A  }
0x26: {  	[smem:$0x3F97] =	sst s1;
	(tag) =	ssettag s2;
	_ =	strace s9  }
0x27: {  	s1 =	sld [smem:$0x3FA7]  }
0x28: {  	s2 =	sld [smem:$0x3FA8]  }
0x29: {  	s4 =	sld [smem:$0x3FAA]  }
0x2a: {  	p0 =	seq.s32 s5, $0x0;
	s5 =	sld [smem:$0x3FAB]  }
0x2b: {  	s6 =	sld [smem:$0x3FAC]  }
0x2c: {  	s7 =	sld [smem:$0x3FAD]  }
0x2d: {  	s3 =	simm.s32 $0x108;
	s8 =	sld [smem:$0x3FAE]  }
0x2e: {  	s3 =	simm.s32 @!p0 $0x1082;
	s9 =	sld [smem:$0x3FAF]  }
0x2f: {  	lr =	sadd.s32 s0, s3;
	s0 =	sld [smem:$0x3FA6]  }
0x30: {  	s3 =	sld [smem:$0x3FA9]  }
0x31: {  	[smem:$0x3FB2] =	sst s10  }
0x32: {  	s10 =	sld [smem:$0x3FB0];
	_ =	sdelay $0x3  }
0x33: {  	p0 =	seq.s32 s10, $0x1;
	s10 =	sld [smem:$0x3FB2];
	_ =	sdelay $0x3  }
0x34: {  	[smem:$0x3FB2] =	sst s10  }
0x35: {  	s10 =	sld [smem:$0x3FB1];
	_ =	sdelay $0x3  }
0x36: {  	p1 =	seq.s32 s10, $0x1;
	s10 =	sld [smem:$0x3FB2];
	_ =	sdelay $0x3  }
0x37: {  	[smem:$0x3FB2] =	sst s10  }
0x38: {  	s10 =	sld [smem:$0x3FB3]  }
0x39: {  	_ = 	snop;
	(pc) =	sbr.ind lr, $3  }
0x3a: {  	_ = 	snop  }
0x3b: {  	_ = 	snop  }
0x3c: {  	p2 =	seq.s32 s10, $0x1;
	s10 =	sld [smem:$0x3FB2]  }
0x3d: {  	_ =	shalt  }
0x3e: {  	_ =	shalt  }
0x3f: {  	_ =	shalt  }
0x40: {  	_ =	shalt  }
0x41: {  	_ =	shalt  }
0x42: {  	_ =	shalt  }
0x43: {  	_ =	shalt  }
0x44: {  	_ =	shalt  }
0x45: {  	_ =	shalt  }
0x46: {  	_ =	shalt  }
0x47: {  	_ =	shalt  }
0x48: {  	_ =	shalt  }
0x49: {  	_ =	shalt  }
0x4a: {  	_ =	shalt  }
0x4b: {  	_ =	shalt  }
0x4c: {  	_ =	shalt  }
0x4d: {  	_ =	shalt  }
0x4e: {  	_ =	shalt  }
0x4f: {  	_ =	shalt  }
0x50: {  	_ =	shalt  }
0x51: {  	_ =	shalt  }
0x52: {  	_ =	shalt  }
0x53: {  	_ =	shalt  }
0x54: {  	_ =	shalt  }
0x55: {  	_ =	shalt  }
0x56: {  	_ =	shalt  }
0x57: {  	_ =	shalt  }
0x58: {  	_ =	shalt  }
0x59: {  	_ =	shalt  }
0x5a: {  	_ =	shalt  }
0x5b: {  	_ =	shalt  }
0x5c: {  	_ =	shalt  }
0x5d: {  	_ =	shalt  }
0x5e: {  	_ =	shalt  }
0x5f: {  	_ =	shalt  }
0x60: {  	_ =	shalt  }
0x61: {  	_ =	shalt  }
0x62: {  	_ =	shalt  }
0x63: {  	_ =	shalt  }
0x64: {  	_ =	shalt  }
0x65: {  	_ =	shalt  }
0x66: {  	_ =	shalt  }
0x67: {  	_ =	shalt  }
0x68: {  	_ =	shalt  }
0x69: {  	_ =	shalt  }
0x6a: {  	_ =	shalt  }
0x6b: {  	_ =	shalt  }
0x6c: {  	_ =	shalt  }
0x6d: {  	_ =	shalt  }
0x6e: {  	_ =	shalt  }
0x6f: {  	_ =	shalt  }
0x70: {  	_ =	shalt  }
0x71: {  	_ =	shalt  }
0x72: {  	_ =	shalt  }
0x73: {  	_ =	shalt  }
0x74: {  	_ =	shalt  }
0x75: {  	_ =	shalt  }
0x76: {  	_ =	shalt  }
0x77: {  	_ =	shalt  }
0x78: {  	_ =	shalt  }
0x79: {  	_ =	shalt  }
0x7a: {  	_ =	shalt  }
0x7b: {  	_ =	shalt  }
0x7c: {  	_ =	shalt  }
0x7d: {  	_ =	shalt  }
0x7e: {  	_ =	shalt  }
0x7f: {  	_ =	shalt  }
0x80: {  	_ =	shalt  }
0x81: {  	_ =	shalt  }
0x82: {  	_ =	shalt  }
0x83: {  	_ =	shalt  }
0x84: {  	_ =	shalt  }
0x85: {  	_ =	shalt  }
0x86: {  	_ =	shalt  }
0x87: {  	_ =	shalt  }
.Lfunc_end0:
.L_simem_size_0:
called_computation.2_lowered:
.L_overlay_start_0:
0x88: {  	s2 =	sld [smem:$0x3FD9]  }
0x89: {  	s3 =	sld [smem:$0x3FFE];
	_ =	sdelay $0x1  }
0x8a: {  	s1 =	srdreg.scid  }
0x8b: {  	s0 =	sand.u32 $0x1, s1  }
0x8c: {  	s17 =	sshll.u32 s0, $0xA;
	s2 =	sadd.s32 s3, s2  }
0x8d: {  	s2 =	sadd.s32 s2, s17  }
0x8e: {  	[smem:$0x3FBE] =	sst s2  }
0x8f: {  	_ = 	snop  }
0x90: {  	s2 =	sld [smem:$0x3FD0];
	(tm) =	ssettm $0x1  }
0x91: {  	s18 =	sld [smem:$0x3FFB];
	_ =	sdelay $0x3  }
0x92: {  	_ =	strace s18  }
0x93: {  	s3 =	sld [smem:$0x3FFC];
	_ =	sdelay $0x3  }
0x94: {  	_ =	strace s3  }
0x95: {  	s3 =	sld [smem:$0x3FFD];
	_ =	sdelay $0x3  }
0x96: {  	_ =	strace s3  }
0x97: {  	_ =	strace $0x8FFFFFFF  }
0x98: {  	s19 =	sld [smem:$0x3FDB];
	_ =	sdelay $0x1  }
0x99: {  	s4 =	simm.s32 $_scs_section_size  }
0x9a: {  	s5 =	simm.s32 $_size__tile_overlayer_lowered;
	s6 =	simm.s32 $_tile_overlayer_lowered  }
0x9b: {  	s22 =	simm.s32 $0x1BFF;
	s21 =	sshll.u32 s6, $0x1;
	s3 =	sadd.s32 s4, s19  }
0x9c: {  	s7 =	simm.s32 $0x0;
	s20 =	sshll.u32 s5, $0x1;
	s5 =	sadd.s32 s21, s3  }
0x9d: {  	[timem:s7], [sflag:s22] =	dma.local [hbm:s5], s20  }
0x9e: {  	_ =	swait.ge [sflag:s22], s20  }
0x9f: {  	s4 =	ssub.s32 $0x0, s20;
	[sflag:s22] =	ssyncset.done $0x0  }
0xa0: {  	[sflag:s22] =	ssyncadd.s32 s4;
	_ =	sdelay $0x1  }
0xa1: {  	s23 =	simm.s32 $0x1B8B  }
0xa2: {  	_ =	swait.ge [sflag:s23], $0x1  }
0xa3: {  	[sflag:s23] =	ssyncset.done $0x0  }
0xa4: {  	s25 =	simm.s32 $0x1B8E;
	s24 =	sld [smem:$0x3FFE];
	[sflag:s23] =	ssyncadd.s32 $0xFFFFFFFF  }
0xa5: {  	s26 =	simm.s32 $execute0_lowered;
	[smem:$0x3FD2] =	sst s25  }
0xa6: {  	s5 =	sshll.u32 s26, $0x1;
	_ =	strace $0x8000004C;
	[dreg:$0x1] =	wrdreg $0xFFFFFFFF  }
0xa7: {  	s28 =	simm.s32 $_size_execute0_lowered;
	s3 =	sadd.s32 s3, s5;
	[dreg:$0x0] =	wrdreg $0x0  }
0xa8: {  	s5 =	sshll.u32 s28, $0x1;
	[dreg:$0x2] =	wrdreg s3  }
0xa9: {  	[dreg:$0x3] =	wrdreg s5  }
0xaa: {  	[dreg:$0x4] =	wrdreg $0xC0  }
0xab: {  	_ =	task [dreg:s7], $0x5FFFF  }
0xac: {  	[dreg:$0x1] =	wrdreg $0xFFFFFFFF  }
0xad: {  	[dreg:$0x0] =	wrdreg $0x60  }
0xae: {  	[dreg:$0x2] =	wrdreg s24  }
0xaf: {  	[dreg:$0x3] =	wrdreg s2  }
0xb0: {  	[dreg:$0x4] =	wrdreg $0x5B000  }
0xb1: {  	[dreg:$0x5] =	wrdreg $0x9  }
0xb2: {  	_ =	task.clear_ibuf [dreg:s7], $0x6FFFF;
	_ =	strace $0x9000004C  }
0xb3: {  	s29 =	simm.s32 $0x9;
	_ =	strace $0x8000004E  }
0xb4: {  	_ =	swait.ge [sflag:s29], $0x1  }
0xb5: {  	[sflag:s29] =	ssyncadd.s32 $0xFFFFFFFF  }
0xb6: {  	_ =	strace $0x9000004E  }
0xb7: {  	_ =	sfence  }
0xb8: {  	s30 =	sld [smem:$0x0];
	_ =	sdelay $0x2  }
0xb9: {  	s31 =	sshll.u32 s1, $0xD;
	s1 =	sshrl.u32 s1, $0x2  }
0xba: {  	s3 =	sand.u32 $0x4000, s31;
	s1 =	sadd.s32 s1, s30  }
0xbb: {  	s0 =	sor.u32 s3, s0;
	s1 =	sshll.u32 s1, $0x11  }
0xbc: {  	s0 =	sor.u32 s1, s0  }
0xbd: {  	s0 =	sadd.s32 $0x8F2B, s0  }
0xbe: {  	[sflag:s0] =	ssyncadd.remote.s32 $0x1  }
0xbf: {  	_ =	sfence.sel $0xFFFF  }
0xc0: {  	[dreg:$0x0] =	wrdreg $0xFFFFFFFF;
	(pc) =	sbr.abs _section_cstart, $3  }
0xc1: {  	[dreg:$0x1] =	wrdreg $0xFFFFFFFF  }
0xc2: {  	_ =	task.clear_ibuf [dreg:s7], $0x2FFFF;
	_ =	strace $0x9FFFFFFF  }
0xc3: {  	(tm) =	ssettm $0x7FFFFFFF  }
tec
execute0_lowered:
.L_overlay_start_1:
0x0: {  	(tag) =	ssettag $0x1  }
0x1: {  	s0 =	rddreg [dreg:$0x0]  }
0x2: {  	s5 =	rddreg [dreg:$0x1]  }
0x3: {  	s1 =	rddreg [dreg:$0x2];
	s2 =	simm.s32 $0x0;
	s8 =	srdreg.scid  }
0x4: {  	s13 =	stileid.u32;
	s20 =	simm.s32 $0x9;
	s21 =	simm.s32 $0x80  }
0x5: {  	s28 =	simm.s32 $0x3;
	s29 =	simm.s32 $0x100;
	s30 =	simm.s32 $0x1180  }
0x6: {  	s31 =	simm.s32 $0x4;
	s19 =	simm.s32 $0x2B00;
	[smem:$0x7FF] =	sst s2  }
0x7: {  	s3 =	sadd.s32 $0x3D800, s0;
	s4 =	sadd.s32 $0x33A00, s0;
	s6 =	sadd.s32 $0x1A00, s0  }
0x8: {  	s7 =	sadd.s32 $0x29C00, s0;
	s9 =	sand.u32 $0x1, s8;
	_ =	strace $0x8000004D  }
0x9: {  	s10 =	ssub.s32 $0x2, s9;
	s8 =	sshll.u32 s9, $0x4;
	s9 =	smul.u32 $0x28000, s9  }
0xa: {  	s11 =	sshrl.u32 s10, $0x1;
	s12 =	sor.u32 s13, s8;
	s13 =	smul.u32 $0x2800, s13  }
0xb: {  	s8 =	sadd.s32 $0x47600, s0;
	s22 =	ssub.s32 s10, s11;
	s23 =	sshll.u32 s12, $0x4  }
0xc: {  	s12 =	sshll.u32 s12, $0x7;
	s17 =	sadd.s32 s13, s1;
	s24 =	sadd.s32 s3, s23  }
0xd: {  	s25 =	sadd.s32 s4, s23;
	s26 =	sor.u32 $0x200, s23;
	s9 =	sadd.s32 s13, s9  }
0xe: {  	s15 =	sor.u32 $0x400, s23;
	s16 =	sor.u32 $0x600, s23;
	[dreg:$0x5] =	wrdreg s24  }
0xf: {  	s0 =	smax.u32 s22, $0x1;
	s23 =	simm.s32 $0x1A00;
	[dreg:$0x6] =	wrdreg s25  }
.Ltmp0:
0x10: {  	s14 =	sadd.s32 s3, s26;
	[dreg:$0xa] =	wrdreg s0;
	(pc) =	sbr.rel .LBB2_1-.Ltmp0, $4  }
0x11: {  	s11 =	sadd.s32 s4, s26;
	s9 =	sshrl.u32 s9, $0x3;
	[dreg:$0x4] =	wrdreg s17  }
0x12: {  	s24 =	simm.s32 $0x1;
	s25 =	simm.s32 $0x180;
	[dreg:$0x7] =	wrdreg s14  }
0x13: {  	s26 =	simm.s32 $0x980;
	[dreg:$0x8] =	wrdreg s11;
	s5 =	sadd.s32 s5, s9  }
0x14: {  	v0 =	vimm.f32 $0.0e+00;
	s0 =	simm.s32 $0x1A80;
	s14 =	simm.s32 $0x0;
	[dreg:$0x9] =	wrdreg s5  }
.LBB2_11:
0x15: {  	s5 =	simm.s32 $0x6  }
0x16: {  	_ =	swait.ge [sflag:s5], $0x800  }
0x17: {  	[sflag:s5] =	ssyncset.done $0x0  }
0x18: {  	s11 =	simm.s32 $0x8;
	[sflag:s5] =	ssyncadd.s32 $0xFFFFF800  }
0x19: {  	_ =	swait.ge [sflag:s11], $0x800  }
0x1a: {  	[sflag:s11] =	ssyncset.done $0x0  }
0x1b: {  	s13 =	simm.s32 $0x5;
	[sflag:s11] =	ssyncadd.s32 $0xFFFFF800  }
0x1c: {  	_ =	swait.ge [sflag:s13], $0x800  }
0x1d: {  	[sflag:s13] =	ssyncset.done $0x0  }
0x1e: {  	s17 =	simm.s32 $0x7;
	[sflag:s13] =	ssyncadd.s32 $0xFFFFF800  }
0x1f: {  	_ =	swait.ge [sflag:s17], $0x800  }
0x20: {  	[sflag:s17] =	ssyncset.done $0x0  }
0x21: {  	[sflag:s17] =	ssyncadd.s32 $0xFFFFF800  }
0x22: {  	s18 =	stileid.u32;
	[bflag:$0x0] =	sbarrier.arrive $0xFFFF  }
0x23: {  	s5 =	sshll.u32 s18, $0x6;
	s17 =	rddreg [dreg:$0x4]  }
0x24: {  	s5 =	sor.u32 $0x1C09, s5;
	s10 =	rddreg [dreg:$0x9];
	s9 =	sshrl.u32 s17, $0x3  }
0x25: {  	[hbm:s10], [sflag:s5] =	dma.local [spmem:s9], $0x500  }
0x26: {  	_ =	swait.ge [sflag:s20], $0x500  }
0x27: {  	s14 =	sadd.s32 $0x1, s14;
	s22 =	rddreg [dreg:$0xa]  }
0x28: {  	p0 =	sne.s32 s14, s22  }
.Ltmp1:
0x29: {  	_ = 	snop;
	(pc) =	sbr.rel @!p0 .LBB2_12-.Ltmp1, $3  }
0x2a: {  	_ =	sdelay $0x1  }
0x2b: {  	[sflag:s20] =	ssyncset.done $0x0  }
0x2c: {  	[sflag:s20] =	ssyncadd.s32 $0xFFFFFB00  }
.LBB2_1:
0x2d: {  	s5 =	simm.s32 $0x40;
	s9 =	simm.s32 $0x0  }
.LBB2_2:
0x2e: {  	p0 =	sne.s32 s5, $0x9FC0;
	[tilespmem:s9+$0x3300] =	vst v0;
	s9 =	smov.u32 s5;
	s5 =	sadd.s32 $0x40, s5  }
.Ltmp2:
0x2f: {  	(pc) =	sbr.rel @p0 .LBB2_2-.Ltmp2, $2  }
0x30: {  	_ =	sdelay $0x2  }
0x31: {  	s9 =	sshra.s32 s9, $0x2  }
0x32: {  	[tilespmem:s9+$0x3300] =	vst v0;
	s5 =	simm.s32 $0x3300  }
0x33: {  	[spmem:s17] =	stream.linear.scatter [tilespmem:s5], [sflag:$0x9], $0x2800, $0x38;
	[tilespmem:$0x8300] =	vst v63  }
0x34: {  	_ =	swait.ge [sflag:s20], $0x2800  }
0x35: {  	[sflag:s20] =	ssyncset.done $0x0  }
0x36: {  	[sflag:s20] =	ssyncadd.s32 $0xFFFFD800  }
0x37: {  	[bflag:$0x0] =	sbarrier.arrive $0xFFFF  }
0x38: {  	s17 =	simm.s32 $0x0;
	s10 =	rddreg [dreg:$0x5]  }
0x39: {  	[tilespmem:s17], [sflag:$0x1] =	stream.linear.gather [hbm4b:s10+s17], $0x80, $0x38;
	[tilespmem:$0x8300] =	vst v63  }
0x3a: {  	s11 =	rddreg [dreg:$0x6]  }
0x3b: {  	[tilespmem:s21], [sflag:$0x1] =	stream.linear.gather [hbm4b:s11+s17], $0x80, $0x38;
	[tilespmem:$0x8300] =	vst v63  }
0x3c: {  	s18 =	simm.s32 $0x1980;
	s13 =	rddreg [dreg:$0x7]  }
0x3d: {  	[tilespmem:s18], [sflag:$0x2] =	stream.linear.gather [hbm4b:s13+s17], $0x80, $0x38;
	[tilespmem:$0x8300] =	vst v63  }
0x3e: {  	s22 =	rddreg [dreg:$0x8]  }
0x3f: {  	[tilespmem:s23], [sflag:$0x2] =	stream.linear.gather [hbm4b:s22+s17], $0x80, $0x38;
	[tilespmem:$0x8300] =	vst v63  }
0x40: {  	_ =	swait.ge [sflag:s24], $0x80  }
0x41: {  	[sflag:s24] =	ssyncset.done $0x0  }
0x42: {  	[sflag:s24] =	ssyncadd.s32 $0xFFFFFF80  }
0x43: {  	_ =	swait.ge [sflag:s24], $0x80  }
.Ltmp3:
0x44: {  	[sflag:s24] =	ssyncset.done $0x0;
	(pc) =	sbr.rel .LBB2_4-.Ltmp3, $4  }
0x45: {  	[sflag:s24] =	ssyncadd.s32 $0xFFFFFF80  }
0x46: {  	[tilespmem:s25], [sflag:$0x3] =	stream.indirect.gather [hbm4b:s6+s21], $0x10, s17, s21, $0xb8;
	[tilespmem:$0x8300] =	vst v63  }
0x47: {  	_ = 	snop  }
0x48: {  	[tilespmem:s26], [sflag:$0x3] =	stream.indirect.gather [hbm4b:s7+s21], $0x10, s21, s21, $0xb8;
	[tilespmem:$0x8300] =	vst v63  }
.LBB2_10:
0x49: {  	s17 =	sadd.s32 $0x1, s17  }
0x4a: {  	p0 =	sne.s32 s17, $0x28  }
.Ltmp4:
0x4b: {  	_ = 	snop;
	(pc) =	sbr.rel @!p0 .LBB2_11-.Ltmp4, $1  }
0x4c: {  	_ =	sdelay $0x3  }
.LBB2_4:
0x4d: {  	s18 =	sshllo.u32 s17, $0x1  }
0x4e: {  	p1 =	sgt.u32 s18, $0x4E  }
0x4f: {  	s5 =	simm.s32 @!p1 $0x2  }
0x50: {  	_ =	swait.ge @!p1 [sflag:s5], $0x80  }
0x51: {  	[sflag:s5] =	ssyncset.done @!p1 $0x0  }
0x52: {  	[sflag:s5] =	ssyncadd.s32 @!p1 $0xFFFFFF80  }
0x53: {  	_ =	swait.ge @!p1 [sflag:s5], $0x80  }
0x54: {  	s9 =	simm.s32 @!p1 $0x1980;
	[sflag:s5] =	ssyncset.done @!p1 $0x0  }
0x55: {  	s10 =	simm.s32 @!p1 $0x1B00;
	[sflag:s5] =	ssyncadd.s32 @!p1 $0xFFFFFF80;
	s5 =	simm.s32 @!p1 $0x80  }
0x56: {  	[tilespmem:s10], [sflag:$0x4] =	stream.indirect.gather @!p1 [hbm4b:s6+s5], $0x10, s9, s5, $0xb8;
	[tilespmem:$0x8300] =	vst v63  }
0x57: {  	s9 =	simm.s32 @!p1 $0x1A00;
	s10 =	simm.s32 @!p1 $0x2300  }
0x58: {  	[tilespmem:s10], [sflag:$0x4] =	stream.indirect.gather @!p1 [hbm4b:s7+s5], $0x10, s9, s5, $0xb8;
	[tilespmem:$0x8300] =	vst v63  }
0x59: {  	_ =	swait.ge [sflag:s28], $0x800  }
0x5a: {  	[sflag:s28] =	ssyncset.done $0x0  }
0x5b: {  	[sflag:s28] =	ssyncadd.s32 $0xFFFFF800  }
0x5c: {  	_ =	swait.ge [sflag:s28], $0x800  }
0x5d: {  	p0 =	seq.s32 s17, $0x0;
	[sflag:s28] =	ssyncset.done $0x0  }
0x5e: {  	s5 =	simm.s32 @!p0 $0x5;
	[sflag:s28] =	ssyncadd.s32 $0xFFFFF800  }
0x5f: {  	_ =	swait.ge @!p0 [sflag:s5], $0x800  }
0x60: {  	[sflag:s5] =	ssyncset.done @!p0 $0x0  }
0x61: {  	[sflag:s5] =	ssyncadd.s32 @!p0 $0xFFFFF800;
	s5 =	simm.s32 @!p0 $0x7  }
0x62: {  	p2 =	seq.s32 @!p0 s17, $0x27;
	_ =	swait.ge @!p0 [sflag:s5], $0x800  }
0x63: {  	p2 =	por p0, !p2;
	[sflag:s5] =	ssyncset.done @!p0 $0x0  }
0x64: {  	[sflag:s5] =	ssyncadd.s32 @!p0 $0xFFFFF800;
	s5 =	sshll.u32 @p2 s17, $0xA  }
0x65: {  	s5 =	sadd.s32 @p2 s15, s5  }
0x66: {  	s9 =	sadd.s32 @p2 s3, s5  }
0x67: {  	[tilespmem:s2], [sflag:$0x1] =	stream.linear.gather @p2 [hbm4b:s9+s2], $0x80, $0x38;
	[tilespmem:$0x8300] =	vst v63  }
0x68: {  	s5 =	sadd.s32 @p2 s4, s5;
	s9 =	sshll.u32 s17, $0xD  }
0x69: {  	[tilespmem:s21], [sflag:$0x1] =	stream.linear.gather @p2 [hbm4b:s5+s2], $0x80, $0x38;
	[tilespmem:$0x8300] =	vst v63  }
0x6a: {  	s5 =	sor.u32 s12, s9  }
0x6b: {  	s10 =	sshrl.u32 s5, $0x3  }
0x6c: {  	s9 =	sadd.s32 s4, s10  }
0x6d: {  	[tilespmem:s29], [sflag:$0x9] =	stream.linear.gather [hbm4b:s9+s2], $0x80, $0x38;
	[tilespmem:$0x8300] =	vst v63  }
0x6e: {  	_ =	swait.ge [sflag:s20], $0x80  }
0x6f: {  	[sflag:s20] =	ssyncset.done $0x0  }
0x70: {  	s11 =	simm.s32 $0x1A0;
	[sflag:s20] =	ssyncadd.s32 $0xFFFFFF80  }
0x71: {  	s13 =	simm.s32 $0x9A0;
	v1 =	vld [tilespmem:s11+$0x10]  }
0x72: {  	v2 =	vld [tilespmem:s13+$0x10]  }
0x73: {  	v3 =	vld [tilespmem:s13+$0xFFFFFFE0]  }
0x74: {  	v4 =	vld [tilespmem:s11+$0xFFFFFFF0]  }
0x75: {  	v6 =	vld [tilespmem:s11+$0x0]  }
0x76: {  	v7 =	vld [tilespmem:s13+$0x0]  }
0x77: {  	s22 =	simm.s32 $0x1E0;
	v5 =	vld [tilespmem:s13+$0xFFFFFFF0]  }
0x78: {  	v8 =	vld [tilespmem:s22+$0x10]  }
0x79: {  	v1 =	vadd.f32 v2, v1;
	v2 =	vld [tilespmem:s11+$0xFFFFFFE0]  }
0x7a: {  	v13 =	vld [tilespmem:s22+$0xFFFFFFE0];
	s11 =	simm.s32 $0x9E0  }
0x7b: {  	v6 =	vadd.f32 v7, v6;
	v10 =	vld [tilespmem:s11+$0x10];
	v9 =	vmul.f32 $2.000000030e-01, v1  }
0x7c: {  	v4 =	vadd.f32 v5, v4;
	v5 =	vld [tilespmem:s11+$0xFFFFFFE0];
	vm0 =	vge.f32 v1, $0.0e+00  }
0x7d: {  	v11 =	vld [tilespmem:s11+$0xFFFFFFF0];
	v12 =	vmul.f32 $2.000000030e-01, v6;
	v1 =	vsel vm0, v1, v9  }
0x7e: {  	vm1 =	vge.f32 v6, $0.0e+00;
	v9 =	vld [tilespmem:s22+$0xFFFFFFF0];
	v1 =	vmul.f32 $1.442695020e+00, v1;
	v2 =	vadd.f32 v3, v2  }
0x7f: {  	v7 =	vmul.f32 $2.000000030e-01, v4;
	vm0 =	vge.f32 v4, $0.0e+00;
	v6 =	vsel vm1, v6, v12;
	v3 =	vld [tilespmem:s22+$0x0]  }
0x80: {  	s13 =	simm.s32 $0x220;
	v8 =	vadd.f32 v10, v8;
	(erf) = vpow2.f32 v1;
	v1 =	vld [tilespmem:s11+$0x0];
	v10 =	vmul.f32 $2.000000030e-01, v2  }
0x81: {  	v4 =	vsel vm0, v4, v7;
	v7 =	vld [tilespmem:s13+$0x10];
	s22 =	simm.s32 $0xA20;
	v6 =	vmul.f32 $1.442695020e+00, v6;
	vm2 =	vge.f32 v2, $0.0e+00  }
0x82: {  	v4 =	vmul.f32 $1.442695020e+00, v4;
	v5 =	vadd.f32 v5, v13;
	v2 =	vsel vm2, v2, v10;
	v10 =	vld [tilespmem:s22+$0x10]  }
0x83: {  	v58 =	vmul.f32 $2.000000030e-01, v8;
	vm0 =	vge.f32 v8, $0.0e+00;
	v9 =	vadd.f32 v11, v9  }
0x84: {  	v60 =	vld [tilespmem:s13+$0x0];
	(erf) = vpow2.f32 v4;
	vm2 =	vge.f32 v5, $0.0e+00;
	v2 =	vmul.f32 $1.442695020e+00, v2  }
0x85: {  	v4 =	vld [tilespmem:s13+$0xFFFFFFF0];
	v8 =	vsel vm0, v8, v58;
	v59 =	vmul.f32 $2.000000030e-01, v9;
	v1 =	vadd.f32 v1, v3  }
0x86: {  	vm0 =	vge.f32 v9, $0.0e+00;
	v3 =	vmul.f32 $1.442695020e+00, v8;
	v8 =	vld [tilespmem:s22+$0xFFFFFFF0];
	(erf) = vpow2.f32 v2  }
0x87: {  	v14 =	vld [tilespmem:s13+$0xFFFFFFE0];
	v9 =	vsel vm0, v9, v59;
	v2 =	vmul.f32 $2.000000030e-01, v1;
	v7 =	vadd.f32 v10, v7  }
0x88: {  	v11 =	vld [tilespmem:s22+$0xFFFFFFE0];
	vm1 =	vge.f32 v1, $0.0e+00;
	(erf) = vpow2.f32 v3;
	v10 =	vmul.f32 $2.000000030e-01, v5  }
0x89: {  	v3 =	vld [tilespmem:s22+$0x0];
	(erf) = vpow2.f32 v6;
	v2 =	vsel vm1, v1, v2;
	v6 =	vmul.f32 $2.000000030e-01, v7  }
0x8a: {  	s22 =	simm.s32 $0x260;
	v1 =	vsel vm2, v5, v10;
	v5 =	vmul.f32 $1.442695020e+00, v9;
	vm0 =	vge.f32 v7, $0.0e+00  }
0x8b: {  	s13 =	simm.s32 $0xA60;
	v61 =	vld [tilespmem:s22+$0x10];
	v15 =	vadd.f32 v8, v4;
	v4 =	vsel vm0, v7, v6  }
0x8c: {  	v9 =	vld [tilespmem:s13+$0x10];
	v7 =	vmul.f32 $1.442695020e+00, v4  }
0x8d: {  	v8 =	vmul.f32 $1.442695020e+00, v1;
	v1 =	vld [tilespmem:s13+$0xFFFFFFE0];
	(erf) = vpow2.f32 v5;
	v6 =	vadd.f32 v11, v14  }
0x8e: {  	s10 =	simm.s32 $0x11A0;
	v16 =	vmul.f32 $1.442695020e+00, v2;
	v2 =	vld [tilespmem:s22+$0xFFFFFFF0];
	v17 =	vmul.f32 $2.000000030e-01, v15;
	v13 =	vadd.f32 v3, v60;
	v5 =	vpop (erf)  }
0x8f: {  	v4 =	vld [tilespmem:s13+$0xFFFFFFF0];
	(erf) = vpow2.f32 v8;
	v10 =	vmul.f32 $2.000000030e-01, v6;
	[tilespmem:s10+$0x10] =	vst v5;
	v3 =	vpop (erf)  }
0x90: {  	vm1 =	vge.f32 v15, $0.0e+00;
	v62 =	vmul.f32 $2.000000030e-01, v13;
	(erf) = vpow2.f32 v7;
	v5 =	vld [tilespmem:s13+$0x0];
	[tilespmem:s10+$0xFFFFFFF0] =	vst v3;
	v7 =	vpop (erf)  }
0x91: {  	s11 =	simm.s32 $0x11E0;
	vm2 =	vge.f32 v13, $0.0e+00;
	v8 =	vadd.f32 v9, v61;
	v3 =	vld [tilespmem:s22+$0x0];
	(erf) = vpow2.f32 v16;
	v63 =	vpop (erf);
	[tilespmem:s10+$0xFFFFFFE0] =	vst v7  }
0x92: {  	s9 =	simm.s32 $0xC;
	vm0 =	vge.f32 v6, $0.0e+00;
	v11 =	vsel vm1, v15, v17;
	v9 =	vsel vm2, v13, v62;
	v7 =	vld [tilespmem:s22+$0xFFFFFFE0];
	s22 =	simm.s32 $0x2A0;
	[tilespmem:s11+$0x10] =	vst v63  }
.LBB2_5:
0x93: {  	v12 =	vld [tilespmem:s22+$0x10];
	v13 =	vmul.f32 $2.000000030e-01, v8;
	s13 =	sadd.s32 $0x40, s13;
	v6 =	vsel vm0, v6, v10;
	v10 =	vmul.f32 $1.442695020e+00, v11;
	v11 =	vpop (erf)  }
0x94: {  	s9 =	sadd.s32 $0x4, s9;
	vm0 =	vge.f32 v8, $0.0e+00;
	v14 =	vld [tilespmem:s13+$0x10];
	v15 =	vadd.f32 v4, v2;
	v16 =	vmul.f32 $1.442695020e+00, v6;
	[tilespmem:s10+$0x0] =	vst v11;
	s10 =	smov.u32 s11  }
0x95: {  	p2 =	slt.u32 s9, $0x7C;
	v17 =	vld [tilespmem:s13+$0xFFFFFFE0];
	v4 =	vsel vm0, v8, v13;
	v13 =	vmul.f32 $1.442695020e+00, v9;
	(erf) = vpow2.f32 v10  }
.Ltmp5:
0x96: {  	v2 =	vld [tilespmem:s22+$0xFFFFFFF0];
	v9 =	vmul.f32 $2.000000030e-01, v15;
	v18 =	vadd.f32 v5, v3;
	v5 =	vmul.f32 $1.442695020e+00, v4;
	v3 =	vpop (erf);
	(pc) =	sbr.rel @p2 .LBB2_5-.Ltmp5, $4  }
0x97: {  	vm1 =	vge.f32 v15, $0.0e+00;
	v4 =	vld [tilespmem:s13+$0xFFFFFFF0];
	v6 =	vadd.f32 v1, v7;
	(erf) = vpow2.f32 v16;
	[tilespmem:s11+$0xFFFFFFF0] =	vst v3  }
0x98: {  	v3 =	vld [tilespmem:s22+$0x0];
	vm2 =	vge.f32 v18, $0.0e+00;
	v16 =	vmul.f32 $2.000000030e-01, v18;
	(erf) = vpow2.f32 v5;
	v7 =	vpop (erf)  }
0x99: {  	s11 =	sadd.s32 $0x40, s11;
	v5 =	vld [tilespmem:s13+$0x0];
	v8 =	vadd.f32 v14, v12;
	vm0 =	vge.f32 v6, $0.0e+00;
	v10 =	vmul.f32 $2.000000030e-01, v6;
	v12 =	vpop (erf);
	[tilespmem:s10+$0xFFFFFFE0] =	vst v7  }
0x9a: {  	v11 =	vsel vm1, v15, v9;
	v7 =	vld [tilespmem:s22+$0xFFFFFFE0];
	s22 =	sadd.s32 $0x40, s22;
	v9 =	vsel vm2, v18, v16;
	[tilespmem:s11+$0x10] =	vst v12;
	(erf) = vpow2.f32 v13;
	v1 =	vmovc v17  }
0x9b: {  	_ =	sdelay $0x1  }
0x9c: {  	v12 =	vmul.f32 $2.000000030e-01, v8;
	v6 =	vsel vm0, v6, v10;
	v56 =	vmul.f32 $1.442695020e+00, v11  }
0x9d: {  	vm14 =	vge.f32 v8, $0.0e+00;
	v59 =	vmul.f32 $1.442695020e+00, v9;
	v2 =	vadd.f32 v4, v2  }
0x9e: {  	v57 =	vmul.f32 $1.442695020e+00, v6;
	v58 =	vsel vm14, v8, v12;
	v1 =	vadd.f32 v1, v7  }
0x9f: {  	(erf) = vpow2.f32 v56;
	v3 =	vadd.f32 v5, v3;
	v60 =	vmul.f32 $2.000000030e-01, v2  }
0xa0: {  	v6 =	vmul.f32 $1.442695020e+00, v58;
	vm15 =	vge.f32 v2, $0.0e+00;
	v61 =	vmul.f32 $2.000000030e-01, v1  }
0xa1: {  	(erf) = vpow2.f32 v57;
	v2 =	vsel vm15, v2, v60;
	vm2 =	vge.f32 v1, $0.0e+00  }
0xa2: {  	v62 =	vmul.f32 $2.000000030e-01, v3;
	v2 =	vmul.f32 $1.442695020e+00, v2;
	v1 =	vsel vm2, v1, v61  }
0xa3: {  	vm1 =	vge.f32 v3, $0.0e+00;
	(erf) = vpow2.f32 v6;
	v1 =	vmul.f32 $1.442695020e+00, v1  }
0xa4: {  	(erf) = vpow2.f32 v59;
	v3 =	vsel vm1, v3, v62  }
0xa5: {  	v63 =	vpop (erf);
	v3 =	vmul.f32 $1.442695020e+00, v3;
	(erf) = vpow2.f32 v2  }
0xa6: {  	[tilespmem:s10+$0x0] =	vst v63;
	v2 =	vpop (erf);
	(erf) = vpow2.f32 v1  }
0xa7: {  	[tilespmem:s11+$0xFFFFFFF0] =	vst v2;
	v1 =	vpop (erf);
	(erf) = vpow2.f32 v3  }
0xa8: {  	s9 =	sadd.s32 $0x40, s11;
	v2 =	vpop (erf);
	[tilespmem:s11+$0xFFFFFFE0] =	vst v1  }
0xa9: {  	v1 =	vpop (erf);
	[tilespmem:s9+$0x10] =	vst v2  }
0xaa: {  	v2 =	vpop (erf);
	[tilespmem:s11+$0x0] =	vst v1  }
0xab: {  	[tilespmem:s9+$0xFFFFFFF0] =	vst v2;
	v1 =	vpop (erf)  }
0xac: {  	s22 =	sadd.s32 $0x40, s9;
	v2 =	vpop (erf);
	[tilespmem:s9+$0xFFFFFFE0] =	vst v1  }
0xad: {  	[tilespmem:s22+$0x10] =	vst v2;
	v1 =	vpop (erf)  }
0xae: {  	[tilespmem:s9+$0x0] =	vst v1;
	v1 =	vpop (erf)  }
0xaf: {  	[tilespmem:s22+$0xFFFFFFF0] =	vst v1;
	v1 =	vpop (erf)  }
.Ltmp6:
0xb0: {  	s5 =	sshll.u32 s5, $0x1;
	[tilespmem:s22+$0xFFFFFFE0] =	vst v1;
	v1 =	vpop (erf);
	(pc) =	sbr.rel @p1 .LBB2_10-.Ltmp6, $4  }
0xb1: {  	s5 =	sadd.s32 s8, s5;
	[tilespmem:s22+$0x0] =	vst v1  }
0xb2: {  	[hbm4b:s5+s2] =	stream.linear.scatter [tilespmem:s30], [sflag:$0x5], $0x800, $0x38;
	[tilespmem:$0x8300] =	vst v63  }
0xb3: {  	_ = 	snop  }
0xb4: {  	[spmem:s1] =	stream.indirect.scatter.add.f32 [tilespmem:s30], [sflag:$0x7], $0x10, s29, s21, $0xb8;
	[tilespmem:$0x8300] =	vst v63  }
0xb5: {  	_ =	swait.ge [sflag:s24], $0x80  }
0xb6: {  	[sflag:s24] =	ssyncset.done $0x0  }
0xb7: {  	[sflag:s24] =	ssyncadd.s32 $0xFFFFFF80  }
0xb8: {  	_ =	swait.ge [sflag:s24], $0x80  }
0xb9: {  	[sflag:s24] =	ssyncset.done $0x0  }
0xba: {  	[sflag:s24] =	ssyncadd.s32 $0xFFFFFF80  }
0xbb: {  	[tilespmem:s25], [sflag:$0x3] =	stream.indirect.gather [hbm4b:s6+s21], $0x10, s2, s21, $0xb8;
	[tilespmem:$0x8300] =	vst v63  }
0xbc: {  	_ = 	snop  }
0xbd: {  	[tilespmem:s26], [sflag:$0x3] =	stream.indirect.gather [hbm4b:s7+s21], $0x10, s21, s21, $0xb8;
	[tilespmem:$0x8300] =	vst v63  }
0xbe: {  	_ =	swait.ge [sflag:s31], $0x800  }
0xbf: {  	[sflag:s31] =	ssyncset.done $0x0  }
0xc0: {  	[sflag:s31] =	ssyncadd.s32 $0xFFFFF800  }
0xc1: {  	_ =	swait.ge [sflag:s31], $0x800  }
0xc2: {  	[sflag:s31] =	ssyncset.done $0x0  }
0xc3: {  	s5 =	simm.s32 @!p0 $0x6;
	[sflag:s31] =	ssyncadd.s32 $0xFFFFF800  }
0xc4: {  	_ =	swait.ge @!p0 [sflag:s5], $0x800  }
0xc5: {  	[sflag:s5] =	ssyncset.done @!p0 $0x0  }
0xc6: {  	[sflag:s5] =	ssyncadd.s32 @!p0 $0xFFFFF800;
	s5 =	simm.s32 @!p0 $0x8  }
0xc7: {  	p1 =	sgt.u32 @!p0 s17, $0x25;
	_ =	swait.ge @!p0 [sflag:s5], $0x800  }
0xc8: {  	p1 =	por p0, !p1;
	[sflag:s5] =	ssyncset.done @!p0 $0x0  }
0xc9: {  	[sflag:s5] =	ssyncadd.s32 @!p0 $0xFFFFF800;
	s5 =	sshll.u32 @p1 s17, $0xA  }
0xca: {  	s5 =	sadd.s32 @p1 s16, s5  }
0xcb: {  	s10 =	simm.s32 @p1 $0x1980;
	s9 =	sadd.s32 @p1 s3, s5  }
0xcc: {  	[tilespmem:s10], [sflag:$0x2] =	stream.linear.gather @p1 [hbm4b:s9+s2], $0x80, $0x38;
	[tilespmem:$0x8300] =	vst v63  }
0xcd: {  	s5 =	sadd.s32 @p1 s4, s5;
	s10 =	sshll.u32 s18, $0xC  }
0xce: {  	[tilespmem:s23], [sflag:$0x2] =	stream.linear.gather @p1 [hbm4b:s5+s2], $0x80, $0x38;
	[tilespmem:$0x8300] =	vst v63  }
0xcf: {  	s5 =	sor.u32 s12, s10  }
0xd0: {  	s11 =	sshrl.u32 s5, $0x3  }
0xd1: {  	s9 =	sadd.s32 s4, s11  }
0xd2: {  	[tilespmem:s0], [sflag:$0x9] =	stream.linear.gather [hbm4b:s9+s2], $0x80, $0x38;
	[tilespmem:$0x8300] =	vst v63  }
0xd3: {  	_ =	swait.ge [sflag:s20], $0x80  }
0xd4: {  	[sflag:s20] =	ssyncset.done $0x0  }
0xd5: {  	s13 =	simm.s32 $0x1B20;
	[sflag:s20] =	ssyncadd.s32 $0xFFFFFF80  }
0xd6: {  	s18 =	simm.s32 $0x2320;
	v1 =	vld [tilespmem:s13+$0x10]  }
0xd7: {  	v2 =	vld [tilespmem:s18+$0x10]  }
0xd8: {  	v3 =	vld [tilespmem:s18+$0xFFFFFFE0]  }
0xd9: {  	v4 =	vld [tilespmem:s13+$0xFFFFFFF0]  }
0xda: {  	v5 =	vld [tilespmem:s18+$0xFFFFFFF0]  }
0xdb: {  	v6 =	vld [tilespmem:s13+$0x0]  }
0xdc: {  	s22 =	simm.s32 $0x1B60;
	v7 =	vld [tilespmem:s18+$0x0]  }
0xdd: {  	s11 =	simm.s32 $0x2360;
	v8 =	vld [tilespmem:s22+$0x10]  }
0xde: {  	v10 =	vld [tilespmem:s11+$0x10]  }
0xdf: {  	v1 =	vadd.f32 v2, v1;
	v2 =	vld [tilespmem:s13+$0xFFFFFFE0];
	_ =	sdelay $0x1  }
0xe0: {  	v11 =	vld [tilespmem:s11+$0xFFFFFFF0];
	v9 =	vmul.f32 $2.000000030e-01, v1  }
0xe1: {  	v13 =	vld [tilespmem:s22+$0xFFFFFFE0];
	v4 =	vadd.f32 v5, v4;
	vm0 =	vge.f32 v1, $0.0e+00  }
0xe2: {  	v5 =	vld [tilespmem:s11+$0xFFFFFFE0];
	v6 =	vadd.f32 v7, v6;
	v8 =	vadd.f32 v10, v8;
	v1 =	vsel vm0, v1, v9  }
0xe3: {  	v7 =	vmul.f32 $2.000000030e-01, v4;
	v9 =	vld [tilespmem:s22+$0xFFFFFFF0];
	v1 =	vmul.f32 $1.442695020e+00, v1;
	v2 =	vadd.f32 v3, v2  }
0xe4: {  	vm1 =	vge.f32 v6, $0.0e+00;
	v12 =	vmul.f32 $2.000000030e-01, v6;
	v58 =	vmul.f32 $2.000000030e-01, v8;
	v3 =	vld [tilespmem:s22+$0x0]  }
0xe5: {  	s13 =	simm.s32 $0x1BA0;
	vm0 =	vge.f32 v4, $0.0e+00;
	(erf) = vpow2.f32 v1;
	v1 =	vld [tilespmem:s11+$0x0];
	v10 =	vmul.f32 $2.000000030e-01, v2  }
0xe6: {  	s18 =	simm.s32 $0x23A0;
	v6 =	vsel vm1, v6, v12;
	v4 =	vsel vm0, v4, v7;
	v7 =	vld [tilespmem:s13+$0x10];
	vm2 =	vge.f32 v2, $0.0e+00  }
0xe7: {  	vm0 =	vge.f32 v8, $0.0e+00;
	v4 =	vmul.f32 $1.442695020e+00, v4;
	v2 =	vsel vm2, v2, v10;
	v10 =	vld [tilespmem:s18+$0x10]  }
0xe8: {  	v6 =	vmul.f32 $1.442695020e+00, v6;
	v5 =	vadd.f32 v5, v13;
	v9 =	vadd.f32 v11, v9  }
0xe9: {  	v60 =	vld [tilespmem:s13+$0x0];
	v8 =	vsel vm0, v8, v58;
	(erf) = vpow2.f32 v4;
	v2 =	vmul.f32 $1.442695020e+00, v2  }
0xea: {  	v4 =	vld [tilespmem:s13+$0xFFFFFFF0];
	vm2 =	vge.f32 v5, $0.0e+00;
	v59 =	vmul.f32 $2.000000030e-01, v9;
	v1 =	vadd.f32 v1, v3  }
0xeb: {  	vm0 =	vge.f32 v9, $0.0e+00;
	v3 =	vmul.f32 $1.442695020e+00, v8;
	v8 =	vld [tilespmem:s18+$0xFFFFFFF0];
	(erf) = vpow2.f32 v2  }
0xec: {  	v14 =	vld [tilespmem:s13+$0xFFFFFFE0];
	v9 =	vsel vm0, v9, v59;
	v2 =	vmul.f32 $2.000000030e-01, v1;
	v7 =	vadd.f32 v10, v7  }
0xed: {  	v11 =	vld [tilespmem:s18+$0xFFFFFFE0];
	vm1 =	vge.f32 v1, $0.0e+00;
	(erf) = vpow2.f32 v3;
	v10 =	vmul.f32 $2.000000030e-01, v5  }
0xee: {  	v3 =	vld [tilespmem:s18+$0x0];
	(erf) = vpow2.f32 v6;
	v2 =	vsel vm1, v1, v2;
	v6 =	vmul.f32 $2.000000030e-01, v7  }
0xef: {  	s22 =	simm.s32 $0x1BE0;
	v1 =	vsel vm2, v5, v10;
	v5 =	vmul.f32 $1.442695020e+00, v9;
	vm0 =	vge.f32 v7, $0.0e+00  }
0xf0: {  	v61 =	vld [tilespmem:s22+$0x10];
	s13 =	simm.s32 $0x23E0;
	v15 =	vadd.f32 v8, v4;
	v4 =	vsel vm0, v7, v6  }
0xf1: {  	v9 =	vld [tilespmem:s13+$0x10];
	v7 =	vmul.f32 $1.442695020e+00, v4  }
0xf2: {  	v8 =	vmul.f32 $1.442695020e+00, v1;
	v1 =	vld [tilespmem:s13+$0xFFFFFFE0];
	(erf) = vpow2.f32 v5;
	v6 =	vadd.f32 v11, v14  }
0xf3: {  	s10 =	simm.s32 $0x2B20;
	v16 =	vmul.f32 $1.442695020e+00, v2;
	v2 =	vld [tilespmem:s22+$0xFFFFFFF0];
	v17 =	vmul.f32 $2.000000030e-01, v15;
	v13 =	vadd.f32 v3, v60;
	v5 =	vpop (erf)  }
0xf4: {  	v4 =	vld [tilespmem:s13+$0xFFFFFFF0];
	(erf) = vpow2.f32 v8;
	v10 =	vmul.f32 $2.000000030e-01, v6;
	[tilespmem:s10+$0x10] =	vst v5;
	v3 =	vpop (erf)  }
0xf5: {  	vm1 =	vge.f32 v15, $0.0e+00;
	v62 =	vmul.f32 $2.000000030e-01, v13;
	(erf) = vpow2.f32 v7;
	v5 =	vld [tilespmem:s13+$0x0];
	[tilespmem:s10+$0xFFFFFFF0] =	vst v3;
	v7 =	vpop (erf)  }
0xf6: {  	s11 =	simm.s32 $0x2B60;
	vm2 =	vge.f32 v13, $0.0e+00;
	v8 =	vadd.f32 v9, v61;
	v3 =	vld [tilespmem:s22+$0x0];
	(erf) = vpow2.f32 v16;
	v63 =	vpop (erf);
	[tilespmem:s10+$0xFFFFFFE0] =	vst v7  }
0xf7: {  	s9 =	simm.s32 $0xC;
	s18 =	simm.s32 $0x1C20;
	vm0 =	vge.f32 v6, $0.0e+00;
	v11 =	vsel vm1, v15, v17;
	v9 =	vsel vm2, v13, v62;
	v7 =	vld [tilespmem:s22+$0xFFFFFFE0];
	[tilespmem:s11+$0x10] =	vst v63  }
.LBB2_8:
0xf8: {  	v12 =	vld [tilespmem:s18+$0x10];
	v13 =	vmul.f32 $2.000000030e-01, v8;
	s13 =	sadd.s32 $0x40, s13;
	v6 =	vsel vm0, v6, v10;
	v10 =	vmul.f32 $1.442695020e+00, v11;
	v11 =	vpop (erf)  }
0xf9: {  	s9 =	sadd.s32 $0x4, s9;
	vm0 =	vge.f32 v8, $0.0e+00;
	v14 =	vld [tilespmem:s13+$0x10];
	v15 =	vadd.f32 v4, v2;
	v16 =	vmul.f32 $1.442695020e+00, v6;
	[tilespmem:s10+$0x0] =	vst v11;
	s10 =	smov.u32 s11  }
0xfa: {  	p0 =	slt.u32 s9, $0x7C;
	v17 =	vld [tilespmem:s13+$0xFFFFFFE0];
	v4 =	vsel vm0, v8, v13;
	v13 =	vmul.f32 $1.442695020e+00, v9;
	(erf) = vpow2.f32 v10  }
.Ltmp7:
0xfb: {  	v2 =	vld [tilespmem:s18+$0xFFFFFFF0];
	v9 =	vmul.f32 $2.000000030e-01, v15;
	v18 =	vadd.f32 v5, v3;
	v5 =	vmul.f32 $1.442695020e+00, v4;
	v3 =	vpop (erf);
	(pc) =	sbr.rel @p0 .LBB2_8-.Ltmp7, $4  }
0xfc: {  	vm1 =	vge.f32 v15, $0.0e+00;
	v4 =	vld [tilespmem:s13+$0xFFFFFFF0];
	v6 =	vadd.f32 v1, v7;
	(erf) = vpow2.f32 v16;
	[tilespmem:s11+$0xFFFFFFF0] =	vst v3  }
0xfd: {  	v3 =	vld [tilespmem:s18+$0x0];
	vm2 =	vge.f32 v18, $0.0e+00;
	v16 =	vmul.f32 $2.000000030e-01, v18;
	(erf) = vpow2.f32 v5;
	v7 =	vpop (erf)  }
0xfe: {  	s11 =	sadd.s32 $0x40, s11;
	v5 =	vld [tilespmem:s13+$0x0];
	v8 =	vadd.f32 v14, v12;
	vm0 =	vge.f32 v6, $0.0e+00;
	v10 =	vmul.f32 $2.000000030e-01, v6;
	v12 =	vpop (erf);
	[tilespmem:s10+$0xFFFFFFE0] =	vst v7  }
0xff: {  	v11 =	vsel vm1, v15, v9;
	v7 =	vld [tilespmem:s18+$0xFFFFFFE0];
	s18 =	sadd.s32 $0x40, s18;
	v9 =	vsel vm2, v18, v16;
	[tilespmem:s11+$0x10] =	vst v12;
	(erf) = vpow2.f32 v13;
	v1 =	vmovc v17  }
0x100: {  	_ =	sdelay $0x1  }
0x101: {  	v12 =	vmul.f32 $2.000000030e-01, v8;
	v6 =	vsel vm0, v6, v10;
	v56 =	vmul.f32 $1.442695020e+00, v11  }
0x102: {  	vm14 =	vge.f32 v8, $0.0e+00;
	v59 =	vmul.f32 $1.442695020e+00, v9;
	v2 =	vadd.f32 v4, v2  }
0x103: {  	v57 =	vmul.f32 $1.442695020e+00, v6;
	v58 =	vsel vm14, v8, v12;
	v1 =	vadd.f32 v1, v7  }
0x104: {  	(erf) = vpow2.f32 v56;
	v3 =	vadd.f32 v5, v3;
	v60 =	vmul.f32 $2.000000030e-01, v2  }
0x105: {  	v6 =	vmul.f32 $1.442695020e+00, v58;
	vm15 =	vge.f32 v2, $0.0e+00;
	v61 =	vmul.f32 $2.000000030e-01, v1  }
0x106: {  	(erf) = vpow2.f32 v57;
	v2 =	vsel vm15, v2, v60;
	vm2 =	vge.f32 v1, $0.0e+00  }
0x107: {  	v62 =	vmul.f32 $2.000000030e-01, v3;
	v2 =	vmul.f32 $1.442695020e+00, v2;
	v1 =	vsel vm2, v1, v61  }
0x108: {  	vm1 =	vge.f32 v3, $0.0e+00;
	(erf) = vpow2.f32 v6;
	v1 =	vmul.f32 $1.442695020e+00, v1  }
0x109: {  	(erf) = vpow2.f32 v59;
	v3 =	vsel vm1, v3, v62  }
0x10a: {  	v63 =	vpop (erf);
	v3 =	vmul.f32 $1.442695020e+00, v3;
	(erf) = vpow2.f32 v2  }
0x10b: {  	[tilespmem:s10+$0x0] =	vst v63;
	v2 =	vpop (erf);
	(erf) = vpow2.f32 v1  }
0x10c: {  	[tilespmem:s11+$0xFFFFFFF0] =	vst v2;
	v1 =	vpop (erf);
	(erf) = vpow2.f32 v3  }
0x10d: {  	s9 =	sadd.s32 $0x40, s11;
	v2 =	vpop (erf);
	[tilespmem:s11+$0xFFFFFFE0] =	vst v1  }
0x10e: {  	v1 =	vpop (erf);
	[tilespmem:s9+$0x10] =	vst v2  }
0x10f: {  	v2 =	vpop (erf);
	[tilespmem:s11+$0x0] =	vst v1  }
0x110: {  	[tilespmem:s9+$0xFFFFFFF0] =	vst v2;
	v1 =	vpop (erf)  }
0x111: {  	s22 =	sadd.s32 $0x40, s9;
	v2 =	vpop (erf);
	[tilespmem:s9+$0xFFFFFFE0] =	vst v1  }
0x112: {  	[tilespmem:s22+$0x10] =	vst v2;
	v1 =	vpop (erf)  }
0x113: {  	[tilespmem:s9+$0x0] =	vst v1;
	v1 =	vpop (erf)  }
0x114: {  	s5 =	sshll.u32 s5, $0x1;
	[tilespmem:s22+$0xFFFFFFF0] =	vst v1;
	v1 =	vpop (erf)  }
.Ltmp8:
0x115: {  	s5 =	sand.u32 $0x1FFFFF00, s5;
	[tilespmem:s22+$0xFFFFFFE0] =	vst v1;
	v1 =	vpop (erf);
	(pc) =	sbr.rel .LBB2_10-.Ltmp8, $4  }
0x116: {  	s5 =	sadd.s32 s8, s5;
	[tilespmem:s22+$0x0] =	vst v1  }
0x117: {  	[hbm4b:s5+s2] =	stream.linear.scatter [tilespmem:s19], [sflag:$0x6], $0x800, $0x38;
	[tilespmem:$0x8300] =	vst v63  }
0x118: {  	_ = 	snop  }
0x119: {  	[spmem:s1] =	stream.indirect.scatter.add.f32 [tilespmem:s19], [sflag:$0x8], $0x10, s0, s21, $0xb8;
	[tilespmem:$0x8300] =	vst v63  }
.LBB2_12:
0x11a: {  	_ =	sfence.sel $0x180000  }
0x11b: {  	[bflag:$0x0] =	sbarrier.arrive $0xFFFF  }
0x11c: {  	_ =	strace $0x9000004D  }
0x11d: {  	s0 =	stileid.u32;
	[bflag:$0x2] =	sbarrier.arrive $0xFFFF  }
0x11e: {  	p0 =	sne.s32 s0, $0x0;
	s0 =	rddreg [dreg:$0x3]  }
0x11f: {  	s0 =	sadd.s32 @!p0 $0x100000, s0  }
0x120: {  	[sflag:s0] =	ssyncadd.tile.s32 @!p0 $0x1;
	_ =	shalt  }
.Lfunc_end2:
_tile_overlayer_lowered:
.L_overlay_start_2:
0x121: {  	(tag) =	ssettag $0x2  }
0x122: {  	s0 =	rddreg [dreg:$0x0];
	s2 =	stileid.u32  }
0x123: {  	s1 =	rddreg [dreg:$0x1];
	p0 =	sne.s32 s2, $0x0  }
0x124: {  	s3 =	rddreg [dreg:$0x2];
	[bflag:$0x3] =	sbarrier.arrive $0xFFFF;
	s2 =	simm.s32 @!p0 $0x1C09  }
0x125: {  	[timem:s3], [sflag:s2] =	dma.local @!p0 [hbm:s0], s1  }
0x126: {  	s0 =	simm.s32 @!p0 $0x9  }
0x127: {  	_ =	swait.ge @!p0 [sflag:s0], s1  }
0x128: {  	s1 =	ssub.s32 @!p0 $0x0, s1;
	[sflag:s0] =	ssyncset.done @!p0 $0x0  }
0x129: {  	[sflag:s0] =	ssyncadd.s32 @!p0 s1  }
0x12a: {  	[bflag:$0x3] =	sbarrier.arrive $0xFFFF  }
0x12b: {  	_ =	shalt  }

// kernel: kernel.18.cloned.1.call-start
scs
__scs_entry_jumppad:
0x0: {  	(pc) =	sbr.rel $0x88, $3  }
0x1: {  	(tag) =	ssettag $0x0;
	lr =	simm.s32 $0x1  }
0x2: {  	[smem:$0x3F97] =	sst lr;
	_ =	strace $0xD0000000  }
0x3: {  	_ = 	snop  }
0x4: {  	_ = 	snop  }
0x5: {  	_ = 	snop  }
0x6: {  	_ = 	snop  }
0x7: {  	_ = 	snop  }
__scs_overlays_trampoline_lowered:
0x8: {  	[smem:$0x3FA6] =	sst s0  }
0x9: {  	[smem:$0x3FA7] =	sst s1  }
0xa: {  	[smem:$0x3FA8] =	sst s2  }
0xb: {  	[smem:$0x3FA9] =	sst s3  }
0xc: {  	[smem:$0x3FAA] =	sst s4  }
0xd: {  	[smem:$0x3FAB] =	sst s5  }
0xe: {  	[smem:$0x3FAC] =	sst s6  }
0xf: {  	[smem:$0x3FAD] =	sst s7  }
0x10: {  	[smem:$0x3FAE] =	sst s8  }
0x11: {  	[smem:$0x3FAF] =	sst s9;
	s0 =	simm.s32 @!p0 $0x0  }
0x12: {  	s1 =	sld [smem:$0x3F95];
	s0 =	simm.s32 @p0 $0x1  }
0x13: {  	[smem:$0x3FB0] =	sst s0;
	s0 =	simm.s32 @!p1 $0x0  }
0x14: {  	s2 =	sld [smem:$0x3F94];
	s0 =	simm.s32 @p1 $0x1  }
0x15: {  	[smem:$0x3FB1] =	sst s0;
	s0 =	simm.s32 @!p2 $0x0  }
0x16: {  	s3 =	sld [smem:$0x3FDB];
	s0 =	simm.s32 @p2 $0x1  }
0x17: {  	s4 =	simm.s32 $0x1BF5;
	[smem:$0x3FB3] =	sst s0  }
0x18: {  	s0 =	sld [smem:$0x3F96];
	_ =	swait.ge [sflag:s4], $0x0  }
0x19: {  	s7 =	sld [smem:$0x3F97]  }
0x1a: {  	s8 =	sadd.s32 $0xFFFFE003, lr  }
0x1b: {  	s9 =	sadd.s32 $0xFFFFFEF7, lr;
	s5 =	simm.s32 $0xFFFFFFFF;
	p2 =	slt.u32 s8, $0xFFFFF086  }
0x1c: {  	p1 =	slt.u32 s9, $0xF7A;
	s5 =	simm.s32 @!p2 $0x0  }
0x1d: {  	s5 =	simm.s32 @p1 $0x1;
	p0 =	seq.s32 s7, s2  }
0x1e: {  	s7 =	smul.u32 @!p0 $0xF7A, s2;
	p2 =	seq.s32 @!p0 s5, $0x0  }
0x1f: {  	s9 =	smul.u32 $0xF7A, s1;
	s8 =	simm.s32 @!p0 $0x1BF5;
	p2 =	por !p2, p0  }
0x20: {  	[sflag:s8] =	ssyncset.s32 @!p0 $0xFFFFF086;
	s6 =	sadd.s32 @!p0 s3, s7;
	s7 =	simm.s32 @!p0 $0x108  }
0x21: {  	s3 =	sadd.s32 s3, s9;
	s6 =	sadd.s32 @!p0 $0x88, s6;
	s7 =	simm.s32 @p2 $0x1082  }
0x22: {  	[simem:s7], [sflag:s8] =	dma.local @!p0 [hbm:s6], $0xF7A  }
0x23: {  	s9 =	sor.u32 $0xD0000000, s2;
	s6 =	simm.s32 $0x108;
	_ =	swait.ge @!p0 [sflag:s8], $0x0  }
0x24: {  	s3 =	sadd.s32 $0x88, s3;
	s6 =	simm.s32 @!p1 $0x1082;
	[sflag:s4] =	ssyncset.s32 $0xFFFFF086  }
0x25: {  	[simem:s6], [sflag:s4] =	dma.local [hbm:s3], $0xF7A  }
0x26: {  	[smem:$0x3F97] =	sst s1;
	(tag) =	ssettag s2;
	_ =	strace s9  }
0x27: {  	s1 =	sld [smem:$0x3FA7]  }
0x28: {  	s2 =	sld [smem:$0x3FA8]  }
0x29: {  	s4 =	sld [smem:$0x3FAA]  }
0x2a: {  	p0 =	seq.s32 s5, $0x0;
	s5 =	sld [smem:$0x3FAB]  }
0x2b: {  	s6 =	sld [smem:$0x3FAC]  }
0x2c: {  	s7 =	sld [smem:$0x3FAD]  }
0x2d: {  	s3 =	simm.s32 $0x108;
	s8 =	sld [smem:$0x3FAE]  }
0x2e: {  	s3 =	simm.s32 @!p0 $0x1082;
	s9 =	sld [smem:$0x3FAF]  }
0x2f: {  	lr =	sadd.s32 s0, s3;
	s0 =	sld [smem:$0x3FA6]  }
0x30: {  	s3 =	sld [smem:$0x3FA9]  }
0x31: {  	[smem:$0x3FB2] =	sst s10  }
0x32: {  	s10 =	sld [smem:$0x3FB0];
	_ =	sdelay $0x3  }
0x33: {  	p0 =	seq.s32 s10, $0x1;
	s10 =	sld [smem:$0x3FB2];
	_ =	sdelay $0x3  }
0x34: {  	[smem:$0x3FB2] =	sst s10  }
0x35: {  	s10 =	sld [smem:$0x3FB1];
	_ =	sdelay $0x3  }
0x36: {  	p1 =	seq.s32 s10, $0x1;
	s10 =	sld [smem:$0x3FB2];
	_ =	sdelay $0x3  }
0x37: {  	[smem:$0x3FB2] =	sst s10  }
0x38: {  	s10 =	sld [smem:$0x3FB3]  }
0x39: {  	_ = 	snop;
	(pc) =	sbr.ind lr, $3  }
0x3a: {  	_ = 	snop  }
0x3b: {  	_ = 	snop  }
0x3c: {  	p2 =	seq.s32 s10, $0x1;
	s10 =	sld [smem:$0x3FB2]  }
0x3d: {  	_ =	shalt  }
0x3e: {  	_ =	shalt  }
0x3f: {  	_ =	shalt  }
0x40: {  	_ =	shalt  }
0x41: {  	_ =	shalt  }
0x42: {  	_ =	shalt  }
0x43: {  	_ =	shalt  }
0x44: {  	_ =	shalt  }
0x45: {  	_ =	shalt  }
0x46: {  	_ =	shalt  }
0x47: {  	_ =	shalt  }
0x48: {  	_ =	shalt  }
0x49: {  	_ =	shalt  }
0x4a: {  	_ =	shalt  }
0x4b: {  	_ =	shalt  }
0x4c: {  	_ =	shalt  }
0x4d: {  	_ =	shalt  }
0x4e: {  	_ =	shalt  }
0x4f: {  	_ =	shalt  }
0x50: {  	_ =	shalt  }
0x51: {  	_ =	shalt  }
0x52: {  	_ =	shalt  }
0x53: {  	_ =	shalt  }
0x54: {  	_ =	shalt  }
0x55: {  	_ =	shalt  }
0x56: {  	_ =	shalt  }
0x57: {  	_ =	shalt  }
0x58: {  	_ =	shalt  }
0x59: {  	_ =	shalt  }
0x5a: {  	_ =	shalt  }
0x5b: {  	_ =	shalt  }
0x5c: {  	_ =	shalt  }
0x5d: {  	_ =	shalt  }
0x5e: {  	_ =	shalt  }
0x5f: {  	_ =	shalt  }
0x60: {  	_ =	shalt  }
0x61: {  	_ =	shalt  }
0x62: {  	_ =	shalt  }
0x63: {  	_ =	shalt  }
0x64: {  	_ =	shalt  }
0x65: {  	_ =	shalt  }
0x66: {  	_ =	shalt  }
0x67: {  	_ =	shalt  }
0x68: {  	_ =	shalt  }
0x69: {  	_ =	shalt  }
0x6a: {  	_ =	shalt  }
0x6b: {  	_ =	shalt  }
0x6c: {  	_ =	shalt  }
0x6d: {  	_ =	shalt  }
0x6e: {  	_ =	shalt  }
0x6f: {  	_ =	shalt  }
0x70: {  	_ =	shalt  }
0x71: {  	_ =	shalt  }
0x72: {  	_ =	shalt  }
0x73: {  	_ =	shalt  }
0x74: {  	_ =	shalt  }
0x75: {  	_ =	shalt  }
0x76: {  	_ =	shalt  }
0x77: {  	_ =	shalt  }
0x78: {  	_ =	shalt  }
0x79: {  	_ =	shalt  }
0x7a: {  	_ =	shalt  }
0x7b: {  	_ =	shalt  }
0x7c: {  	_ =	shalt  }
0x7d: {  	_ =	shalt  }
0x7e: {  	_ =	shalt  }
0x7f: {  	_ =	shalt  }
0x80: {  	_ =	shalt  }
0x81: {  	_ =	shalt  }
0x82: {  	_ =	shalt  }
0x83: {  	_ =	shalt  }
0x84: {  	_ =	shalt  }
0x85: {  	_ =	shalt  }
0x86: {  	_ =	shalt  }
0x87: {  	_ =	shalt  }
.Lfunc_end0:
.L_simem_size_0:
called_computation.3_lowered:
.L_overlay_start_0:
0x88: {  	s2 =	sld [smem:$0x3FD9]  }
0x89: {  	s3 =	sld [smem:$0x3FFE];
	_ =	sdelay $0x1  }
0x8a: {  	s1 =	srdreg.scid  }
0x8b: {  	s0 =	sand.u32 $0x1, s1  }
0x8c: {  	s16 =	sshll.u32 s0, $0xA;
	s2 =	sadd.s32 s3, s2  }
0x8d: {  	s2 =	sadd.s32 s2, s16  }
0x8e: {  	[smem:$0x3FBE] =	sst s2  }
0x8f: {  	_ = 	snop  }
0x90: {  	(tm) =	ssettm $0x1  }
0x91: {  	s17 =	sld [smem:$0x3FFB];
	_ =	sdelay $0x3  }
0x92: {  	_ =	strace s17  }
0x93: {  	s2 =	sld [smem:$0x3FFC];
	_ =	sdelay $0x3  }
0x94: {  	_ =	strace s2  }
0x95: {  	s2 =	sld [smem:$0x3FFD];
	_ =	sdelay $0x3  }
0x96: {  	_ =	strace s2  }
0x97: {  	_ =	strace $0x8FFFFFFF  }
0x98: {  	s18 =	sld [smem:$0x3FDB];
	_ =	sdelay $0x1  }
0x99: {  	s19 =	simm.s32 $_scs_section_size  }
0x9a: {  	s4 =	simm.s32 $_size__tile_overlayer_lowered;
	s5 =	simm.s32 $_tile_overlayer_lowered  }
0x9b: {  	s22 =	simm.s32 $0x1BFF;
	s21 =	sshll.u32 s5, $0x1;
	s2 =	sadd.s32 s19, s18  }
0x9c: {  	s6 =	simm.s32 $0x0;
	s20 =	sshll.u32 s4, $0x1;
	s4 =	sadd.s32 s21, s2  }
0x9d: {  	[timem:s6], [sflag:s22] =	dma.local [hbm:s4], s20  }
0x9e: {  	_ =	swait.ge [sflag:s22], s20  }
0x9f: {  	s3 =	ssub.s32 $0x0, s20;
	[sflag:s22] =	ssyncset.done $0x0  }
0xa0: {  	[sflag:s22] =	ssyncadd.s32 s3;
	_ =	sdelay $0x1  }
0xa1: {  	s23 =	simm.s32 $0x1B8B  }
0xa2: {  	_ =	swait.ge [sflag:s23], $0x1  }
0xa3: {  	[sflag:s23] =	ssyncset.done $0x0  }
0xa4: {  	s25 =	simm.s32 $0x1B8E;
	s24 =	sld [smem:$0x3FFE];
	[sflag:s23] =	ssyncadd.s32 $0xFFFFFFFF  }
0xa5: {  	s26 =	simm.s32 $execute0_lowered;
	[smem:$0x3FD2] =	sst s25  }
0xa6: {  	s4 =	sshll.u32 s26, $0x1;
	_ =	strace $0x8000004F;
	[dreg:$0x1] =	wrdreg $0xFFFFFFFF  }
0xa7: {  	s28 =	simm.s32 $_size_execute0_lowered;
	s2 =	sadd.s32 s2, s4;
	[dreg:$0x0] =	wrdreg $0x0  }
0xa8: {  	s4 =	sshll.u32 s28, $0x1;
	[dreg:$0x2] =	wrdreg s2  }
0xa9: {  	[dreg:$0x3] =	wrdreg s4  }
0xaa: {  	[dreg:$0x4] =	wrdreg $0xC0  }
0xab: {  	_ =	task [dreg:s6], $0x5FFFF  }
0xac: {  	[dreg:$0x1] =	wrdreg $0xFFFFFFFF  }
0xad: {  	[dreg:$0x0] =	wrdreg $0x60  }
0xae: {  	[dreg:$0x2] =	wrdreg s24  }
0xaf: {  	[dreg:$0x3] =	wrdreg $0x49000  }
0xb0: {  	[dreg:$0x4] =	wrdreg $0x9  }
0xb1: {  	_ =	task.clear_ibuf [dreg:s6], $0x5FFFF;
	_ =	strace $0x9000004F  }
0xb2: {  	s29 =	simm.s32 $0x9;
	_ =	strace $0x80000051  }
0xb3: {  	_ =	swait.ge [sflag:s29], $0x1  }
0xb4: {  	[sflag:s29] =	ssyncadd.s32 $0xFFFFFFFF  }
0xb5: {  	_ =	strace $0x90000051  }
0xb6: {  	_ =	sfence  }
0xb7: {  	s30 =	sld [smem:$0x0];
	_ =	sdelay $0x2  }
0xb8: {  	s31 =	sshll.u32 s1, $0xD;
	s1 =	sshrl.u32 s1, $0x2  }
0xb9: {  	s3 =	sand.u32 $0x4000, s31;
	s1 =	sadd.s32 s1, s30  }
0xba: {  	s0 =	sor.u32 s3, s0;
	s1 =	sshll.u32 s1, $0x11  }
0xbb: {  	s0 =	sor.u32 s1, s0  }
0xbc: {  	s0 =	sadd.s32 $0x8F2B, s0  }
0xbd: {  	[sflag:s0] =	ssyncadd.remote.s32 $0x1  }
0xbe: {  	_ =	sfence.sel $0xFFFF  }
0xbf: {  	[dreg:$0x0] =	wrdreg $0xFFFFFFFF;
	(pc) =	sbr.abs _section_cstart, $3  }
0xc0: {  	[dreg:$0x1] =	wrdreg $0xFFFFFFFF  }
0xc1: {  	_ =	task.clear_ibuf [dreg:s6], $0x2FFFF;
	_ =	strace $0x9FFFFFFF  }
0xc2: {  	(tm) =	ssettm $0x7FFFFFFF  }
0xc3: {  	_ =	shalt  }
tec
execute0_lowered:
.L_overlay_start_1:
0x0: {  	(tag) =	ssettag $0x1  }
0x1: {  	s0 =	rddreg [dreg:$0x0]  }
0x2: {  	s1 =	rddreg [dreg:$0x1];
	s2 =	srdreg.scid;
	s3 =	simm.s32 $0x0  }
0x3: {  	s13 =	stileid.u32;
	s18 =	simm.s32 $0x4300;
	s19 =	simm.s32 $0x9  }
0x4: {  	s20 =	simm.s32 $0x80;
	s28 =	simm.s32 $0x2;
	s30 =	simm.s32 $0x2B00  }
0x5: {  	s31 =	simm.s32 $0x3;
	s22 =	simm.s32 $0x100;
	s9 =	smul.u32 $0x7800, s13  }
0x6: {  	s2 =	sand.u32 $0x1, s2;
	[smem:$0x7FF] =	sst s3;
	s15 =	smul.u32 $0x1E000, s13  }
0x7: {  	s5 =	sadd.s32 $0x33A00, s0;
	s4 =	sshll.u32 s2, $0x4;
	s6 =	smul.u32 $0x78000, s2  }
0x8: {  	_ =	strace $0x80000050;
	s2 =	ssub.s32 $0x2, s2;
	s7 =	sor.u32 s13, s4  }
0x9: {  	s4 =	sadd.s32 $0x3D800, s0;
	s24 =	sshrl.u32 s2, $0x1;
	s26 =	sadd.s32 s9, s1  }
0xa: {  	s29 =	sshrl.u32 s15, $0x2;
	s15 =	simm.s32 $0x0;
	s8 =	sshll.u32 s7, $0x8  }
0xb: {  	s23 =	sadd.s32 s9, s6;
	s6 =	sadd.s32 $0x6A00, s0;
	s7 =	sshll.u32 s7, $0x4  }
0xc: {  	s2 =	ssub.s32 s2, s24;
	s17 =	sadd.s32 s29, s1;
	s24 =	simm.s32 $0x7  }
0xd: {  	s9 =	simm.s32 $0x2280;
	s10 =	sadd.s32 s8, s0;
	s8 =	sshrl.u32 s23, $0x3  }
0xe: {  	s25 =	sadd.s32 s4, s7;
	s11 =	sor.u32 $0x200, s7;
	s13 =	sor.u32 $0x600, s7  }
0xf: {  	s2 =	smax.u32 s2, $0x1;
	s0 =	sadd.s32 s8, s0;
	[dreg:$0x3] =	wrdreg s25  }
0x10: {  	s8 =	sadd.s32 s5, s7;
	s12 =	sadd.s32 s4, s11;
	[dreg:$0x7] =	wrdreg s2  }
.Ltmp0:
0x11: {  	s11 =	sadd.s32 s5, s11;
	[dreg:$0x4] =	wrdreg s12;
	(pc) =	sbr.rel .LBB2_1-.Ltmp0, $4  }
0x12: {  	s14 =	sadd.s32 $0x4B600, s10;
	s2 =	simm.s32 $0x4;
	[dreg:$0x5] =	wrdreg s11  }
0x13: {  	s11 =	sadd.s32 $0x47600, s10;
	s12 =	sor.u32 $0x400, s7;
	s0 =	sadd.s32 $0xE5600, s0  }
0x14: {  	s7 =	simm.s32 $0x6;
	[dreg:$0x6] =	wrdreg s0;
	s0 =	sshrl.u32 s26, $0x3  }
0x15: {  	v0 =	vimm.f32 $0.0e+00;
	s26 =	simm.s32 $0x980;
	[dreg:$0x8] =	wrdreg s0;
	s0 =	simm.s32 $0x5  }
.LBB2_16:
0x16: {  	_ =	swait.ge [sflag:s24], $0x1800  }
0x17: {  	[sflag:s24] =	ssyncset.done $0x0  }
0x18: {  	[sflag:s24] =	ssyncadd.s32 $0xFFFFE800  }
0x19: {  	s10 =	stileid.u32;
	[bflag:$0x0] =	sbarrier.arrive $0xFFFF  }
0x1a: {  	s10 =	sshll.u32 s10, $0x6;
	s15 =	rddreg [dreg:$0x6]  }
0x1b: {  	s10 =	sor.u32 $0x1C09, s10;
	s16 =	rddreg [dreg:$0x8]  }
0x1c: {  	[hbm:s15], [sflag:s10] =	dma.local [spmem:s16], $0xF00  }
0x1d: {  	_ =	swait.ge [sflag:s19], $0xF00  }
0x1e: {  	s25 =	rddreg [dreg:$0x9]  }
0x1f: {  	s29 =	rddreg [dreg:$0x7];
	s15 =	sadd.s32 $0x1, s25  }
0x20: {  	p0 =	sne.s32 s15, s29  }
.Ltmp1:
0x21: {  	_ = 	snop;
	(pc) =	sbr.rel @!p0 .LBB2_17-.Ltmp1, $3  }
0x22: {  	_ =	sdelay $0x1  }
0x23: {  	[sflag:s19] =	ssyncset.done $0x0  }
0x24: {  	[sflag:s19] =	ssyncadd.s32 $0xFFFFF100  }
.LBB2_1:
0x25: {  	[dreg:$0x9] =	wrdreg s15;
	s10 =	simm.s32 $0x0  }
.LBB2_2:
0x26: {  	p0 =	sne.s32 s10, $0x1740  }
.Ltmp2:
0x27: {  	_ = 	snop;
	(pc) =	sbr.rel @p0 .LBB2_2-.Ltmp2, $4  }
0x28: {  	s15 =	sshra.s32 s10, $0x2  }
0x29: {  	[tilespmem:s15+$0x4300] =	vst v0  }
0x2a: {  	[tilespmem:s15+$0x4310] =	vst v0  }
0x2b: {  	s10 =	sadd.s32 $0xC0, s10;
	[tilespmem:s15+$0x4320] =	vst v0  }
0x2c: {  	s10 =	sadd.s32 $0x0, s17  }
0x2d: {  	[spmem:s10] =	stream.linear.scatter [tilespmem:s18], [sflag:$0x9], $0x600, $0x38;
	[tilespmem:$0xC100] =	vst v63  }
0x2e: {  	s10 =	simm.s32 $0x1800;
	_ =	swait.ge [sflag:s19], $0x600  }
.LBB2_4:
0x2f: {  	s15 =	sshra.s32 s10, $0x2;
	[sflag:s19] =	ssyncset.done $0x0;
	p0 =	sne.s32 s10, $0x1C800  }
.Ltmp3:
0x30: {  	s15 =	sadd.s32 s15, s17;
	[sflag:s19] =	ssyncadd.s32 $0xFFFFFA00;
	(pc) =	sbr.rel @p0 .LBB2_4-.Ltmp3, $3  }
0x31: {  	[spmem:s15] =	stream.linear.scatter [tilespmem:s18], [sflag:$0x9], $0x600, $0x38;
	[tilespmem:$0xC100] =	vst v63  }
0x32: {  	s10 =	sadd.s32 $0x1800, s10;
	_ =	sdelay $0x1  }
0x33: {  	_ =	swait.ge [sflag:s19], $0x600  }
0x34: {  	[sflag:s19] =	ssyncset.done $0x0  }
0x35: {  	[sflag:s19] =	ssyncadd.s32 $0xFFFFFA00  }
0x36: {  	[bflag:$0x0] =	sbarrier.arrive $0xFFFF  }
0x37: {  	s15 =	simm.s32 $0x0;
	s10 =	rddreg [dreg:$0x3]  }
0x38: {  	[tilespmem:s15], [sflag:$0x1] =	stream.linear.gather [hbm4b:s10+s15], $0x80, $0x38;
	[tilespmem:$0xC100] =	vst v63  }
0x39: {  	_ = 	snop  }
0x3a: {  	[tilespmem:s20], [sflag:$0x1] =	stream.linear.gather [hbm4b:s8+s15], $0x80, $0x38;
	[tilespmem:$0xC100] =	vst v63  }
0x3b: {  	s16 =	simm.s32 $0x2180;
	s29 =	rddreg [dreg:$0x4]  }
0x3c: {  	[tilespmem:s16], [sflag:$0x2] =	stream.linear.gather [hbm4b:s29+s15], $0x80, $0x38;
	[tilespmem:$0xC100] =	vst v63  }
0x3d: {  	s23 =	simm.s32 $0x2200;
	s25 =	simm.s32 $0x1;
	s21 =	rddreg [dreg:$0x5]  }
0x3e: {  	[tilespmem:s23], [sflag:$0x2] =	stream.linear.gather [hbm4b:s21+s15], $0x80, $0x38;
	[tilespmem:$0xC100] =	vst v63  }
0x3f: {  	_ =	swait.ge [sflag:s25], $0x80  }
0x40: {  	[sflag:s25] =	ssyncset.done $0x0  }
0x41: {  	[sflag:s25] =	ssyncadd.s32 $0xFFFFFF80  }
0x42: {  	_ =	swait.ge [sflag:s25], $0x80  }
.Ltmp4:
0x43: {  	[sflag:s25] =	ssyncset.done $0x0;
	(pc) =	sbr.rel .LBB2_6-.Ltmp4, $4  }
0x44: {  	s29 =	simm.s32 $0x180;
	[sflag:s25] =	ssyncadd.s32 $0xFFFFFF80  }
0x45: {  	[tilespmem:s29], [sflag:$0x3] =	stream.linear.gather [hbm4b:s11+s15], $0x800, $0x38;
	[tilespmem:$0xC100] =	vst v63  }
0x46: {  	_ = 	snop  }
0x47: {  	[tilespmem:s26], [sflag:$0x5] =	stream.indirect.gather [hbm4b:s6+s20], $0x30, s15, s20, $0xb8;
	[tilespmem:$0xC100] =	vst v63  }
.LBB2_15:
0x48: {  	s15 =	sadd.s32 $0x1, s15  }
0x49: {  	p0 =	sne.s32 s15, $0x28  }
.Ltmp5:
0x4a: {  	_ = 	snop;
	(pc) =	sbr.rel @!p0 .LBB2_16-.Ltmp5, $1  }
0x4b: {  	_ =	sdelay $0x3  }
.LBB2_6:
0x4c: {  	p0 =	seq.s32 s15, $0x0  }
0x4d: {  	s10 =	sshllo.u32 @!p0 s15, $0x1  }
0x4e: {  	p1 =	sgt.u32 @!p0 s10, $0x4E  }
0x4f: {  	p1 =	por p0, !p1  }
.Ltmp6:
0x50: {  	_ = 	snop;
	(pc) =	sbr.rel @!p1 .LBB2_7-.Ltmp6, $4  }
0x51: {  	s16 =	simm.s32 @!p0 $0x8  }
0x52: {  	_ =	swait.ge @!p0 [sflag:s16], $0x1800  }
0x53: {  	[sflag:s16] =	ssyncset.done @!p0 $0x0  }
0x54: {  	[sflag:s16] =	ssyncadd.s32 @!p0 $0xFFFFE800  }
0x55: {  	_ =	swait.ge [sflag:s28], $0x80  }
0x56: {  	[sflag:s28] =	ssyncset.done $0x0  }
0x57: {  	[sflag:s28] =	ssyncadd.s32 $0xFFFFFF80  }
0x58: {  	s10 =	simm.s32 @p0 $0x1;
	_ =	swait.ge [sflag:s28], $0x80  }
.Ltmp7:
0x59: {  	s16 =	sshll.u32 s10, $0xD;
	[sflag:s28] =	ssyncset.done $0x0;
	(pc) =	sbr.rel .LBB2_9-.Ltmp7, $4  }
0x5a: {  	s21 =	simm.s32 $0x2300;
	s16 =	sadd.s32 s16, s11;
	[sflag:s28] =	ssyncadd.s32 $0xFFFFFF80  }
0x5b: {  	[tilespmem:s21], [sflag:$0x4] =	stream.linear.gather [hbm4b:s16+s3], $0x800, $0x38;
	[tilespmem:$0xC100] =	vst v63  }
0x5c: {  	s29 =	simm.s32 $0x2180;
	p1 =	por $0x1, $0x1;
	s16 =	sshll.u32 s10, $0x9  }
0x5d: {  	[tilespmem:s30], [sflag:$0x6] =	stream.indirect.gather [hbm4b:s6+s20], $0x30, s29, s20, $0xb8;
	[tilespmem:$0xC100] =	vst v63  }
.LBB2_7:
0x5e: {  	s16 =	simm.s32 @!p0 $0x9E00;
	p1 =	por @!p0 $0x0, $0x0  }
.LBB2_9:
0x5f: {  	_ =	swait.ge [sflag:s31], $0x800  }
0x60: {  	[sflag:s31] =	ssyncset.done $0x0  }
0x61: {  	p0 =	seq.s32 s15, $0x27;
	[sflag:s31] =	ssyncadd.s32 $0xFFFFF800  }
0x62: {  	s25 =	sshll.u32 @!p0 s15, $0xA;
	_ =	swait.ge [sflag:s0], $0x1800  }
0x63: {  	s10 =	sadd.s32 @!p0 s12, s25;
	[sflag:s0] =	ssyncset.done $0x0  }
0x64: {  	s23 =	simm.s32 @!p0 $0x0;
	s21 =	sadd.s32 @!p0 s4, s10;
	[sflag:s0] =	ssyncadd.s32 $0xFFFFE800  }
0x65: {  	[tilespmem:s23], [sflag:$0x1] =	stream.linear.gather @!p0 [hbm4b:s21+s23], $0x80, $0x38;
	[tilespmem:$0xC100] =	vst v63  }
0x66: {  	s25 =	simm.s32 @p0 $0x9C00;
	s10 =	sadd.s32 @!p0 s5, s10;
	s21 =	simm.s32 @!p0 $0x80  }
0x67: {  	[tilespmem:s21], [sflag:$0x1] =	stream.linear.gather @!p0 [hbm4b:s10+s23], $0x80, $0x38;
	[tilespmem:$0xC100] =	vst v63  }
0x68: {  	s23 =	sadd.s32 s25, s8  }
0x69: {  	[tilespmem:s22], [sflag:$0x9] =	stream.linear.gather [hbm4b:s23+s3], $0x80, $0x38;
	[tilespmem:$0xC100] =	vst v63  }
0x6a: {  	_ =	swait.ge [sflag:s19], $0x80  }
0x6b: {  	[sflag:s19] =	ssyncset.done $0x0  }
0x6c: {  	s21 =	simm.s32 $0x1A0;
	[sflag:s19] =	ssyncadd.s32 $0xFFFFFF80  }
0x6d: {  	s23 =	simm.s32 $0x9E0;
	v1 =	vld.msk [tilespmem:s21+$0x10 ss:$0x0], $0xffff  }
0x6e: {  	v3 =	vld [tilespmem:s23+$0x50]  }
0x6f: {  	v7 =	vld.msk [tilespmem:s21+$0xFFFFFFF0 ss:$0x0], $0xffff  }
0x70: {  	v2 =	vld.msk [tilespmem:s21+$0x0 ss:$0x0], $0xffff  }
0x71: {  	v5 =	vld.msk [tilespmem:s21+$0xFFFFFFE0 ss:$0x0], $0xffff  }
0x72: {  	v4 =	vld [tilespmem:s23+$0xFFFFFFA0]  }
0x73: {  	v6 =	vld [tilespmem:s23+$0xFFFFFFB0]  }
0x74: {  	v8 =	vld [tilespmem:s23+$0xFFFFFFC0]  }
0x75: {  	v9 =	vld [tilespmem:s23+$0xFFFFFFD0]  }
0x76: {  	v10 =	vld [tilespmem:s23+$0xFFFFFFE0];
	v3 =	vmul.f32 v3, v1  }
0x77: {  	v12 =	vld [tilespmem:s23+$0xFFFFFFF0];
	v11 =	vmul.f32 v5, v4  }
0x78: {  	v6 =	vmul.f32 v6, v5;
	v4 =	vld [tilespmem:s23+$0x0];
	[tilespmem:s23+$0x50] =	vst v3  }
0x79: {  	v8 =	vmul.f32 v8, v5;
	[tilespmem:s23+$0xFFFFFFA0] =	vst v11;
	v3 =	vld [tilespmem:s23+$0x10]  }
0x7a: {  	v5 =	vld [tilespmem:s23+$0x20];
	[tilespmem:s23+$0xFFFFFFB0] =	vst v6;
	v11 =	vmul.f32 v7, v9  }
0x7b: {  	[tilespmem:s23+$0xFFFFFFC0] =	vst v8;
	v6 =	vld [tilespmem:s23+$0x30];
	v9 =	vmul.f32 v10, v7  }
0x7c: {  	s29 =	simm.s32 $0x1E0;
	s10 =	simm.s32 $0x0;
	s21 =	simm.s32 $0x9E0;
	v8 =	vmul.f32 v12, v7;
	v7 =	vld [tilespmem:s23+$0x40];
	[tilespmem:s23+$0xFFFFFFD0] =	vst v11  }
.LBB2_10:
0x7d: {  	v10 =	vld.msk [tilespmem:s29+$0x10 ss:$0x0], $0xffff;
	s10 =	sadd.s32 $0x4, s10;
	[tilespmem:s23+$0xFFFFFFE0] =	vst v9;
	v4 =	vmul.f32 v2, v4;
	s21 =	sadd.s32 $0xC0, s21  }
0x7e: {  	v9 =	vld [tilespmem:s21+$0x50];
	p2 =	slt.u32 s10, $0x7C;
	[tilespmem:s23+$0xFFFFFFF0] =	vst v8;
	v3 =	vmul.f32 v3, v2  }
0x7f: {  	v8 =	vld.msk [tilespmem:s29+$0xFFFFFFF0 ss:$0x0], $0xffff;
	[tilespmem:s23+$0x0] =	vst v4;
	v4 =	vmul.f32 v5, v2  }
0x80: {  	v2 =	vld.msk [tilespmem:s29+$0x0 ss:$0x0], $0xffff;
	[tilespmem:s23+$0x10] =	vst v3;
	v3 =	vmul.f32 v1, v6  }
0x81: {  	v5 =	vld.msk [tilespmem:s29+$0xFFFFFFE0 ss:$0x0], $0xffff;
	[tilespmem:s23+$0x20] =	vst v4;
	v7 =	vmul.f32 v7, v1  }
0x82: {  	v4 =	vld [tilespmem:s21+$0xFFFFFFA0];
	[tilespmem:s23+$0x30] =	vst v3  }
0x83: {  	v1 =	vmov v10;
	v3 =	vld [tilespmem:s21+$0xFFFFFFB0];
	v6 =	vmul.f32 v9, v10;
	[tilespmem:s23+$0x40] =	vst v7;
	s23 =	smov.u32 s21  }
0x84: {  	v7 =	vld [tilespmem:s21+$0xFFFFFFC0]  }
0x85: {  	v9 =	vld [tilespmem:s21+$0xFFFFFFD0];
	[tilespmem:s21+$0x50] =	vst v6  }
0x86: {  	v6 =	vld [tilespmem:s21+$0xFFFFFFE0]  }
0x87: {  	v10 =	vmul.f32 v5, v4;
	v11 =	vld [tilespmem:s21+$0xFFFFFFF0]  }
.Ltmp8:
0x88: {  	v12 =	vmul.f32 v3, v5;
	v4 =	vld [tilespmem:s21+$0x0];
	(pc) =	sbr.rel @p2 .LBB2_10-.Ltmp8, $4  }
0x89: {  	[tilespmem:s21+$0xFFFFFFA0] =	vst v10;
	v7 =	vmul.f32 v7, v5;
	v3 =	vld [tilespmem:s21+$0x10]  }
0x8a: {  	[tilespmem:s21+$0xFFFFFFB0] =	vst v12;
	v10 =	vmul.f32 v8, v9;
	v5 =	vld [tilespmem:s21+$0x20]  }
0x8b: {  	[tilespmem:s21+$0xFFFFFFC0] =	vst v7;
	v9 =	vmul.f32 v6, v8;
	v6 =	vld [tilespmem:s21+$0x30]  }
0x8c: {  	s29 =	sadd.s32 $0x40, s29;
	[tilespmem:s21+$0xFFFFFFD0] =	vst v10;
	v8 =	vmul.f32 v11, v8;
	v7 =	vld [tilespmem:s21+$0x40]  }
0x8d: {  	[tilespmem:s23+$0xFFFFFFE0] =	vst v9;
	v4 =	vmul.f32 v2, v4  }
0x8e: {  	[tilespmem:s23+$0xFFFFFFF0] =	vst v8;
	v3 =	vmul.f32 v3, v2  }
0x8f: {  	[tilespmem:s23+$0x0] =	vst v4;
	v2 =	vmul.f32 v5, v2  }
.Ltmp9:
0x90: {  	[tilespmem:s23+$0x10] =	vst v3;
	v3 =	vmul.f32 v1, v6;
	(pc) =	sbr.rel @!p1 .LBB2_15-.Ltmp9, $4  }
0x91: {  	[tilespmem:s23+$0x20] =	vst v2;
	v1 =	vmul.f32 v7, v1  }
0x92: {  	[tilespmem:s23+$0x30] =	vst v3  }
0x93: {  	[tilespmem:s23+$0x40] =	vst v1  }
0x94: {  	[spmem:s1] =	stream.indirect.scatter.add.f32 [tilespmem:s26], [sflag:$0x7], $0x30, s22, s20, $0xb8;
	[tilespmem:$0xC100] =	vst v63  }
0x95: {  	_ =	swait.ge [sflag:s24], $0x1800  }
0x96: {  	[sflag:s24] =	ssyncset.done $0x0  }
0x97: {  	s10 =	simm.s32 @!p0 $0x1;
	[sflag:s24] =	ssyncadd.s32 $0xFFFFE800  }
0x98: {  	_ =	swait.ge @!p0 [sflag:s10], $0x80  }
0x99: {  	[sflag:s10] =	ssyncset.done @!p0 $0x0  }
0x9a: {  	[sflag:s10] =	ssyncadd.s32 @!p0 $0xFFFFFF80  }
0x9b: {  	_ =	swait.ge @!p0 [sflag:s10], $0x80  }
0x9c: {  	[sflag:s10] =	ssyncset.done @!p0 $0x0  }
0x9d: {  	[sflag:s10] =	ssyncadd.s32 @!p0 $0xFFFFFF80;
	s10 =	sshll.u32 @!p0 s15, $0xE  }
0x9e: {  	s21 =	simm.s32 @!p0 $0x0;
	s23 =	simm.s32 @!p0 $0x180;
	s10 =	sadd.s32 @!p0 s10, s14  }
0x9f: {  	[tilespmem:s23], [sflag:$0x3] =	stream.linear.gather @!p0 [hbm4b:s10+s21], $0x800, $0x38;
	[tilespmem:$0xC100] =	vst v63  }
0xa0: {  	s10 =	simm.s32 @!p0 $0x80;
	s23 =	simm.s32 @!p0 $0x980  }
0xa1: {  	[tilespmem:s23], [sflag:$0x5] =	stream.indirect.gather @!p0 [hbm4b:s6+s10], $0x30, s21, s10, $0xb8;
	[tilespmem:$0xC100] =	vst v63  }
0xa2: {  	_ =	swait.ge [sflag:s2], $0x800  }
0xa3: {  	[sflag:s2] =	ssyncset.done $0x0  }
0xa4: {  	[sflag:s2] =	ssyncadd.s32 $0xFFFFF800  }
0xa5: {  	p0 =	sgt.u32 s15, $0x25;
	_ =	swait.ge [sflag:s7], $0x1800  }
0xa6: {  	s10 =	sadd.s32 @!p0 s13, s25;
	s23 =	simm.s32 @!p0 $0x0;
	[sflag:s7] =	ssyncset.done $0x0  }
0xa7: {  	s25 =	simm.s32 @!p0 $0x2180;
	s21 =	sadd.s32 @!p0 s4, s10;
	[sflag:s7] =	ssyncadd.s32 $0xFFFFE800  }
0xa8: {  	[tilespmem:s25], [sflag:$0x2] =	stream.linear.gather @!p0 [hbm4b:s21+s23], $0x80, $0x38;
	[tilespmem:$0xC100] =	vst v63  }
0xa9: {  	s10 =	sadd.s32 @!p0 s5, s10;
	s21 =	simm.s32 @!p0 $0x2200  }
0xaa: {  	[tilespmem:s21], [sflag:$0x2] =	stream.linear.gather @!p0 [hbm4b:s10+s23], $0x80, $0x38;
	[tilespmem:$0xC100] =	vst v63  }
0xab: {  	s25 =	sadd.s32 s16, s8  }
0xac: {  	[tilespmem:s9], [sflag:$0x9] =	stream.linear.gather [hbm4b:s25+s3], $0x80, $0x38;
	[tilespmem:$0xC100] =	vst v63  }
0xad: {  	_ =	swait.ge [sflag:s19], $0x80  }
0xae: {  	[sflag:s19] =	ssyncset.done $0x0  }
0xaf: {  	s29 =	simm.s32 $0x2320;
	[sflag:s19] =	ssyncadd.s32 $0xFFFFFF80  }
0xb0: {  	s16 =	simm.s32 $0x2B60;
	v1 =	vld.msk [tilespmem:s29+$0x10 ss:$0x0], $0xffff  }
0xb1: {  	v3 =	vld [tilespmem:s16+$0x50]  }
0xb2: {  	v7 =	vld.msk [tilespmem:s29+$0xFFFFFFF0 ss:$0x0], $0xffff  }
0xb3: {  	v2 =	vld.msk [tilespmem:s29+$0x0 ss:$0x0], $0xffff  }
0xb4: {  	v5 =	vld.msk [tilespmem:s29+$0xFFFFFFE0 ss:$0x0], $0xffff  }
0xb5: {  	v4 =	vld [tilespmem:s16+$0xFFFFFFA0]  }
0xb6: {  	v6 =	vld [tilespmem:s16+$0xFFFFFFB0]  }
0xb7: {  	v8 =	vld [tilespmem:s16+$0xFFFFFFC0]  }
0xb8: {  	v9 =	vld [tilespmem:s16+$0xFFFFFFD0]  }
0xb9: {  	v10 =	vld [tilespmem:s16+$0xFFFFFFE0];
	v3 =	vmul.f32 v3, v1  }
0xba: {  	v12 =	vld [tilespmem:s16+$0xFFFFFFF0];
	v11 =	vmul.f32 v5, v4  }
0xbb: {  	v6 =	vmul.f32 v6, v5;
	v4 =	vld [tilespmem:s16+$0x0];
	[tilespmem:s16+$0x50] =	vst v3  }
0xbc: {  	v8 =	vmul.f32 v8, v5;
	[tilespmem:s16+$0xFFFFFFA0] =	vst v11;
	v3 =	vld [tilespmem:s16+$0x10]  }
0xbd: {  	v5 =	vld [tilespmem:s16+$0x20];
	[tilespmem:s16+$0xFFFFFFB0] =	vst v6;
	v11 =	vmul.f32 v7, v9  }
0xbe: {  	[tilespmem:s16+$0xFFFFFFC0] =	vst v8;
	v6 =	vld [tilespmem:s16+$0x30];
	v9 =	vmul.f32 v10, v7  }
0xbf: {  	s10 =	simm.s32 $0x0;
	s23 =	simm.s32 $0x2360;
	s21 =	simm.s32 $0x2B60;
	v8 =	vmul.f32 v12, v7;
	v7 =	vld [tilespmem:s16+$0x40];
	[tilespmem:s16+$0xFFFFFFD0] =	vst v11  }
.LBB2_13:
0xc0: {  	v10 =	vld.msk [tilespmem:s23+$0x10 ss:$0x0], $0xffff;
	s10 =	sadd.s32 $0x4, s10;
	[tilespmem:s16+$0xFFFFFFE0] =	vst v9;
	v4 =	vmul.f32 v2, v4;
	s21 =	sadd.s32 $0xC0, s21  }
0xc1: {  	v9 =	vld [tilespmem:s21+$0x50];
	p0 =	slt.u32 s10, $0x7C;
	[tilespmem:s16+$0xFFFFFFF0] =	vst v8;
	v3 =	vmul.f32 v3, v2  }
0xc2: {  	v8 =	vld.msk [tilespmem:s23+$0xFFFFFFF0 ss:$0x0], $0xffff;
	[tilespmem:s16+$0x0] =	vst v4;
	v4 =	vmul.f32 v5, v2  }
0xc3: {  	v2 =	vld.msk [tilespmem:s23+$0x0 ss:$0x0], $0xffff;
	[tilespmem:s16+$0x10] =	vst v3;
	v3 =	vmul.f32 v1, v6  }
0xc4: {  	v5 =	vld.msk [tilespmem:s23+$0xFFFFFFE0 ss:$0x0], $0xffff;
	[tilespmem:s16+$0x20] =	vst v4;
	v7 =	vmul.f32 v7, v1  }
0xc5: {  	v4 =	vld [tilespmem:s21+$0xFFFFFFA0];
	[tilespmem:s16+$0x30] =	vst v3  }
0xc6: {  	v1 =	vmov v10;
	v3 =	vld [tilespmem:s21+$0xFFFFFFB0];
	v6 =	vmul.f32 v9, v10;
	[tilespmem:s16+$0x40] =	vst v7;
	s16 =	smov.u32 s21  }
0xc7: {  	v7 =	vld [tilespmem:s21+$0xFFFFFFC0]  }
0xc8: {  	v9 =	vld [tilespmem:s21+$0xFFFFFFD0];
	[tilespmem:s21+$0x50] =	vst v6  }
0xc9: {  	v6 =	vld [tilespmem:s21+$0xFFFFFFE0]  }
0xca: {  	v10 =	vmul.f32 v5, v4;
	v11 =	vld [tilespmem:s21+$0xFFFFFFF0]  }
.Ltmp10:
0xcb: {  	v12 =	vmul.f32 v3, v5;
	v4 =	vld [tilespmem:s21+$0x0];
	(pc) =	sbr.rel @p0 .LBB2_13-.Ltmp10, $4  }
0xcc: {  	[tilespmem:s21+$0xFFFFFFA0] =	vst v10;
	v7 =	vmul.f32 v7, v5;
	v3 =	vld [tilespmem:s21+$0x10]  }
0xcd: {  	[tilespmem:s21+$0xFFFFFFB0] =	vst v12;
	v10 =	vmul.f32 v8, v9;
	v5 =	vld [tilespmem:s21+$0x20]  }
0xce: {  	[tilespmem:s21+$0xFFFFFFC0] =	vst v7;
	v9 =	vmul.f32 v6, v8;
	v6 =	vld [tilespmem:s21+$0x30]  }
0xcf: {  	s23 =	sadd.s32 $0x40, s23;
	[tilespmem:s21+$0xFFFFFFD0] =	vst v10;
	v8 =	vmul.f32 v11, v8;
	v7 =	vld [tilespmem:s21+$0x40]  }
0xd0: {  	[tilespmem:s16+$0xFFFFFFE0] =	vst v9;
	v4 =	vmul.f32 v2, v4  }
0xd1: {  	[tilespmem:s16+$0xFFFFFFF0] =	vst v8;
	v3 =	vmul.f32 v3, v2  }
0xd2: {  	[tilespmem:s16+$0x0] =	vst v4;
	v2 =	vmul.f32 v5, v2  }
.Ltmp11:
0xd3: {  	[tilespmem:s16+$0x10] =	vst v3;
	v3 =	vmul.f32 v1, v6;
	(pc) =	sbr.rel .LBB2_15-.Ltmp11, $4  }
0xd4: {  	[tilespmem:s16+$0x20] =	vst v2;
	v1 =	vmul.f32 v7, v1  }
0xd5: {  	[tilespmem:s16+$0x30] =	vst v3  }
0xd6: {  	[tilespmem:s16+$0x40] =	vst v1  }
0xd7: {  	[spmem:s1] =	stream.indirect.scatter.add.f32 [tilespmem:s30], [sflag:$0x8], $0x30, s9, s20, $0xb8;
	[tilespmem:$0xC100] =	vst v63  }
.LBB2_17:
0xd8: {  	_ =	sfence.sel $0x180000  }
0xd9: {  	[bflag:$0x0] =	sbarrier.arrive $0xFFFF  }
0xda: {  	_ =	strace $0x90000050  }
0xdb: {  	s0 =	stileid.u32;
	[bflag:$0x2] =	sbarrier.arrive $0xFFFF  }
0xdc: {  	p0 =	sne.s32 s0, $0x0;
	s0 =	rddreg [dreg:$0x2]  }
0xdd: {  	s0 =	sadd.s32 @!p0 $0x100000, s0  }
0xde: {  	[sflag:s0] =	ssyncadd.tile.s32 @!p0 $0x1;
	_ =	shalt  }
.Lfunc_end2:
_tile_overlayer_lowered:
.L_overlay_start_2:
0xdf: {  	(tag) =	ssettag $0x2  }
0xe0: {  	s0 =	rddreg [dreg:$0x0];
	s2 =	stileid.u32  }
0xe1: {  	s1 =	rddreg [dreg:$0x1];
	p0 =	sne.s32 s2, $0x0  }
0xe2: {  	s3 =	rddreg [dreg:$0x2];
	[bflag:$0x3] =	sbarrier.arrive $0xFFFF;
	s2 =	simm.s32 @!p0 $0x1C09  }
0xe3: {  	[timem:s3], [sflag:s2] =	dma.local @!p0 [hbm:s0], s1  }
0xe4: {  	s0 =	simm.s32 @!p0 $0x9  }
0xe5: {  	_ =	swait.ge @!p0 [sflag:s0], s1  }
0xe6: {  	s1 =	ssub.s32 @!p0 $0x0, s1;
	[sflag:s0] =	ssyncset.done @!p0 $0x0  }
0xe7: {  	[sflag:s0] =	ssyncadd.s32 @!p0 s1  }
0xe8: {  	[bflag:$0x3] =	sbarrier.arrive $0xFFFF  }
0xe9: {  	_ =	shalt  }

// kernel: kernel.9.cloned.1.call-start
scs
__scs_entry_jumppad:
0x0: {  	(pc) =	sbr.rel $0x88, $3  }
0x1: {  	(tag) =	ssettag $0x0;
	lr =	simm.s32 $0x1  }
0x2: {  	[smem:$0x3F97] =	sst lr;
	_ =	strace $0xD0000000  }
0x3: {  	_ = 	snop  }
0x4: {  	_ = 	snop  }
0x5: {  	_ = 	snop  }
0x6: {  	_ = 	snop  }
0x7: {  	_ = 	snop  }
__scs_overlays_trampoline_lowered:
0x8: {  	[smem:$0x3FA6] =	sst s0  }
0x9: {  	[smem:$0x3FA7] =	sst s1  }
0xa: {  	[smem:$0x3FA8] =	sst s2  }
0xb: {  	[smem:$0x3FA9] =	sst s3  }
0xc: {  	[smem:$0x3FAA] =	sst s4  }
0xd: {  	[smem:$0x3FAB] =	sst s5  }
0xe: {  	[smem:$0x3FAC] =	sst s6  }
0xf: {  	[smem:$0x3FAD] =	sst s7  }
0x10: {  	[smem:$0x3FAE] =	sst s8  }
0x11: {  	[smem:$0x3FAF] =	sst s9;
	s0 =	simm.s32 @!p0 $0x0  }
0x12: {  	s1 =	sld [smem:$0x3F95];
	s0 =	simm.s32 @p0 $0x1  }
0x13: {  	[smem:$0x3FB0] =	sst s0;
	s0 =	simm.s32 @!p1 $0x0  }
0x14: {  	s2 =	sld [smem:$0x3F94];
	s0 =	simm.s32 @p1 $0x1  }
0x15: {  	[smem:$0x3FB1] =	sst s0;
	s0 =	simm.s32 @!p2 $0x0  }
0x16: {  	s3 =	sld [smem:$0x3FDB];
	s0 =	simm.s32 @p2 $0x1  }
0x17: {  	s4 =	simm.s32 $0x1BF5;
	[smem:$0x3FB3] =	sst s0  }
0x18: {  	s0 =	sld [smem:$0x3F96];
	_ =	swait.ge [sflag:s4], $0x0  }
0x19: {  	s7 =	sld [smem:$0x3F97]  }
0x1a: {  	s8 =	sadd.s32 $0xFFFFE003, lr  }
0x1b: {  	s9 =	sadd.s32 $0xFFFFFEF7, lr;
	s5 =	simm.s32 $0xFFFFFFFF;
	p2 =	slt.u32 s8, $0xFFFFF086  }
0x1c: {  	p1 =	slt.u32 s9, $0xF7A;
	s5 =	simm.s32 @!p2 $0x0  }
0x1d: {  	s5 =	simm.s32 @p1 $0x1;
	p0 =	seq.s32 s7, s2  }
0x1e: {  	s7 =	smul.u32 @!p0 $0xF7A, s2;
	p2 =	seq.s32 @!p0 s5, $0x0  }
0x1f: {  	s9 =	smul.u32 $0xF7A, s1;
	s8 =	simm.s32 @!p0 $0x1BF5;
	p2 =	por !p2, p0  }
0x20: {  	[sflag:s8] =	ssyncset.s32 @!p0 $0xFFFFF086;
	s6 =	sadd.s32 @!p0 s3, s7;
	s7 =	simm.s32 @!p0 $0x108  }
0x21: {  	s3 =	sadd.s32 s3, s9;
	s6 =	sadd.s32 @!p0 $0x88, s6;
	s7 =	simm.s32 @p2 $0x1082  }
0x22: {  	[simem:s7], [sflag:s8] =	dma.local @!p0 [hbm:s6], $0xF7A  }
0x23: {  	s9 =	sor.u32 $0xD0000000, s2;
	s6 =	simm.s32 $0x108;
	_ =	swait.ge @!p0 [sflag:s8], $0x0  }
0x24: {  	s3 =	sadd.s32 $0x88, s3;
	s6 =	simm.s32 @!p1 $0x1082;
	[sflag:s4] =	ssyncset.s32 $0xFFFFF086  }
0x25: {  	[simem:s6], [sflag:s4] =	dma.local [hbm:s3], $0xF7A  }
0x26: {  	[smem:$0x3F97] =	sst s1;
	(tag) =	ssettag s2;
	_ =	strace s9  }
0x27: {  	s1 =	sld [smem:$0x3FA7]  }
0x28: {  	s2 =	sld [smem:$0x3FA8]  }
0x29: {  	s4 =	sld [smem:$0x3FAA]  }
0x2a: {  	p0 =	seq.s32 s5, $0x0;
	s5 =	sld [smem:$0x3FAB]  }
0x2b: {  	s6 =	sld [smem:$0x3FAC]  }
0x2c: {  	s7 =	sld [smem:$0x3FAD]  }
0x2d: {  	s3 =	simm.s32 $0x108;
	s8 =	sld [smem:$0x3FAE]  }
0x2e: {  	s3 =	simm.s32 @!p0 $0x1082;
	s9 =	sld [smem:$0x3FAF]  }
0x2f: {  	lr =	sadd.s32 s0, s3;
	s0 =	sld [smem:$0x3FA6]  }
0x30: {  	s3 =	sld [smem:$0x3FA9]  }
0x31: {  	[smem:$0x3FB2] =	sst s10  }
0x32: {  	s10 =	sld [smem:$0x3FB0];
	_ =	sdelay $0x3  }
0x33: {  	p0 =	seq.s32 s10, $0x1;
	s10 =	sld [smem:$0x3FB2];
	_ =	sdelay $0x3  }
0x34: {  	[smem:$0x3FB2] =	sst s10  }
0x35: {  	s10 =	sld [smem:$0x3FB1];
	_ =	sdelay $0x3  }
0x36: {  	p1 =	seq.s32 s10, $0x1;
	s10 =	sld [smem:$0x3FB2];
	_ =	sdelay $0x3  }
0x37: {  	[smem:$0x3FB2] =	sst s10  }
0x38: {  	s10 =	sld [smem:$0x3FB3]  }
0x39: {  	_ = 	snop;
	(pc) =	sbr.ind lr, $3  }
0x3a: {  	_ = 	snop  }
0x3b: {  	_ = 	snop  }
0x3c: {  	p2 =	seq.s32 s10, $0x1;
	s10 =	sld [smem:$0x3FB2]  }
0x3d: {  	_ =	shalt  }
0x3e: {  	_ =	shalt  }
0x3f: {  	_ =	shalt  }
0x40: {  	_ =	shalt  }
0x41: {  	_ =	shalt  }
0x42: {  	_ =	shalt  }
0x43: {  	_ =	shalt  }
0x44: {  	_ =	shalt  }
0x45: {  	_ =	shalt  }
0x46: {  	_ =	shalt  }
0x47: {  	_ =	shalt  }
0x48: {  	_ =	shalt  }
0x49: {  	_ =	shalt  }
0x4a: {  	_ =	shalt  }
0x4b: {  	_ =	shalt  }
0x4c: {  	_ =	shalt  }
0x4d: {  	_ =	shalt  }
0x4e: {  	_ =	shalt  }
0x4f: {  	_ =	shalt  }
0x50: {  	_ =	shalt  }
0x51: {  	_ =	shalt  }
0x52: {  	_ =	shalt  }
0x53: {  	_ =	shalt  }
0x54: {  	_ =	shalt  }
0x55: {  	_ =	shalt  }
0x56: {  	_ =	shalt  }
0x57: {  	_ =	shalt  }
0x58: {  	_ =	shalt  }
0x59: {  	_ =	shalt  }
0x5a: {  	_ =	shalt  }
0x5b: {  	_ =	shalt  }
0x5c: {  	_ =	shalt  }
0x5d: {  	_ =	shalt  }
0x5e: {  	_ =	shalt  }
0x5f: {  	_ =	shalt  }
0x60: {  	_ =	shalt  }
0x61: {  	_ =	shalt  }
0x62: {  	_ =	shalt  }
0x63: {  	_ =	shalt  }
0x64: {  	_ =	shalt  }
0x65: {  	_ =	shalt  }
0x66: {  	_ =	shalt  }
0x67: {  	_ =	shalt  }
0x68: {  	_ =	shalt  }
0x69: {  	_ =	shalt  }
0x6a: {  	_ =	shalt  }
0x6b: {  	_ =	shalt  }
0x6c: {  	_ =	shalt  }
0x6d: {  	_ =	shalt  }
0x6e: {  	_ =	shalt  }
0x6f: {  	_ =	shalt  }
0x70: {  	_ =	shalt  }
0x71: {  	_ =	shalt  }
0x72: {  	_ =	shalt  }
0x73: {  	_ =	shalt  }
0x74: {  	_ =	shalt  }
0x75: {  	_ =	shalt  }
0x76: {  	_ =	shalt  }
0x77: {  	_ =	shalt  }
0x78: {  	_ =	shalt  }
0x79: {  	_ =	shalt  }
0x7a: {  	_ =	shalt  }
0x7b: {  	_ =	shalt  }
0x7c: {  	_ =	shalt  }
0x7d: {  	_ =	shalt  }
0x7e: {  	_ =	shalt  }
0x7f: {  	_ =	shalt  }
0x80: {  	_ =	shalt  }
0x81: {  	_ =	shalt  }
0x82: {  	_ =	shalt  }
0x83: {  	_ =	shalt  }
0x84: {  	_ =	shalt  }
0x85: {  	_ =	shalt  }
0x86: {  	_ =	shalt  }
0x87: {  	_ =	shalt  }
.Lfunc_end0:
.L_simem_size_0:
called_computation_lowered:
.L_overlay_start_0:
0x88: {  	s2 =	sld [smem:$0x3FD9]  }
0x89: {  	s3 =	sld [smem:$0x3FFE];
	_ =	sdelay $0x1  }
0x8a: {  	s1 =	srdreg.scid  }
0x8b: {  	s0 =	sand.u32 $0x1, s1  }
0x8c: {  	s17 =	sshll.u32 s0, $0xA;
	s2 =	sadd.s32 s3, s2  }
0x8d: {  	s2 =	sadd.s32 s2, s17  }
0x8e: {  	[smem:$0x3FBE] =	sst s2  }
0x8f: {  	_ = 	snop  }
0x90: {  	s2 =	sld [smem:$0x3FD0];
	(tm) =	ssettm $0x1  }
0x91: {  	s18 =	sld [smem:$0x3FFB];
	_ =	sdelay $0x3  }
0x92: {  	_ =	strace s18  }
0x93: {  	s3 =	sld [smem:$0x3FFC];
	_ =	sdelay $0x3  }
0x94: {  	_ =	strace s3  }
0x95: {  	s3 =	sld [smem:$0x3FFD];
	_ =	sdelay $0x3  }
0x96: {  	_ =	strace s3  }
0x97: {  	_ =	strace $0x8FFFFFFF  }
0x98: {  	s19 =	sld [smem:$0x3FDB];
	_ =	sdelay $0x1  }
0x99: {  	s4 =	simm.s32 $_scs_section_size  }
0x9a: {  	s5 =	simm.s32 $_size__tile_overlayer_lowered;
	s6 =	simm.s32 $_tile_overlayer_lowered  }
0x9b: {  	s22 =	simm.s32 $0x1BFF;
	s21 =	sshll.u32 s6, $0x1;
	s3 =	sadd.s32 s4, s19  }
0x9c: {  	s7 =	simm.s32 $0x0;
	s20 =	sshll.u32 s5, $0x1;
	s5 =	sadd.s32 s21, s3  }
0x9d: {  	[timem:s7], [sflag:s22] =	dma.local [hbm:s5], s20  }
0x9e: {  	_ =	swait.ge [sflag:s22], s20  }
0x9f: {  	s4 =	ssub.s32 $0x0, s20;
	[sflag:s22] =	ssyncset.done $0x0  }
0xa0: {  	[sflag:s22] =	ssyncadd.s32 s4;
	_ =	sdelay $0x1  }
0xa1: {  	s23 =	simm.s32 $0x1B8B  }
0xa2: {  	_ =	swait.ge [sflag:s23], $0x1  }
0xa3: {  	[sflag:s23] =	ssyncset.done $0x0  }
0xa4: {  	s25 =	simm.s32 $0x1B8E;
	s24 =	sld [smem:$0x3FFE];
	[sflag:s23] =	ssyncadd.s32 $0xFFFFFFFF  }
0xa5: {  	s26 =	simm.s32 $execute0_lowered;
	[smem:$0x3FD2] =	sst s25  }
0xa6: {  	s5 =	sshll.u32 s26, $0x1;
	_ =	strace $0x80000046;
	[dreg:$0x1] =	wrdreg $0xFFFFFFFF  }
0xa7: {  	s28 =	simm.s32 $_size_execute0_lowered;
	s3 =	sadd.s32 s3, s5;
	[dreg:$0x0] =	wrdreg $0x0  }
0xa8: {  	s5 =	sshll.u32 s28, $0x1;
	[dreg:$0x2] =	wrdreg s3  }
0xa9: {  	[dreg:$0x3] =	wrdreg s5  }
0xaa: {  	[dreg:$0x4] =	wrdreg $0xC0  }
0xab: {  	_ =	task [dreg:s7], $0x5FFFF  }
0xac: {  	[dreg:$0x1] =	wrdreg $0xFFFFFFFF  }
0xad: {  	[dreg:$0x0] =	wrdreg $0x60  }
0xae: {  	[dreg:$0x2] =	wrdreg s24  }
0xaf: {  	[dreg:$0x3] =	wrdreg s2  }
0xb0: {  	[dreg:$0x4] =	wrdreg $0x5B000  }
0xb1: {  	[dreg:$0x5] =	wrdreg $0x9  }
0xb2: {  	_ =	task.clear_ibuf [dreg:s7], $0x6FFFF;
	_ =	strace $0x90000046  }
0xb3: {  	s29 =	simm.s32 $0x9;
	_ =	strace $0x80000048  }
0xb4: {  	_ =	swait.ge [sflag:s29], $0x1  }
0xb5: {  	[sflag:s29] =	ssyncadd.s32 $0xFFFFFFFF  }
0xb6: {  	_ =	strace $0x90000048  }
0xb7: {  	_ =	sfence  }
0xb8: {  	s30 =	sld [smem:$0x0];
	_ =	sdelay $0x2  }
0xb9: {  	s31 =	sshll.u32 s1, $0xD;
	s1 =	sshrl.u32 s1, $0x2  }
0xba: {  	s3 =	sand.u32 $0x4000, s31;
	s1 =	sadd.s32 s1, s30  }
0xbb: {  	s0 =	sor.u32 s3, s0;
	s1 =	sshll.u32 s1, $0x11  }
0xbc: {  	s0 =	sor.u32 s1, s0  }
0xbd: {  	s0 =	sadd.s32 $0x8F2B, s0  }
0xbe: {  	[sflag:s0] =	ssyncadd.remote.s32 $0x1  }
0xbf: {  	_ =	sfence.sel $0xFFFF  }
0xc0: {  	[dreg:$0x0] =	wrdreg $0xFFFFFFFF;
	(pc) =	sbr.abs _section_cstart, $3  }
0xc1: {  	[dreg:$0x1] =	wrdreg $0xFFFFFFFF  }
0xc2: {  	_ =	task.clear_ibuf [dreg:s7], $0x2FFFF;
	_ =	strace $0x9FFFFFFF  }
0xc3: {  	(tm) =	ssettm $0x7FFFFFFF  }
tec
execute0_lowered:
.L_overlay_start_1:
0x0: {  	(tag) =	ssettag $0x1  }
0x1: {  	s0 =	rddreg [dreg:$0x0]  }
0x2: {  	s5 =	rddreg [dreg:$0x1]  }
0x3: {  	s1 =	rddreg [dreg:$0x2];
	s2 =	simm.s32 $0x0;
	s8 =	srdreg.scid  }
0x4: {  	s13 =	stileid.u32;
	s20 =	simm.s32 $0x9;
	s21 =	simm.s32 $0x80  }
0x5: {  	s28 =	simm.s32 $0x3;
	s29 =	simm.s32 $0x100;
	s30 =	simm.s32 $0x1180  }
0x6: {  	s31 =	simm.s32 $0x4;
	s19 =	simm.s32 $0x2B00;
	[smem:$0x7FF] =	sst s2  }
0x7: {  	s3 =	sadd.s32 $0x3D800, s0;
	s4 =	sadd.s32 $0x33A00, s0;
	s6 =	sadd.s32 $0x2EA00, s0  }
0x8: {  	s7 =	sadd.s32 $0x29A00, s0;
	s9 =	sand.u32 $0x1, s8;
	_ =	strace $0x80000047  }
0x9: {  	s10 =	ssub.s32 $0x2, s9;
	s8 =	sshll.u32 s9, $0x4;
	s9 =	smul.u32 $0x28000, s9  }
0xa: {  	s11 =	sshrl.u32 s10, $0x1;
	s12 =	sor.u32 s13, s8;
	s13 =	smul.u32 $0x2800, s13  }
0xb: {  	s8 =	sadd.s32 $0x47600, s0;
	s22 =	ssub.s32 s10, s11;
	s23 =	sshll.u32 s12, $0x4  }
0xc: {  	s12 =	sshll.u32 s12, $0x7;
	s17 =	sadd.s32 s13, s1;
	s24 =	sadd.s32 s3, s23  }
0xd: {  	s25 =	sadd.s32 s4, s23;
	s26 =	sor.u32 $0x200, s23;
	s9 =	sadd.s32 s13, s9  }
0xe: {  	s15 =	sor.u32 $0x400, s23;
	s16 =	sor.u32 $0x600, s23;
	[dreg:$0x5] =	wrdreg s24  }
0xf: {  	s0 =	smax.u32 s22, $0x1;
	s23 =	simm.s32 $0x1A00;
	[dreg:$0x6] =	wrdreg s25  }
.Ltmp0:
0x10: {  	s14 =	sadd.s32 s3, s26;
	[dreg:$0xa] =	wrdreg s0;
	(pc) =	sbr.rel .LBB2_1-.Ltmp0, $4  }
0x11: {  	s11 =	sadd.s32 s4, s26;
	s9 =	sshrl.u32 s9, $0x3;
	[dreg:$0x4] =	wrdreg s17  }
0x12: {  	s24 =	simm.s32 $0x1;
	s25 =	simm.s32 $0x180;
	[dreg:$0x7] =	wrdreg s14  }
0x13: {  	s26 =	simm.s32 $0x980;
	[dreg:$0x8] =	wrdreg s11;
	s5 =	sadd.s32 s5, s9  }
0x14: {  	v0 =	vimm.f32 $0.0e+00;
	s0 =	simm.s32 $0x1A80;
	s14 =	simm.s32 $0x0;
	[dreg:$0x9] =	wrdreg s5  }
.LBB2_11:
0x15: {  	s5 =	simm.s32 $0x6  }
0x16: {  	_ =	swait.ge [sflag:s5], $0x800  }
0x17: {  	[sflag:s5] =	ssyncset.done $0x0  }
0x18: {  	s11 =	simm.s32 $0x8;
	[sflag:s5] =	ssyncadd.s32 $0xFFFFF800  }
0x19: {  	_ =	swait.ge [sflag:s11], $0x800  }
0x1a: {  	[sflag:s11] =	ssyncset.done $0x0  }
0x1b: {  	s13 =	simm.s32 $0x5;
	[sflag:s11] =	ssyncadd.s32 $0xFFFFF800  }
0x1c: {  	_ =	swait.ge [sflag:s13], $0x800  }
0x1d: {  	[sflag:s13] =	ssyncset.done $0x0  }
0x1e: {  	s17 =	simm.s32 $0x7;
	[sflag:s13] =	ssyncadd.s32 $0xFFFFF800  }
0x1f: {  	_ =	swait.ge [sflag:s17], $0x800  }
0x20: {  	[sflag:s17] =	ssyncset.done $0x0  }
0x21: {  	[sflag:s17] =	ssyncadd.s32 $0xFFFFF800  }
0x22: {  	s18 =	stileid.u32;
	[bflag:$0x0] =	sbarrier.arrive $0xFFFF  }
0x23: {  	s5 =	sshll.u32 s18, $0x6;
	s17 =	rddreg [dreg:$0x4]  }
0x24: {  	s5 =	sor.u32 $0x1C09, s5;
	s10 =	rddreg [dreg:$0x9];
	s9 =	sshrl.u32 s17, $0x3  }
0x25: {  	[hbm:s10], [sflag:s5] =	dma.local [spmem:s9], $0x500  }
0x26: {  	_ =	swait.ge [sflag:s20], $0x500  }
0x27: {  	s14 =	sadd.s32 $0x1, s14;
	s22 =	rddreg [dreg:$0xa]  }
0x28: {  	p0 =	sne.s32 s14, s22  }
.Ltmp1:
0x29: {  	_ = 	snop;
	(pc) =	sbr.rel @!p0 .LBB2_12-.Ltmp1, $3  }
0x2a: {  	_ =	sdelay $0x1  }
0x2b: {  	[sflag:s20] =	ssyncset.done $0x0  }
0x2c: {  	[sflag:s20] =	ssyncadd.s32 $0xFFFFFB00  }
.LBB2_1:
0x2d: {  	s5 =	simm.s32 $0x40;
	s9 =	simm.s32 $0x0  }
.LBB2_2:
0x2e: {  	p0 =	sne.s32 s5, $0x9FC0;
	[tilespmem:s9+$0x3300] =	vst v0;
	s9 =	smov.u32 s5;
	s5 =	sadd.s32 $0x40, s5  }
.Ltmp2:
0x2f: {  	(pc) =	sbr.rel @p0 .LBB2_2-.Ltmp2, $2  }
0x30: {  	_ =	sdelay $0x2  }
0x31: {  	s9 =	sshra.s32 s9, $0x2  }
0x32: {  	[tilespmem:s9+$0x3300] =	vst v0;
	s5 =	simm.s32 $0x3300  }
0x33: {  	[spmem:s17] =	stream.linear.scatter [tilespmem:s5], [sflag:$0x9], $0x2800, $0x38;
	[tilespmem:$0x8300] =	vst v63  }
0x34: {  	_ =	swait.ge [sflag:s20], $0x2800  }
0x35: {  	[sflag:s20] =	ssyncset.done $0x0  }
0x36: {  	[sflag:s20] =	ssyncadd.s32 $0xFFFFD800  }
0x37: {  	[bflag:$0x0] =	sbarrier.arrive $0xFFFF  }
0x38: {  	s17 =	simm.s32 $0x0;
	s10 =	rddreg [dreg:$0x5]  }
0x39: {  	[tilespmem:s17], [sflag:$0x1] =	stream.linear.gather [hbm4b:s10+s17], $0x80, $0x38;
	[tilespmem:$0x8300] =	vst v63  }
0x3a: {  	s11 =	rddreg [dreg:$0x6]  }
0x3b: {  	[tilespmem:s21], [sflag:$0x1] =	stream.linear.gather [hbm4b:s11+s17], $0x80, $0x38;
	[tilespmem:$0x8300] =	vst v63  }
0x3c: {  	s18 =	simm.s32 $0x1980;
	s13 =	rddreg [dreg:$0x7]  }
0x3d: {  	[tilespmem:s18], [sflag:$0x2] =	stream.linear.gather [hbm4b:s13+s17], $0x80, $0x38;
	[tilespmem:$0x8300] =	vst v63  }
0x3e: {  	s22 =	rddreg [dreg:$0x8]  }
0x3f: {  	[tilespmem:s23], [sflag:$0x2] =	stream.linear.gather [hbm4b:s22+s17], $0x80, $0x38;
	[tilespmem:$0x8300] =	vst v63  }
0x40: {  	_ =	swait.ge [sflag:s24], $0x80  }
0x41: {  	[sflag:s24] =	ssyncset.done $0x0  }
0x42: {  	[sflag:s24] =	ssyncadd.s32 $0xFFFFFF80  }
0x43: {  	_ =	swait.ge [sflag:s24], $0x80  }
.Ltmp3:
0x44: {  	[sflag:s24] =	ssyncset.done $0x0;
	(pc) =	sbr.rel .LBB2_4-.Ltmp3, $4  }
0x45: {  	[sflag:s24] =	ssyncadd.s32 $0xFFFFFF80  }
0x46: {  	[tilespmem:s25], [sflag:$0x3] =	stream.indirect.gather [hbm4b:s6+s21], $0x10, s17, s21, $0xb8;
	[tilespmem:$0x8300] =	vst v63  }
0x47: {  	_ = 	snop  }
0x48: {  	[tilespmem:s26], [sflag:$0x3] =	stream.indirect.gather [hbm4b:s7+s21], $0x10, s21, s21, $0xb8;
	[tilespmem:$0x8300] =	vst v63  }
.LBB2_10:
0x49: {  	s17 =	sadd.s32 $0x1, s17  }
0x4a: {  	p0 =	sne.s32 s17, $0x28  }
.Ltmp4:
0x4b: {  	_ = 	snop;
	(pc) =	sbr.rel @!p0 .LBB2_11-.Ltmp4, $1  }
0x4c: {  	_ =	sdelay $0x3  }
.LBB2_4:
0x4d: {  	s18 =	sshllo.u32 s17, $0x1  }
0x4e: {  	p1 =	sgt.u32 s18, $0x4E  }
0x4f: {  	s5 =	simm.s32 @!p1 $0x2  }
0x50: {  	_ =	swait.ge @!p1 [sflag:s5], $0x80  }
0x51: {  	[sflag:s5] =	ssyncset.done @!p1 $0x0  }
0x52: {  	[sflag:s5] =	ssyncadd.s32 @!p1 $0xFFFFFF80  }
0x53: {  	_ =	swait.ge @!p1 [sflag:s5], $0x80  }
0x54: {  	s9 =	simm.s32 @!p1 $0x1980;
	[sflag:s5] =	ssyncset.done @!p1 $0x0  }
0x55: {  	s10 =	simm.s32 @!p1 $0x1B00;
	[sflag:s5] =	ssyncadd.s32 @!p1 $0xFFFFFF80;
	s5 =	simm.s32 @!p1 $0x80  }
0x56: {  	[tilespmem:s10], [sflag:$0x4] =	stream.indirect.gather @!p1 [hbm4b:s6+s5], $0x10, s9, s5, $0xb8;
	[tilespmem:$0x8300] =	vst v63  }
0x57: {  	s9 =	simm.s32 @!p1 $0x1A00;
	s10 =	simm.s32 @!p1 $0x2300  }
0x58: {  	[tilespmem:s10], [sflag:$0x4] =	stream.indirect.gather @!p1 [hbm4b:s7+s5], $0x10, s9, s5, $0xb8;
	[tilespmem:$0x8300] =	vst v63  }
0x59: {  	_ =	swait.ge [sflag:s28], $0x800  }
0x5a: {  	[sflag:s28] =	ssyncset.done $0x0  }
0x5b: {  	[sflag:s28] =	ssyncadd.s32 $0xFFFFF800  }
0x5c: {  	_ =	swait.ge [sflag:s28], $0x800  }
0x5d: {  	p0 =	seq.s32 s17, $0x0;
	[sflag:s28] =	ssyncset.done $0x0  }
0x5e: {  	s5 =	simm.s32 @!p0 $0x5;
	[sflag:s28] =	ssyncadd.s32 $0xFFFFF800  }
0x5f: {  	_ =	swait.ge @!p0 [sflag:s5], $0x800  }
0x60: {  	[sflag:s5] =	ssyncset.done @!p0 $0x0  }
0x61: {  	[sflag:s5] =	ssyncadd.s32 @!p0 $0xFFFFF800;
	s5 =	simm.s32 @!p0 $0x7  }
0x62: {  	p2 =	seq.s32 @!p0 s17, $0x27;
	_ =	swait.ge @!p0 [sflag:s5], $0x800  }
0x63: {  	p2 =	por p0, !p2;
	[sflag:s5] =	ssyncset.done @!p0 $0x0  }
0x64: {  	[sflag:s5] =	ssyncadd.s32 @!p0 $0xFFFFF800;
	s5 =	sshll.u32 @p2 s17, $0xA  }
0x65: {  	s5 =	sadd.s32 @p2 s15, s5  }
0x66: {  	s9 =	sadd.s32 @p2 s3, s5  }
0x67: {  	[tilespmem:s2], [sflag:$0x1] =	stream.linear.gather @p2 [hbm4b:s9+s2], $0x80, $0x38;
	[tilespmem:$0x8300] =	vst v63  }
0x68: {  	s5 =	sadd.s32 @p2 s4, s5;
	s9 =	sshll.u32 s17, $0xD  }
0x69: {  	[tilespmem:s21], [sflag:$0x1] =	stream.linear.gather @p2 [hbm4b:s5+s2], $0x80, $0x38;
	[tilespmem:$0x8300] =	vst v63  }
0x6a: {  	s5 =	sor.u32 s12, s9  }
0x6b: {  	s10 =	sshrl.u32 s5, $0x3  }
0x6c: {  	s9 =	sadd.s32 s4, s10  }
0x6d: {  	[tilespmem:s29], [sflag:$0x9] =	stream.linear.gather [hbm4b:s9+s2], $0x80, $0x38;
	[tilespmem:$0x8300] =	vst v63  }
0x6e: {  	_ =	swait.ge [sflag:s20], $0x80  }
0x6f: {  	[sflag:s20] =	ssyncset.done $0x0  }
0x70: {  	s11 =	simm.s32 $0x1A0;
	[sflag:s20] =	ssyncadd.s32 $0xFFFFFF80  }
0x71: {  	s13 =	simm.s32 $0x9A0;
	v1 =	vld [tilespmem:s11+$0x10]  }
0x72: {  	v2 =	vld [tilespmem:s13+$0x10]  }
0x73: {  	v3 =	vld [tilespmem:s13+$0xFFFFFFE0]  }
0x74: {  	v4 =	vld [tilespmem:s11+$0xFFFFFFF0]  }
0x75: {  	v6 =	vld [tilespmem:s11+$0x0]  }
0x76: {  	v7 =	vld [tilespmem:s13+$0x0]  }
0x77: {  	s22 =	simm.s32 $0x1E0;
	v5 =	vld [tilespmem:s13+$0xFFFFFFF0]  }
0x78: {  	v8 =	vld [tilespmem:s22+$0x10]  }
0x79: {  	v1 =	vadd.f32 v2, v1;
	v2 =	vld [tilespmem:s11+$0xFFFFFFE0]  }
0x7a: {  	v13 =	vld [tilespmem:s22+$0xFFFFFFE0];
	s11 =	simm.s32 $0x9E0  }
0x7b: {  	v6 =	vadd.f32 v7, v6;
	v10 =	vld [tilespmem:s11+$0x10];
	v9 =	vmul.f32 $2.000000030e-01, v1  }
0x7c: {  	v4 =	vadd.f32 v5, v4;
	v5 =	vld [tilespmem:s11+$0xFFFFFFE0];
	vm0 =	vge.f32 v1, $0.0e+00  }
0x7d: {  	v11 =	vld [tilespmem:s11+$0xFFFFFFF0];
	v12 =	vmul.f32 $2.000000030e-01, v6;
	v1 =	vsel vm0, v1, v9  }
0x7e: {  	vm1 =	vge.f32 v6, $0.0e+00;
	v9 =	vld [tilespmem:s22+$0xFFFFFFF0];
	v1 =	vmul.f32 $1.442695020e+00, v1;
	v2 =	vadd.f32 v3, v2  }
0x7f: {  	v7 =	vmul.f32 $2.000000030e-01, v4;
	vm0 =	vge.f32 v4, $0.0e+00;
	v6 =	vsel vm1, v6, v12;
	v3 =	vld [tilespmem:s22+$0x0]  }
0x80: {  	s13 =	simm.s32 $0x220;
	v8 =	vadd.f32 v10, v8;
	(erf) = vpow2.f32 v1;
	v1 =	vld [tilespmem:s11+$0x0];
	v10 =	vmul.f32 $2.000000030e-01, v2  }
0x81: {  	v4 =	vsel vm0, v4, v7;
	v7 =	vld [tilespmem:s13+$0x10];
	s22 =	simm.s32 $0xA20;
	v6 =	vmul.f32 $1.442695020e+00, v6;
	vm2 =	vge.f32 v2, $0.0e+00  }
0x82: {  	v4 =	vmul.f32 $1.442695020e+00, v4;
	v5 =	vadd.f32 v5, v13;
	v2 =	vsel vm2, v2, v10;
	v10 =	vld [tilespmem:s22+$0x10]  }
0x83: {  	v58 =	vmul.f32 $2.000000030e-01, v8;
	vm0 =	vge.f32 v8, $0.0e+00;
	v9 =	vadd.f32 v11, v9  }
0x84: {  	v60 =	vld [tilespmem:s13+$0x0];
	(erf) = vpow2.f32 v4;
	vm2 =	vge.f32 v5, $0.0e+00;
	v2 =	vmul.f32 $1.442695020e+00, v2  }
0x85: {  	v4 =	vld [tilespmem:s13+$0xFFFFFFF0];
	v8 =	vsel vm0, v8, v58;
	v59 =	vmul.f32 $2.000000030e-01, v9;
	v1 =	vadd.f32 v1, v3  }
0x86: {  	vm0 =	vge.f32 v9, $0.0e+00;
	v3 =	vmul.f32 $1.442695020e+00, v8;
	v8 =	vld [tilespmem:s22+$0xFFFFFFF0];
	(erf) = vpow2.f32 v2  }
0x87: {  	v14 =	vld [tilespmem:s13+$0xFFFFFFE0];
	v9 =	vsel vm0, v9, v59;
	v2 =	vmul.f32 $2.000000030e-01, v1;
	v7 =	vadd.f32 v10, v7  }
0x88: {  	v11 =	vld [tilespmem:s22+$0xFFFFFFE0];
	vm1 =	vge.f32 v1, $0.0e+00;
	(erf) = vpow2.f32 v3;
	v10 =	vmul.f32 $2.000000030e-01, v5  }
0x89: {  	v3 =	vld [tilespmem:s22+$0x0];
	(erf) = vpow2.f32 v6;
	v2 =	vsel vm1, v1, v2;
	v6 =	vmul.f32 $2.000000030e-01, v7  }
0x8a: {  	s22 =	simm.s32 $0x260;
	v1 =	vsel vm2, v5, v10;
	v5 =	vmul.f32 $1.442695020e+00, v9;
	vm0 =	vge.f32 v7, $0.0e+00  }
0x8b: {  	s13 =	simm.s32 $0xA60;
	v61 =	vld [tilespmem:s22+$0x10];
	v15 =	vadd.f32 v8, v4;
	v4 =	vsel vm0, v7, v6  }
0x8c: {  	v9 =	vld [tilespmem:s13+$0x10];
	v7 =	vmul.f32 $1.442695020e+00, v4  }
0x8d: {  	v8 =	vmul.f32 $1.442695020e+00, v1;
	v1 =	vld [tilespmem:s13+$0xFFFFFFE0];
	(erf) = vpow2.f32 v5;
	v6 =	vadd.f32 v11, v14  }
0x8e: {  	s10 =	simm.s32 $0x11A0;
	v16 =	vmul.f32 $1.442695020e+00, v2;
	v2 =	vld [tilespmem:s22+$0xFFFFFFF0];
	v17 =	vmul.f32 $2.000000030e-01, v15;
	v13 =	vadd.f32 v3, v60;
	v5 =	vpop (erf)  }
0x8f: {  	v4 =	vld [tilespmem:s13+$0xFFFFFFF0];
	(erf) = vpow2.f32 v8;
	v10 =	vmul.f32 $2.000000030e-01, v6;
	[tilespmem:s10+$0x10] =	vst v5;
	v3 =	vpop (erf)  }
0x90: {  	vm1 =	vge.f32 v15, $0.0e+00;
	v62 =	vmul.f32 $2.000000030e-01, v13;
	(erf) = vpow2.f32 v7;
	v5 =	vld [tilespmem:s13+$0x0];
	[tilespmem:s10+$0xFFFFFFF0] =	vst v3;
	v7 =	vpop (erf)  }
0x91: {  	s11 =	simm.s32 $0x11E0;
	vm2 =	vge.f32 v13, $0.0e+00;
	v8 =	vadd.f32 v9, v61;
	v3 =	vld [tilespmem:s22+$0x0];
	(erf) = vpow2.f32 v16;
	v63 =	vpop (erf);
	[tilespmem:s10+$0xFFFFFFE0] =	vst v7  }
0x92: {  	s9 =	simm.s32 $0xC;
	vm0 =	vge.f32 v6, $0.0e+00;
	v11 =	vsel vm1, v15, v17;
	v9 =	vsel vm2, v13, v62;
	v7 =	vld [tilespmem:s22+$0xFFFFFFE0];
	s22 =	simm.s32 $0x2A0;
	[tilespmem:s11+$0x10] =	vst v63  }
.LBB2_5:
0x93: {  	v12 =	vld [tilespmem:s22+$0x10];
	v13 =	vmul.f32 $2.000000030e-01, v8;
	s13 =	sadd.s32 $0x40, s13;
	v6 =	vsel vm0, v6, v10;
	v10 =	vmul.f32 $1.442695020e+00, v11;
	v11 =	vpop (erf)  }
0x94: {  	s9 =	sadd.s32 $0x4, s9;
	vm0 =	vge.f32 v8, $0.0e+00;
	v14 =	vld [tilespmem:s13+$0x10];
	v15 =	vadd.f32 v4, v2;
	v16 =	vmul.f32 $1.442695020e+00, v6;
	[tilespmem:s10+$0x0] =	vst v11;
	s10 =	smov.u32 s11  }
0x95: {  	p2 =	slt.u32 s9, $0x7C;
	v17 =	vld [tilespmem:s13+$0xFFFFFFE0];
	v4 =	vsel vm0, v8, v13;
	v13 =	vmul.f32 $1.442695020e+00, v9;
	(erf) = vpow2.f32 v10  }
.Ltmp5:
0x96: {  	v2 =	vld [tilespmem:s22+$0xFFFFFFF0];
	v9 =	vmul.f32 $2.000000030e-01, v15;
	v18 =	vadd.f32 v5, v3;
	v5 =	vmul.f32 $1.442695020e+00, v4;
	v3 =	vpop (erf);
	(pc) =	sbr.rel @p2 .LBB2_5-.Ltmp5, $4  }
0x97: {  	vm1 =	vge.f32 v15, $0.0e+00;
	v4 =	vld [tilespmem:s13+$0xFFFFFFF0];
	v6 =	vadd.f32 v1, v7;
	(erf) = vpow2.f32 v16;
	[tilespmem:s11+$0xFFFFFFF0] =	vst v3  }
0x98: {  	v3 =	vld [tilespmem:s22+$0x0];
	vm2 =	vge.f32 v18, $0.0e+00;
	v16 =	vmul.f32 $2.000000030e-01, v18;
	(erf) = vpow2.f32 v5;
	v7 =	vpop (erf)  }
0x99: {  	s11 =	sadd.s32 $0x40, s11;
	v5 =	vld [tilespmem:s13+$0x0];
	v8 =	vadd.f32 v14, v12;
	vm0 =	vge.f32 v6, $0.0e+00;
	v10 =	vmul.f32 $2.000000030e-01, v6;
	v12 =	vpop (erf);
	[tilespmem:s10+$0xFFFFFFE0] =	vst v7  }
0x9a: {  	v11 =	vsel vm1, v15, v9;
	v7 =	vld [tilespmem:s22+$0xFFFFFFE0];
	s22 =	sadd.s32 $0x40, s22;
	v9 =	vsel vm2, v18, v16;
	[tilespmem:s11+$0x10] =	vst v12;
	(erf) = vpow2.f32 v13;
	v1 =	vmovc v17  }
0x9b: {  	_ =	sdelay $0x1  }
0x9c: {  	v12 =	vmul.f32 $2.000000030e-01, v8;
	v6 =	vsel vm0, v6, v10;
	v56 =	vmul.f32 $1.442695020e+00, v11  }
0x9d: {  	vm14 =	vge.f32 v8, $0.0e+00;
	v59 =	vmul.f32 $1.442695020e+00, v9;
	v2 =	vadd.f32 v4, v2  }
0x9e: {  	v57 =	vmul.f32 $1.442695020e+00, v6;
	v58 =	vsel vm14, v8, v12;
	v1 =	vadd.f32 v1, v7  }
0x9f: {  	(erf) = vpow2.f32 v56;
	v3 =	vadd.f32 v5, v3;
	v60 =	vmul.f32 $2.000000030e-01, v2  }
0xa0: {  	v6 =	vmul.f32 $1.442695020e+00, v58;
	vm15 =	vge.f32 v2, $0.0e+00;
	v61 =	vmul.f32 $2.000000030e-01, v1  }
0xa1: {  	(erf) = vpow2.f32 v57;
	v2 =	vsel vm15, v2, v60;
	vm2 =	vge.f32 v1, $0.0e+00  }
0xa2: {  	v62 =	vmul.f32 $2.000000030e-01, v3;
	v2 =	vmul.f32 $1.442695020e+00, v2;
	v1 =	vsel vm2, v1, v61  }
0xa3: {  	vm1 =	vge.f32 v3, $0.0e+00;
	(erf) = vpow2.f32 v6;
	v1 =	vmul.f32 $1.442695020e+00, v1  }
0xa4: {  	(erf) = vpow2.f32 v59;
	v3 =	vsel vm1, v3, v62  }
0xa5: {  	v63 =	vpop (erf);
	v3 =	vmul.f32 $1.442695020e+00, v3;
	(erf) = vpow2.f32 v2  }
0xa6: {  	[tilespmem:s10+$0x0] =	vst v63;
	v2 =	vpop (erf);
	(erf) = vpow2.f32 v1  }
0xa7: {  	[tilespmem:s11+$0xFFFFFFF0] =	vst v2;
	v1 =	vpop (erf);
	(erf) = vpow2.f32 v3  }
0xa8: {  	s9 =	sadd.s32 $0x40, s11;
	v2 =	vpop (erf);
	[tilespmem:s11+$0xFFFFFFE0] =	vst v1  }
0xa9: {  	v1 =	vpop (erf);
	[tilespmem:s9+$0x10] =	vst v2  }
0xaa: {  	v2 =	vpop (erf);
	[tilespmem:s11+$0x0] =	vst v1  }
0xab: {  	[tilespmem:s9+$0xFFFFFFF0] =	vst v2;
	v1 =	vpop (erf)  }
0xac: {  	s22 =	sadd.s32 $0x40, s9;
	v2 =	vpop (erf);
	[tilespmem:s9+$0xFFFFFFE0] =	vst v1  }
0xad: {  	[tilespmem:s22+$0x10] =	vst v2;
	v1 =	vpop (erf)  }
0xae: {  	[tilespmem:s9+$0x0] =	vst v1;
	v1 =	vpop (erf)  }
0xaf: {  	[tilespmem:s22+$0xFFFFFFF0] =	vst v1;
	v1 =	vpop (erf)  }
.Ltmp6:
0xb0: {  	s5 =	sshll.u32 s5, $0x1;
	[tilespmem:s22+$0xFFFFFFE0] =	vst v1;
	v1 =	vpop (erf);
	(pc) =	sbr.rel @p1 .LBB2_10-.Ltmp6, $4  }
0xb1: {  	s5 =	sadd.s32 s8, s5;
	[tilespmem:s22+$0x0] =	vst v1  }
0xb2: {  	[hbm4b:s5+s2] =	stream.linear.scatter [tilespmem:s30], [sflag:$0x5], $0x800, $0x38;
	[tilespmem:$0x8300] =	vst v63  }
0xb3: {  	_ = 	snop  }
0xb4: {  	[spmem:s1] =	stream.indirect.scatter.add.f32 [tilespmem:s30], [sflag:$0x7], $0x10, s29, s21, $0xb8;
	[tilespmem:$0x8300] =	vst v63  }
0xb5: {  	_ =	swait.ge [sflag:s24], $0x80  }
0xb6: {  	[sflag:s24] =	ssyncset.done $0x0  }
0xb7: {  	[sflag:s24] =	ssyncadd.s32 $0xFFFFFF80  }
0xb8: {  	_ =	swait.ge [sflag:s24], $0x80  }
0xb9: {  	[sflag:s24] =	ssyncset.done $0x0  }
0xba: {  	[sflag:s24] =	ssyncadd.s32 $0xFFFFFF80  }
0xbb: {  	[tilespmem:s25], [sflag:$0x3] =	stream.indirect.gather [hbm4b:s6+s21], $0x10, s2, s21, $0xb8;
	[tilespmem:$0x8300] =	vst v63  }
0xbc: {  	_ = 	snop  }
0xbd: {  	[tilespmem:s26], [sflag:$0x3] =	stream.indirect.gather [hbm4b:s7+s21], $0x10, s21, s21, $0xb8;
	[tilespmem:$0x8300] =	vst v63  }
0xbe: {  	_ =	swait.ge [sflag:s31], $0x800  }
0xbf: {  	[sflag:s31] =	ssyncset.done $0x0  }
0xc0: {  	[sflag:s31] =	ssyncadd.s32 $0xFFFFF800  }
0xc1: {  	_ =	swait.ge [sflag:s31], $0x800  }
0xc2: {  	[sflag:s31] =	ssyncset.done $0x0  }
0xc3: {  	s5 =	simm.s32 @!p0 $0x6;
	[sflag:s31] =	ssyncadd.s32 $0xFFFFF800  }
0xc4: {  	_ =	swait.ge @!p0 [sflag:s5], $0x800  }
0xc5: {  	[sflag:s5] =	ssyncset.done @!p0 $0x0  }
0xc6: {  	[sflag:s5] =	ssyncadd.s32 @!p0 $0xFFFFF800;
	s5 =	simm.s32 @!p0 $0x8  }
0xc7: {  	p1 =	sgt.u32 @!p0 s17, $0x25;
	_ =	swait.ge @!p0 [sflag:s5], $0x800  }
0xc8: {  	p1 =	por p0, !p1;
	[sflag:s5] =	ssyncset.done @!p0 $0x0  }
0xc9: {  	[sflag:s5] =	ssyncadd.s32 @!p0 $0xFFFFF800;
	s5 =	sshll.u32 @p1 s17, $0xA  }
0xca: {  	s5 =	sadd.s32 @p1 s16, s5  }
0xcb: {  	s10 =	simm.s32 @p1 $0x1980;
	s9 =	sadd.s32 @p1 s3, s5  }
0xcc: {  	[tilespmem:s10], [sflag:$0x2] =	stream.linear.gather @p1 [hbm4b:s9+s2], $0x80, $0x38;
	[tilespmem:$0x8300] =	vst v63  }
0xcd: {  	s5 =	sadd.s32 @p1 s4, s5;
	s10 =	sshll.u32 s18, $0xC  }
0xce: {  	[tilespmem:s23], [sflag:$0x2] =	stream.linear.gather @p1 [hbm4b:s5+s2], $0x80, $0x38;
	[tilespmem:$0x8300] =	vst v63  }
0xcf: {  	s5 =	sor.u32 s12, s10  }
0xd0: {  	s11 =	sshrl.u32 s5, $0x3  }
0xd1: {  	s9 =	sadd.s32 s4, s11  }
0xd2: {  	[tilespmem:s0], [sflag:$0x9] =	stream.linear.gather [hbm4b:s9+s2], $0x80, $0x38;
	[tilespmem:$0x8300] =	vst v63  }
0xd3: {  	_ =	swait.ge [sflag:s20], $0x80  }
0xd4: {  	[sflag:s20] =	ssyncset.done $0x0  }
0xd5: {  	s13 =	simm.s32 $0x1B20;
	[sflag:s20] =	ssyncadd.s32 $0xFFFFFF80  }
0xd6: {  	s18 =	simm.s32 $0x2320;
	v1 =	vld [tilespmem:s13+$0x10]  }
0xd7: {  	v2 =	vld [tilespmem:s18+$0x10]  }
0xd8: {  	v3 =	vld [tilespmem:s18+$0xFFFFFFE0]  }
0xd9: {  	v4 =	vld [tilespmem:s13+$0xFFFFFFF0]  }
0xda: {  	v5 =	vld [tilespmem:s18+$0xFFFFFFF0]  }
0xdb: {  	v6 =	vld [tilespmem:s13+$0x0]  }
0xdc: {  	s22 =	simm.s32 $0x1B60;
	v7 =	vld [tilespmem:s18+$0x0]  }
0xdd: {  	s11 =	simm.s32 $0x2360;
	v8 =	vld [tilespmem:s22+$0x10]  }
0xde: {  	v10 =	vld [tilespmem:s11+$0x10]  }
0xdf: {  	v1 =	vadd.f32 v2, v1;
	v2 =	vld [tilespmem:s13+$0xFFFFFFE0];
	_ =	sdelay $0x1  }
0xe0: {  	v11 =	vld [tilespmem:s11+$0xFFFFFFF0];
	v9 =	vmul.f32 $2.000000030e-01, v1  }
0xe1: {  	v13 =	vld [tilespmem:s22+$0xFFFFFFE0];
	v4 =	vadd.f32 v5, v4;
	vm0 =	vge.f32 v1, $0.0e+00  }
0xe2: {  	v5 =	vld [tilespmem:s11+$0xFFFFFFE0];
	v6 =	vadd.f32 v7, v6;
	v8 =	vadd.f32 v10, v8;
	v1 =	vsel vm0, v1, v9  }
0xe3: {  	v7 =	vmul.f32 $2.000000030e-01, v4;
	v9 =	vld [tilespmem:s22+$0xFFFFFFF0];
	v1 =	vmul.f32 $1.442695020e+00, v1;
	v2 =	vadd.f32 v3, v2  }
0xe4: {  	vm1 =	vge.f32 v6, $0.0e+00;
	v12 =	vmul.f32 $2.000000030e-01, v6;
	v58 =	vmul.f32 $2.000000030e-01, v8;
	v3 =	vld [tilespmem:s22+$0x0]  }
0xe5: {  	s13 =	simm.s32 $0x1BA0;
	vm0 =	vge.f32 v4, $0.0e+00;
	(erf) = vpow2.f32 v1;
	v1 =	vld [tilespmem:s11+$0x0];
	v10 =	vmul.f32 $2.000000030e-01, v2  }
0xe6: {  	s18 =	simm.s32 $0x23A0;
	v6 =	vsel vm1, v6, v12;
	v4 =	vsel vm0, v4, v7;
	v7 =	vld [tilespmem:s13+$0x10];
	vm2 =	vge.f32 v2, $0.0e+00  }
0xe7: {  	vm0 =	vge.f32 v8, $0.0e+00;
	v4 =	vmul.f32 $1.442695020e+00, v4;
	v2 =	vsel vm2, v2, v10;
	v10 =	vld [tilespmem:s18+$0x10]  }
0xe8: {  	v6 =	vmul.f32 $1.442695020e+00, v6;
	v5 =	vadd.f32 v5, v13;
	v9 =	vadd.f32 v11, v9  }
0xe9: {  	v60 =	vld [tilespmem:s13+$0x0];
	v8 =	vsel vm0, v8, v58;
	(erf) = vpow2.f32 v4;
	v2 =	vmul.f32 $1.442695020e+00, v2  }
0xea: {  	v4 =	vld [tilespmem:s13+$0xFFFFFFF0];
	vm2 =	vge.f32 v5, $0.0e+00;
	v59 =	vmul.f32 $2.000000030e-01, v9;
	v1 =	vadd.f32 v1, v3  }
0xeb: {  	vm0 =	vge.f32 v9, $0.0e+00;
	v3 =	vmul.f32 $1.442695020e+00, v8;
	v8 =	vld [tilespmem:s18+$0xFFFFFFF0];
	(erf) = vpow2.f32 v2  }
0xec: {  	v14 =	vld [tilespmem:s13+$0xFFFFFFE0];
	v9 =	vsel vm0, v9, v59;
	v2 =	vmul.f32 $2.000000030e-01, v1;
	v7 =	vadd.f32 v10, v7  }
0xed: {  	v11 =	vld [tilespmem:s18+$0xFFFFFFE0];
	vm1 =	vge.f32 v1, $0.0e+00;
	(erf) = vpow2.f32 v3;
	v10 =	vmul.f32 $2.000000030e-01, v5  }
0xee: {  	v3 =	vld [tilespmem:s18+$0x0];
	(erf) = vpow2.f32 v6;
	v2 =	vsel vm1, v1, v2;
	v6 =	vmul.f32 $2.000000030e-01, v7  }
0xef: {  	s22 =	simm.s32 $0x1BE0;
	v1 =	vsel vm2, v5, v10;
	v5 =	vmul.f32 $1.442695020e+00, v9;
	vm0 =	vge.f32 v7, $0.0e+00  }
0xf0: {  	v61 =	vld [tilespmem:s22+$0x10];
	s13 =	simm.s32 $0x23E0;
	v15 =	vadd.f32 v8, v4;
	v4 =	vsel vm0, v7, v6  }
0xf1: {  	v9 =	vld [tilespmem:s13+$0x10];
	v7 =	vmul.f32 $1.442695020e+00, v4  }
0xf2: {  	v8 =	vmul.f32 $1.442695020e+00, v1;
	v1 =	vld [tilespmem:s13+$0xFFFFFFE0];
	(erf) = vpow2.f32 v5;
	v6 =	vadd.f32 v11, v14  }
0xf3: {  	s10 =	simm.s32 $0x2B20;
	v16 =	vmul.f32 $1.442695020e+00, v2;
	v2 =	vld [tilespmem:s22+$0xFFFFFFF0];
	v17 =	vmul.f32 $2.000000030e-01, v15;
	v13 =	vadd.f32 v3, v60;
	v5 =	vpop (erf)  }
0xf4: {  	v4 =	vld [tilespmem:s13+$0xFFFFFFF0];
	(erf) = vpow2.f32 v8;
	v10 =	vmul.f32 $2.000000030e-01, v6;
	[tilespmem:s10+$0x10] =	vst v5;
	v3 =	vpop (erf)  }
0xf5: {  	vm1 =	vge.f32 v15, $0.0e+00;
	v62 =	vmul.f32 $2.000000030e-01, v13;
	(erf) = vpow2.f32 v7;
	v5 =	vld [tilespmem:s13+$0x0];
	[tilespmem:s10+$0xFFFFFFF0] =	vst v3;
	v7 =	vpop (erf)  }
0xf6: {  	s11 =	simm.s32 $0x2B60;
	vm2 =	vge.f32 v13, $0.0e+00;
	v8 =	vadd.f32 v9, v61;
	v3 =	vld [tilespmem:s22+$0x0];
	(erf) = vpow2.f32 v16;
	v63 =	vpop (erf);
	[tilespmem:s10+$0xFFFFFFE0] =	vst v7  }
0xf7: {  	s9 =	simm.s32 $0xC;
	s18 =	simm.s32 $0x1C20;
	vm0 =	vge.f32 v6, $0.0e+00;
	v11 =	vsel vm1, v15, v17;
	v9 =	vsel vm2, v13, v62;
	v7 =	vld [tilespmem:s22+$0xFFFFFFE0];
	[tilespmem:s11+$0x10] =	vst v63  }
.LBB2_8:
0xf8: {  	v12 =	vld [tilespmem:s18+$0x10];
	v13 =	vmul.f32 $2.000000030e-01, v8;
	s13 =	sadd.s32 $0x40, s13;
	v6 =	vsel vm0, v6, v10;
	v10 =	vmul.f32 $1.442695020e+00, v11;
	v11 =	vpop (erf)  }
0xf9: {  	s9 =	sadd.s32 $0x4, s9;
	vm0 =	vge.f32 v8, $0.0e+00;
	v14 =	vld [tilespmem:s13+$0x10];
	v15 =	vadd.f32 v4, v2;
	v16 =	vmul.f32 $1.442695020e+00, v6;
	[tilespmem:s10+$0x0] =	vst v11;
	s10 =	smov.u32 s11  }
0xfa: {  	p0 =	slt.u32 s9, $0x7C;
	v17 =	vld [tilespmem:s13+$0xFFFFFFE0];
	v4 =	vsel vm0, v8, v13;
	v13 =	vmul.f32 $1.442695020e+00, v9;
	(erf) = vpow2.f32 v10  }
.Ltmp7:
0xfb: {  	v2 =	vld [tilespmem:s18+$0xFFFFFFF0];
	v9 =	vmul.f32 $2.000000030e-01, v15;
	v18 =	vadd.f32 v5, v3;
	v5 =	vmul.f32 $1.442695020e+00, v4;
	v3 =	vpop (erf);
	(pc) =	sbr.rel @p0 .LBB2_8-.Ltmp7, $4  }
0xfc: {  	vm1 =	vge.f32 v15, $0.0e+00;
	v4 =	vld [tilespmem:s13+$0xFFFFFFF0];
	v6 =	vadd.f32 v1, v7;
	(erf) = vpow2.f32 v16;
	[tilespmem:s11+$0xFFFFFFF0] =	vst v3  }
0xfd: {  	v3 =	vld [tilespmem:s18+$0x0];
	vm2 =	vge.f32 v18, $0.0e+00;
	v16 =	vmul.f32 $2.000000030e-01, v18;
	(erf) = vpow2.f32 v5;
	v7 =	vpop (erf)  }
0xfe: {  	s11 =	sadd.s32 $0x40, s11;
	v5 =	vld [tilespmem:s13+$0x0];
	v8 =	vadd.f32 v14, v12;
	vm0 =	vge.f32 v6, $0.0e+00;
	v10 =	vmul.f32 $2.000000030e-01, v6;
	v12 =	vpop (erf);
	[tilespmem:s10+$0xFFFFFFE0] =	vst v7  }
0xff: {  	v11 =	vsel vm1, v15, v9;
	v7 =	vld [tilespmem:s18+$0xFFFFFFE0];
	s18 =	sadd.s32 $0x40, s18;
	v9 =	vsel vm2, v18, v16;
	[tilespmem:s11+$0x10] =	vst v12;
	(erf) = vpow2.f32 v13;
	v1 =	vmovc v17  }
0x100: {  	_ =	sdelay $0x1  }
0x101: {  	v12 =	vmul.f32 $2.000000030e-01, v8;
	v6 =	vsel vm0, v6, v10;
	v56 =	vmul.f32 $1.442695020e+00, v11  }
0x102: {  	vm14 =	vge.f32 v8, $0.0e+00;
	v59 =	vmul.f32 $1.442695020e+00, v9;
	v2 =	vadd.f32 v4, v2  }
0x103: {  	v57 =	vmul.f32 $1.442695020e+00, v6;
	v58 =	vsel vm14, v8, v12;
	v1 =	vadd.f32 v1, v7  }
0x104: {  	(erf) = vpow2.f32 v56;
	v3 =	vadd.f32 v5, v3;
	v60 =	vmul.f32 $2.000000030e-01, v2  }
0x105: {  	v6 =	vmul.f32 $1.442695020e+00, v58;
	vm15 =	vge.f32 v2, $0.0e+00;
	v61 =	vmul.f32 $2.000000030e-01, v1  }
0x106: {  	(erf) = vpow2.f32 v57;
	v2 =	vsel vm15, v2, v60;
	vm2 =	vge.f32 v1, $0.0e+00  }
0x107: {  	v62 =	vmul.f32 $2.000000030e-01, v3;
	v2 =	vmul.f32 $1.442695020e+00, v2;
	v1 =	vsel vm2, v1, v61  }
0x108: {  	vm1 =	vge.f32 v3, $0.0e+00;
	(erf) = vpow2.f32 v6;
	v1 =	vmul.f32 $1.442695020e+00, v1  }
0x109: {  	(erf) = vpow2.f32 v59;
	v3 =	vsel vm1, v3, v62  }
0x10a: {  	v63 =	vpop (erf);
	v3 =	vmul.f32 $1.442695020e+00, v3;
	(erf) = vpow2.f32 v2  }
0x10b: {  	[tilespmem:s10+$0x0] =	vst v63;
	v2 =	vpop (erf);
	(erf) = vpow2.f32 v1  }
0x10c: {  	[tilespmem:s11+$0xFFFFFFF0] =	vst v2;
	v1 =	vpop (erf);
	(erf) = vpow2.f32 v3  }
0x10d: {  	s9 =	sadd.s32 $0x40, s11;
	v2 =	vpop (erf);
	[tilespmem:s11+$0xFFFFFFE0] =	vst v1  }
0x10e: {  	v1 =	vpop (erf);
	[tilespmem:s9+$0x10] =	vst v2  }
0x10f: {  	v2 =	vpop (erf);
	[tilespmem:s11+$0x0] =	vst v1  }
0x110: {  	[tilespmem:s9+$0xFFFFFFF0] =	vst v2;
	v1 =	vpop (erf)  }
0x111: {  	s22 =	sadd.s32 $0x40, s9;
	v2 =	vpop (erf);
	[tilespmem:s9+$0xFFFFFFE0] =	vst v1  }
0x112: {  	[tilespmem:s22+$0x10] =	vst v2;
	v1 =	vpop (erf)  }
0x113: {  	[tilespmem:s9+$0x0] =	vst v1;
	v1 =	vpop (erf)  }
0x114: {  	s5 =	sshll.u32 s5, $0x1;
	[tilespmem:s22+$0xFFFFFFF0] =	vst v1;
	v1 =	vpop (erf)  }
.Ltmp8:
0x115: {  	s5 =	sand.u32 $0x1FFFFF00, s5;
	[tilespmem:s22+$0xFFFFFFE0] =	vst v1;
	v1 =	vpop (erf);
	(pc) =	sbr.rel .LBB2_10-.Ltmp8, $4  }
0x116: {  	s5 =	sadd.s32 s8, s5;
	[tilespmem:s22+$0x0] =	vst v1  }
0x117: {  	[hbm4b:s5+s2] =	stream.linear.scatter [tilespmem:s19], [sflag:$0x6], $0x800, $0x38;
	[tilespmem:$0x8300] =	vst v63  }
0x118: {  	_ = 	snop  }
0x119: {  	[spmem:s1] =	stream.indirect.scatter.add.f32 [tilespmem:s19], [sflag:$0x8], $0x10, s0, s21, $0xb8;
	[tilespmem:$0x8300] =	vst v63  }
.LBB2_12:
0x11a: {  	_ =	sfence.sel $0x180000  }
0x11b: {  	[bflag:$0x0] =	sbarrier.arrive $0xFFFF  }
0x11c: {  	_ =	strace $0x90000047  }
0x11d: {  	s0 =	stileid.u32;
	[bflag:$0x2] =	sbarrier.arrive $0xFFFF  }
0x11e: {  	p0 =	sne.s32 s0, $0x0;
	s0 =	rddreg [dreg:$0x3]  }
0x11f: {  	s0 =	sadd.s32 @!p0 $0x100000, s0  }
0x120: {  	[sflag:s0] =	ssyncadd.tile.s32 @!p0 $0x1;
	_ =	shalt  }
.Lfunc_end2:
_tile_overlayer_lowered:
.L_overlay_start_2:
0x121: {  	(tag) =	ssettag $0x2  }
0x122: {  	s0 =	rddreg [dreg:$0x0];
	s2 =	stileid.u32  }
0x123: {  	s1 =	rddreg [dreg:$0x1];
	p0 =	sne.s32 s2, $0x0  }
0x124: {  	s3 =	rddreg [dreg:$0x2];
	[bflag:$0x3] =	sbarrier.arrive $0xFFFF;
	s2 =	simm.s32 @!p0 $0x1C09  }
0x125: {  	[timem:s3], [sflag:s2] =	dma.local @!p0 [hbm:s0], s1  }
0x126: {  	s0 =	simm.s32 @!p0 $0x9  }
0x127: {  	_ =	swait.ge @!p0 [sflag:s0], s1  }
0x128: {  	s1 =	ssub.s32 @!p0 $0x0, s1;
	[sflag:s0] =	ssyncset.done @!p0 $0x0  }
0x129: {  	[sflag:s0] =	ssyncadd.s32 @!p0 s1  }
0x12a: {  	[bflag:$0x3] =	sbarrier.arrive $0xFFFF  }
0x12b: {  	_ =	shalt  }

</sc_bundles>
